<compile_context>
chip_gen: v7x
topology: tpu7x:2x2x1
jax: 0.10.2.dev20260603
libtpu: 0.0.44.dev20260713+nightly
codegen_flags: <defaults>
</compile_context>

<pallas_src>
import functools

import jax
import jax.numpy as jnp
from jax import lax
from jax.experimental import pallas as pl
from jax.experimental.pallas import tpu as pltpu
from jax.experimental.pallas import tpu_sc as plsc

_D = 64
_R = 8192
_S = 100
_NC = 2
_NS = 16
_NW = _NC * _NS
_G = _R // _NW
_TB = 64
_NB = 8

_mesh = plsc.VectorSubcoreMesh(core_axis_name="c", subcore_axis_name="s")


@functools.partial(
    pl.kernel,
    mesh=_mesh,
    out_type=jax.ShapeDtypeStruct((_R, _S, _D), jnp.float32),
    compiler_params=pltpu.CompilerParams(use_tc_tiling_on_sc=False),
    scratch_types=[
        pltpu.VMEM((_TB, _S), jnp.int32),
        pltpu.VMEM((_NB, _S, _D), jnp.float32),
        pltpu.SemaphoreType.DMA((_NB,)),
        pltpu.SemaphoreType.DMA((_NB,)),
    ],
)
def _gather_all(ids_hbm, table_hbm, out_hbm, idx_v, rows_v, gsem, wsem):
    wid = lax.axis_index("s") * _NC + lax.axis_index("c")
    base = wid * _G

    def g_start(g, slot):
        pltpu.async_copy(
            table_hbm.at[idx_v.at[g % _TB]], rows_v.at[slot], gsem.at[slot])

    def g_wait(slot):
        pltpu.make_async_copy(
            table_hbm.at[idx_v.at[0]], rows_v.at[slot], gsem.at[slot]).wait()

    def w_start(g, slot):
        pltpu.async_copy(rows_v.at[slot], out_hbm.at[base + g], wsem.at[slot])

    def w_wait(slot):
        pltpu.make_async_copy(
            rows_v.at[slot], out_hbm.at[base], wsem.at[slot]).wait()

    def body(g4, carry):
        for p in range(_NB):
            g = _NB * g4 + p
            br = lax.rem(g, _TB)

            @pl.when(br == 0)
            def _():
                start = pl.multiple_of(base + g, _TB)
                pltpu.sync_copy(ids_hbm.at[pl.ds(start, _TB)], idx_v)
                for q in range(_NB - 1):
                    slot = (p + q) % _NB

                    @pl.when(g + q >= _NB)
                    def _():
                        w_wait(slot)

                    g_start(g + q, slot)

            g_wait(p)
            w_start(g, p)

            @pl.when(br < _TB - (_NB - 1))
            def _():
                nslot = (p + _NB - 1) % _NB

                @pl.when(g >= 1)
                def _():
                    w_wait(nslot)

                g_start(g + _NB - 1, nslot)
        return carry

    lax.fori_loop(0, _G // _NB, body, 0)

    for p in range(_NB):
        w_wait(p)


def kernel(token_ids, embedding):
    ids = jnp.reshape(token_ids.astype(jnp.int32), (_R, _S))
    out = _gather_all(ids, embedding)
    return jnp.reshape(out, (16384, 50, _D))

# --- scband reference (transcript-rebuilt; emitter-appended) ---
"""Pipeline reference for scband-embedding-65197603553378 (READ-ONLY COPY).

The authoritative reference and input builder live on the scoring server;
editing this copy changes nothing except your own understanding.
"""

import jax, jax.numpy as jnp
import numpy as np

NUM_EMBEDDINGS = 1000000
EMBEDDING_DIM = 64

def setup_inputs(seed: int = 0) -> dict:
    key = jax.random.key(seed)
    k1, k2 = jax.random.split(key)
    token_ids = jax.random.randint(k1, (16384, 50), 0, NUM_EMBEDDINGS, dtype=jnp.int64 if jax.config.jax_enable_x64 else jnp.int32)
    # trunc_normal_(mean=0, std=1, a=-3, b=3)
    embedding = jax.random.truncated_normal(k2, -3.0, 3.0, (NUM_EMBEDDINGS, EMBEDDING_DIM), dtype=jnp.float32)
    return {"token_ids": token_ids, "embedding": embedding}

def reference(token_ids, embedding):
    token_ids = token_ids.astype(jnp.int32)
    return jnp.take(embedding, token_ids, axis=0)

if __name__ == "__main__":
    import jax
    _d = setup_inputs()
    print(jax.jit(kernel)(*tuple(_d.values())))

</pallas_src>

<mosaic_0001>
#map = affine_map<(d0, d1) -> (0, 0)>
#map1 = affine_map<(d0, d1) -> (0, 0, 0)>
module attributes {stable_mosaic.version = 14 : i64} {
  func.func @_gather_all(%arg0: i32, %arg1: i32, %arg2: memref<8192x100xi32, #tpu.memory_space<hbm>>, %arg3: memref<1000000x64xf32, #tpu.memory_space<hbm>>, %arg4: memref<8192x100x64xf32, #tpu.memory_space<hbm>>, %arg5: memref<64x100xi32, #tpu.memory_space<vmem>>, %arg6: memref<8x100x64xf32, #tpu.memory_space<vmem>>, %arg7: memref<8x!tpu.dma_semaphore, #tpu.memory_space<semaphore_mem>>, %arg8: memref<8x!tpu.dma_semaphore, #tpu.memory_space<semaphore_mem>>) attributes {dimension_semantics = [#tpu.dimension_semantics<core_parallel>, #tpu.dimension_semantics<subcore_parallel>], iteration_bounds = array<i64: 2, 16>, scalar_prefetch = 0 : i64, scratch_operands = 4 : i64, tpu.core_type = #tpu.core_type<sc_vector_subcore>, window_params = [{transform_indices = #map}, {transform_indices = #map}, {transform_indices = #map1}]} {
    %mul3A = arith.constant 2 : i32
    %mul3A_0 = arith.muli %arg1, %mul3A : i32
    %add3A = arith.addi %mul3A_0, %arg0 : i32
    %mul3A_1 = arith.constant 256 : i32
    %mul3A_2 = arith.muli %add3A, %mul3A_1 : i32
    %scan3A = arith.constant 0 : i32
    %scan3A_3 = arith.constant 0 : i32
    %scan3A_4 = arith.constant 32 : i32
    %scan3A_5 = arith.addi %scan3A_3, %scan3A_4 : i32
    %scan3A_6 = arith.constant 1 : i32
    scf.for %scan3A_167 = %scan3A_3 to %scan3A_5 step %scan3A_6  : i32 {
      %mul3A_168 = arith.constant 8 : i32
      %mul3A_169 = arith.muli %mul3A_168, %scan3A_167 : i32
      %add3A_170 = arith.constant 0 : i32
      %add3A_171 = arith.addi %mul3A_169, %add3A_170 : i32
      %rem3A = arith.constant 64 : i32
      %rem3A_172 = arith.remsi %add3A_171, %rem3A : i32
      %eq3A = arith.constant 0 : i32
      %eq3A_173 = arith.cmpi eq, %rem3A_172, %eq3A : i32
      %convert_element_type3A = arith.extui %eq3A_173 : i1 to i32
      %cond3A = arith.constant 0 : i32
      %cond3A_174 = arith.cmpi ne, %convert_element_type3A, %cond3A : i32
      scf.if %cond3A_174 {
        %add3A_578 = arith.addi %mul3A_2, %add3A_171 : i32
        %multiple_of3A = tpu.assume_multiple %add3A_578, 64 : i32
        "tpu.region"() ({
          %run_scoped3A = tpu.sem_alloc : memref<!tpu.dma_semaphore, #tpu.memory_space<semaphore_mem>>
          %dma_start3A_847 = arith.constant 0 : i32
          %dma_start3A_848 = tpu.memref_slice %arg2[%multiple_of3A, %dma_start3A_847] : memref<8192x100xi32, #tpu.memory_space<hbm>> -> memref<64x100xi32, #tpu.memory_space<hbm>>
          %dma_start3A_849 = arith.constant 0 : i32
          %dma_start3A_850 = tpu.memref_slice %arg2[%multiple_of3A, %dma_start3A_849] : memref<8192x100xi32, #tpu.memory_space<hbm>> -> memref<64x100xi32, #tpu.memory_space<hbm>>
          tpu.enqueue_dma source(%dma_start3A_850 : memref<64x100xi32, #tpu.memory_space<hbm>>) target(%arg5 : memref<64x100xi32, #tpu.memory_space<vmem>>) target_semaphore(%run_scoped3A : memref<!tpu.dma_semaphore, #tpu.memory_space<semaphore_mem>>)
          %dma_wait3A_851 = arith.constant 0 : i32
          %dma_wait3A_852 = tpu.memref_slice %arg2[%multiple_of3A, %dma_wait3A_851] : memref<8192x100xi32, #tpu.memory_space<hbm>> -> memref<64x100xi32, #tpu.memory_space<hbm>>
          %dma_wait3A_853 = arith.constant 0 : i32
          %dma_wait3A_854 = tpu.memref_slice %arg2[%multiple_of3A, %dma_wait3A_853] : memref<8192x100xi32, #tpu.memory_space<hbm>> -> memref<64x100xi32, #tpu.memory_space<hbm>>
          tpu.wait_dma2 semaphore(%run_scoped3A : memref<!tpu.dma_semaphore, #tpu.memory_space<semaphore_mem>>) src(%dma_wait3A_854 : memref<64x100xi32, #tpu.memory_space<hbm>>) dst(%arg5 : memref<64x100xi32, #tpu.memory_space<vmem>>)
          tpu.yield
        }) : () -> ()
        %add3A_579 = arith.constant 0 : i32
        %add3A_580 = arith.addi %add3A_171, %add3A_579 : i32
        %ge3A = arith.constant 8 : i32
        %ge3A_581 = arith.cmpi sge, %add3A_580, %ge3A : i32
        %convert_element_type3A_582 = arith.extui %ge3A_581 : i1 to i32
        %cond3A_583 = arith.constant 0 : i32
        %cond3A_584 = arith.cmpi ne, %convert_element_type3A_582, %cond3A_583 : i32
        scf.if %cond3A_584 {
          %dma_wait3A_847 = arith.constant 0 : i32
          %dma_wait3A_848 = arith.constant 0 : i32
          %dma_wait3A_849 = arith.constant 0 : i32
          %dma_wait3A_850 = arith.constant 0 : i32
          %dma_wait3A_851 = tpu.memref_slice %arg6[%dma_wait3A_847, %dma_wait3A_849, %dma_wait3A_850] : memref<8x100x64xf32, #tpu.memory_space<vmem>> -> memref<1x100x64xf32, #tpu.memory_space<vmem>>
          %dma_wait3A_852 = tpu.memref_squeeze %dma_wait3A_851 : memref<1x100x64xf32, #tpu.memory_space<vmem>> -> memref<100x64xf32, #tpu.memory_space<vmem>>
          %dma_wait3A_853 = arith.constant 0 : i32
          %dma_wait3A_854 = arith.constant 0 : i32
          %dma_wait3A_855 = tpu.memref_slice %arg4[%mul3A_2, %dma_wait3A_853, %dma_wait3A_854] : memref<8192x100x64xf32, #tpu.memory_space<hbm>> -> memref<1x100x64xf32, #tpu.memory_space<hbm>>
          %dma_wait3A_856 = tpu.memref_squeeze %dma_wait3A_855 : memref<1x100x64xf32, #tpu.memory_space<hbm>> -> memref<100x64xf32, #tpu.memory_space<hbm>>
          %dma_wait3A_857 = tpu.memref_slice %arg8[%dma_wait3A_848] : memref<8x!tpu.dma_semaphore, #tpu.memory_space<semaphore_mem>> -> memref<1x!tpu.dma_semaphore, #tpu.memory_space<semaphore_mem>>
          %dma_wait3A_858 = tpu.memref_squeeze %dma_wait3A_857 : memref<1x!tpu.dma_semaphore, #tpu.memory_space<semaphore_mem>> -> memref<!tpu.dma_semaphore, #tpu.memory_space<semaphore_mem>>
          %dma_wait3A_859 = arith.constant 0 : i32
          %dma_wait3A_860 = arith.constant 0 : i32
          %dma_wait3A_861 = tpu.memref_slice %arg4[%mul3A_2, %dma_wait3A_859, %dma_wait3A_860] : memref<8192x100x64xf32, #tpu.memory_space<hbm>> -> memref<1x100x64xf32, #tpu.memory_space<hbm>>
          %dma_wait3A_862 = tpu.memref_squeeze %dma_wait3A_861 : memref<1x100x64xf32, #tpu.memory_space<hbm>> -> memref<100x64xf32, #tpu.memory_space<hbm>>
          %dma_wait3A_863 = arith.constant 0 : i32
          %dma_wait3A_864 = arith.constant 0 : i32
          %dma_wait3A_865 = tpu.memref_slice %arg6[%dma_wait3A_847, %dma_wait3A_863, %dma_wait3A_864] : memref<8x100x64xf32, #tpu.memory_space<vmem>> -> memref<1x100x64xf32, #tpu.memory_space<vmem>>
          %dma_wait3A_866 = tpu.memref_squeeze %dma_wait3A_865 : memref<1x100x64xf32, #tpu.memory_space<vmem>> -> memref<100x64xf32, #tpu.memory_space<vmem>>
          tpu.wait_dma2 semaphore(%dma_wait3A_858 : memref<!tpu.dma_semaphore, #tpu.memory_space<semaphore_mem>>) src(%dma_wait3A_866 : memref<100x64xf32, #tpu.memory_space<vmem>>) dst(%dma_wait3A_862 : memref<100x64xf32, #tpu.memory_space<hbm>>)
        } else {
        }
        %add3A_585 = arith.constant 0 : i32
        %add3A_586 = arith.addi %add3A_171, %add3A_585 : i32
        %jit3A = arith.constant 64 : i32
        %eq3A_587 = arith.constant 0 : i32
        %eq3A_588 = arith.cmpi eq, %jit3A, %eq3A_587 : i32
        %jit3A_589 = arith.constant 1 : i32
        %select_n3A = arith.select %eq3A_588, %jit3A_589, %jit3A : i32
        %rem3A_590 = arith.remsi %add3A_586, %select_n3A : i32
        %ne3A = arith.constant 0 : i32
        %ne3A_591 = arith.cmpi ne, %rem3A_590, %ne3A : i32
        %lt3A_592 = arith.constant 0 : i32
        %lt3A_593 = arith.cmpi slt, %rem3A_590, %lt3A_592 : i32
        %lt3A_594 = arith.constant 0 : i32
        %lt3A_595 = arith.cmpi slt, %select_n3A, %lt3A_594 : i32
        %ne3A_596 = arith.xori %lt3A_593, %lt3A_595 : i1
        %and3A = arith.andi %ne3A_596, %ne3A_591 : i1
        %add3A_597 = arith.addi %rem3A_590, %select_n3A : i32
        %select_n3A_598 = arith.select %and3A, %add3A_597, %rem3A_590 : i32
        %dma_start3A_599 = arith.constant 0 : i32
        %dma_start3A_600 = arith.constant 0 : i32
        %dma_start3A_601 = arith.constant 0 : i32
        %dma_start3A_602 = arith.constant 0 : i32
        %dma_start3A_603 = tpu.memref_slice %arg6[%dma_start3A_599, %dma_start3A_601, %dma_start3A_602] : memref<8x100x64xf32, #tpu.memory_space<vmem>> -> memref<1x100x64xf32, #tpu.memory_space<vmem>>
        %dma_start3A_604 = tpu.memref_squeeze %dma_start3A_603 : memref<1x100x64xf32, #tpu.memory_space<vmem>> -> memref<100x64xf32, #tpu.memory_space<vmem>>
        %dma_start3A_605 = arith.constant 0 : i32
        %dma_start3A_606 = tpu.memref_slice %arg5[%select_n3A_598, %dma_start3A_605] : memref<64x100xi32, #tpu.memory_space<vmem>> -> memref<1x100xi32, #tpu.memory_space<vmem>>
        %dma_start3A_607 = tpu.memref_squeeze %dma_start3A_606 : memref<1x100xi32, #tpu.memory_space<vmem>> -> memref<100xi32, #tpu.memory_space<vmem>>
        %dma_start3A_608 = arith.constant 0 : i32
        %dma_start3A_609 = arith.constant 0 : i32
        %dma_start3A_610 = tpu.memref_slice %arg3[%dma_start3A_608, %dma_start3A_609] : memref<1000000x64xf32, #tpu.memory_space<hbm>> -> memref<1000000x64xf32, #tpu.memory_space<hbm>>
        %dma_start3A_611 = tpu.memref_slice %arg7[%dma_start3A_600] : memref<8x!tpu.dma_semaphore, #tpu.memory_space<semaphore_mem>> -> memref<1x!tpu.dma_semaphore, #tpu.memory_space<semaphore_mem>>
        %dma_start3A_612 = tpu.memref_squeeze %dma_start3A_611 : memref<1x!tpu.dma_semaphore, #tpu.memory_space<semaphore_mem>> -> memref<!tpu.dma_semaphore, #tpu.memory_space<semaphore_mem>>
        tpu.enqueue_indirect_dma source(%dma_start3A_610 : memref<1000000x64xf32, #tpu.memory_space<hbm>>) target(%dma_start3A_604 : memref<100x64xf32, #tpu.memory_space<vmem>>) offsets(%dma_start3A_607 : memref<100xi32, #tpu.memory_space<vmem>>) semaphore(%dma_start3A_612 : memref<!tpu.dma_semaphore, #tpu.memory_space<semaphore_mem>>)
        %add3A_613 = arith.constant 1 : i32
        %add3A_614 = arith.addi %add3A_171, %add3A_613 : i32
        %ge3A_615 = arith.constant 8 : i32
        %ge3A_616 = arith.cmpi sge, %add3A_614, %ge3A_615 : i32
        %convert_element_type3A_617 = arith.extui %ge3A_616 : i1 to i32
        %cond3A_618 = arith.constant 0 : i32
        %cond3A_619 = arith.cmpi ne, %convert_element_type3A_617, %cond3A_618 : i32
        scf.if %cond3A_619 {
          %dma_wait3A_847 = arith.constant 1 : i32
          %dma_wait3A_848 = arith.constant 1 : i32
          %dma_wait3A_849 = arith.constant 0 : i32
          %dma_wait3A_850 = arith.constant 0 : i32
          %dma_wait3A_851 = tpu.memref_slice %arg6[%dma_wait3A_847, %dma_wait3A_849, %dma_wait3A_850] : memref<8x100x64xf32, #tpu.memory_space<vmem>> -> memref<1x100x64xf32, #tpu.memory_space<vmem>>
          %dma_wait3A_852 = tpu.memref_squeeze %dma_wait3A_851 : memref<1x100x64xf32, #tpu.memory_space<vmem>> -> memref<100x64xf32, #tpu.memory_space<vmem>>
          %dma_wait3A_853 = arith.constant 0 : i32
          %dma_wait3A_854 = arith.constant 0 : i32
          %dma_wait3A_855 = tpu.memref_slice %arg4[%mul3A_2, %dma_wait3A_853, %dma_wait3A_854] : memref<8192x100x64xf32, #tpu.memory_space<hbm>> -> memref<1x100x64xf32, #tpu.memory_space<hbm>>
          %dma_wait3A_856 = tpu.memref_squeeze %dma_wait3A_855 : memref<1x100x64xf32, #tpu.memory_space<hbm>> -> memref<100x64xf32, #tpu.memory_space<hbm>>
          %dma_wait3A_857 = tpu.memref_slice %arg8[%dma_wait3A_848] : memref<8x!tpu.dma_semaphore, #tpu.memory_space<semaphore_mem>> -> memref<1x!tpu.dma_semaphore, #tpu.memory_space<semaphore_mem>>
          %dma_wait3A_858 = tpu.memref_squeeze %dma_wait3A_857 : memref<1x!tpu.dma_semaphore, #tpu.memory_space<semaphore_mem>> -> memref<!tpu.dma_semaphore, #tpu.memory_space<semaphore_mem>>
          %dma_wait3A_859 = arith.constant 0 : i32
          %dma_wait3A_860 = arith.constant 0 : i32
          %dma_wait3A_861 = tpu.memref_slice %arg4[%mul3A_2, %dma_wait3A_859, %dma_wait3A_860] : memref<8192x100x64xf32, #tpu.memory_space<hbm>> -> memref<1x100x64xf32, #tpu.memory_space<hbm>>
          %dma_wait3A_862 = tpu.memref_squeeze %dma_wait3A_861 : memref<1x100x64xf32, #tpu.memory_space<hbm>> -> memref<100x64xf32, #tpu.memory_space<hbm>>
          %dma_wait3A_863 = arith.constant 0 : i32
          %dma_wait3A_864 = arith.constant 0 : i32
          %dma_wait3A_865 = tpu.memref_slice %arg6[%dma_wait3A_847, %dma_wait3A_863, %dma_wait3A_864] : memref<8x100x64xf32, #tpu.memory_space<vmem>> -> memref<1x100x64xf32, #tpu.memory_space<vmem>>
          %dma_wait3A_866 = tpu.memref_squeeze %dma_wait3A_865 : memref<1x100x64xf32, #tpu.memory_space<vmem>> -> memref<100x64xf32, #tpu.memory_space<vmem>>
          tpu.wait_dma2 semaphore(%dma_wait3A_858 : memref<!tpu.dma_semaphore, #tpu.memory_space<semaphore_mem>>) src(%dma_wait3A_866 : memref<100x64xf32, #tpu.memory_space<vmem>>) dst(%dma_wait3A_862 : memref<100x64xf32, #tpu.memory_space<hbm>>)
        } else {
        }
        %add3A_620 = arith.constant 1 : i32
        %add3A_621 = arith.addi %add3A_171, %add3A_620 : i32
        %jit3A_622 = arith.constant 64 : i32
        %eq3A_623 = arith.constant 0 : i32
        %eq3A_624 = arith.cmpi eq, %jit3A_622, %eq3A_623 : i32
        %jit3A_625 = arith.constant 1 : i32
        %select_n3A_626 = arith.select %eq3A_624, %jit3A_625, %jit3A_622 : i32
        %rem3A_627 = arith.remsi %add3A_621, %select_n3A_626 : i32
        %ne3A_628 = arith.constant 0 : i32
        %ne3A_629 = arith.cmpi ne, %rem3A_627, %ne3A_628 : i32
        %lt3A_630 = arith.constant 0 : i32
        %lt3A_631 = arith.cmpi slt, %rem3A_627, %lt3A_630 : i32
        %lt3A_632 = arith.constant 0 : i32
        %lt3A_633 = arith.cmpi slt, %select_n3A_626, %lt3A_632 : i32
        %ne3A_634 = arith.xori %lt3A_631, %lt3A_633 : i1
        %and3A_635 = arith.andi %ne3A_634, %ne3A_629 : i1
        %add3A_636 = arith.addi %rem3A_627, %select_n3A_626 : i32
        %select_n3A_637 = arith.select %and3A_635, %add3A_636, %rem3A_627 : i32
        %dma_start3A_638 = arith.constant 1 : i32
        %dma_start3A_639 = arith.constant 1 : i32
        %dma_start3A_640 = arith.constant 0 : i32
        %dma_start3A_641 = arith.constant 0 : i32
        %dma_start3A_642 = tpu.memref_slice %arg6[%dma_start3A_638, %dma_start3A_640, %dma_start3A_641] : memref<8x100x64xf32, #tpu.memory_space<vmem>> -> memref<1x100x64xf32, #tpu.memory_space<vmem>>
        %dma_start3A_643 = tpu.memref_squeeze %dma_start3A_642 : memref<1x100x64xf32, #tpu.memory_space<vmem>> -> memref<100x64xf32, #tpu.memory_space<vmem>>
        %dma_start3A_644 = arith.constant 0 : i32
        %dma_start3A_645 = tpu.memref_slice %arg5[%select_n3A_637, %dma_start3A_644] : memref<64x100xi32, #tpu.memory_space<vmem>> -> memref<1x100xi32, #tpu.memory_space<vmem>>
        %dma_start3A_646 = tpu.memref_squeeze %dma_start3A_645 : memref<1x100xi32, #tpu.memory_space<vmem>> -> memref<100xi32, #tpu.memory_space<vmem>>
        %dma_start3A_647 = arith.constant 0 : i32
        %dma_start3A_648 = arith.constant 0 : i32
        %dma_start3A_649 = tpu.memref_slice %arg3[%dma_start3A_647, %dma_start3A_648] : memref<1000000x64xf32, #tpu.memory_space<hbm>> -> memref<1000000x64xf32, #tpu.memory_space<hbm>>
        %dma_start3A_650 = tpu.memref_slice %arg7[%dma_start3A_639] : memref<8x!tpu.dma_semaphore, #tpu.memory_space<semaphore_mem>> -> memref<1x!tpu.dma_semaphore, #tpu.memory_space<semaphore_mem>>
        %dma_start3A_651 = tpu.memref_squeeze %dma_start3A_650 : memref<1x!tpu.dma_semaphore, #tpu.memory_space<semaphore_mem>> -> memref<!tpu.dma_semaphore, #tpu.memory_space<semaphore_mem>>
        tpu.enqueue_indirect_dma source(%dma_start3A_649 : memref<1000000x64xf32, #tpu.memory_space<hbm>>) target(%dma_start3A_643 : memref<100x64xf32, #tpu.memory_space<vmem>>) offsets(%dma_start3A_646 : memref<100xi32, #tpu.memory_space<vmem>>) semaphore(%dma_start3A_651 : memref<!tpu.dma_semaphore, #tpu.memory_space<semaphore_mem>>)
        %add3A_652 = arith.constant 2 : i32
        %add3A_653 = arith.addi %add3A_171, %add3A_652 : i32
        %ge3A_654 = arith.constant 8 : i32
        %ge3A_655 = arith.cmpi sge, %add3A_653, %ge3A_654 : i32
        %convert_element_type3A_656 = arith.extui %ge3A_655 : i1 to i32
        %cond3A_657 = arith.constant 0 : i32
        %cond3A_658 = arith.cmpi ne, %convert_element_type3A_656, %cond3A_657 : i32
        scf.if %cond3A_658 {
          %dma_wait3A_847 = arith.constant 2 : i32
          %dma_wait3A_848 = arith.constant 2 : i32
          %dma_wait3A_849 = arith.constant 0 : i32
          %dma_wait3A_850 = arith.constant 0 : i32
          %dma_wait3A_851 = tpu.memref_slice %arg6[%dma_wait3A_847, %dma_wait3A_849, %dma_wait3A_850] : memref<8x100x64xf32, #tpu.memory_space<vmem>> -> memref<1x100x64xf32, #tpu.memory_space<vmem>>
          %dma_wait3A_852 = tpu.memref_squeeze %dma_wait3A_851 : memref<1x100x64xf32, #tpu.memory_space<vmem>> -> memref<100x64xf32, #tpu.memory_space<vmem>>
          %dma_wait3A_853 = arith.constant 0 : i32
          %dma_wait3A_854 = arith.constant 0 : i32
          %dma_wait3A_855 = tpu.memref_slice %arg4[%mul3A_2, %dma_wait3A_853, %dma_wait3A_854] : memref<8192x100x64xf32, #tpu.memory_space<hbm>> -> memref<1x100x64xf32, #tpu.memory_space<hbm>>
          %dma_wait3A_856 = tpu.memref_squeeze %dma_wait3A_855 : memref<1x100x64xf32, #tpu.memory_space<hbm>> -> memref<100x64xf32, #tpu.memory_space<hbm>>
          %dma_wait3A_857 = tpu.memref_slice %arg8[%dma_wait3A_848] : memref<8x!tpu.dma_semaphore, #tpu.memory_space<semaphore_mem>> -> memref<1x!tpu.dma_semaphore, #tpu.memory_space<semaphore_mem>>
          %dma_wait3A_858 = tpu.memref_squeeze %dma_wait3A_857 : memref<1x!tpu.dma_semaphore, #tpu.memory_space<semaphore_mem>> -> memref<!tpu.dma_semaphore, #tpu.memory_space<semaphore_mem>>
          %dma_wait3A_859 = arith.constant 0 : i32
          %dma_wait3A_860 = arith.constant 0 : i32
          %dma_wait3A_861 = tpu.memref_slice %arg4[%mul3A_2, %dma_wait3A_859, %dma_wait3A_860] : memref<8192x100x64xf32, #tpu.memory_space<hbm>> -> memref<1x100x64xf32, #tpu.memory_space<hbm>>
          %dma_wait3A_862 = tpu.memref_squeeze %dma_wait3A_861 : memref<1x100x64xf32, #tpu.memory_space<hbm>> -> memref<100x64xf32, #tpu.memory_space<hbm>>
          %dma_wait3A_863 = arith.constant 0 : i32
          %dma_wait3A_864 = arith.constant 0 : i32
          %dma_wait3A_865 = tpu.memref_slice %arg6[%dma_wait3A_847, %dma_wait3A_863, %dma_wait3A_864] : memref<8x100x64xf32, #tpu.memory_space<vmem>> -> memref<1x100x64xf32, #tpu.memory_space<vmem>>
          %dma_wait3A_866 = tpu.memref_squeeze %dma_wait3A_865 : memref<1x100x64xf32, #tpu.memory_space<vmem>> -> memref<100x64xf32, #tpu.memory_space<vmem>>
          tpu.wait_dma2 semaphore(%dma_wait3A_858 : memref<!tpu.dma_semaphore, #tpu.memory_space<semaphore_mem>>) src(%dma_wait3A_866 : memref<100x64xf32, #tpu.memory_space<vmem>>) dst(%dma_wait3A_862 : memref<100x64xf32, #tpu.memory_space<hbm>>)
        } else {
        }
        %add3A_659 = arith.constant 2 : i32
        %add3A_660 = arith.addi %add3A_171, %add3A_659 : i32
        %jit3A_661 = arith.constant 64 : i32
        %eq3A_662 = arith.constant 0 : i32
        %eq3A_663 = arith.cmpi eq, %jit3A_661, %eq3A_662 : i32
        %jit3A_664 = arith.constant 1 : i32
        %select_n3A_665 = arith.select %eq3A_663, %jit3A_664, %jit3A_661 : i32
        %rem3A_666 = arith.remsi %add3A_660, %select_n3A_665 : i32
        %ne3A_667 = arith.constant 0 : i32
        %ne3A_668 = arith.cmpi ne, %rem3A_666, %ne3A_667 : i32
        %lt3A_669 = arith.constant 0 : i32
        %lt3A_670 = arith.cmpi slt, %rem3A_666, %lt3A_669 : i32
        %lt3A_671 = arith.constant 0 : i32
        %lt3A_672 = arith.cmpi slt, %select_n3A_665, %lt3A_671 : i32
        %ne3A_673 = arith.xori %lt3A_670, %lt3A_672 : i1
        %and3A_674 = arith.andi %ne3A_673, %ne3A_668 : i1
        %add3A_675 = arith.addi %rem3A_666, %select_n3A_665 : i32
        %select_n3A_676 = arith.select %and3A_674, %add3A_675, %rem3A_666 : i32
        %dma_start3A_677 = arith.constant 2 : i32
        %dma_start3A_678 = arith.constant 2 : i32
        %dma_start3A_679 = arith.constant 0 : i32
        %dma_start3A_680 = arith.constant 0 : i32
        %dma_start3A_681 = tpu.memref_slice %arg6[%dma_start3A_677, %dma_start3A_679, %dma_start3A_680] : memref<8x100x64xf32, #tpu.memory_space<vmem>> -> memref<1x100x64xf32, #tpu.memory_space<vmem>>
        %dma_start3A_682 = tpu.memref_squeeze %dma_start3A_681 : memref<1x100x64xf32, #tpu.memory_space<vmem>> -> memref<100x64xf32, #tpu.memory_space<vmem>>
        %dma_start3A_683 = arith.constant 0 : i32
        %dma_start3A_684 = tpu.memref_slice %arg5[%select_n3A_676, %dma_start3A_683] : memref<64x100xi32, #tpu.memory_space<vmem>> -> memref<1x100xi32, #tpu.memory_space<vmem>>
        %dma_start3A_685 = tpu.memref_squeeze %dma_start3A_684 : memref<1x100xi32, #tpu.memory_space<vmem>> -> memref<100xi32, #tpu.memory_space<vmem>>
        %dma_start3A_686 = arith.constant 0 : i32
        %dma_start3A_687 = arith.constant 0 : i32
        %dma_start3A_688 = tpu.memref_slice %arg3[%dma_start3A_686, %dma_start3A_687] : memref<1000000x64xf32, #tpu.memory_space<hbm>> -> memref<1000000x64xf32, #tpu.memory_space<hbm>>
        %dma_start3A_689 = tpu.memref_slice %arg7[%dma_start3A_678] : memref<8x!tpu.dma_semaphore, #tpu.memory_space<semaphore_mem>> -> memref<1x!tpu.dma_semaphore, #tpu.memory_space<semaphore_mem>>
        %dma_start3A_690 = tpu.memref_squeeze %dma_start3A_689 : memref<1x!tpu.dma_semaphore, #tpu.memory_space<semaphore_mem>> -> memref<!tpu.dma_semaphore, #tpu.memory_space<semaphore_mem>>
        tpu.enqueue_indirect_dma source(%dma_start3A_688 : memref<1000000x64xf32, #tpu.memory_space<hbm>>) target(%dma_start3A_682 : memref<100x64xf32, #tpu.memory_space<vmem>>) offsets(%dma_start3A_685 : memref<100xi32, #tpu.memory_space<vmem>>) semaphore(%dma_start3A_690 : memref<!tpu.dma_semaphore, #tpu.memory_space<semaphore_mem>>)
        %add3A_691 = arith.constant 3 : i32
        %add3A_692 = arith.addi %add3A_171, %add3A_691 : i32
        %ge3A_693 = arith.constant 8 : i32
        %ge3A_694 = arith.cmpi sge, %add3A_692, %ge3A_693 : i32
        %convert_element_type3A_695 = arith.extui %ge3A_694 : i1 to i32
        %cond3A_696 = arith.constant 0 : i32
        %cond3A_697 = arith.cmpi ne, %convert_element_type3A_695, %cond3A_696 : i32
        scf.if %cond3A_697 {
          %dma_wait3A_847 = arith.constant 3 : i32
          %dma_wait3A_848 = arith.constant 3 : i32
          %dma_wait3A_849 = arith.constant 0 : i32
          %dma_wait3A_850 = arith.constant 0 : i32
          %dma_wait3A_851 = tpu.memref_slice %arg6[%dma_wait3A_847, %dma_wait3A_849, %dma_wait3A_850] : memref<8x100x64xf32, #tpu.memory_space<vmem>> -> memref<1x100x64xf32, #tpu.memory_space<vmem>>
          %dma_wait3A_852 = tpu.memref_squeeze %dma_wait3A_851 : memref<1x100x64xf32, #tpu.memory_space<vmem>> -> memref<100x64xf32, #tpu.memory_space<vmem>>
          %dma_wait3A_853 = arith.constant 0 : i32
          %dma_wait3A_854 = arith.constant 0 : i32
          %dma_wait3A_855 = tpu.memref_slice %arg4[%mul3A_2, %dma_wait3A_853, %dma_wait3A_854] : memref<8192x100x64xf32, #tpu.memory_space<hbm>> -> memref<1x100x64xf32, #tpu.memory_space<hbm>>
          %dma_wait3A_856 = tpu.memref_squeeze %dma_wait3A_855 : memref<1x100x64xf32, #tpu.memory_space<hbm>> -> memref<100x64xf32, #tpu.memory_space<hbm>>
          %dma_wait3A_857 = tpu.memref_slice %arg8[%dma_wait3A_848] : memref<8x!tpu.dma_semaphore, #tpu.memory_space<semaphore_mem>> -> memref<1x!tpu.dma_semaphore, #tpu.memory_space<semaphore_mem>>
          %dma_wait3A_858 = tpu.memref_squeeze %dma_wait3A_857 : memref<1x!tpu.dma_semaphore, #tpu.memory_space<semaphore_mem>> -> memref<!tpu.dma_semaphore, #tpu.memory_space<semaphore_mem>>
          %dma_wait3A_859 = arith.constant 0 : i32
          %dma_wait3A_860 = arith.constant 0 : i32
          %dma_wait3A_861 = tpu.memref_slice %arg4[%mul3A_2, %dma_wait3A_859, %dma_wait3A_860] : memref<8192x100x64xf32, #tpu.memory_space<hbm>> -> memref<1x100x64xf32, #tpu.memory_space<hbm>>
          %dma_wait3A_862 = tpu.memref_squeeze %dma_wait3A_861 : memref<1x100x64xf32, #tpu.memory_space<hbm>> -> memref<100x64xf32, #tpu.memory_space<hbm>>
          %dma_wait3A_863 = arith.constant 0 : i32
          %dma_wait3A_864 = arith.constant 0 : i32
          %dma_wait3A_865 = tpu.memref_slice %arg6[%dma_wait3A_847, %dma_wait3A_863, %dma_wait3A_864] : memref<8x100x64xf32, #tpu.memory_space<vmem>> -> memref<1x100x64xf32, #tpu.memory_space<vmem>>
          %dma_wait3A_866 = tpu.memref_squeeze %dma_wait3A_865 : memref<1x100x64xf32, #tpu.memory_space<vmem>> -> memref<100x64xf32, #tpu.memory_space<vmem>>
          tpu.wait_dma2 semaphore(%dma_wait3A_858 : memref<!tpu.dma_semaphore, #tpu.memory_space<semaphore_mem>>) src(%dma_wait3A_866 : memref<100x64xf32, #tpu.memory_space<vmem>>) dst(%dma_wait3A_862 : memref<100x64xf32, #tpu.memory_space<hbm>>)
        } else {
        }
        %add3A_698 = arith.constant 3 : i32
        %add3A_699 = arith.addi %add3A_171, %add3A_698 : i32
        %jit3A_700 = arith.constant 64 : i32
        %eq3A_701 = arith.constant 0 : i32
        %eq3A_702 = arith.cmpi eq, %jit3A_700, %eq3A_701 : i32
        %jit3A_703 = arith.constant 1 : i32
        %select_n3A_704 = arith.select %eq3A_702, %jit3A_703, %jit3A_700 : i32
        %rem3A_705 = arith.remsi %add3A_699, %select_n3A_704 : i32
        %ne3A_706 = arith.constant 0 : i32
        %ne3A_707 = arith.cmpi ne, %rem3A_705, %ne3A_706 : i32
        %lt3A_708 = arith.constant 0 : i32
        %lt3A_709 = arith.cmpi slt, %rem3A_705, %lt3A_708 : i32
        %lt3A_710 = arith.constant 0 : i32
        %lt3A_711 = arith.cmpi slt, %select_n3A_704, %lt3A_710 : i32
        %ne3A_712 = arith.xori %lt3A_709, %lt3A_711 : i1
        %and3A_713 = arith.andi %ne3A_712, %ne3A_707 : i1
        %add3A_714 = arith.addi %rem3A_705, %select_n3A_704 : i32
        %select_n3A_715 = arith.select %and3A_713, %add3A_714, %rem3A_705 : i32
        %dma_start3A_716 = arith.constant 3 : i32
        %dma_start3A_717 = arith.constant 3 : i32
        %dma_start3A_718 = arith.constant 0 : i32
        %dma_start3A_719 = arith.constant 0 : i32
        %dma_start3A_720 = tpu.memref_slice %arg6[%dma_start3A_716, %dma_start3A_718, %dma_start3A_719] : memref<8x100x64xf32, #tpu.memory_space<vmem>> -> memref<1x100x64xf32, #tpu.memory_space<vmem>>
        %dma_start3A_721 = tpu.memref_squeeze %dma_start3A_720 : memref<1x100x64xf32, #tpu.memory_space<vmem>> -> memref<100x64xf32, #tpu.memory_space<vmem>>
        %dma_start3A_722 = arith.constant 0 : i32
        %dma_start3A_723 = tpu.memref_slice %arg5[%select_n3A_715, %dma_start3A_722] : memref<64x100xi32, #tpu.memory_space<vmem>> -> memref<1x100xi32, #tpu.memory_space<vmem>>
        %dma_start3A_724 = tpu.memref_squeeze %dma_start3A_723 : memref<1x100xi32, #tpu.memory_space<vmem>> -> memref<100xi32, #tpu.memory_space<vmem>>
        %dma_start3A_725 = arith.constant 0 : i32
        %dma_start3A_726 = arith.constant 0 : i32
        %dma_start3A_727 = tpu.memref_slice %arg3[%dma_start3A_725, %dma_start3A_726] : memref<1000000x64xf32, #tpu.memory_space<hbm>> -> memref<1000000x64xf32, #tpu.memory_space<hbm>>
        %dma_start3A_728 = tpu.memref_slice %arg7[%dma_start3A_717] : memref<8x!tpu.dma_semaphore, #tpu.memory_space<semaphore_mem>> -> memref<1x!tpu.dma_semaphore, #tpu.memory_space<semaphore_mem>>
        %dma_start3A_729 = tpu.memref_squeeze %dma_start3A_728 : memref<1x!tpu.dma_semaphore, #tpu.memory_space<semaphore_mem>> -> memref<!tpu.dma_semaphore, #tpu.memory_space<semaphore_mem>>
        tpu.enqueue_indirect_dma source(%dma_start3A_727 : memref<1000000x64xf32, #tpu.memory_space<hbm>>) target(%dma_start3A_721 : memref<100x64xf32, #tpu.memory_space<vmem>>) offsets(%dma_start3A_724 : memref<100xi32, #tpu.memory_space<vmem>>) semaphore(%dma_start3A_729 : memref<!tpu.dma_semaphore, #tpu.memory_space<semaphore_mem>>)
        %add3A_730 = arith.constant 4 : i32
        %add3A_731 = arith.addi %add3A_171, %add3A_730 : i32
        %ge3A_732 = arith.constant 8 : i32
        %ge3A_733 = arith.cmpi sge, %add3A_731, %ge3A_732 : i32
        %convert_element_type3A_734 = arith.extui %ge3A_733 : i1 to i32
        %cond3A_735 = arith.constant 0 : i32
        %cond3A_736 = arith.cmpi ne, %convert_element_type3A_734, %cond3A_735 : i32
        scf.if %cond3A_736 {
          %dma_wait3A_847 = arith.constant 4 : i32
          %dma_wait3A_848 = arith.constant 4 : i32
          %dma_wait3A_849 = arith.constant 0 : i32
          %dma_wait3A_850 = arith.constant 0 : i32
          %dma_wait3A_851 = tpu.memref_slice %arg6[%dma_wait3A_847, %dma_wait3A_849, %dma_wait3A_850] : memref<8x100x64xf32, #tpu.memory_space<vmem>> -> memref<1x100x64xf32, #tpu.memory_space<vmem>>
          %dma_wait3A_852 = tpu.memref_squeeze %dma_wait3A_851 : memref<1x100x64xf32, #tpu.memory_space<vmem>> -> memref<100x64xf32, #tpu.memory_space<vmem>>
          %dma_wait3A_853 = arith.constant 0 : i32
          %dma_wait3A_854 = arith.constant 0 : i32
          %dma_wait3A_855 = tpu.memref_slice %arg4[%mul3A_2, %dma_wait3A_853, %dma_wait3A_854] : memref<8192x100x64xf32, #tpu.memory_space<hbm>> -> memref<1x100x64xf32, #tpu.memory_space<hbm>>
          %dma_wait3A_856 = tpu.memref_squeeze %dma_wait3A_855 : memref<1x100x64xf32, #tpu.memory_space<hbm>> -> memref<100x64xf32, #tpu.memory_space<hbm>>
          %dma_wait3A_857 = tpu.memref_slice %arg8[%dma_wait3A_848] : memref<8x!tpu.dma_semaphore, #tpu.memory_space<semaphore_mem>> -> memref<1x!tpu.dma_semaphore, #tpu.memory_space<semaphore_mem>>
          %dma_wait3A_858 = tpu.memref_squeeze %dma_wait3A_857 : memref<1x!tpu.dma_semaphore, #tpu.memory_space<semaphore_mem>> -> memref<!tpu.dma_semaphore, #tpu.memory_space<semaphore_mem>>
          %dma_wait3A_859 = arith.constant 0 : i32
          %dma_wait3A_860 = arith.constant 0 : i32
          %dma_wait3A_861 = tpu.memref_slice %arg4[%mul3A_2, %dma_wait3A_859, %dma_wait3A_860] : memref<8192x100x64xf32, #tpu.memory_space<hbm>> -> memref<1x100x64xf32, #tpu.memory_space<hbm>>
          %dma_wait3A_862 = tpu.memref_squeeze %dma_wait3A_861 : memref<1x100x64xf32, #tpu.memory_space<hbm>> -> memref<100x64xf32, #tpu.memory_space<hbm>>
          %dma_wait3A_863 = arith.constant 0 : i32
          %dma_wait3A_864 = arith.constant 0 : i32
          %dma_wait3A_865 = tpu.memref_slice %arg6[%dma_wait3A_847, %dma_wait3A_863, %dma_wait3A_864] : memref<8x100x64xf32, #tpu.memory_space<vmem>> -> memref<1x100x64xf32, #tpu.memory_space<vmem>>
          %dma_wait3A_866 = tpu.memref_squeeze %dma_wait3A_865 : memref<1x100x64xf32, #tpu.memory_space<vmem>> -> memref<100x64xf32, #tpu.memory_space<vmem>>
          tpu.wait_dma2 semaphore(%dma_wait3A_858 : memref<!tpu.dma_semaphore, #tpu.memory_space<semaphore_mem>>) src(%dma_wait3A_866 : memref<100x64xf32, #tpu.memory_space<vmem>>) dst(%dma_wait3A_862 : memref<100x64xf32, #tpu.memory_space<hbm>>)
        } else {
        }
        %add3A_737 = arith.constant 4 : i32
        %add3A_738 = arith.addi %add3A_171, %add3A_737 : i32
        %jit3A_739 = arith.constant 64 : i32
        %eq3A_740 = arith.constant 0 : i32
        %eq3A_741 = arith.cmpi eq, %jit3A_739, %eq3A_740 : i32
        %jit3A_742 = arith.constant 1 : i32
        %select_n3A_743 = arith.select %eq3A_741, %jit3A_742, %jit3A_739 : i32
        %rem3A_744 = arith.remsi %add3A_738, %select_n3A_743 : i32
        %ne3A_745 = arith.constant 0 : i32
        %ne3A_746 = arith.cmpi ne, %rem3A_744, %ne3A_745 : i32
        %lt3A_747 = arith.constant 0 : i32
        %lt3A_748 = arith.cmpi slt, %rem3A_744, %lt3A_747 : i32
        %lt3A_749 = arith.constant 0 : i32
        %lt3A_750 = arith.cmpi slt, %select_n3A_743, %lt3A_749 : i32
        %ne3A_751 = arith.xori %lt3A_748, %lt3A_750 : i1
        %and3A_752 = arith.andi %ne3A_751, %ne3A_746 : i1
        %add3A_753 = arith.addi %rem3A_744, %select_n3A_743 : i32
        %select_n3A_754 = arith.select %and3A_752, %add3A_753, %rem3A_744 : i32
        %dma_start3A_755 = arith.constant 4 : i32
        %dma_start3A_756 = arith.constant 4 : i32
        %dma_start3A_757 = arith.constant 0 : i32
        %dma_start3A_758 = arith.constant 0 : i32
        %dma_start3A_759 = tpu.memref_slice %arg6[%dma_start3A_755, %dma_start3A_757, %dma_start3A_758] : memref<8x100x64xf32, #tpu.memory_space<vmem>> -> memref<1x100x64xf32, #tpu.memory_space<vmem>>
        %dma_start3A_760 = tpu.memref_squeeze %dma_start3A_759 : memref<1x100x64xf32, #tpu.memory_space<vmem>> -> memref<100x64xf32, #tpu.memory_space<vmem>>
        %dma_start3A_761 = arith.constant 0 : i32
        %dma_start3A_762 = tpu.memref_slice %arg5[%select_n3A_754, %dma_start3A_761] : memref<64x100xi32, #tpu.memory_space<vmem>> -> memref<1x100xi32, #tpu.memory_space<vmem>>
        %dma_start3A_763 = tpu.memref_squeeze %dma_start3A_762 : memref<1x100xi32, #tpu.memory_space<vmem>> -> memref<100xi32, #tpu.memory_space<vmem>>
        %dma_start3A_764 = arith.constant 0 : i32
        %dma_start3A_765 = arith.constant 0 : i32
        %dma_start3A_766 = tpu.memref_slice %arg3[%dma_start3A_764, %dma_start3A_765] : memref<1000000x64xf32, #tpu.memory_space<hbm>> -> memref<1000000x64xf32, #tpu.memory_space<hbm>>
        %dma_start3A_767 = tpu.memref_slice %arg7[%dma_start3A_756] : memref<8x!tpu.dma_semaphore, #tpu.memory_space<semaphore_mem>> -> memref<1x!tpu.dma_semaphore, #tpu.memory_space<semaphore_mem>>
        %dma_start3A_768 = tpu.memref_squeeze %dma_start3A_767 : memref<1x!tpu.dma_semaphore, #tpu.memory_space<semaphore_mem>> -> memref<!tpu.dma_semaphore, #tpu.memory_space<semaphore_mem>>
        tpu.enqueue_indirect_dma source(%dma_start3A_766 : memref<1000000x64xf32, #tpu.memory_space<hbm>>) target(%dma_start3A_760 : memref<100x64xf32, #tpu.memory_space<vmem>>) offsets(%dma_start3A_763 : memref<100xi32, #tpu.memory_space<vmem>>) semaphore(%dma_start3A_768 : memref<!tpu.dma_semaphore, #tpu.memory_space<semaphore_mem>>)
        %add3A_769 = arith.constant 5 : i32
        %add3A_770 = arith.addi %add3A_171, %add3A_769 : i32
        %ge3A_771 = arith.constant 8 : i32
        %ge3A_772 = arith.cmpi sge, %add3A_770, %ge3A_771 : i32
        %convert_element_type3A_773 = arith.extui %ge3A_772 : i1 to i32
        %cond3A_774 = arith.constant 0 : i32
        %cond3A_775 = arith.cmpi ne, %convert_element_type3A_773, %cond3A_774 : i32
        scf.if %cond3A_775 {
          %dma_wait3A_847 = arith.constant 5 : i32
          %dma_wait3A_848 = arith.constant 5 : i32
          %dma_wait3A_849 = arith.constant 0 : i32
          %dma_wait3A_850 = arith.constant 0 : i32
          %dma_wait3A_851 = tpu.memref_slice %arg6[%dma_wait3A_847, %dma_wait3A_849, %dma_wait3A_850] : memref<8x100x64xf32, #tpu.memory_space<vmem>> -> memref<1x100x64xf32, #tpu.memory_space<vmem>>
          %dma_wait3A_852 = tpu.memref_squeeze %dma_wait3A_851 : memref<1x100x64xf32, #tpu.memory_space<vmem>> -> memref<100x64xf32, #tpu.memory_space<vmem>>
          %dma_wait3A_853 = arith.constant 0 : i32
          %dma_wait3A_854 = arith.constant 0 : i32
          %dma_wait3A_855 = tpu.memref_slice %arg4[%mul3A_2, %dma_wait3A_853, %dma_wait3A_854] : memref<8192x100x64xf32, #tpu.memory_space<hbm>> -> memref<1x100x64xf32, #tpu.memory_space<hbm>>
          %dma_wait3A_856 = tpu.memref_squeeze %dma_wait3A_855 : memref<1x100x64xf32, #tpu.memory_space<hbm>> -> memref<100x64xf32, #tpu.memory_space<hbm>>
          %dma_wait3A_857 = tpu.memref_slice %arg8[%dma_wait3A_848] : memref<8x!tpu.dma_semaphore, #tpu.memory_space<semaphore_mem>> -> memref<1x!tpu.dma_semaphore, #tpu.memory_space<semaphore_mem>>
          %dma_wait3A_858 = tpu.memref_squeeze %dma_wait3A_857 : memref<1x!tpu.dma_semaphore, #tpu.memory_space<semaphore_mem>> -> memref<!tpu.dma_semaphore, #tpu.memory_space<semaphore_mem>>
          %dma_wait3A_859 = arith.constant 0 : i32
          %dma_wait3A_860 = arith.constant 0 : i32
          %dma_wait3A_861 = tpu.memref_slice %arg4[%mul3A_2, %dma_wait3A_859, %dma_wait3A_860] : memref<8192x100x64xf32, #tpu.memory_space<hbm>> -> memref<1x100x64xf32, #tpu.memory_space<hbm>>
          %dma_wait3A_862 = tpu.memref_squeeze %dma_wait3A_861 : memref<1x100x64xf32, #tpu.memory_space<hbm>> -> memref<100x64xf32, #tpu.memory_space<hbm>>
          %dma_wait3A_863 = arith.constant 0 : i32
          %dma_wait3A_864 = arith.constant 0 : i32
          %dma_wait3A_865 = tpu.memref_slice %arg6[%dma_wait3A_847, %dma_wait3A_863, %dma_wait3A_864] : memref<8x100x64xf32, #tpu.memory_space<vmem>> -> memref<1x100x64xf32, #tpu.memory_space<vmem>>
          %dma_wait3A_866 = tpu.memref_squeeze %dma_wait3A_865 : memref<1x100x64xf32, #tpu.memory_space<vmem>> -> memref<100x64xf32, #tpu.memory_space<vmem>>
          tpu.wait_dma2 semaphore(%dma_wait3A_858 : memref<!tpu.dma_semaphore, #tpu.memory_space<semaphore_mem>>) src(%dma_wait3A_866 : memref<100x64xf32, #tpu.memory_space<vmem>>) dst(%dma_wait3A_862 : memref<100x64xf32, #tpu.memory_space<hbm>>)
        } else {
        }
        %add3A_776 = arith.constant 5 : i32
        %add3A_777 = arith.addi %add3A_171, %add3A_776 : i32
        %jit3A_778 = arith.constant 64 : i32
        %eq3A_779 = arith.constant 0 : i32
        %eq3A_780 = arith.cmpi eq, %jit3A_778, %eq3A_779 : i32
        %jit3A_781 = arith.constant 1 : i32
        %select_n3A_782 = arith.select %eq3A_780, %jit3A_781, %jit3A_778 : i32
        %rem3A_783 = arith.remsi %add3A_777, %select_n3A_782 : i32
        %ne3A_784 = arith.constant 0 : i32
        %ne3A_785 = arith.cmpi ne, %rem3A_783, %ne3A_784 : i32
        %lt3A_786 = arith.constant 0 : i32
        %lt3A_787 = arith.cmpi slt, %rem3A_783, %lt3A_786 : i32
        %lt3A_788 = arith.constant 0 : i32
        %lt3A_789 = arith.cmpi slt, %select_n3A_782, %lt3A_788 : i32
        %ne3A_790 = arith.xori %lt3A_787, %lt3A_789 : i1
        %and3A_791 = arith.andi %ne3A_790, %ne3A_785 : i1
        %add3A_792 = arith.addi %rem3A_783, %select_n3A_782 : i32
        %select_n3A_793 = arith.select %and3A_791, %add3A_792, %rem3A_783 : i32
        %dma_start3A_794 = arith.constant 5 : i32
        %dma_start3A_795 = arith.constant 5 : i32
        %dma_start3A_796 = arith.constant 0 : i32
        %dma_start3A_797 = arith.constant 0 : i32
        %dma_start3A_798 = tpu.memref_slice %arg6[%dma_start3A_794, %dma_start3A_796, %dma_start3A_797] : memref<8x100x64xf32, #tpu.memory_space<vmem>> -> memref<1x100x64xf32, #tpu.memory_space<vmem>>
        %dma_start3A_799 = tpu.memref_squeeze %dma_start3A_798 : memref<1x100x64xf32, #tpu.memory_space<vmem>> -> memref<100x64xf32, #tpu.memory_space<vmem>>
        %dma_start3A_800 = arith.constant 0 : i32
        %dma_start3A_801 = tpu.memref_slice %arg5[%select_n3A_793, %dma_start3A_800] : memref<64x100xi32, #tpu.memory_space<vmem>> -> memref<1x100xi32, #tpu.memory_space<vmem>>
        %dma_start3A_802 = tpu.memref_squeeze %dma_start3A_801 : memref<1x100xi32, #tpu.memory_space<vmem>> -> memref<100xi32, #tpu.memory_space<vmem>>
        %dma_start3A_803 = arith.constant 0 : i32
        %dma_start3A_804 = arith.constant 0 : i32
        %dma_start3A_805 = tpu.memref_slice %arg3[%dma_start3A_803, %dma_start3A_804] : memref<1000000x64xf32, #tpu.memory_space<hbm>> -> memref<1000000x64xf32, #tpu.memory_space<hbm>>
        %dma_start3A_806 = tpu.memref_slice %arg7[%dma_start3A_795] : memref<8x!tpu.dma_semaphore, #tpu.memory_space<semaphore_mem>> -> memref<1x!tpu.dma_semaphore, #tpu.memory_space<semaphore_mem>>
        %dma_start3A_807 = tpu.memref_squeeze %dma_start3A_806 : memref<1x!tpu.dma_semaphore, #tpu.memory_space<semaphore_mem>> -> memref<!tpu.dma_semaphore, #tpu.memory_space<semaphore_mem>>
        tpu.enqueue_indirect_dma source(%dma_start3A_805 : memref<1000000x64xf32, #tpu.memory_space<hbm>>) target(%dma_start3A_799 : memref<100x64xf32, #tpu.memory_space<vmem>>) offsets(%dma_start3A_802 : memref<100xi32, #tpu.memory_space<vmem>>) semaphore(%dma_start3A_807 : memref<!tpu.dma_semaphore, #tpu.memory_space<semaphore_mem>>)
        %add3A_808 = arith.constant 6 : i32
        %add3A_809 = arith.addi %add3A_171, %add3A_808 : i32
        %ge3A_810 = arith.constant 8 : i32
        %ge3A_811 = arith.cmpi sge, %add3A_809, %ge3A_810 : i32
        %convert_element_type3A_812 = arith.extui %ge3A_811 : i1 to i32
        %cond3A_813 = arith.constant 0 : i32
        %cond3A_814 = arith.cmpi ne, %convert_element_type3A_812, %cond3A_813 : i32
        scf.if %cond3A_814 {
          %dma_wait3A_847 = arith.constant 6 : i32
          %dma_wait3A_848 = arith.constant 6 : i32
          %dma_wait3A_849 = arith.constant 0 : i32
          %dma_wait3A_850 = arith.constant 0 : i32
          %dma_wait3A_851 = tpu.memref_slice %arg6[%dma_wait3A_847, %dma_wait3A_849, %dma_wait3A_850] : memref<8x100x64xf32, #tpu.memory_space<vmem>> -> memref<1x100x64xf32, #tpu.memory_space<vmem>>
          %dma_wait3A_852 = tpu.memref_squeeze %dma_wait3A_851 : memref<1x100x64xf32, #tpu.memory_space<vmem>> -> memref<100x64xf32, #tpu.memory_space<vmem>>
          %dma_wait3A_853 = arith.constant 0 : i32
          %dma_wait3A_854 = arith.constant 0 : i32
          %dma_wait3A_855 = tpu.memref_slice %arg4[%mul3A_2, %dma_wait3A_853, %dma_wait3A_854] : memref<8192x100x64xf32, #tpu.memory_space<hbm>> -> memref<1x100x64xf32, #tpu.memory_space<hbm>>
          %dma_wait3A_856 = tpu.memref_squeeze %dma_wait3A_855 : memref<1x100x64xf32, #tpu.memory_space<hbm>> -> memref<100x64xf32, #tpu.memory_space<hbm>>
          %dma_wait3A_857 = tpu.memref_slice %arg8[%dma_wait3A_848] : memref<8x!tpu.dma_semaphore, #tpu.memory_space<semaphore_mem>> -> memref<1x!tpu.dma_semaphore, #tpu.memory_space<semaphore_mem>>
          %dma_wait3A_858 = tpu.memref_squeeze %dma_wait3A_857 : memref<1x!tpu.dma_semaphore, #tpu.memory_space<semaphore_mem>> -> memref<!tpu.dma_semaphore, #tpu.memory_space<semaphore_mem>>
          %dma_wait3A_859 = arith.constant 0 : i32
          %dma_wait3A_860 = arith.constant 0 : i32
          %dma_wait3A_861 = tpu.memref_slice %arg4[%mul3A_2, %dma_wait3A_859, %dma_wait3A_860] : memref<8192x100x64xf32, #tpu.memory_space<hbm>> -> memref<1x100x64xf32, #tpu.memory_space<hbm>>
          %dma_wait3A_862 = tpu.memref_squeeze %dma_wait3A_861 : memref<1x100x64xf32, #tpu.memory_space<hbm>> -> memref<100x64xf32, #tpu.memory_space<hbm>>
          %dma_wait3A_863 = arith.constant 0 : i32
          %dma_wait3A_864 = arith.constant 0 : i32
          %dma_wait3A_865 = tpu.memref_slice %arg6[%dma_wait3A_847, %dma_wait3A_863, %dma_wait3A_864] : memref<8x100x64xf32, #tpu.memory_space<vmem>> -> memref<1x100x64xf32, #tpu.memory_space<vmem>>
          %dma_wait3A_866 = tpu.memref_squeeze %dma_wait3A_865 : memref<1x100x64xf32, #tpu.memory_space<vmem>> -> memref<100x64xf32, #tpu.memory_space<vmem>>
          tpu.wait_dma2 semaphore(%dma_wait3A_858 : memref<!tpu.dma_semaphore, #tpu.memory_space<semaphore_mem>>) src(%dma_wait3A_866 : memref<100x64xf32, #tpu.memory_space<vmem>>) dst(%dma_wait3A_862 : memref<100x64xf32, #tpu.memory_space<hbm>>)
        } else {
        }
        %add3A_815 = arith.constant 6 : i32
        %add3A_816 = arith.addi %add3A_171, %add3A_815 : i32
        %jit3A_817 = arith.constant 64 : i32
        %eq3A_818 = arith.constant 0 : i32
        %eq3A_819 = arith.cmpi eq, %jit3A_817, %eq3A_818 : i32
        %jit3A_820 = arith.constant 1 : i32
        %select_n3A_821 = arith.select %eq3A_819, %jit3A_820, %jit3A_817 : i32
        %rem3A_822 = arith.remsi %add3A_816, %select_n3A_821 : i32
        %ne3A_823 = arith.constant 0 : i32
        %ne3A_824 = arith.cmpi ne, %rem3A_822, %ne3A_823 : i32
        %lt3A_825 = arith.constant 0 : i32
        %lt3A_826 = arith.cmpi slt, %rem3A_822, %lt3A_825 : i32
        %lt3A_827 = arith.constant 0 : i32
        %lt3A_828 = arith.cmpi slt, %select_n3A_821, %lt3A_827 : i32
        %ne3A_829 = arith.xori %lt3A_826, %lt3A_828 : i1
        %and3A_830 = arith.andi %ne3A_829, %ne3A_824 : i1
        %add3A_831 = arith.addi %rem3A_822, %select_n3A_821 : i32
        %select_n3A_832 = arith.select %and3A_830, %add3A_831, %rem3A_822 : i32
        %dma_start3A_833 = arith.constant 6 : i32
        %dma_start3A_834 = arith.constant 6 : i32
        %dma_start3A_835 = arith.constant 0 : i32
        %dma_start3A_836 = arith.constant 0 : i32
        %dma_start3A_837 = tpu.memref_slice %arg6[%dma_start3A_833, %dma_start3A_835, %dma_start3A_836] : memref<8x100x64xf32, #tpu.memory_space<vmem>> -> memref<1x100x64xf32, #tpu.memory_space<vmem>>
        %dma_start3A_838 = tpu.memref_squeeze %dma_start3A_837 : memref<1x100x64xf32, #tpu.memory_space<vmem>> -> memref<100x64xf32, #tpu.memory_space<vmem>>
        %dma_start3A_839 = arith.constant 0 : i32
        %dma_start3A_840 = tpu.memref_slice %arg5[%select_n3A_832, %dma_start3A_839] : memref<64x100xi32, #tpu.memory_space<vmem>> -> memref<1x100xi32, #tpu.memory_space<vmem>>
        %dma_start3A_841 = tpu.memref_squeeze %dma_start3A_840 : memref<1x100xi32, #tpu.memory_space<vmem>> -> memref<100xi32, #tpu.memory_space<vmem>>
        %dma_start3A_842 = arith.constant 0 : i32
        %dma_start3A_843 = arith.constant 0 : i32
        %dma_start3A_844 = tpu.memref_slice %arg3[%dma_start3A_842, %dma_start3A_843] : memref<1000000x64xf32, #tpu.memory_space<hbm>> -> memref<1000000x64xf32, #tpu.memory_space<hbm>>
        %dma_start3A_845 = tpu.memref_slice %arg7[%dma_start3A_834] : memref<8x!tpu.dma_semaphore, #tpu.memory_space<semaphore_mem>> -> memref<1x!tpu.dma_semaphore, #tpu.memory_space<semaphore_mem>>
        %dma_start3A_846 = tpu.memref_squeeze %dma_start3A_845 : memref<1x!tpu.dma_semaphore, #tpu.memory_space<semaphore_mem>> -> memref<!tpu.dma_semaphore, #tpu.memory_space<semaphore_mem>>
        tpu.enqueue_indirect_dma source(%dma_start3A_844 : memref<1000000x64xf32, #tpu.memory_space<hbm>>) target(%dma_start3A_838 : memref<100x64xf32, #tpu.memory_space<vmem>>) offsets(%dma_start3A_841 : memref<100xi32, #tpu.memory_space<vmem>>) semaphore(%dma_start3A_846 : memref<!tpu.dma_semaphore, #tpu.memory_space<semaphore_mem>>)
      } else {
      }
      %dma_wait3A_175 = arith.constant 0 : i32
      %dma_wait3A_176 = arith.constant 0 : i32
      %dma_wait3A_177 = arith.constant 0 : i32
      %dma_wait3A_178 = arith.constant 0 : i32
      %dma_wait3A_179 = arith.constant 0 : i32
      %dma_wait3A_180 = tpu.memref_slice %arg6[%dma_wait3A_176, %dma_wait3A_178, %dma_wait3A_179] : memref<8x100x64xf32, #tpu.memory_space<vmem>> -> memref<1x100x64xf32, #tpu.memory_space<vmem>>
      %dma_wait3A_181 = tpu.memref_squeeze %dma_wait3A_180 : memref<1x100x64xf32, #tpu.memory_space<vmem>> -> memref<100x64xf32, #tpu.memory_space<vmem>>
      %dma_wait3A_182 = arith.constant 0 : i32
      %dma_wait3A_183 = tpu.memref_slice %arg5[%dma_wait3A_175, %dma_wait3A_182] : memref<64x100xi32, #tpu.memory_space<vmem>> -> memref<1x100xi32, #tpu.memory_space<vmem>>
      %dma_wait3A_184 = tpu.memref_squeeze %dma_wait3A_183 : memref<1x100xi32, #tpu.memory_space<vmem>> -> memref<100xi32, #tpu.memory_space<vmem>>
      %dma_wait3A_185 = arith.constant 0 : i32
      %dma_wait3A_186 = arith.constant 0 : i32
      %dma_wait3A_187 = tpu.memref_slice %arg3[%dma_wait3A_185, %dma_wait3A_186] : memref<1000000x64xf32, #tpu.memory_space<hbm>> -> memref<1000000x64xf32, #tpu.memory_space<hbm>>
      %dma_wait3A_188 = tpu.memref_slice %arg7[%dma_wait3A_177] : memref<8x!tpu.dma_semaphore, #tpu.memory_space<semaphore_mem>> -> memref<1x!tpu.dma_semaphore, #tpu.memory_space<semaphore_mem>>
      %dma_wait3A_189 = tpu.memref_squeeze %dma_wait3A_188 : memref<1x!tpu.dma_semaphore, #tpu.memory_space<semaphore_mem>> -> memref<!tpu.dma_semaphore, #tpu.memory_space<semaphore_mem>>
      tpu.wait_indirect_dma semaphore(%dma_wait3A_189 : memref<!tpu.dma_semaphore, #tpu.memory_space<semaphore_mem>>) src(%dma_wait3A_187 : memref<1000000x64xf32, #tpu.memory_space<hbm>>) dst(%dma_wait3A_181 : memref<100x64xf32, #tpu.memory_space<vmem>>)
      %add3A_190 = arith.addi %mul3A_2, %add3A_171 : i32
      %dma_start3A = arith.constant 0 : i32
      %dma_start3A_191 = arith.constant 0 : i32
      %dma_start3A_192 = arith.constant 0 : i32
      %dma_start3A_193 = arith.constant 0 : i32
      %dma_start3A_194 = tpu.memref_slice %arg6[%dma_start3A, %dma_start3A_192, %dma_start3A_193] : memref<8x100x64xf32, #tpu.memory_space<vmem>> -> memref<1x100x64xf32, #tpu.memory_space<vmem>>
      %dma_start3A_195 = tpu.memref_squeeze %dma_start3A_194 : memref<1x100x64xf32, #tpu.memory_space<vmem>> -> memref<100x64xf32, #tpu.memory_space<vmem>>
      %dma_start3A_196 = arith.constant 0 : i32
      %dma_start3A_197 = arith.constant 0 : i32
      %dma_start3A_198 = tpu.memref_slice %arg4[%add3A_190, %dma_start3A_196, %dma_start3A_197] : memref<8192x100x64xf32, #tpu.memory_space<hbm>> -> memref<1x100x64xf32, #tpu.memory_space<hbm>>
      %dma_start3A_199 = tpu.memref_squeeze %dma_start3A_198 : memref<1x100x64xf32, #tpu.memory_space<hbm>> -> memref<100x64xf32, #tpu.memory_space<hbm>>
      %dma_start3A_200 = tpu.memref_slice %arg8[%dma_start3A_191] : memref<8x!tpu.dma_semaphore, #tpu.memory_space<semaphore_mem>> -> memref<1x!tpu.dma_semaphore, #tpu.memory_space<semaphore_mem>>
      %dma_start3A_201 = tpu.memref_squeeze %dma_start3A_200 : memref<1x!tpu.dma_semaphore, #tpu.memory_space<semaphore_mem>> -> memref<!tpu.dma_semaphore, #tpu.memory_space<semaphore_mem>>
      %dma_start3A_202 = arith.constant 0 : i32
      %dma_start3A_203 = arith.constant 0 : i32
      %dma_start3A_204 = tpu.memref_slice %arg4[%add3A_190, %dma_start3A_202, %dma_start3A_203] : memref<8192x100x64xf32, #tpu.memory_space<hbm>> -> memref<1x100x64xf32, #tpu.memory_space<hbm>>
      %dma_start3A_205 = tpu.memref_squeeze %dma_start3A_204 : memref<1x100x64xf32, #tpu.memory_space<hbm>> -> memref<100x64xf32, #tpu.memory_space<hbm>>
      %dma_start3A_206 = arith.constant 0 : i32
      %dma_start3A_207 = arith.constant 0 : i32
      %dma_start3A_208 = tpu.memref_slice %arg6[%dma_start3A, %dma_start3A_206, %dma_start3A_207] : memref<8x100x64xf32, #tpu.memory_space<vmem>> -> memref<1x100x64xf32, #tpu.memory_space<vmem>>
      %dma_start3A_209 = tpu.memref_squeeze %dma_start3A_208 : memref<1x100x64xf32, #tpu.memory_space<vmem>> -> memref<100x64xf32, #tpu.memory_space<vmem>>
      tpu.enqueue_dma source(%dma_start3A_209 : memref<100x64xf32, #tpu.memory_space<vmem>>) target(%dma_start3A_205 : memref<100x64xf32, #tpu.memory_space<hbm>>) target_semaphore(%dma_start3A_201 : memref<!tpu.dma_semaphore, #tpu.memory_space<semaphore_mem>>)
      %lt3A = arith.constant 57 : i32
      %lt3A_210 = arith.cmpi slt, %rem3A_172, %lt3A : i32
      %convert_element_type3A_211 = arith.extui %lt3A_210 : i1 to i32
      %cond3A_212 = arith.constant 0 : i32
      %cond3A_213 = arith.cmpi ne, %convert_element_type3A_211, %cond3A_212 : i32
      scf.if %cond3A_213 {
        %ge3A = arith.constant 1 : i32
        %ge3A_578 = arith.cmpi sge, %add3A_171, %ge3A : i32
        %convert_element_type3A_579 = arith.extui %ge3A_578 : i1 to i32
        %cond3A_580 = arith.constant 0 : i32
        %cond3A_581 = arith.cmpi ne, %convert_element_type3A_579, %cond3A_580 : i32
        scf.if %cond3A_581 {
          %dma_wait3A_611 = arith.constant 7 : i32
          %dma_wait3A_612 = arith.constant 7 : i32
          %dma_wait3A_613 = arith.constant 0 : i32
          %dma_wait3A_614 = arith.constant 0 : i32
          %dma_wait3A_615 = tpu.memref_slice %arg6[%dma_wait3A_611, %dma_wait3A_613, %dma_wait3A_614] : memref<8x100x64xf32, #tpu.memory_space<vmem>> -> memref<1x100x64xf32, #tpu.memory_space<vmem>>
          %dma_wait3A_616 = tpu.memref_squeeze %dma_wait3A_615 : memref<1x100x64xf32, #tpu.memory_space<vmem>> -> memref<100x64xf32, #tpu.memory_space<vmem>>
          %dma_wait3A_617 = arith.constant 0 : i32
          %dma_wait3A_618 = arith.constant 0 : i32
          %dma_wait3A_619 = tpu.memref_slice %arg4[%mul3A_2, %dma_wait3A_617, %dma_wait3A_618] : memref<8192x100x64xf32, #tpu.memory_space<hbm>> -> memref<1x100x64xf32, #tpu.memory_space<hbm>>
          %dma_wait3A_620 = tpu.memref_squeeze %dma_wait3A_619 : memref<1x100x64xf32, #tpu.memory_space<hbm>> -> memref<100x64xf32, #tpu.memory_space<hbm>>
          %dma_wait3A_621 = tpu.memref_slice %arg8[%dma_wait3A_612] : memref<8x!tpu.dma_semaphore, #tpu.memory_space<semaphore_mem>> -> memref<1x!tpu.dma_semaphore, #tpu.memory_space<semaphore_mem>>
          %dma_wait3A_622 = tpu.memref_squeeze %dma_wait3A_621 : memref<1x!tpu.dma_semaphore, #tpu.memory_space<semaphore_mem>> -> memref<!tpu.dma_semaphore, #tpu.memory_space<semaphore_mem>>
          %dma_wait3A_623 = arith.constant 0 : i32
          %dma_wait3A_624 = arith.constant 0 : i32
          %dma_wait3A_625 = tpu.memref_slice %arg4[%mul3A_2, %dma_wait3A_623, %dma_wait3A_624] : memref<8192x100x64xf32, #tpu.memory_space<hbm>> -> memref<1x100x64xf32, #tpu.memory_space<hbm>>
          %dma_wait3A_626 = tpu.memref_squeeze %dma_wait3A_625 : memref<1x100x64xf32, #tpu.memory_space<hbm>> -> memref<100x64xf32, #tpu.memory_space<hbm>>
          %dma_wait3A_627 = arith.constant 0 : i32
          %dma_wait3A_628 = arith.constant 0 : i32
          %dma_wait3A_629 = tpu.memref_slice %arg6[%dma_wait3A_611, %dma_wait3A_627, %dma_wait3A_628] : memref<8x100x64xf32, #tpu.memory_space<vmem>> -> memref<1x100x64xf32, #tpu.memory_space<vmem>>
          %dma_wait3A_630 = tpu.memref_squeeze %dma_wait3A_629 : memref<1x100x64xf32, #tpu.memory_space<vmem>> -> memref<100x64xf32, #tpu.memory_space<vmem>>
          tpu.wait_dma2 semaphore(%dma_wait3A_622 : memref<!tpu.dma_semaphore, #tpu.memory_space<semaphore_mem>>) src(%dma_wait3A_630 : memref<100x64xf32, #tpu.memory_space<vmem>>) dst(%dma_wait3A_626 : memref<100x64xf32, #tpu.memory_space<hbm>>)
        } else {
        }
        %add3A_582 = arith.constant 8 : i32
        %add3A_583 = arith.addi %add3A_171, %add3A_582 : i32
        %sub3A = arith.constant 1 : i32
        %sub3A_584 = arith.subi %add3A_583, %sub3A : i32
        %jit3A = arith.constant 64 : i32
        %eq3A_585 = arith.constant 0 : i32
        %eq3A_586 = arith.cmpi eq, %jit3A, %eq3A_585 : i32
        %jit3A_587 = arith.constant 1 : i32
        %select_n3A = arith.select %eq3A_586, %jit3A_587, %jit3A : i32
        %rem3A_588 = arith.remsi %sub3A_584, %select_n3A : i32
        %ne3A = arith.constant 0 : i32
        %ne3A_589 = arith.cmpi ne, %rem3A_588, %ne3A : i32
        %lt3A_590 = arith.constant 0 : i32
        %lt3A_591 = arith.cmpi slt, %rem3A_588, %lt3A_590 : i32
        %lt3A_592 = arith.constant 0 : i32
        %lt3A_593 = arith.cmpi slt, %select_n3A, %lt3A_592 : i32
        %ne3A_594 = arith.xori %lt3A_591, %lt3A_593 : i1
        %and3A = arith.andi %ne3A_594, %ne3A_589 : i1
        %add3A_595 = arith.addi %rem3A_588, %select_n3A : i32
        %select_n3A_596 = arith.select %and3A, %add3A_595, %rem3A_588 : i32
        %dma_start3A_597 = arith.constant 7 : i32
        %dma_start3A_598 = arith.constant 7 : i32
        %dma_start3A_599 = arith.constant 0 : i32
        %dma_start3A_600 = arith.constant 0 : i32
        %dma_start3A_601 = tpu.memref_slice %arg6[%dma_start3A_597, %dma_start3A_599, %dma_start3A_600] : memref<8x100x64xf32, #tpu.memory_space<vmem>> -> memref<1x100x64xf32, #tpu.memory_space<vmem>>
        %dma_start3A_602 = tpu.memref_squeeze %dma_start3A_601 : memref<1x100x64xf32, #tpu.memory_space<vmem>> -> memref<100x64xf32, #tpu.memory_space<vmem>>
        %dma_start3A_603 = arith.constant 0 : i32
        %dma_start3A_604 = tpu.memref_slice %arg5[%select_n3A_596, %dma_start3A_603] : memref<64x100xi32, #tpu.memory_space<vmem>> -> memref<1x100xi32, #tpu.memory_space<vmem>>
        %dma_start3A_605 = tpu.memref_squeeze %dma_start3A_604 : memref<1x100xi32, #tpu.memory_space<vmem>> -> memref<100xi32, #tpu.memory_space<vmem>>
        %dma_start3A_606 = arith.constant 0 : i32
        %dma_start3A_607 = arith.constant 0 : i32
        %dma_start3A_608 = tpu.memref_slice %arg3[%dma_start3A_606, %dma_start3A_607] : memref<1000000x64xf32, #tpu.memory_space<hbm>> -> memref<1000000x64xf32, #tpu.memory_space<hbm>>
        %dma_start3A_609 = tpu.memref_slice %arg7[%dma_start3A_598] : memref<8x!tpu.dma_semaphore, #tpu.memory_space<semaphore_mem>> -> memref<1x!tpu.dma_semaphore, #tpu.memory_space<semaphore_mem>>
        %dma_start3A_610 = tpu.memref_squeeze %dma_start3A_609 : memref<1x!tpu.dma_semaphore, #tpu.memory_space<semaphore_mem>> -> memref<!tpu.dma_semaphore, #tpu.memory_space<semaphore_mem>>
        tpu.enqueue_indirect_dma source(%dma_start3A_608 : memref<1000000x64xf32, #tpu.memory_space<hbm>>) target(%dma_start3A_602 : memref<100x64xf32, #tpu.memory_space<vmem>>) offsets(%dma_start3A_605 : memref<100xi32, #tpu.memory_space<vmem>>) semaphore(%dma_start3A_610 : memref<!tpu.dma_semaphore, #tpu.memory_space<semaphore_mem>>)
      } else {
      }
      %mul3A_214 = arith.constant 8 : i32
      %mul3A_215 = arith.muli %mul3A_214, %scan3A_167 : i32
      %add3A_216 = arith.constant 1 : i32
      %add3A_217 = arith.addi %mul3A_215, %add3A_216 : i32
      %rem3A_218 = arith.constant 64 : i32
      %rem3A_219 = arith.remsi %add3A_217, %rem3A_218 : i32
      %eq3A_220 = arith.constant 0 : i32
      %eq3A_221 = arith.cmpi eq, %rem3A_219, %eq3A_220 : i32
      %convert_element_type3A_222 = arith.extui %eq3A_221 : i1 to i32
      %cond3A_223 = arith.constant 0 : i32
      %cond3A_224 = arith.cmpi ne, %convert_element_type3A_222, %cond3A_223 : i32
      scf.if %cond3A_224 {
        %add3A_578 = arith.addi %mul3A_2, %add3A_217 : i32
        %multiple_of3A = tpu.assume_multiple %add3A_578, 64 : i32
        "tpu.region"() ({
          %run_scoped3A = tpu.sem_alloc : memref<!tpu.dma_semaphore, #tpu.memory_space<semaphore_mem>>
          %dma_start3A_847 = arith.constant 0 : i32
          %dma_start3A_848 = tpu.memref_slice %arg2[%multiple_of3A, %dma_start3A_847] : memref<8192x100xi32, #tpu.memory_space<hbm>> -> memref<64x100xi32, #tpu.memory_space<hbm>>
          %dma_start3A_849 = arith.constant 0 : i32
          %dma_start3A_850 = tpu.memref_slice %arg2[%multiple_of3A, %dma_start3A_849] : memref<8192x100xi32, #tpu.memory_space<hbm>> -> memref<64x100xi32, #tpu.memory_space<hbm>>
          tpu.enqueue_dma source(%dma_start3A_850 : memref<64x100xi32, #tpu.memory_space<hbm>>) target(%arg5 : memref<64x100xi32, #tpu.memory_space<vmem>>) target_semaphore(%run_scoped3A : memref<!tpu.dma_semaphore, #tpu.memory_space<semaphore_mem>>)
          %dma_wait3A_851 = arith.constant 0 : i32
          %dma_wait3A_852 = tpu.memref_slice %arg2[%multiple_of3A, %dma_wait3A_851] : memref<8192x100xi32, #tpu.memory_space<hbm>> -> memref<64x100xi32, #tpu.memory_space<hbm>>
          %dma_wait3A_853 = arith.constant 0 : i32
          %dma_wait3A_854 = tpu.memref_slice %arg2[%multiple_of3A, %dma_wait3A_853] : memref<8192x100xi32, #tpu.memory_space<hbm>> -> memref<64x100xi32, #tpu.memory_space<hbm>>
          tpu.wait_dma2 semaphore(%run_scoped3A : memref<!tpu.dma_semaphore, #tpu.memory_space<semaphore_mem>>) src(%dma_wait3A_854 : memref<64x100xi32, #tpu.memory_space<hbm>>) dst(%arg5 : memref<64x100xi32, #tpu.memory_space<vmem>>)
          tpu.yield
        }) : () -> ()
        %add3A_579 = arith.constant 0 : i32
        %add3A_580 = arith.addi %add3A_217, %add3A_579 : i32
        %ge3A = arith.constant 8 : i32
        %ge3A_581 = arith.cmpi sge, %add3A_580, %ge3A : i32
        %convert_element_type3A_582 = arith.extui %ge3A_581 : i1 to i32
        %cond3A_583 = arith.constant 0 : i32
        %cond3A_584 = arith.cmpi ne, %convert_element_type3A_582, %cond3A_583 : i32
        scf.if %cond3A_584 {
          %dma_wait3A_847 = arith.constant 1 : i32
          %dma_wait3A_848 = arith.constant 1 : i32
          %dma_wait3A_849 = arith.constant 0 : i32
          %dma_wait3A_850 = arith.constant 0 : i32
          %dma_wait3A_851 = tpu.memref_slice %arg6[%dma_wait3A_847, %dma_wait3A_849, %dma_wait3A_850] : memref<8x100x64xf32, #tpu.memory_space<vmem>> -> memref<1x100x64xf32, #tpu.memory_space<vmem>>
          %dma_wait3A_852 = tpu.memref_squeeze %dma_wait3A_851 : memref<1x100x64xf32, #tpu.memory_space<vmem>> -> memref<100x64xf32, #tpu.memory_space<vmem>>
          %dma_wait3A_853 = arith.constant 0 : i32
          %dma_wait3A_854 = arith.constant 0 : i32
          %dma_wait3A_855 = tpu.memref_slice %arg4[%mul3A_2, %dma_wait3A_853, %dma_wait3A_854] : memref<8192x100x64xf32, #tpu.memory_space<hbm>> -> memref<1x100x64xf32, #tpu.memory_space<hbm>>
          %dma_wait3A_856 = tpu.memref_squeeze %dma_wait3A_855 : memref<1x100x64xf32, #tpu.memory_space<hbm>> -> memref<100x64xf32, #tpu.memory_space<hbm>>
          %dma_wait3A_857 = tpu.memref_slice %arg8[%dma_wait3A_848] : memref<8x!tpu.dma_semaphore, #tpu.memory_space<semaphore_mem>> -> memref<1x!tpu.dma_semaphore, #tpu.memory_space<semaphore_mem>>
          %dma_wait3A_858 = tpu.memref_squeeze %dma_wait3A_857 : memref<1x!tpu.dma_semaphore, #tpu.memory_space<semaphore_mem>> -> memref<!tpu.dma_semaphore, #tpu.memory_space<semaphore_mem>>
          %dma_wait3A_859 = arith.constant 0 : i32
          %dma_wait3A_860 = arith.constant 0 : i32
          %dma_wait3A_861 = tpu.memref_slice %arg4[%mul3A_2, %dma_wait3A_859, %dma_wait3A_860] : memref<8192x100x64xf32, #tpu.memory_space<hbm>> -> memref<1x100x64xf32, #tpu.memory_space<hbm>>
          %dma_wait3A_862 = tpu.memref_squeeze %dma_wait3A_861 : memref<1x100x64xf32, #tpu.memory_space<hbm>> -> memref<100x64xf32, #tpu.memory_space<hbm>>
          %dma_wait3A_863 = arith.constant 0 : i32
          %dma_wait3A_864 = arith.constant 0 : i32
          %dma_wait3A_865 = tpu.memref_slice %arg6[%dma_wait3A_847, %dma_wait3A_863, %dma_wait3A_864] : memref<8x100x64xf32, #tpu.memory_space<vmem>> -> memref<1x100x64xf32, #tpu.memory_space<vmem>>
          %dma_wait3A_866 = tpu.memref_squeeze %dma_wait3A_865 : memref<1x100x64xf32, #tpu.memory_space<vmem>> -> memref<100x64xf32, #tpu.memory_space<vmem>>
          tpu.wait_dma2 semaphore(%dma_wait3A_858 : memref<!tpu.dma_semaphore, #tpu.memory_space<semaphore_mem>>) src(%dma_wait3A_866 : memref<100x64xf32, #tpu.memory_space<vmem>>) dst(%dma_wait3A_862 : memref<100x64xf32, #tpu.memory_space<hbm>>)
        } else {
        }
        %add3A_585 = arith.constant 0 : i32
        %add3A_586 = arith.addi %add3A_217, %add3A_585 : i32
        %jit3A = arith.constant 64 : i32
        %eq3A_587 = arith.constant 0 : i32
        %eq3A_588 = arith.cmpi eq, %jit3A, %eq3A_587 : i32
        %jit3A_589 = arith.constant 1 : i32
        %select_n3A = arith.select %eq3A_588, %jit3A_589, %jit3A : i32
        %rem3A_590 = arith.remsi %add3A_586, %select_n3A : i32
        %ne3A = arith.constant 0 : i32
        %ne3A_591 = arith.cmpi ne, %rem3A_590, %ne3A : i32
        %lt3A_592 = arith.constant 0 : i32
        %lt3A_593 = arith.cmpi slt, %rem3A_590, %lt3A_592 : i32
        %lt3A_594 = arith.constant 0 : i32
        %lt3A_595 = arith.cmpi slt, %select_n3A, %lt3A_594 : i32
        %ne3A_596 = arith.xori %lt3A_593, %lt3A_595 : i1
        %and3A = arith.andi %ne3A_596, %ne3A_591 : i1
        %add3A_597 = arith.addi %rem3A_590, %select_n3A : i32
        %select_n3A_598 = arith.select %and3A, %add3A_597, %rem3A_590 : i32
        %dma_start3A_599 = arith.constant 1 : i32
        %dma_start3A_600 = arith.constant 1 : i32
        %dma_start3A_601 = arith.constant 0 : i32
        %dma_start3A_602 = arith.constant 0 : i32
        %dma_start3A_603 = tpu.memref_slice %arg6[%dma_start3A_599, %dma_start3A_601, %dma_start3A_602] : memref<8x100x64xf32, #tpu.memory_space<vmem>> -> memref<1x100x64xf32, #tpu.memory_space<vmem>>
        %dma_start3A_604 = tpu.memref_squeeze %dma_start3A_603 : memref<1x100x64xf32, #tpu.memory_space<vmem>> -> memref<100x64xf32, #tpu.memory_space<vmem>>
        %dma_start3A_605 = arith.constant 0 : i32
        %dma_start3A_606 = tpu.memref_slice %arg5[%select_n3A_598, %dma_start3A_605] : memref<64x100xi32, #tpu.memory_space<vmem>> -> memref<1x100xi32, #tpu.memory_space<vmem>>
        %dma_start3A_607 = tpu.memref_squeeze %dma_start3A_606 : memref<1x100xi32, #tpu.memory_space<vmem>> -> memref<100xi32, #tpu.memory_space<vmem>>
        %dma_start3A_608 = arith.constant 0 : i32
        %dma_start3A_609 = arith.constant 0 : i32
        %dma_start3A_610 = tpu.memref_slice %arg3[%dma_start3A_608, %dma_start3A_609] : memref<1000000x64xf32, #tpu.memory_space<hbm>> -> memref<1000000x64xf32, #tpu.memory_space<hbm>>
        %dma_start3A_611 = tpu.memref_slice %arg7[%dma_start3A_600] : memref<8x!tpu.dma_semaphore, #tpu.memory_space<semaphore_mem>> -> memref<1x!tpu.dma_semaphore, #tpu.memory_space<semaphore_mem>>
        %dma_start3A_612 = tpu.memref_squeeze %dma_start3A_611 : memref<1x!tpu.dma_semaphore, #tpu.memory_space<semaphore_mem>> -> memref<!tpu.dma_semaphore, #tpu.memory_space<semaphore_mem>>
        tpu.enqueue_indirect_dma source(%dma_start3A_610 : memref<1000000x64xf32, #tpu.memory_space<hbm>>) target(%dma_start3A_604 : memref<100x64xf32, #tpu.memory_space<vmem>>) offsets(%dma_start3A_607 : memref<100xi32, #tpu.memory_space<vmem>>) semaphore(%dma_start3A_612 : memref<!tpu.dma_semaphore, #tpu.memory_space<semaphore_mem>>)
        %add3A_613 = arith.constant 1 : i32
        %add3A_614 = arith.addi %add3A_217, %add3A_613 : i32
        %ge3A_615 = arith.constant 8 : i32
        %ge3A_616 = arith.cmpi sge, %add3A_614, %ge3A_615 : i32
        %convert_element_type3A_617 = arith.extui %ge3A_616 : i1 to i32
        %cond3A_618 = arith.constant 0 : i32
        %cond3A_619 = arith.cmpi ne, %convert_element_type3A_617, %cond3A_618 : i32
        scf.if %cond3A_619 {
          %dma_wait3A_847 = arith.constant 2 : i32
          %dma_wait3A_848 = arith.constant 2 : i32
          %dma_wait3A_849 = arith.constant 0 : i32
          %dma_wait3A_850 = arith.constant 0 : i32
          %dma_wait3A_851 = tpu.memref_slice %arg6[%dma_wait3A_847, %dma_wait3A_849, %dma_wait3A_850] : memref<8x100x64xf32, #tpu.memory_space<vmem>> -> memref<1x100x64xf32, #tpu.memory_space<vmem>>
          %dma_wait3A_852 = tpu.memref_squeeze %dma_wait3A_851 : memref<1x100x64xf32, #tpu.memory_space<vmem>> -> memref<100x64xf32, #tpu.memory_space<vmem>>
          %dma_wait3A_853 = arith.constant 0 : i32
          %dma_wait3A_854 = arith.constant 0 : i32
          %dma_wait3A_855 = tpu.memref_slice %arg4[%mul3A_2, %dma_wait3A_853, %dma_wait3A_854] : memref<8192x100x64xf32, #tpu.memory_space<hbm>> -> memref<1x100x64xf32, #tpu.memory_space<hbm>>
          %dma_wait3A_856 = tpu.memref_squeeze %dma_wait3A_855 : memref<1x100x64xf32, #tpu.memory_space<hbm>> -> memref<100x64xf32, #tpu.memory_space<hbm>>
          %dma_wait3A_857 = tpu.memref_slice %arg8[%dma_wait3A_848] : memref<8x!tpu.dma_semaphore, #tpu.memory_space<semaphore_mem>> -> memref<1x!tpu.dma_semaphore, #tpu.memory_space<semaphore_mem>>
          %dma_wait3A_858 = tpu.memref_squeeze %dma_wait3A_857 : memref<1x!tpu.dma_semaphore, #tpu.memory_space<semaphore_mem>> -> memref<!tpu.dma_semaphore, #tpu.memory_space<semaphore_mem>>
          %dma_wait3A_859 = arith.constant 0 : i32
          %dma_wait3A_860 = arith.constant 0 : i32
          %dma_wait3A_861 = tpu.memref_slice %arg4[%mul3A_2, %dma_wait3A_859, %dma_wait3A_860] : memref<8192x100x64xf32, #tpu.memory_space<hbm>> -> memref<1x100x64xf32, #tpu.memory_space<hbm>>
          %dma_wait3A_862 = tpu.memref_squeeze %dma_wait3A_861 : memref<1x100x64xf32, #tpu.memory_space<hbm>> -> memref<100x64xf32, #tpu.memory_space<hbm>>
          %dma_wait3A_863 = arith.constant 0 : i32
          %dma_wait3A_864 = arith.constant 0 : i32
          %dma_wait3A_865 = tpu.memref_slice %arg6[%dma_wait3A_847, %dma_wait3A_863, %dma_wait3A_864] : memref<8x100x64xf32, #tpu.memory_space<vmem>> -> memref<1x100x64xf32, #tpu.memory_space<vmem>>
          %dma_wait3A_866 = tpu.memref_squeeze %dma_wait3A_865 : memref<1x100x64xf32, #tpu.memory_space<vmem>> -> memref<100x64xf32, #tpu.memory_space<vmem>>
          tpu.wait_dma2 semaphore(%dma_wait3A_858 : memref<!tpu.dma_semaphore, #tpu.memory_space<semaphore_mem>>) src(%dma_wait3A_866 : memref<100x64xf32, #tpu.memory_space<vmem>>) dst(%dma_wait3A_862 : memref<100x64xf32, #tpu.memory_space<hbm>>)
        } else {
        }
        %add3A_620 = arith.constant 1 : i32
        %add3A_621 = arith.addi %add3A_217, %add3A_620 : i32
        %jit3A_622 = arith.constant 64 : i32
        %eq3A_623 = arith.constant 0 : i32
        %eq3A_624 = arith.cmpi eq, %jit3A_622, %eq3A_623 : i32
        %jit3A_625 = arith.constant 1 : i32
        %select_n3A_626 = arith.select %eq3A_624, %jit3A_625, %jit3A_622 : i32
        %rem3A_627 = arith.remsi %add3A_621, %select_n3A_626 : i32
        %ne3A_628 = arith.constant 0 : i32
        %ne3A_629 = arith.cmpi ne, %rem3A_627, %ne3A_628 : i32
        %lt3A_630 = arith.constant 0 : i32
        %lt3A_631 = arith.cmpi slt, %rem3A_627, %lt3A_630 : i32
        %lt3A_632 = arith.constant 0 : i32
        %lt3A_633 = arith.cmpi slt, %select_n3A_626, %lt3A_632 : i32
        %ne3A_634 = arith.xori %lt3A_631, %lt3A_633 : i1
        %and3A_635 = arith.andi %ne3A_634, %ne3A_629 : i1
        %add3A_636 = arith.addi %rem3A_627, %select_n3A_626 : i32
        %select_n3A_637 = arith.select %and3A_635, %add3A_636, %rem3A_627 : i32
        %dma_start3A_638 = arith.constant 2 : i32
        %dma_start3A_639 = arith.constant 2 : i32
        %dma_start3A_640 = arith.constant 0 : i32
        %dma_start3A_641 = arith.constant 0 : i32
        %dma_start3A_642 = tpu.memref_slice %arg6[%dma_start3A_638, %dma_start3A_640, %dma_start3A_641] : memref<8x100x64xf32, #tpu.memory_space<vmem>> -> memref<1x100x64xf32, #tpu.memory_space<vmem>>
        %dma_start3A_643 = tpu.memref_squeeze %dma_start3A_642 : memref<1x100x64xf32, #tpu.memory_space<vmem>> -> memref<100x64xf32, #tpu.memory_space<vmem>>
        %dma_start3A_644 = arith.constant 0 : i32
        %dma_start3A_645 = tpu.memref_slice %arg5[%select_n3A_637, %dma_start3A_644] : memref<64x100xi32, #tpu.memory_space<vmem>> -> memref<1x100xi32, #tpu.memory_space<vmem>>
        %dma_start3A_646 = tpu.memref_squeeze %dma_start3A_645 : memref<1x100xi32, #tpu.memory_space<vmem>> -> memref<100xi32, #tpu.memory_space<vmem>>
        %dma_start3A_647 = arith.constant 0 : i32
        %dma_start3A_648 = arith.constant 0 : i32
        %dma_start3A_649 = tpu.memref_slice %arg3[%dma_start3A_647, %dma_start3A_648] : memref<1000000x64xf32, #tpu.memory_space<hbm>> -> memref<1000000x64xf32, #tpu.memory_space<hbm>>
        %dma_start3A_650 = tpu.memref_slice %arg7[%dma_start3A_639] : memref<8x!tpu.dma_semaphore, #tpu.memory_space<semaphore_mem>> -> memref<1x!tpu.dma_semaphore, #tpu.memory_space<semaphore_mem>>
        %dma_start3A_651 = tpu.memref_squeeze %dma_start3A_650 : memref<1x!tpu.dma_semaphore, #tpu.memory_space<semaphore_mem>> -> memref<!tpu.dma_semaphore, #tpu.memory_space<semaphore_mem>>
        tpu.enqueue_indirect_dma source(%dma_start3A_649 : memref<1000000x64xf32, #tpu.memory_space<hbm>>) target(%dma_start3A_643 : memref<100x64xf32, #tpu.memory_space<vmem>>) offsets(%dma_start3A_646 : memref<100xi32, #tpu.memory_space<vmem>>) semaphore(%dma_start3A_651 : memref<!tpu.dma_semaphore, #tpu.memory_space<semaphore_mem>>)
        %add3A_652 = arith.constant 2 : i32
        %add3A_653 = arith.addi %add3A_217, %add3A_652 : i32
        %ge3A_654 = arith.constant 8 : i32
        %ge3A_655 = arith.cmpi sge, %add3A_653, %ge3A_654 : i32
        %convert_element_type3A_656 = arith.extui %ge3A_655 : i1 to i32
        %cond3A_657 = arith.constant 0 : i32
        %cond3A_658 = arith.cmpi ne, %convert_element_type3A_656, %cond3A_657 : i32
        scf.if %cond3A_658 {
          %dma_wait3A_847 = arith.constant 3 : i32
          %dma_wait3A_848 = arith.constant 3 : i32
          %dma_wait3A_849 = arith.constant 0 : i32
          %dma_wait3A_850 = arith.constant 0 : i32
          %dma_wait3A_851 = tpu.memref_slice %arg6[%dma_wait3A_847, %dma_wait3A_849, %dma_wait3A_850] : memref<8x100x64xf32, #tpu.memory_space<vmem>> -> memref<1x100x64xf32, #tpu.memory_space<vmem>>
          %dma_wait3A_852 = tpu.memref_squeeze %dma_wait3A_851 : memref<1x100x64xf32, #tpu.memory_space<vmem>> -> memref<100x64xf32, #tpu.memory_space<vmem>>
          %dma_wait3A_853 = arith.constant 0 : i32
          %dma_wait3A_854 = arith.constant 0 : i32
          %dma_wait3A_855 = tpu.memref_slice %arg4[%mul3A_2, %dma_wait3A_853, %dma_wait3A_854] : memref<8192x100x64xf32, #tpu.memory_space<hbm>> -> memref<1x100x64xf32, #tpu.memory_space<hbm>>
          %dma_wait3A_856 = tpu.memref_squeeze %dma_wait3A_855 : memref<1x100x64xf32, #tpu.memory_space<hbm>> -> memref<100x64xf32, #tpu.memory_space<hbm>>
          %dma_wait3A_857 = tpu.memref_slice %arg8[%dma_wait3A_848] : memref<8x!tpu.dma_semaphore, #tpu.memory_space<semaphore_mem>> -> memref<1x!tpu.dma_semaphore, #tpu.memory_space<semaphore_mem>>
          %dma_wait3A_858 = tpu.memref_squeeze %dma_wait3A_857 : memref<1x!tpu.dma_semaphore, #tpu.memory_space<semaphore_mem>> -> memref<!tpu.dma_semaphore, #tpu.memory_space<semaphore_mem>>
          %dma_wait3A_859 = arith.constant 0 : i32
          %dma_wait3A_860 = arith.constant 0 : i32
          %dma_wait3A_861 = tpu.memref_slice %arg4[%mul3A_2, %dma_wait3A_859, %dma_wait3A_860] : memref<8192x100x64xf32, #tpu.memory_space<hbm>> -> memref<1x100x64xf32, #tpu.memory_space<hbm>>
          %dma_wait3A_862 = tpu.memref_squeeze %dma_wait3A_861 : memref<1x100x64xf32, #tpu.memory_space<hbm>> -> memref<100x64xf32, #tpu.memory_space<hbm>>
          %dma_wait3A_863 = arith.constant 0 : i32
          %dma_wait3A_864 = arith.constant 0 : i32
          %dma_wait3A_865 = tpu.memref_slice %arg6[%dma_wait3A_847, %dma_wait3A_863, %dma_wait3A_864] : memref<8x100x64xf32, #tpu.memory_space<vmem>> -> memref<1x100x64xf32, #tpu.memory_space<vmem>>
          %dma_wait3A_866 = tpu.memref_squeeze %dma_wait3A_865 : memref<1x100x64xf32, #tpu.memory_space<vmem>> -> memref<100x64xf32, #tpu.memory_space<vmem>>
          tpu.wait_dma2 semaphore(%dma_wait3A_858 : memref<!tpu.dma_semaphore, #tpu.memory_space<semaphore_mem>>) src(%dma_wait3A_866 : memref<100x64xf32, #tpu.memory_space<vmem>>) dst(%dma_wait3A_862 : memref<100x64xf32, #tpu.memory_space<hbm>>)
        } else {
        }
        %add3A_659 = arith.constant 2 : i32
        %add3A_660 = arith.addi %add3A_217, %add3A_659 : i32
        %jit3A_661 = arith.constant 64 : i32
        %eq3A_662 = arith.constant 0 : i32
        %eq3A_663 = arith.cmpi eq, %jit3A_661, %eq3A_662 : i32
        %jit3A_664 = arith.constant 1 : i32
        %select_n3A_665 = arith.select %eq3A_663, %jit3A_664, %jit3A_661 : i32
        %rem3A_666 = arith.remsi %add3A_660, %select_n3A_665 : i32
        %ne3A_667 = arith.constant 0 : i32
        %ne3A_668 = arith.cmpi ne, %rem3A_666, %ne3A_667 : i32
        %lt3A_669 = arith.constant 0 : i32
        %lt3A_670 = arith.cmpi slt, %rem3A_666, %lt3A_669 : i32
        %lt3A_671 = arith.constant 0 : i32
        %lt3A_672 = arith.cmpi slt, %select_n3A_665, %lt3A_671 : i32
        %ne3A_673 = arith.xori %lt3A_670, %lt3A_672 : i1
        %and3A_674 = arith.andi %ne3A_673, %ne3A_668 : i1
        %add3A_675 = arith.addi %rem3A_666, %select_n3A_665 : i32
        %select_n3A_676 = arith.select %and3A_674, %add3A_675, %rem3A_666 : i32
        %dma_start3A_677 = arith.constant 3 : i32
        %dma_start3A_678 = arith.constant 3 : i32
        %dma_start3A_679 = arith.constant 0 : i32
        %dma_start3A_680 = arith.constant 0 : i32
        %dma_start3A_681 = tpu.memref_slice %arg6[%dma_start3A_677, %dma_start3A_679, %dma_start3A_680] : memref<8x100x64xf32, #tpu.memory_space<vmem>> -> memref<1x100x64xf32, #tpu.memory_space<vmem>>
        %dma_start3A_682 = tpu.memref_squeeze %dma_start3A_681 : memref<1x100x64xf32, #tpu.memory_space<vmem>> -> memref<100x64xf32, #tpu.memory_space<vmem>>
        %dma_start3A_683 = arith.constant 0 : i32
        %dma_start3A_684 = tpu.memref_slice %arg5[%select_n3A_676, %dma_start3A_683] : memref<64x100xi32, #tpu.memory_space<vmem>> -> memref<1x100xi32, #tpu.memory_space<vmem>>
        %dma_start3A_685 = tpu.memref_squeeze %dma_start3A_684 : memref<1x100xi32, #tpu.memory_space<vmem>> -> memref<100xi32, #tpu.memory_space<vmem>>
        %dma_start3A_686 = arith.constant 0 : i32
        %dma_start3A_687 = arith.constant 0 : i32
        %dma_start3A_688 = tpu.memref_slice %arg3[%dma_start3A_686, %dma_start3A_687] : memref<1000000x64xf32, #tpu.memory_space<hbm>> -> memref<1000000x64xf32, #tpu.memory_space<hbm>>
        %dma_start3A_689 = tpu.memref_slice %arg7[%dma_start3A_678] : memref<8x!tpu.dma_semaphore, #tpu.memory_space<semaphore_mem>> -> memref<1x!tpu.dma_semaphore, #tpu.memory_space<semaphore_mem>>
        %dma_start3A_690 = tpu.memref_squeeze %dma_start3A_689 : memref<1x!tpu.dma_semaphore, #tpu.memory_space<semaphore_mem>> -> memref<!tpu.dma_semaphore, #tpu.memory_space<semaphore_mem>>
        tpu.enqueue_indirect_dma source(%dma_start3A_688 : memref<1000000x64xf32, #tpu.memory_space<hbm>>) target(%dma_start3A_682 : memref<100x64xf32, #tpu.memory_space<vmem>>) offsets(%dma_start3A_685 : memref<100xi32, #tpu.memory_space<vmem>>) semaphore(%dma_start3A_690 : memref<!tpu.dma_semaphore, #tpu.memory_space<semaphore_mem>>)
        %add3A_691 = arith.constant 3 : i32
        %add3A_692 = arith.addi %add3A_217, %add3A_691 : i32
        %ge3A_693 = arith.constant 8 : i32
        %ge3A_694 = arith.cmpi sge, %add3A_692, %ge3A_693 : i32
        %convert_element_type3A_695 = arith.extui %ge3A_694 : i1 to i32
        %cond3A_696 = arith.constant 0 : i32
        %cond3A_697 = arith.cmpi ne, %convert_element_type3A_695, %cond3A_696 : i32
        scf.if %cond3A_697 {
          %dma_wait3A_847 = arith.constant 4 : i32
          %dma_wait3A_848 = arith.constant 4 : i32
          %dma_wait3A_849 = arith.constant 0 : i32
          %dma_wait3A_850 = arith.constant 0 : i32
          %dma_wait3A_851 = tpu.memref_slice %arg6[%dma_wait3A_847, %dma_wait3A_849, %dma_wait3A_850] : memref<8x100x64xf32, #tpu.memory_space<vmem>> -> memref<1x100x64xf32, #tpu.memory_space<vmem>>
          %dma_wait3A_852 = tpu.memref_squeeze %dma_wait3A_851 : memref<1x100x64xf32, #tpu.memory_space<vmem>> -> memref<100x64xf32, #tpu.memory_space<vmem>>
          %dma_wait3A_853 = arith.constant 0 : i32
          %dma_wait3A_854 = arith.constant 0 : i32
          %dma_wait3A_855 = tpu.memref_slice %arg4[%mul3A_2, %dma_wait3A_853, %dma_wait3A_854] : memref<8192x100x64xf32, #tpu.memory_space<hbm>> -> memref<1x100x64xf32, #tpu.memory_space<hbm>>
          %dma_wait3A_856 = tpu.memref_squeeze %dma_wait3A_855 : memref<1x100x64xf32, #tpu.memory_space<hbm>> -> memref<100x64xf32, #tpu.memory_space<hbm>>
          %dma_wait3A_857 = tpu.memref_slice %arg8[%dma_wait3A_848] : memref<8x!tpu.dma_semaphore, #tpu.memory_space<semaphore_mem>> -> memref<1x!tpu.dma_semaphore, #tpu.memory_space<semaphore_mem>>
          %dma_wait3A_858 = tpu.memref_squeeze %dma_wait3A_857 : memref<1x!tpu.dma_semaphore, #tpu.memory_space<semaphore_mem>> -> memref<!tpu.dma_semaphore, #tpu.memory_space<semaphore_mem>>
          %dma_wait3A_859 = arith.constant 0 : i32
          %dma_wait3A_860 = arith.constant 0 : i32
          %dma_wait3A_861 = tpu.memref_slice %arg4[%mul3A_2, %dma_wait3A_859, %dma_wait3A_860] : memref<8192x100x64xf32, #tpu.memory_space<hbm>> -> memref<1x100x64xf32, #tpu.memory_space<hbm>>
          %dma_wait3A_862 = tpu.memref_squeeze %dma_wait3A_861 : memref<1x100x64xf32, #tpu.memory_space<hbm>> -> memref<100x64xf32, #tpu.memory_space<hbm>>
          %dma_wait3A_863 = arith.constant 0 : i32
          %dma_wait3A_864 = arith.constant 0 : i32
          %dma_wait3A_865 = tpu.memref_slice %arg6[%dma_wait3A_847, %dma_wait3A_863, %dma_wait3A_864] : memref<8x100x64xf32, #tpu.memory_space<vmem>> -> memref<1x100x64xf32, #tpu.memory_space<vmem>>
          %dma_wait3A_866 = tpu.memref_squeeze %dma_wait3A_865 : memref<1x100x64xf32, #tpu.memory_space<vmem>> -> memref<100x64xf32, #tpu.memory_space<vmem>>
          tpu.wait_dma2 semaphore(%dma_wait3A_858 : memref<!tpu.dma_semaphore, #tpu.memory_space<semaphore_mem>>) src(%dma_wait3A_866 : memref<100x64xf32, #tpu.memory_space<vmem>>) dst(%dma_wait3A_862 : memref<100x64xf32, #tpu.memory_space<hbm>>)
        } else {
        }
        %add3A_698 = arith.constant 3 : i32
        %add3A_699 = arith.addi %add3A_217, %add3A_698 : i32
        %jit3A_700 = arith.constant 64 : i32
        %eq3A_701 = arith.constant 0 : i32
        %eq3A_702 = arith.cmpi eq, %jit3A_700, %eq3A_701 : i32
        %jit3A_703 = arith.constant 1 : i32
        %select_n3A_704 = arith.select %eq3A_702, %jit3A_703, %jit3A_700 : i32
        %rem3A_705 = arith.remsi %add3A_699, %select_n3A_704 : i32
        %ne3A_706 = arith.constant 0 : i32
        %ne3A_707 = arith.cmpi ne, %rem3A_705, %ne3A_706 : i32
        %lt3A_708 = arith.constant 0 : i32
        %lt3A_709 = arith.cmpi slt, %rem3A_705, %lt3A_708 : i32
        %lt3A_710 = arith.constant 0 : i32
        %lt3A_711 = arith.cmpi slt, %select_n3A_704, %lt3A_710 : i32
        %ne3A_712 = arith.xori %lt3A_709, %lt3A_711 : i1
        %and3A_713 = arith.andi %ne3A_712, %ne3A_707 : i1
        %add3A_714 = arith.addi %rem3A_705, %select_n3A_704 : i32
        %select_n3A_715 = arith.select %and3A_713, %add3A_714, %rem3A_705 : i32
        %dma_start3A_716 = arith.constant 4 : i32
        %dma_start3A_717 = arith.constant 4 : i32
        %dma_start3A_718 = arith.constant 0 : i32
        %dma_start3A_719 = arith.constant 0 : i32
        %dma_start3A_720 = tpu.memref_slice %arg6[%dma_start3A_716, %dma_start3A_718, %dma_start3A_719] : memref<8x100x64xf32, #tpu.memory_space<vmem>> -> memref<1x100x64xf32, #tpu.memory_space<vmem>>
        %dma_start3A_721 = tpu.memref_squeeze %dma_start3A_720 : memref<1x100x64xf32, #tpu.memory_space<vmem>> -> memref<100x64xf32, #tpu.memory_space<vmem>>
        %dma_start3A_722 = arith.constant 0 : i32
        %dma_start3A_723 = tpu.memref_slice %arg5[%select_n3A_715, %dma_start3A_722] : memref<64x100xi32, #tpu.memory_space<vmem>> -> memref<1x100xi32, #tpu.memory_space<vmem>>
        %dma_start3A_724 = tpu.memref_squeeze %dma_start3A_723 : memref<1x100xi32, #tpu.memory_space<vmem>> -> memref<100xi32, #tpu.memory_space<vmem>>
        %dma_start3A_725 = arith.constant 0 : i32
        %dma_start3A_726 = arith.constant 0 : i32
        %dma_start3A_727 = tpu.memref_slice %arg3[%dma_start3A_725, %dma_start3A_726] : memref<1000000x64xf32, #tpu.memory_space<hbm>> -> memref<1000000x64xf32, #tpu.memory_space<hbm>>
        %dma_start3A_728 = tpu.memref_slice %arg7[%dma_start3A_717] : memref<8x!tpu.dma_semaphore, #tpu.memory_space<semaphore_mem>> -> memref<1x!tpu.dma_semaphore, #tpu.memory_space<semaphore_mem>>
        %dma_start3A_729 = tpu.memref_squeeze %dma_start3A_728 : memref<1x!tpu.dma_semaphore, #tpu.memory_space<semaphore_mem>> -> memref<!tpu.dma_semaphore, #tpu.memory_space<semaphore_mem>>
        tpu.enqueue_indirect_dma source(%dma_start3A_727 : memref<1000000x64xf32, #tpu.memory_space<hbm>>) target(%dma_start3A_721 : memref<100x64xf32, #tpu.memory_space<vmem>>) offsets(%dma_start3A_724 : memref<100xi32, #tpu.memory_space<vmem>>) semaphore(%dma_start3A_729 : memref<!tpu.dma_semaphore, #tpu.memory_space<semaphore_mem>>)
        %add3A_730 = arith.constant 4 : i32
        %add3A_731 = arith.addi %add3A_217, %add3A_730 : i32
        %ge3A_732 = arith.constant 8 : i32
        %ge3A_733 = arith.cmpi sge, %add3A_731, %ge3A_732 : i32
        %convert_element_type3A_734 = arith.extui %ge3A_733 : i1 to i32
        %cond3A_735 = arith.constant 0 : i32
        %cond3A_736 = arith.cmpi ne, %convert_element_type3A_734, %cond3A_735 : i32
        scf.if %cond3A_736 {
          %dma_wait3A_847 = arith.constant 5 : i32
          %dma_wait3A_848 = arith.constant 5 : i32
          %dma_wait3A_849 = arith.constant 0 : i32
          %dma_wait3A_850 = arith.constant 0 : i32
          %dma_wait3A_851 = tpu.memref_slice %arg6[%dma_wait3A_847, %dma_wait3A_849, %dma_wait3A_850] : memref<8x100x64xf32, #tpu.memory_space<vmem>> -> memref<1x100x64xf32, #tpu.memory_space<vmem>>
          %dma_wait3A_852 = tpu.memref_squeeze %dma_wait3A_851 : memref<1x100x64xf32, #tpu.memory_space<vmem>> -> memref<100x64xf32, #tpu.memory_space<vmem>>
          %dma_wait3A_853 = arith.constant 0 : i32
          %dma_wait3A_854 = arith.constant 0 : i32
          %dma_wait3A_855 = tpu.memref_slice %arg4[%mul3A_2, %dma_wait3A_853, %dma_wait3A_854] : memref<8192x100x64xf32, #tpu.memory_space<hbm>> -> memref<1x100x64xf32, #tpu.memory_space<hbm>>
          %dma_wait3A_856 = tpu.memref_squeeze %dma_wait3A_855 : memref<1x100x64xf32, #tpu.memory_space<hbm>> -> memref<100x64xf32, #tpu.memory_space<hbm>>
          %dma_wait3A_857 = tpu.memref_slice %arg8[%dma_wait3A_848] : memref<8x!tpu.dma_semaphore, #tpu.memory_space<semaphore_mem>> -> memref<1x!tpu.dma_semaphore, #tpu.memory_space<semaphore_mem>>
          %dma_wait3A_858 = tpu.memref_squeeze %dma_wait3A_857 : memref<1x!tpu.dma_semaphore, #tpu.memory_space<semaphore_mem>> -> memref<!tpu.dma_semaphore, #tpu.memory_space<semaphore_mem>>
          %dma_wait3A_859 = arith.constant 0 : i32
          %dma_wait3A_860 = arith.constant 0 : i32
          %dma_wait3A_861 = tpu.memref_slice %arg4[%mul3A_2, %dma_wait3A_859, %dma_wait3A_860] : memref<8192x100x64xf32, #tpu.memory_space<hbm>> -> memref<1x100x64xf32, #tpu.memory_space<hbm>>
          %dma_wait3A_862 = tpu.memref_squeeze %dma_wait3A_861 : memref<1x100x64xf32, #tpu.memory_space<hbm>> -> memref<100x64xf32, #tpu.memory_space<hbm>>
          %dma_wait3A_863 = arith.constant 0 : i32
          %dma_wait3A_864 = arith.constant 0 : i32
          %dma_wait3A_865 = tpu.memref_slice %arg6[%dma_wait3A_847, %dma_wait3A_863, %dma_wait3A_864] : memref<8x100x64xf32, #tpu.memory_space<vmem>> -> memref<1x100x64xf32, #tpu.memory_space<vmem>>
          %dma_wait3A_866 = tpu.memref_squeeze %dma_wait3A_865 : memref<1x100x64xf32, #tpu.memory_space<vmem>> -> memref<100x64xf32, #tpu.memory_space<vmem>>
          tpu.wait_dma2 semaphore(%dma_wait3A_858 : memref<!tpu.dma_semaphore, #tpu.memory_space<semaphore_mem>>) src(%dma_wait3A_866 : memref<100x64xf32, #tpu.memory_space<vmem>>) dst(%dma_wait3A_862 : memref<100x64xf32, #tpu.memory_space<hbm>>)
        } else {
        }
        %add3A_737 = arith.constant 4 : i32
        %add3A_738 = arith.addi %add3A_217, %add3A_737 : i32
        %jit3A_739 = arith.constant 64 : i32
        %eq3A_740 = arith.constant 0 : i32
        %eq3A_741 = arith.cmpi eq, %jit3A_739, %eq3A_740 : i32
        %jit3A_742 = arith.constant 1 : i32
        %select_n3A_743 = arith.select %eq3A_741, %jit3A_742, %jit3A_739 : i32
        %rem3A_744 = arith.remsi %add3A_738, %select_n3A_743 : i32
        %ne3A_745 = arith.constant 0 : i32
        %ne3A_746 = arith.cmpi ne, %rem3A_744, %ne3A_745 : i32
        %lt3A_747 = arith.constant 0 : i32
        %lt3A_748 = arith.cmpi slt, %rem3A_744, %lt3A_747 : i32
        %lt3A_749 = arith.constant 0 : i32
        %lt3A_750 = arith.cmpi slt, %select_n3A_743, %lt3A_749 : i32
        %ne3A_751 = arith.xori %lt3A_748, %lt3A_750 : i1
        %and3A_752 = arith.andi %ne3A_751, %ne3A_746 : i1
        %add3A_753 = arith.addi %rem3A_744, %select_n3A_743 : i32
        %select_n3A_754 = arith.select %and3A_752, %add3A_753, %rem3A_744 : i32
        %dma_start3A_755 = arith.constant 5 : i32
        %dma_start3A_756 = arith.constant 5 : i32
        %dma_start3A_757 = arith.constant 0 : i32
        %dma_start3A_758 = arith.constant 0 : i32
        %dma_start3A_759 = tpu.memref_slice %arg6[%dma_start3A_755, %dma_start3A_757, %dma_start3A_758] : memref<8x100x64xf32, #tpu.memory_space<vmem>> -> memref<1x100x64xf32, #tpu.memory_space<vmem>>
        %dma_start3A_760 = tpu.memref_squeeze %dma_start3A_759 : memref<1x100x64xf32, #tpu.memory_space<vmem>> -> memref<100x64xf32, #tpu.memory_space<vmem>>
        %dma_start3A_761 = arith.constant 0 : i32
        %dma_start3A_762 = tpu.memref_slice %arg5[%select_n3A_754, %dma_start3A_761] : memref<64x100xi32, #tpu.memory_space<vmem>> -> memref<1x100xi32, #tpu.memory_space<vmem>>
        %dma_start3A_763 = tpu.memref_squeeze %dma_start3A_762 : memref<1x100xi32, #tpu.memory_space<vmem>> -> memref<100xi32, #tpu.memory_space<vmem>>
        %dma_start3A_764 = arith.constant 0 : i32
        %dma_start3A_765 = arith.constant 0 : i32
        %dma_start3A_766 = tpu.memref_slice %arg3[%dma_start3A_764, %dma_start3A_765] : memref<1000000x64xf32, #tpu.memory_space<hbm>> -> memref<1000000x64xf32, #tpu.memory_space<hbm>>
        %dma_start3A_767 = tpu.memref_slice %arg7[%dma_start3A_756] : memref<8x!tpu.dma_semaphore, #tpu.memory_space<semaphore_mem>> -> memref<1x!tpu.dma_semaphore, #tpu.memory_space<semaphore_mem>>
        %dma_start3A_768 = tpu.memref_squeeze %dma_start3A_767 : memref<1x!tpu.dma_semaphore, #tpu.memory_space<semaphore_mem>> -> memref<!tpu.dma_semaphore, #tpu.memory_space<semaphore_mem>>
        tpu.enqueue_indirect_dma source(%dma_start3A_766 : memref<1000000x64xf32, #tpu.memory_space<hbm>>) target(%dma_start3A_760 : memref<100x64xf32, #tpu.memory_space<vmem>>) offsets(%dma_start3A_763 : memref<100xi32, #tpu.memory_space<vmem>>) semaphore(%dma_start3A_768 : memref<!tpu.dma_semaphore, #tpu.memory_space<semaphore_mem>>)
        %add3A_769 = arith.constant 5 : i32
        %add3A_770 = arith.addi %add3A_217, %add3A_769 : i32
        %ge3A_771 = arith.constant 8 : i32
        %ge3A_772 = arith.cmpi sge, %add3A_770, %ge3A_771 : i32
        %convert_element_type3A_773 = arith.extui %ge3A_772 : i1 to i32
        %cond3A_774 = arith.constant 0 : i32
        %cond3A_775 = arith.cmpi ne, %convert_element_type3A_773, %cond3A_774 : i32
        scf.if %cond3A_775 {
          %dma_wait3A_847 = arith.constant 6 : i32
          %dma_wait3A_848 = arith.constant 6 : i32
          %dma_wait3A_849 = arith.constant 0 : i32
          %dma_wait3A_850 = arith.constant 0 : i32
          %dma_wait3A_851 = tpu.memref_slice %arg6[%dma_wait3A_847, %dma_wait3A_849, %dma_wait3A_850] : memref<8x100x64xf32, #tpu.memory_space<vmem>> -> memref<1x100x64xf32, #tpu.memory_space<vmem>>
          %dma_wait3A_852 = tpu.memref_squeeze %dma_wait3A_851 : memref<1x100x64xf32, #tpu.memory_space<vmem>> -> memref<100x64xf32, #tpu.memory_space<vmem>>
          %dma_wait3A_853 = arith.constant 0 : i32
          %dma_wait3A_854 = arith.constant 0 : i32
          %dma_wait3A_855 = tpu.memref_slice %arg4[%mul3A_2, %dma_wait3A_853, %dma_wait3A_854] : memref<8192x100x64xf32, #tpu.memory_space<hbm>> -> memref<1x100x64xf32, #tpu.memory_space<hbm>>
          %dma_wait3A_856 = tpu.memref_squeeze %dma_wait3A_855 : memref<1x100x64xf32, #tpu.memory_space<hbm>> -> memref<100x64xf32, #tpu.memory_space<hbm>>
          %dma_wait3A_857 = tpu.memref_slice %arg8[%dma_wait3A_848] : memref<8x!tpu.dma_semaphore, #tpu.memory_space<semaphore_mem>> -> memref<1x!tpu.dma_semaphore, #tpu.memory_space<semaphore_mem>>
          %dma_wait3A_858 = tpu.memref_squeeze %dma_wait3A_857 : memref<1x!tpu.dma_semaphore, #tpu.memory_space<semaphore_mem>> -> memref<!tpu.dma_semaphore, #tpu.memory_space<semaphore_mem>>
          %dma_wait3A_859 = arith.constant 0 : i32
          %dma_wait3A_860 = arith.constant 0 : i32
          %dma_wait3A_861 = tpu.memref_slice %arg4[%mul3A_2, %dma_wait3A_859, %dma_wait3A_860] : memref<8192x100x64xf32, #tpu.memory_space<hbm>> -> memref<1x100x64xf32, #tpu.memory_space<hbm>>
          %dma_wait3A_862 = tpu.memref_squeeze %dma_wait3A_861 : memref<1x100x64xf32, #tpu.memory_space<hbm>> -> memref<100x64xf32, #tpu.memory_space<hbm>>
          %dma_wait3A_863 = arith.constant 0 : i32
          %dma_wait3A_864 = arith.constant 0 : i32
          %dma_wait3A_865 = tpu.memref_slice %arg6[%dma_wait3A_847, %dma_wait3A_863, %dma_wait3A_864] : memref<8x100x64xf32, #tpu.memory_space<vmem>> -> memref<1x100x64xf32, #tpu.memory_space<vmem>>
          %dma_wait3A_866 = tpu.memref_squeeze %dma_wait3A_865 : memref<1x100x64xf32, #tpu.memory_space<vmem>> -> memref<100x64xf32, #tpu.memory_space<vmem>>
          tpu.wait_dma2 semaphore(%dma_wait3A_858 : memref<!tpu.dma_semaphore, #tpu.memory_space<semaphore_mem>>) src(%dma_wait3A_866 : memref<100x64xf32, #tpu.memory_space<vmem>>) dst(%dma_wait3A_862 : memref<100x64xf32, #tpu.memory_space<hbm>>)
        } else {
        }
        %add3A_776 = arith.constant 5 : i32
        %add3A_777 = arith.addi %add3A_217, %add3A_776 : i32
        %jit3A_778 = arith.constant 64 : i32
        %eq3A_779 = arith.constant 0 : i32
        %eq3A_780 = arith.cmpi eq, %jit3A_778, %eq3A_779 : i32
        %jit3A_781 = arith.constant 1 : i32
        %select_n3A_782 = arith.select %eq3A_780, %jit3A_781, %jit3A_778 : i32
        %rem3A_783 = arith.remsi %add3A_777, %select_n3A_782 : i32
        %ne3A_784 = arith.constant 0 : i32
        %ne3A_785 = arith.cmpi ne, %rem3A_783, %ne3A_784 : i32
        %lt3A_786 = arith.constant 0 : i32
        %lt3A_787 = arith.cmpi slt, %rem3A_783, %lt3A_786 : i32
        %lt3A_788 = arith.constant 0 : i32
        %lt3A_789 = arith.cmpi slt, %select_n3A_782, %lt3A_788 : i32
        %ne3A_790 = arith.xori %lt3A_787, %lt3A_789 : i1
        %and3A_791 = arith.andi %ne3A_790, %ne3A_785 : i1
        %add3A_792 = arith.addi %rem3A_783, %select_n3A_782 : i32
        %select_n3A_793 = arith.select %and3A_791, %add3A_792, %rem3A_783 : i32
        %dma_start3A_794 = arith.constant 6 : i32
        %dma_start3A_795 = arith.constant 6 : i32
        %dma_start3A_796 = arith.constant 0 : i32
        %dma_start3A_797 = arith.constant 0 : i32
        %dma_start3A_798 = tpu.memref_slice %arg6[%dma_start3A_794, %dma_start3A_796, %dma_start3A_797] : memref<8x100x64xf32, #tpu.memory_space<vmem>> -> memref<1x100x64xf32, #tpu.memory_space<vmem>>
        %dma_start3A_799 = tpu.memref_squeeze %dma_start3A_798 : memref<1x100x64xf32, #tpu.memory_space<vmem>> -> memref<100x64xf32, #tpu.memory_space<vmem>>
        %dma_start3A_800 = arith.constant 0 : i32
        %dma_start3A_801 = tpu.memref_slice %arg5[%select_n3A_793, %dma_start3A_800] : memref<64x100xi32, #tpu.memory_space<vmem>> -> memref<1x100xi32, #tpu.memory_space<vmem>>
        %dma_start3A_802 = tpu.memref_squeeze %dma_start3A_801 : memref<1x100xi32, #tpu.memory_space<vmem>> -> memref<100xi32, #tpu.memory_space<vmem>>
        %dma_start3A_803 = arith.constant 0 : i32
        %dma_start3A_804 = arith.constant 0 : i32
        %dma_start3A_805 = tpu.memref_slice %arg3[%dma_start3A_803, %dma_start3A_804] : memref<1000000x64xf32, #tpu.memory_space<hbm>> -> memref<1000000x64xf32, #tpu.memory_space<hbm>>
        %dma_start3A_806 = tpu.memref_slice %arg7[%dma_start3A_795] : memref<8x!tpu.dma_semaphore, #tpu.memory_space<semaphore_mem>> -> memref<1x!tpu.dma_semaphore, #tpu.memory_space<semaphore_mem>>
        %dma_start3A_807 = tpu.memref_squeeze %dma_start3A_806 : memref<1x!tpu.dma_semaphore, #tpu.memory_space<semaphore_mem>> -> memref<!tpu.dma_semaphore, #tpu.memory_space<semaphore_mem>>
        tpu.enqueue_indirect_dma source(%dma_start3A_805 : memref<1000000x64xf32, #tpu.memory_space<hbm>>) target(%dma_start3A_799 : memref<100x64xf32, #tpu.memory_space<vmem>>) offsets(%dma_start3A_802 : memref<100xi32, #tpu.memory_space<vmem>>) semaphore(%dma_start3A_807 : memref<!tpu.dma_semaphore, #tpu.memory_space<semaphore_mem>>)
        %add3A_808 = arith.constant 6 : i32
        %add3A_809 = arith.addi %add3A_217, %add3A_808 : i32
        %ge3A_810 = arith.constant 8 : i32
        %ge3A_811 = arith.cmpi sge, %add3A_809, %ge3A_810 : i32
        %convert_element_type3A_812 = arith.extui %ge3A_811 : i1 to i32
        %cond3A_813 = arith.constant 0 : i32
        %cond3A_814 = arith.cmpi ne, %convert_element_type3A_812, %cond3A_813 : i32
        scf.if %cond3A_814 {
          %dma_wait3A_847 = arith.constant 7 : i32
          %dma_wait3A_848 = arith.constant 7 : i32
          %dma_wait3A_849 = arith.constant 0 : i32
          %dma_wait3A_850 = arith.constant 0 : i32
          %dma_wait3A_851 = tpu.memref_slice %arg6[%dma_wait3A_847, %dma_wait3A_849, %dma_wait3A_850] : memref<8x100x64xf32, #tpu.memory_space<vmem>> -> memref<1x100x64xf32, #tpu.memory_space<vmem>>
          %dma_wait3A_852 = tpu.memref_squeeze %dma_wait3A_851 : memref<1x100x64xf32, #tpu.memory_space<vmem>> -> memref<100x64xf32, #tpu.memory_space<vmem>>
          %dma_wait3A_853 = arith.constant 0 : i32
          %dma_wait3A_854 = arith.constant 0 : i32
          %dma_wait3A_855 = tpu.memref_slice %arg4[%mul3A_2, %dma_wait3A_853, %dma_wait3A_854] : memref<8192x100x64xf32, #tpu.memory_space<hbm>> -> memref<1x100x64xf32, #tpu.memory_space<hbm>>
          %dma_wait3A_856 = tpu.memref_squeeze %dma_wait3A_855 : memref<1x100x64xf32, #tpu.memory_space<hbm>> -> memref<100x64xf32, #tpu.memory_space<hbm>>
          %dma_wait3A_857 = tpu.memref_slice %arg8[%dma_wait3A_848] : memref<8x!tpu.dma_semaphore, #tpu.memory_space<semaphore_mem>> -> memref<1x!tpu.dma_semaphore, #tpu.memory_space<semaphore_mem>>
          %dma_wait3A_858 = tpu.memref_squeeze %dma_wait3A_857 : memref<1x!tpu.dma_semaphore, #tpu.memory_space<semaphore_mem>> -> memref<!tpu.dma_semaphore, #tpu.memory_space<semaphore_mem>>
          %dma_wait3A_859 = arith.constant 0 : i32
          %dma_wait3A_860 = arith.constant 0 : i32
          %dma_wait3A_861 = tpu.memref_slice %arg4[%mul3A_2, %dma_wait3A_859, %dma_wait3A_860] : memref<8192x100x64xf32, #tpu.memory_space<hbm>> -> memref<1x100x64xf32, #tpu.memory_space<hbm>>
          %dma_wait3A_862 = tpu.memref_squeeze %dma_wait3A_861 : memref<1x100x64xf32, #tpu.memory_space<hbm>> -> memref<100x64xf32, #tpu.memory_space<hbm>>
          %dma_wait3A_863 = arith.constant 0 : i32
          %dma_wait3A_864 = arith.constant 0 : i32
          %dma_wait3A_865 = tpu.memref_slice %arg6[%dma_wait3A_847, %dma_wait3A_863, %dma_wait3A_864] : memref<8x100x64xf32, #tpu.memory_space<vmem>> -> memref<1x100x64xf32, #tpu.memory_space<vmem>>
          %dma_wait3A_866 = tpu.memref_squeeze %dma_wait3A_865 : memref<1x100x64xf32, #tpu.memory_space<vmem>> -> memref<100x64xf32, #tpu.memory_space<vmem>>
          tpu.wait_dma2 semaphore(%dma_wait3A_858 : memref<!tpu.dma_semaphore, #tpu.memory_space<semaphore_mem>>) src(%dma_wait3A_866 : memref<100x64xf32, #tpu.memory_space<vmem>>) dst(%dma_wait3A_862 : memref<100x64xf32, #tpu.memory_space<hbm>>)
        } else {
        }
        %add3A_815 = arith.constant 6 : i32
        %add3A_816 = arith.addi %add3A_217, %add3A_815 : i32
        %jit3A_817 = arith.constant 64 : i32
        %eq3A_818 = arith.constant 0 : i32
        %eq3A_819 = arith.cmpi eq, %jit3A_817, %eq3A_818 : i32
        %jit3A_820 = arith.constant 1 : i32
        %select_n3A_821 = arith.select %eq3A_819, %jit3A_820, %jit3A_817 : i32
        %rem3A_822 = arith.remsi %add3A_816, %select_n3A_821 : i32
        %ne3A_823 = arith.constant 0 : i32
        %ne3A_824 = arith.cmpi ne, %rem3A_822, %ne3A_823 : i32
        %lt3A_825 = arith.constant 0 : i32
        %lt3A_826 = arith.cmpi slt, %rem3A_822, %lt3A_825 : i32
        %lt3A_827 = arith.constant 0 : i32
        %lt3A_828 = arith.cmpi slt, %select_n3A_821, %lt3A_827 : i32
        %ne3A_829 = arith.xori %lt3A_826, %lt3A_828 : i1
        %and3A_830 = arith.andi %ne3A_829, %ne3A_824 : i1
        %add3A_831 = arith.addi %rem3A_822, %select_n3A_821 : i32
        %select_n3A_832 = arith.select %and3A_830, %add3A_831, %rem3A_822 : i32
        %dma_start3A_833 = arith.constant 7 : i32
        %dma_start3A_834 = arith.constant 7 : i32
        %dma_start3A_835 = arith.constant 0 : i32
        %dma_start3A_836 = arith.constant 0 : i32
        %dma_start3A_837 = tpu.memref_slice %arg6[%dma_start3A_833, %dma_start3A_835, %dma_start3A_836] : memref<8x100x64xf32, #tpu.memory_space<vmem>> -> memref<1x100x64xf32, #tpu.memory_space<vmem>>
        %dma_start3A_838 = tpu.memref_squeeze %dma_start3A_837 : memref<1x100x64xf32, #tpu.memory_space<vmem>> -> memref<100x64xf32, #tpu.memory_space<vmem>>
        %dma_start3A_839 = arith.constant 0 : i32
        %dma_start3A_840 = tpu.memref_slice %arg5[%select_n3A_832, %dma_start3A_839] : memref<64x100xi32, #tpu.memory_space<vmem>> -> memref<1x100xi32, #tpu.memory_space<vmem>>
        %dma_start3A_841 = tpu.memref_squeeze %dma_start3A_840 : memref<1x100xi32, #tpu.memory_space<vmem>> -> memref<100xi32, #tpu.memory_space<vmem>>
        %dma_start3A_842 = arith.constant 0 : i32
        %dma_start3A_843 = arith.constant 0 : i32
        %dma_start3A_844 = tpu.memref_slice %arg3[%dma_start3A_842, %dma_start3A_843] : memref<1000000x64xf32, #tpu.memory_space<hbm>> -> memref<1000000x64xf32, #tpu.memory_space<hbm>>
        %dma_start3A_845 = tpu.memref_slice %arg7[%dma_start3A_834] : memref<8x!tpu.dma_semaphore, #tpu.memory_space<semaphore_mem>> -> memref<1x!tpu.dma_semaphore, #tpu.memory_space<semaphore_mem>>
        %dma_start3A_846 = tpu.memref_squeeze %dma_start3A_845 : memref<1x!tpu.dma_semaphore, #tpu.memory_space<semaphore_mem>> -> memref<!tpu.dma_semaphore, #tpu.memory_space<semaphore_mem>>
        tpu.enqueue_indirect_dma source(%dma_start3A_844 : memref<1000000x64xf32, #tpu.memory_space<hbm>>) target(%dma_start3A_838 : memref<100x64xf32, #tpu.memory_space<vmem>>) offsets(%dma_start3A_841 : memref<100xi32, #tpu.memory_space<vmem>>) semaphore(%dma_start3A_846 : memref<!tpu.dma_semaphore, #tpu.memory_space<semaphore_mem>>)
      } else {
      }
      %dma_wait3A_225 = arith.constant 0 : i32
      %dma_wait3A_226 = arith.constant 1 : i32
      %dma_wait3A_227 = arith.constant 1 : i32
      %dma_wait3A_228 = arith.constant 0 : i32
      %dma_wait3A_229 = arith.constant 0 : i32
      %dma_wait3A_230 = tpu.memref_slice %arg6[%dma_wait3A_226, %dma_wait3A_228, %dma_wait3A_229] : memref<8x100x64xf32, #tpu.memory_space<vmem>> -> memref<1x100x64xf32, #tpu.memory_space<vmem>>
      %dma_wait3A_231 = tpu.memref_squeeze %dma_wait3A_230 : memref<1x100x64xf32, #tpu.memory_space<vmem>> -> memref<100x64xf32, #tpu.memory_space<vmem>>
      %dma_wait3A_232 = arith.constant 0 : i32
      %dma_wait3A_233 = tpu.memref_slice %arg5[%dma_wait3A_225, %dma_wait3A_232] : memref<64x100xi32, #tpu.memory_space<vmem>> -> memref<1x100xi32, #tpu.memory_space<vmem>>
      %dma_wait3A_234 = tpu.memref_squeeze %dma_wait3A_233 : memref<1x100xi32, #tpu.memory_space<vmem>> -> memref<100xi32, #tpu.memory_space<vmem>>
      %dma_wait3A_235 = arith.constant 0 : i32
      %dma_wait3A_236 = arith.constant 0 : i32
      %dma_wait3A_237 = tpu.memref_slice %arg3[%dma_wait3A_235, %dma_wait3A_236] : memref<1000000x64xf32, #tpu.memory_space<hbm>> -> memref<1000000x64xf32, #tpu.memory_space<hbm>>
      %dma_wait3A_238 = tpu.memref_slice %arg7[%dma_wait3A_227] : memref<8x!tpu.dma_semaphore, #tpu.memory_space<semaphore_mem>> -> memref<1x!tpu.dma_semaphore, #tpu.memory_space<semaphore_mem>>
      %dma_wait3A_239 = tpu.memref_squeeze %dma_wait3A_238 : memref<1x!tpu.dma_semaphore, #tpu.memory_space<semaphore_mem>> -> memref<!tpu.dma_semaphore, #tpu.memory_space<semaphore_mem>>
      tpu.wait_indirect_dma semaphore(%dma_wait3A_239 : memref<!tpu.dma_semaphore, #tpu.memory_space<semaphore_mem>>) src(%dma_wait3A_237 : memref<1000000x64xf32, #tpu.memory_space<hbm>>) dst(%dma_wait3A_231 : memref<100x64xf32, #tpu.memory_space<vmem>>)
      %add3A_240 = arith.addi %mul3A_2, %add3A_217 : i32
      %dma_start3A_241 = arith.constant 1 : i32
      %dma_start3A_242 = arith.constant 1 : i32
      %dma_start3A_243 = arith.constant 0 : i32
      %dma_start3A_244 = arith.constant 0 : i32
      %dma_start3A_245 = tpu.memref_slice %arg6[%dma_start3A_241, %dma_start3A_243, %dma_start3A_244] : memref<8x100x64xf32, #tpu.memory_space<vmem>> -> memref<1x100x64xf32, #tpu.memory_space<vmem>>
      %dma_start3A_246 = tpu.memref_squeeze %dma_start3A_245 : memref<1x100x64xf32, #tpu.memory_space<vmem>> -> memref<100x64xf32, #tpu.memory_space<vmem>>
      %dma_start3A_247 = arith.constant 0 : i32
      %dma_start3A_248 = arith.constant 0 : i32
      %dma_start3A_249 = tpu.memref_slice %arg4[%add3A_240, %dma_start3A_247, %dma_start3A_248] : memref<8192x100x64xf32, #tpu.memory_space<hbm>> -> memref<1x100x64xf32, #tpu.memory_space<hbm>>
      %dma_start3A_250 = tpu.memref_squeeze %dma_start3A_249 : memref<1x100x64xf32, #tpu.memory_space<hbm>> -> memref<100x64xf32, #tpu.memory_space<hbm>>
      %dma_start3A_251 = tpu.memref_slice %arg8[%dma_start3A_242] : memref<8x!tpu.dma_semaphore, #tpu.memory_space<semaphore_mem>> -> memref<1x!tpu.dma_semaphore, #tpu.memory_space<semaphore_mem>>
      %dma_start3A_252 = tpu.memref_squeeze %dma_start3A_251 : memref<1x!tpu.dma_semaphore, #tpu.memory_space<semaphore_mem>> -> memref<!tpu.dma_semaphore, #tpu.memory_space<semaphore_mem>>
      %dma_start3A_253 = arith.constant 0 : i32
      %dma_start3A_254 = arith.constant 0 : i32
      %dma_start3A_255 = tpu.memref_slice %arg4[%add3A_240, %dma_start3A_253, %dma_start3A_254] : memref<8192x100x64xf32, #tpu.memory_space<hbm>> -> memref<1x100x64xf32, #tpu.memory_space<hbm>>
      %dma_start3A_256 = tpu.memref_squeeze %dma_start3A_255 : memref<1x100x64xf32, #tpu.memory_space<hbm>> -> memref<100x64xf32, #tpu.memory_space<hbm>>
      %dma_start3A_257 = arith.constant 0 : i32
      %dma_start3A_258 = arith.constant 0 : i32
      %dma_start3A_259 = tpu.memref_slice %arg6[%dma_start3A_241, %dma_start3A_257, %dma_start3A_258] : memref<8x100x64xf32, #tpu.memory_space<vmem>> -> memref<1x100x64xf32, #tpu.memory_space<vmem>>
      %dma_start3A_260 = tpu.memref_squeeze %dma_start3A_259 : memref<1x100x64xf32, #tpu.memory_space<vmem>> -> memref<100x64xf32, #tpu.memory_space<vmem>>
      tpu.enqueue_dma source(%dma_start3A_260 : memref<100x64xf32, #tpu.memory_space<vmem>>) target(%dma_start3A_256 : memref<100x64xf32, #tpu.memory_space<hbm>>) target_semaphore(%dma_start3A_252 : memref<!tpu.dma_semaphore, #tpu.memory_space<semaphore_mem>>)
      %lt3A_261 = arith.constant 57 : i32
      %lt3A_262 = arith.cmpi slt, %rem3A_219, %lt3A_261 : i32
      %convert_element_type3A_263 = arith.extui %lt3A_262 : i1 to i32
      %cond3A_264 = arith.constant 0 : i32
      %cond3A_265 = arith.cmpi ne, %convert_element_type3A_263, %cond3A_264 : i32
      scf.if %cond3A_265 {
        %ge3A = arith.constant 1 : i32
        %ge3A_578 = arith.cmpi sge, %add3A_217, %ge3A : i32
        %convert_element_type3A_579 = arith.extui %ge3A_578 : i1 to i32
        %cond3A_580 = arith.constant 0 : i32
        %cond3A_581 = arith.cmpi ne, %convert_element_type3A_579, %cond3A_580 : i32
        scf.if %cond3A_581 {
          %dma_wait3A_611 = arith.constant 0 : i32
          %dma_wait3A_612 = arith.constant 0 : i32
          %dma_wait3A_613 = arith.constant 0 : i32
          %dma_wait3A_614 = arith.constant 0 : i32
          %dma_wait3A_615 = tpu.memref_slice %arg6[%dma_wait3A_611, %dma_wait3A_613, %dma_wait3A_614] : memref<8x100x64xf32, #tpu.memory_space<vmem>> -> memref<1x100x64xf32, #tpu.memory_space<vmem>>
          %dma_wait3A_616 = tpu.memref_squeeze %dma_wait3A_615 : memref<1x100x64xf32, #tpu.memory_space<vmem>> -> memref<100x64xf32, #tpu.memory_space<vmem>>
          %dma_wait3A_617 = arith.constant 0 : i32
          %dma_wait3A_618 = arith.constant 0 : i32
          %dma_wait3A_619 = tpu.memref_slice %arg4[%mul3A_2, %dma_wait3A_617, %dma_wait3A_618] : memref<8192x100x64xf32, #tpu.memory_space<hbm>> -> memref<1x100x64xf32, #tpu.memory_space<hbm>>
          %dma_wait3A_620 = tpu.memref_squeeze %dma_wait3A_619 : memref<1x100x64xf32, #tpu.memory_space<hbm>> -> memref<100x64xf32, #tpu.memory_space<hbm>>
          %dma_wait3A_621 = tpu.memref_slice %arg8[%dma_wait3A_612] : memref<8x!tpu.dma_semaphore, #tpu.memory_space<semaphore_mem>> -> memref<1x!tpu.dma_semaphore, #tpu.memory_space<semaphore_mem>>
          %dma_wait3A_622 = tpu.memref_squeeze %dma_wait3A_621 : memref<1x!tpu.dma_semaphore, #tpu.memory_space<semaphore_mem>> -> memref<!tpu.dma_semaphore, #tpu.memory_space<semaphore_mem>>
          %dma_wait3A_623 = arith.constant 0 : i32
          %dma_wait3A_624 = arith.constant 0 : i32
          %dma_wait3A_625 = tpu.memref_slice %arg4[%mul3A_2, %dma_wait3A_623, %dma_wait3A_624] : memref<8192x100x64xf32, #tpu.memory_space<hbm>> -> memref<1x100x64xf32, #tpu.memory_space<hbm>>
          %dma_wait3A_626 = tpu.memref_squeeze %dma_wait3A_625 : memref<1x100x64xf32, #tpu.memory_space<hbm>> -> memref<100x64xf32, #tpu.memory_space<hbm>>
          %dma_wait3A_627 = arith.constant 0 : i32
          %dma_wait3A_628 = arith.constant 0 : i32
          %dma_wait3A_629 = tpu.memref_slice %arg6[%dma_wait3A_611, %dma_wait3A_627, %dma_wait3A_628] : memref<8x100x64xf32, #tpu.memory_space<vmem>> -> memref<1x100x64xf32, #tpu.memory_space<vmem>>
          %dma_wait3A_630 = tpu.memref_squeeze %dma_wait3A_629 : memref<1x100x64xf32, #tpu.memory_space<vmem>> -> memref<100x64xf32, #tpu.memory_space<vmem>>
          tpu.wait_dma2 semaphore(%dma_wait3A_622 : memref<!tpu.dma_semaphore, #tpu.memory_space<semaphore_mem>>) src(%dma_wait3A_630 : memref<100x64xf32, #tpu.memory_space<vmem>>) dst(%dma_wait3A_626 : memref<100x64xf32, #tpu.memory_space<hbm>>)
        } else {
        }
        %add3A_582 = arith.constant 8 : i32
        %add3A_583 = arith.addi %add3A_217, %add3A_582 : i32
        %sub3A = arith.constant 1 : i32
        %sub3A_584 = arith.subi %add3A_583, %sub3A : i32
        %jit3A = arith.constant 64 : i32
        %eq3A_585 = arith.constant 0 : i32
        %eq3A_586 = arith.cmpi eq, %jit3A, %eq3A_585 : i32
        %jit3A_587 = arith.constant 1 : i32
        %select_n3A = arith.select %eq3A_586, %jit3A_587, %jit3A : i32
        %rem3A_588 = arith.remsi %sub3A_584, %select_n3A : i32
        %ne3A = arith.constant 0 : i32
        %ne3A_589 = arith.cmpi ne, %rem3A_588, %ne3A : i32
        %lt3A_590 = arith.constant 0 : i32
        %lt3A_591 = arith.cmpi slt, %rem3A_588, %lt3A_590 : i32
        %lt3A_592 = arith.constant 0 : i32
        %lt3A_593 = arith.cmpi slt, %select_n3A, %lt3A_592 : i32
        %ne3A_594 = arith.xori %lt3A_591, %lt3A_593 : i1
        %and3A = arith.andi %ne3A_594, %ne3A_589 : i1
        %add3A_595 = arith.addi %rem3A_588, %select_n3A : i32
        %select_n3A_596 = arith.select %and3A, %add3A_595, %rem3A_588 : i32
        %dma_start3A_597 = arith.constant 0 : i32
        %dma_start3A_598 = arith.constant 0 : i32
        %dma_start3A_599 = arith.constant 0 : i32
        %dma_start3A_600 = arith.constant 0 : i32
        %dma_start3A_601 = tpu.memref_slice %arg6[%dma_start3A_597, %dma_start3A_599, %dma_start3A_600] : memref<8x100x64xf32, #tpu.memory_space<vmem>> -> memref<1x100x64xf32, #tpu.memory_space<vmem>>
        %dma_start3A_602 = tpu.memref_squeeze %dma_start3A_601 : memref<1x100x64xf32, #tpu.memory_space<vmem>> -> memref<100x64xf32, #tpu.memory_space<vmem>>
        %dma_start3A_603 = arith.constant 0 : i32
        %dma_start3A_604 = tpu.memref_slice %arg5[%select_n3A_596, %dma_start3A_603] : memref<64x100xi32, #tpu.memory_space<vmem>> -> memref<1x100xi32, #tpu.memory_space<vmem>>
        %dma_start3A_605 = tpu.memref_squeeze %dma_start3A_604 : memref<1x100xi32, #tpu.memory_space<vmem>> -> memref<100xi32, #tpu.memory_space<vmem>>
        %dma_start3A_606 = arith.constant 0 : i32
        %dma_start3A_607 = arith.constant 0 : i32
        %dma_start3A_608 = tpu.memref_slice %arg3[%dma_start3A_606, %dma_start3A_607] : memref<1000000x64xf32, #tpu.memory_space<hbm>> -> memref<1000000x64xf32, #tpu.memory_space<hbm>>
        %dma_start3A_609 = tpu.memref_slice %arg7[%dma_start3A_598] : memref<8x!tpu.dma_semaphore, #tpu.memory_space<semaphore_mem>> -> memref<1x!tpu.dma_semaphore, #tpu.memory_space<semaphore_mem>>
        %dma_start3A_610 = tpu.memref_squeeze %dma_start3A_609 : memref<1x!tpu.dma_semaphore, #tpu.memory_space<semaphore_mem>> -> memref<!tpu.dma_semaphore, #tpu.memory_space<semaphore_mem>>
        tpu.enqueue_indirect_dma source(%dma_start3A_608 : memref<1000000x64xf32, #tpu.memory_space<hbm>>) target(%dma_start3A_602 : memref<100x64xf32, #tpu.memory_space<vmem>>) offsets(%dma_start3A_605 : memref<100xi32, #tpu.memory_space<vmem>>) semaphore(%dma_start3A_610 : memref<!tpu.dma_semaphore, #tpu.memory_space<semaphore_mem>>)
      } else {
      }
      %mul3A_266 = arith.constant 8 : i32
      %mul3A_267 = arith.muli %mul3A_266, %scan3A_167 : i32
      %add3A_268 = arith.constant 2 : i32
      %add3A_269 = arith.addi %mul3A_267, %add3A_268 : i32
      %rem3A_270 = arith.constant 64 : i32
      %rem3A_271 = arith.remsi %add3A_269, %rem3A_270 : i32
      %eq3A_272 = arith.constant 0 : i32
      %eq3A_273 = arith.cmpi eq, %rem3A_271, %eq3A_272 : i32
      %convert_element_type3A_274 = arith.extui %eq3A_273 : i1 to i32
      %cond3A_275 = arith.constant 0 : i32
      %cond3A_276 = arith.cmpi ne, %convert_element_type3A_274, %cond3A_275 : i32
      scf.if %cond3A_276 {
        %add3A_578 = arith.addi %mul3A_2, %add3A_269 : i32
        %multiple_of3A = tpu.assume_multiple %add3A_578, 64 : i32
        "tpu.region"() ({
          %run_scoped3A = tpu.sem_alloc : memref<!tpu.dma_semaphore, #tpu.memory_space<semaphore_mem>>
          %dma_start3A_847 = arith.constant 0 : i32
          %dma_start3A_848 = tpu.memref_slice %arg2[%multiple_of3A, %dma_start3A_847] : memref<8192x100xi32, #tpu.memory_space<hbm>> -> memref<64x100xi32, #tpu.memory_space<hbm>>
          %dma_start3A_849 = arith.constant 0 : i32
          %dma_start3A_850 = tpu.memref_slice %arg2[%multiple_of3A, %dma_start3A_849] : memref<8192x100xi32, #tpu.memory_space<hbm>> -> memref<64x100xi32, #tpu.memory_space<hbm>>
          tpu.enqueue_dma source(%dma_start3A_850 : memref<64x100xi32, #tpu.memory_space<hbm>>) target(%arg5 : memref<64x100xi32, #tpu.memory_space<vmem>>) target_semaphore(%run_scoped3A : memref<!tpu.dma_semaphore, #tpu.memory_space<semaphore_mem>>)
          %dma_wait3A_851 = arith.constant 0 : i32
          %dma_wait3A_852 = tpu.memref_slice %arg2[%multiple_of3A, %dma_wait3A_851] : memref<8192x100xi32, #tpu.memory_space<hbm>> -> memref<64x100xi32, #tpu.memory_space<hbm>>
          %dma_wait3A_853 = arith.constant 0 : i32
          %dma_wait3A_854 = tpu.memref_slice %arg2[%multiple_of3A, %dma_wait3A_853] : memref<8192x100xi32, #tpu.memory_space<hbm>> -> memref<64x100xi32, #tpu.memory_space<hbm>>
          tpu.wait_dma2 semaphore(%run_scoped3A : memref<!tpu.dma_semaphore, #tpu.memory_space<semaphore_mem>>) src(%dma_wait3A_854 : memref<64x100xi32, #tpu.memory_space<hbm>>) dst(%arg5 : memref<64x100xi32, #tpu.memory_space<vmem>>)
          tpu.yield
        }) : () -> ()
        %add3A_579 = arith.constant 0 : i32
        %add3A_580 = arith.addi %add3A_269, %add3A_579 : i32
        %ge3A = arith.constant 8 : i32
        %ge3A_581 = arith.cmpi sge, %add3A_580, %ge3A : i32
        %convert_element_type3A_582 = arith.extui %ge3A_581 : i1 to i32
        %cond3A_583 = arith.constant 0 : i32
        %cond3A_584 = arith.cmpi ne, %convert_element_type3A_582, %cond3A_583 : i32
        scf.if %cond3A_584 {
          %dma_wait3A_847 = arith.constant 2 : i32
          %dma_wait3A_848 = arith.constant 2 : i32
          %dma_wait3A_849 = arith.constant 0 : i32
          %dma_wait3A_850 = arith.constant 0 : i32
          %dma_wait3A_851 = tpu.memref_slice %arg6[%dma_wait3A_847, %dma_wait3A_849, %dma_wait3A_850] : memref<8x100x64xf32, #tpu.memory_space<vmem>> -> memref<1x100x64xf32, #tpu.memory_space<vmem>>
          %dma_wait3A_852 = tpu.memref_squeeze %dma_wait3A_851 : memref<1x100x64xf32, #tpu.memory_space<vmem>> -> memref<100x64xf32, #tpu.memory_space<vmem>>
          %dma_wait3A_853 = arith.constant 0 : i32
          %dma_wait3A_854 = arith.constant 0 : i32
          %dma_wait3A_855 = tpu.memref_slice %arg4[%mul3A_2, %dma_wait3A_853, %dma_wait3A_854] : memref<8192x100x64xf32, #tpu.memory_space<hbm>> -> memref<1x100x64xf32, #tpu.memory_space<hbm>>
          %dma_wait3A_856 = tpu.memref_squeeze %dma_wait3A_855 : memref<1x100x64xf32, #tpu.memory_space<hbm>> -> memref<100x64xf32, #tpu.memory_space<hbm>>
          %dma_wait3A_857 = tpu.memref_slice %arg8[%dma_wait3A_848] : memref<8x!tpu.dma_semaphore, #tpu.memory_space<semaphore_mem>> -> memref<1x!tpu.dma_semaphore, #tpu.memory_space<semaphore_mem>>
          %dma_wait3A_858 = tpu.memref_squeeze %dma_wait3A_857 : memref<1x!tpu.dma_semaphore, #tpu.memory_space<semaphore_mem>> -> memref<!tpu.dma_semaphore, #tpu.memory_space<semaphore_mem>>
          %dma_wait3A_859 = arith.constant 0 : i32
          %dma_wait3A_860 = arith.constant 0 : i32
          %dma_wait3A_861 = tpu.memref_slice %arg4[%mul3A_2, %dma_wait3A_859, %dma_wait3A_860] : memref<8192x100x64xf32, #tpu.memory_space<hbm>> -> memref<1x100x64xf32, #tpu.memory_space<hbm>>
          %dma_wait3A_862 = tpu.memref_squeeze %dma_wait3A_861 : memref<1x100x64xf32, #tpu.memory_space<hbm>> -> memref<100x64xf32, #tpu.memory_space<hbm>>
          %dma_wait3A_863 = arith.constant 0 : i32
          %dma_wait3A_864 = arith.constant 0 : i32
          %dma_wait3A_865 = tpu.memref_slice %arg6[%dma_wait3A_847, %dma_wait3A_863, %dma_wait3A_864] : memref<8x100x64xf32, #tpu.memory_space<vmem>> -> memref<1x100x64xf32, #tpu.memory_space<vmem>>
          %dma_wait3A_866 = tpu.memref_squeeze %dma_wait3A_865 : memref<1x100x64xf32, #tpu.memory_space<vmem>> -> memref<100x64xf32, #tpu.memory_space<vmem>>
          tpu.wait_dma2 semaphore(%dma_wait3A_858 : memref<!tpu.dma_semaphore, #tpu.memory_space<semaphore_mem>>) src(%dma_wait3A_866 : memref<100x64xf32, #tpu.memory_space<vmem>>) dst(%dma_wait3A_862 : memref<100x64xf32, #tpu.memory_space<hbm>>)
        } else {
        }
        %add3A_585 = arith.constant 0 : i32
        %add3A_586 = arith.addi %add3A_269, %add3A_585 : i32
        %jit3A = arith.constant 64 : i32
        %eq3A_587 = arith.constant 0 : i32
        %eq3A_588 = arith.cmpi eq, %jit3A, %eq3A_587 : i32
        %jit3A_589 = arith.constant 1 : i32
        %select_n3A = arith.select %eq3A_588, %jit3A_589, %jit3A : i32
        %rem3A_590 = arith.remsi %add3A_586, %select_n3A : i32
        %ne3A = arith.constant 0 : i32
        %ne3A_591 = arith.cmpi ne, %rem3A_590, %ne3A : i32
        %lt3A_592 = arith.constant 0 : i32
        %lt3A_593 = arith.cmpi slt, %rem3A_590, %lt3A_592 : i32
        %lt3A_594 = arith.constant 0 : i32
        %lt3A_595 = arith.cmpi slt, %select_n3A, %lt3A_594 : i32
        %ne3A_596 = arith.xori %lt3A_593, %lt3A_595 : i1
        %and3A = arith.andi %ne3A_596, %ne3A_591 : i1
        %add3A_597 = arith.addi %rem3A_590, %select_n3A : i32
        %select_n3A_598 = arith.select %and3A, %add3A_597, %rem3A_590 : i32
        %dma_start3A_599 = arith.constant 2 : i32
        %dma_start3A_600 = arith.constant 2 : i32
        %dma_start3A_601 = arith.constant 0 : i32
        %dma_start3A_602 = arith.constant 0 : i32
        %dma_start3A_603 = tpu.memref_slice %arg6[%dma_start3A_599, %dma_start3A_601, %dma_start3A_602] : memref<8x100x64xf32, #tpu.memory_space<vmem>> -> memref<1x100x64xf32, #tpu.memory_space<vmem>>
        %dma_start3A_604 = tpu.memref_squeeze %dma_start3A_603 : memref<1x100x64xf32, #tpu.memory_space<vmem>> -> memref<100x64xf32, #tpu.memory_space<vmem>>
        %dma_start3A_605 = arith.constant 0 : i32
        %dma_start3A_606 = tpu.memref_slice %arg5[%select_n3A_598, %dma_start3A_605] : memref<64x100xi32, #tpu.memory_space<vmem>> -> memref<1x100xi32, #tpu.memory_space<vmem>>
        %dma_start3A_607 = tpu.memref_squeeze %dma_start3A_606 : memref<1x100xi32, #tpu.memory_space<vmem>> -> memref<100xi32, #tpu.memory_space<vmem>>
        %dma_start3A_608 = arith.constant 0 : i32
        %dma_start3A_609 = arith.constant 0 : i32
        %dma_start3A_610 = tpu.memref_slice %arg3[%dma_start3A_608, %dma_start3A_609] : memref<1000000x64xf32, #tpu.memory_space<hbm>> -> memref<1000000x64xf32, #tpu.memory_space<hbm>>
        %dma_start3A_611 = tpu.memref_slice %arg7[%dma_start3A_600] : memref<8x!tpu.dma_semaphore, #tpu.memory_space<semaphore_mem>> -> memref<1x!tpu.dma_semaphore, #tpu.memory_space<semaphore_mem>>
        %dma_start3A_612 = tpu.memref_squeeze %dma_start3A_611 : memref<1x!tpu.dma_semaphore, #tpu.memory_space<semaphore_mem>> -> memref<!tpu.dma_semaphore, #tpu.memory_space<semaphore_mem>>
        tpu.enqueue_indirect_dma source(%dma_start3A_610 : memref<1000000x64xf32, #tpu.memory_space<hbm>>) target(%dma_start3A_604 : memref<100x64xf32, #tpu.memory_space<vmem>>) offsets(%dma_start3A_607 : memref<100xi32, #tpu.memory_space<vmem>>) semaphore(%dma_start3A_612 : memref<!tpu.dma_semaphore, #tpu.memory_space<semaphore_mem>>)
        %add3A_613 = arith.constant 1 : i32
        %add3A_614 = arith.addi %add3A_269, %add3A_613 : i32
        %ge3A_615 = arith.constant 8 : i32
        %ge3A_616 = arith.cmpi sge, %add3A_614, %ge3A_615 : i32
        %convert_element_type3A_617 = arith.extui %ge3A_616 : i1 to i32
        %cond3A_618 = arith.constant 0 : i32
        %cond3A_619 = arith.cmpi ne, %convert_element_type3A_617, %cond3A_618 : i32
        scf.if %cond3A_619 {
          %dma_wait3A_847 = arith.constant 3 : i32
          %dma_wait3A_848 = arith.constant 3 : i32
          %dma_wait3A_849 = arith.constant 0 : i32
          %dma_wait3A_850 = arith.constant 0 : i32
          %dma_wait3A_851 = tpu.memref_slice %arg6[%dma_wait3A_847, %dma_wait3A_849, %dma_wait3A_850] : memref<8x100x64xf32, #tpu.memory_space<vmem>> -> memref<1x100x64xf32, #tpu.memory_space<vmem>>
          %dma_wait3A_852 = tpu.memref_squeeze %dma_wait3A_851 : memref<1x100x64xf32, #tpu.memory_space<vmem>> -> memref<100x64xf32, #tpu.memory_space<vmem>>
          %dma_wait3A_853 = arith.constant 0 : i32
          %dma_wait3A_854 = arith.constant 0 : i32
          %dma_wait3A_855 = tpu.memref_slice %arg4[%mul3A_2, %dma_wait3A_853, %dma_wait3A_854] : memref<8192x100x64xf32, #tpu.memory_space<hbm>> -> memref<1x100x64xf32, #tpu.memory_space<hbm>>
          %dma_wait3A_856 = tpu.memref_squeeze %dma_wait3A_855 : memref<1x100x64xf32, #tpu.memory_space<hbm>> -> memref<100x64xf32, #tpu.memory_space<hbm>>
          %dma_wait3A_857 = tpu.memref_slice %arg8[%dma_wait3A_848] : memref<8x!tpu.dma_semaphore, #tpu.memory_space<semaphore_mem>> -> memref<1x!tpu.dma_semaphore, #tpu.memory_space<semaphore_mem>>
          %dma_wait3A_858 = tpu.memref_squeeze %dma_wait3A_857 : memref<1x!tpu.dma_semaphore, #tpu.memory_space<semaphore_mem>> -> memref<!tpu.dma_semaphore, #tpu.memory_space<semaphore_mem>>
          %dma_wait3A_859 = arith.constant 0 : i32
          %dma_wait3A_860 = arith.constant 0 : i32
          %dma_wait3A_861 = tpu.memref_slice %arg4[%mul3A_2, %dma_wait3A_859, %dma_wait3A_860] : memref<8192x100x64xf32, #tpu.memory_space<hbm>> -> memref<1x100x64xf32, #tpu.memory_space<hbm>>
          %dma_wait3A_862 = tpu.memref_squeeze %dma_wait3A_861 : memref<1x100x64xf32, #tpu.memory_space<hbm>> -> memref<100x64xf32, #tpu.memory_space<hbm>>
          %dma_wait3A_863 = arith.constant 0 : i32
          %dma_wait3A_864 = arith.constant 0 : i32
          %dma_wait3A_865 = tpu.memref_slice %arg6[%dma_wait3A_847, %dma_wait3A_863, %dma_wait3A_864] : memref<8x100x64xf32, #tpu.memory_space<vmem>> -> memref<1x100x64xf32, #tpu.memory_space<vmem>>
          %dma_wait3A_866 = tpu.memref_squeeze %dma_wait3A_865 : memref<1x100x64xf32, #tpu.memory_space<vmem>> -> memref<100x64xf32, #tpu.memory_space<vmem>>
          tpu.wait_dma2 semaphore(%dma_wait3A_858 : memref<!tpu.dma_semaphore, #tpu.memory_space<semaphore_mem>>) src(%dma_wait3A_866 : memref<100x64xf32, #tpu.memory_space<vmem>>) dst(%dma_wait3A_862 : memref<100x64xf32, #tpu.memory_space<hbm>>)
        } else {
        }
        %add3A_620 = arith.constant 1 : i32
        %add3A_621 = arith.addi %add3A_269, %add3A_620 : i32
        %jit3A_622 = arith.constant 64 : i32
        %eq3A_623 = arith.constant 0 : i32
        %eq3A_624 = arith.cmpi eq, %jit3A_622, %eq3A_623 : i32
        %jit3A_625 = arith.constant 1 : i32
        %select_n3A_626 = arith.select %eq3A_624, %jit3A_625, %jit3A_622 : i32
        %rem3A_627 = arith.remsi %add3A_621, %select_n3A_626 : i32
        %ne3A_628 = arith.constant 0 : i32
        %ne3A_629 = arith.cmpi ne, %rem3A_627, %ne3A_628 : i32
        %lt3A_630 = arith.constant 0 : i32
        %lt3A_631 = arith.cmpi slt, %rem3A_627, %lt3A_630 : i32
        %lt3A_632 = arith.constant 0 : i32
        %lt3A_633 = arith.cmpi slt, %select_n3A_626, %lt3A_632 : i32
        %ne3A_634 = arith.xori %lt3A_631, %lt3A_633 : i1
        %and3A_635 = arith.andi %ne3A_634, %ne3A_629 : i1
        %add3A_636 = arith.addi %rem3A_627, %select_n3A_626 : i32
        %select_n3A_637 = arith.select %and3A_635, %add3A_636, %rem3A_627 : i32
        %dma_start3A_638 = arith.constant 3 : i32
        %dma_start3A_639 = arith.constant 3 : i32
        %dma_start3A_640 = arith.constant 0 : i32
        %dma_start3A_641 = arith.constant 0 : i32
        %dma_start3A_642 = tpu.memref_slice %arg6[%dma_start3A_638, %dma_start3A_640, %dma_start3A_641] : memref<8x100x64xf32, #tpu.memory_space<vmem>> -> memref<1x100x64xf32, #tpu.memory_space<vmem>>
        %dma_start3A_643 = tpu.memref_squeeze %dma_start3A_642 : memref<1x100x64xf32, #tpu.memory_space<vmem>> -> memref<100x64xf32, #tpu.memory_space<vmem>>
        %dma_start3A_644 = arith.constant 0 : i32
        %dma_start3A_645 = tpu.memref_slice %arg5[%select_n3A_637, %dma_start3A_644] : memref<64x100xi32, #tpu.memory_space<vmem>> -> memref<1x100xi32, #tpu.memory_space<vmem>>
        %dma_start3A_646 = tpu.memref_squeeze %dma_start3A_645 : memref<1x100xi32, #tpu.memory_space<vmem>> -> memref<100xi32, #tpu.memory_space<vmem>>
        %dma_start3A_647 = arith.constant 0 : i32
        %dma_start3A_648 = arith.constant 0 : i32
        %dma_start3A_649 = tpu.memref_slice %arg3[%dma_start3A_647, %dma_start3A_648] : memref<1000000x64xf32, #tpu.memory_space<hbm>> -> memref<1000000x64xf32, #tpu.memory_space<hbm>>
        %dma_start3A_650 = tpu.memref_slice %arg7[%dma_start3A_639] : memref<8x!tpu.dma_semaphore, #tpu.memory_space<semaphore_mem>> -> memref<1x!tpu.dma_semaphore, #tpu.memory_space<semaphore_mem>>
        %dma_start3A_651 = tpu.memref_squeeze %dma_start3A_650 : memref<1x!tpu.dma_semaphore, #tpu.memory_space<semaphore_mem>> -> memref<!tpu.dma_semaphore, #tpu.memory_space<semaphore_mem>>
        tpu.enqueue_indirect_dma source(%dma_start3A_649 : memref<1000000x64xf32, #tpu.memory_space<hbm>>) target(%dma_start3A_643 : memref<100x64xf32, #tpu.memory_space<vmem>>) offsets(%dma_start3A_646 : memref<100xi32, #tpu.memory_space<vmem>>) semaphore(%dma_start3A_651 : memref<!tpu.dma_semaphore, #tpu.memory_space<semaphore_mem>>)
        %add3A_652 = arith.constant 2 : i32
        %add3A_653 = arith.addi %add3A_269, %add3A_652 : i32
        %ge3A_654 = arith.constant 8 : i32
        %ge3A_655 = arith.cmpi sge, %add3A_653, %ge3A_654 : i32
        %convert_element_type3A_656 = arith.extui %ge3A_655 : i1 to i32
        %cond3A_657 = arith.constant 0 : i32
        %cond3A_658 = arith.cmpi ne, %convert_element_type3A_656, %cond3A_657 : i32
        scf.if %cond3A_658 {
          %dma_wait3A_847 = arith.constant 4 : i32
          %dma_wait3A_848 = arith.constant 4 : i32
          %dma_wait3A_849 = arith.constant 0 : i32
          %dma_wait3A_850 = arith.constant 0 : i32
          %dma_wait3A_851 = tpu.memref_slice %arg6[%dma_wait3A_847, %dma_wait3A_849, %dma_wait3A_850] : memref<8x100x64xf32, #tpu.memory_space<vmem>> -> memref<1x100x64xf32, #tpu.memory_space<vmem>>
          %dma_wait3A_852 = tpu.memref_squeeze %dma_wait3A_851 : memref<1x100x64xf32, #tpu.memory_space<vmem>> -> memref<100x64xf32, #tpu.memory_space<vmem>>
          %dma_wait3A_853 = arith.constant 0 : i32
          %dma_wait3A_854 = arith.constant 0 : i32
          %dma_wait3A_855 = tpu.memref_slice %arg4[%mul3A_2, %dma_wait3A_853, %dma_wait3A_854] : memref<8192x100x64xf32, #tpu.memory_space<hbm>> -> memref<1x100x64xf32, #tpu.memory_space<hbm>>
          %dma_wait3A_856 = tpu.memref_squeeze %dma_wait3A_855 : memref<1x100x64xf32, #tpu.memory_space<hbm>> -> memref<100x64xf32, #tpu.memory_space<hbm>>
          %dma_wait3A_857 = tpu.memref_slice %arg8[%dma_wait3A_848] : memref<8x!tpu.dma_semaphore, #tpu.memory_space<semaphore_mem>> -> memref<1x!tpu.dma_semaphore, #tpu.memory_space<semaphore_mem>>
          %dma_wait3A_858 = tpu.memref_squeeze %dma_wait3A_857 : memref<1x!tpu.dma_semaphore, #tpu.memory_space<semaphore_mem>> -> memref<!tpu.dma_semaphore, #tpu.memory_space<semaphore_mem>>
          %dma_wait3A_859 = arith.constant 0 : i32
          %dma_wait3A_860 = arith.constant 0 : i32
          %dma_wait3A_861 = tpu.memref_slice %arg4[%mul3A_2, %dma_wait3A_859, %dma_wait3A_860] : memref<8192x100x64xf32, #tpu.memory_space<hbm>> -> memref<1x100x64xf32, #tpu.memory_space<hbm>>
          %dma_wait3A_862 = tpu.memref_squeeze %dma_wait3A_861 : memref<1x100x64xf32, #tpu.memory_space<hbm>> -> memref<100x64xf32, #tpu.memory_space<hbm>>
          %dma_wait3A_863 = arith.constant 0 : i32
          %dma_wait3A_864 = arith.constant 0 : i32
          %dma_wait3A_865 = tpu.memref_slice %arg6[%dma_wait3A_847, %dma_wait3A_863, %dma_wait3A_864] : memref<8x100x64xf32, #tpu.memory_space<vmem>> -> memref<1x100x64xf32, #tpu.memory_space<vmem>>
          %dma_wait3A_866 = tpu.memref_squeeze %dma_wait3A_865 : memref<1x100x64xf32, #tpu.memory_space<vmem>> -> memref<100x64xf32, #tpu.memory_space<vmem>>
          tpu.wait_dma2 semaphore(%dma_wait3A_858 : memref<!tpu.dma_semaphore, #tpu.memory_space<semaphore_mem>>) src(%dma_wait3A_866 : memref<100x64xf32, #tpu.memory_space<vmem>>) dst(%dma_wait3A_862 : memref<100x64xf32, #tpu.memory_space<hbm>>)
        } else {
        }
        %add3A_659 = arith.constant 2 : i32
        %add3A_660 = arith.addi %add3A_269, %add3A_659 : i32
        %jit3A_661 = arith.constant 64 : i32
        %eq3A_662 = arith.constant 0 : i32
        %eq3A_663 = arith.cmpi eq, %jit3A_661, %eq3A_662 : i32
        %jit3A_664 = arith.constant 1 : i32
        %select_n3A_665 = arith.select %eq3A_663, %jit3A_664, %jit3A_661 : i32
        %rem3A_666 = arith.remsi %add3A_660, %select_n3A_665 : i32
        %ne3A_667 = arith.constant 0 : i32
        %ne3A_668 = arith.cmpi ne, %rem3A_666, %ne3A_667 : i32
        %lt3A_669 = arith.constant 0 : i32
        %lt3A_670 = arith.cmpi slt, %rem3A_666, %lt3A_669 : i32
        %lt3A_671 = arith.constant 0 : i32
        %lt3A_672 = arith.cmpi slt, %select_n3A_665, %lt3A_671 : i32
        %ne3A_673 = arith.xori %lt3A_670, %lt3A_672 : i1
        %and3A_674 = arith.andi %ne3A_673, %ne3A_668 : i1
        %add3A_675 = arith.addi %rem3A_666, %select_n3A_665 : i32
        %select_n3A_676 = arith.select %and3A_674, %add3A_675, %rem3A_666 : i32
        %dma_start3A_677 = arith.constant 4 : i32
        %dma_start3A_678 = arith.constant 4 : i32
        %dma_start3A_679 = arith.constant 0 : i32
        %dma_start3A_680 = arith.constant 0 : i32
        %dma_start3A_681 = tpu.memref_slice %arg6[%dma_start3A_677, %dma_start3A_679, %dma_start3A_680] : memref<8x100x64xf32, #tpu.memory_space<vmem>> -> memref<1x100x64xf32, #tpu.memory_space<vmem>>
        %dma_start3A_682 = tpu.memref_squeeze %dma_start3A_681 : memref<1x100x64xf32, #tpu.memory_space<vmem>> -> memref<100x64xf32, #tpu.memory_space<vmem>>
        %dma_start3A_683 = arith.constant 0 : i32
        %dma_start3A_684 = tpu.memref_slice %arg5[%select_n3A_676, %dma_start3A_683] : memref<64x100xi32, #tpu.memory_space<vmem>> -> memref<1x100xi32, #tpu.memory_space<vmem>>
        %dma_start3A_685 = tpu.memref_squeeze %dma_start3A_684 : memref<1x100xi32, #tpu.memory_space<vmem>> -> memref<100xi32, #tpu.memory_space<vmem>>
        %dma_start3A_686 = arith.constant 0 : i32
        %dma_start3A_687 = arith.constant 0 : i32
        %dma_start3A_688 = tpu.memref_slice %arg3[%dma_start3A_686, %dma_start3A_687] : memref<1000000x64xf32, #tpu.memory_space<hbm>> -> memref<1000000x64xf32, #tpu.memory_space<hbm>>
        %dma_start3A_689 = tpu.memref_slice %arg7[%dma_start3A_678] : memref<8x!tpu.dma_semaphore, #tpu.memory_space<semaphore_mem>> -> memref<1x!tpu.dma_semaphore, #tpu.memory_space<semaphore_mem>>
        %dma_start3A_690 = tpu.memref_squeeze %dma_start3A_689 : memref<1x!tpu.dma_semaphore, #tpu.memory_space<semaphore_mem>> -> memref<!tpu.dma_semaphore, #tpu.memory_space<semaphore_mem>>
        tpu.enqueue_indirect_dma source(%dma_start3A_688 : memref<1000000x64xf32, #tpu.memory_space<hbm>>) target(%dma_start3A_682 : memref<100x64xf32, #tpu.memory_space<vmem>>) offsets(%dma_start3A_685 : memref<100xi32, #tpu.memory_space<vmem>>) semaphore(%dma_start3A_690 : memref<!tpu.dma_semaphore, #tpu.memory_space<semaphore_mem>>)
        %add3A_691 = arith.constant 3 : i32
        %add3A_692 = arith.addi %add3A_269, %add3A_691 : i32
        %ge3A_693 = arith.constant 8 : i32
        %ge3A_694 = arith.cmpi sge, %add3A_692, %ge3A_693 : i32
        %convert_element_type3A_695 = arith.extui %ge3A_694 : i1 to i32
        %cond3A_696 = arith.constant 0 : i32
        %cond3A_697 = arith.cmpi ne, %convert_element_type3A_695, %cond3A_696 : i32
        scf.if %cond3A_697 {
          %dma_wait3A_847 = arith.constant 5 : i32
          %dma_wait3A_848 = arith.constant 5 : i32
          %dma_wait3A_849 = arith.constant 0 : i32
          %dma_wait3A_850 = arith.constant 0 : i32
          %dma_wait3A_851 = tpu.memref_slice %arg6[%dma_wait3A_847, %dma_wait3A_849, %dma_wait3A_850] : memref<8x100x64xf32, #tpu.memory_space<vmem>> -> memref<1x100x64xf32, #tpu.memory_space<vmem>>
          %dma_wait3A_852 = tpu.memref_squeeze %dma_wait3A_851 : memref<1x100x64xf32, #tpu.memory_space<vmem>> -> memref<100x64xf32, #tpu.memory_space<vmem>>
          %dma_wait3A_853 = arith.constant 0 : i32
          %dma_wait3A_854 = arith.constant 0 : i32
          %dma_wait3A_855 = tpu.memref_slice %arg4[%mul3A_2, %dma_wait3A_853, %dma_wait3A_854] : memref<8192x100x64xf32, #tpu.memory_space<hbm>> -> memref<1x100x64xf32, #tpu.memory_space<hbm>>
          %dma_wait3A_856 = tpu.memref_squeeze %dma_wait3A_855 : memref<1x100x64xf32, #tpu.memory_space<hbm>> -> memref<100x64xf32, #tpu.memory_space<hbm>>
          %dma_wait3A_857 = tpu.memref_slice %arg8[%dma_wait3A_848] : memref<8x!tpu.dma_semaphore, #tpu.memory_space<semaphore_mem>> -> memref<1x!tpu.dma_semaphore, #tpu.memory_space<semaphore_mem>>
          %dma_wait3A_858 = tpu.memref_squeeze %dma_wait3A_857 : memref<1x!tpu.dma_semaphore, #tpu.memory_space<semaphore_mem>> -> memref<!tpu.dma_semaphore, #tpu.memory_space<semaphore_mem>>
          %dma_wait3A_859 = arith.constant 0 : i32
          %dma_wait3A_860 = arith.constant 0 : i32
          %dma_wait3A_861 = tpu.memref_slice %arg4[%mul3A_2, %dma_wait3A_859, %dma_wait3A_860] : memref<8192x100x64xf32, #tpu.memory_space<hbm>> -> memref<1x100x64xf32, #tpu.memory_space<hbm>>
          %dma_wait3A_862 = tpu.memref_squeeze %dma_wait3A_861 : memref<1x100x64xf32, #tpu.memory_space<hbm>> -> memref<100x64xf32, #tpu.memory_space<hbm>>
          %dma_wait3A_863 = arith.constant 0 : i32
          %dma_wait3A_864 = arith.constant 0 : i32
          %dma_wait3A_865 = tpu.memref_slice %arg6[%dma_wait3A_847, %dma_wait3A_863, %dma_wait3A_864] : memref<8x100x64xf32, #tpu.memory_space<vmem>> -> memref<1x100x64xf32, #tpu.memory_space<vmem>>
          %dma_wait3A_866 = tpu.memref_squeeze %dma_wait3A_865 : memref<1x100x64xf32, #tpu.memory_space<vmem>> -> memref<100x64xf32, #tpu.memory_space<vmem>>
          tpu.wait_dma2 semaphore(%dma_wait3A_858 : memref<!tpu.dma_semaphore, #tpu.memory_space<semaphore_mem>>) src(%dma_wait3A_866 : memref<100x64xf32, #tpu.memory_space<vmem>>) dst(%dma_wait3A_862 : memref<100x64xf32, #tpu.memory_space<hbm>>)
        } else {
        }
        %add3A_698 = arith.constant 3 : i32
        %add3A_699 = arith.addi %add3A_269, %add3A_698 : i32
        %jit3A_700 = arith.constant 64 : i32
        %eq3A_701 = arith.constant 0 : i32
        %eq3A_702 = arith.cmpi eq, %jit3A_700, %eq3A_701 : i32
        %jit3A_703 = arith.constant 1 : i32
        %select_n3A_704 = arith.select %eq3A_702, %jit3A_703, %jit3A_700 : i32
        %rem3A_705 = arith.remsi %add3A_699, %select_n3A_704 : i32
        %ne3A_706 = arith.constant 0 : i32
        %ne3A_707 = arith.cmpi ne, %rem3A_705, %ne3A_706 : i32
        %lt3A_708 = arith.constant 0 : i32
        %lt3A_709 = arith.cmpi slt, %rem3A_705, %lt3A_708 : i32
        %lt3A_710 = arith.constant 0 : i32
        %lt3A_711 = arith.cmpi slt, %select_n3A_704, %lt3A_710 : i32
        %ne3A_712 = arith.xori %lt3A_709, %lt3A_711 : i1
        %and3A_713 = arith.andi %ne3A_712, %ne3A_707 : i1
        %add3A_714 = arith.addi %rem3A_705, %select_n3A_704 : i32
        %select_n3A_715 = arith.select %and3A_713, %add3A_714, %rem3A_705 : i32
        %dma_start3A_716 = arith.constant 5 : i32
        %dma_start3A_717 = arith.constant 5 : i32
        %dma_start3A_718 = arith.constant 0 : i32
        %dma_start3A_719 = arith.constant 0 : i32
        %dma_start3A_720 = tpu.memref_slice %arg6[%dma_start3A_716, %dma_start3A_718, %dma_start3A_719] : memref<8x100x64xf32, #tpu.memory_space<vmem>> -> memref<1x100x64xf32, #tpu.memory_space<vmem>>
        %dma_start3A_721 = tpu.memref_squeeze %dma_start3A_720 : memref<1x100x64xf32, #tpu.memory_space<vmem>> -> memref<100x64xf32, #tpu.memory_space<vmem>>
        %dma_start3A_722 = arith.constant 0 : i32
        %dma_start3A_723 = tpu.memref_slice %arg5[%select_n3A_715, %dma_start3A_722] : memref<64x100xi32, #tpu.memory_space<vmem>> -> memref<1x100xi32, #tpu.memory_space<vmem>>
        %dma_start3A_724 = tpu.memref_squeeze %dma_start3A_723 : memref<1x100xi32, #tpu.memory_space<vmem>> -> memref<100xi32, #tpu.memory_space<vmem>>
        %dma_start3A_725 = arith.constant 0 : i32
        %dma_start3A_726 = arith.constant 0 : i32
        %dma_start3A_727 = tpu.memref_slice %arg3[%dma_start3A_725, %dma_start3A_726] : memref<1000000x64xf32, #tpu.memory_space<hbm>> -> memref<1000000x64xf32, #tpu.memory_space<hbm>>
        %dma_start3A_728 = tpu.memref_slice %arg7[%dma_start3A_717] : memref<8x!tpu.dma_semaphore, #tpu.memory_space<semaphore_mem>> -> memref<1x!tpu.dma_semaphore, #tpu.memory_space<semaphore_mem>>
        %dma_start3A_729 = tpu.memref_squeeze %dma_start3A_728 : memref<1x!tpu.dma_semaphore, #tpu.memory_space<semaphore_mem>> -> memref<!tpu.dma_semaphore, #tpu.memory_space<semaphore_mem>>
        tpu.enqueue_indirect_dma source(%dma_start3A_727 : memref<1000000x64xf32, #tpu.memory_space<hbm>>) target(%dma_start3A_721 : memref<100x64xf32, #tpu.memory_space<vmem>>) offsets(%dma_start3A_724 : memref<100xi32, #tpu.memory_space<vmem>>) semaphore(%dma_start3A_729 : memref<!tpu.dma_semaphore, #tpu.memory_space<semaphore_mem>>)
        %add3A_730 = arith.constant 4 : i32
        %add3A_731 = arith.addi %add3A_269, %add3A_730 : i32
        %ge3A_732 = arith.constant 8 : i32
        %ge3A_733 = arith.cmpi sge, %add3A_731, %ge3A_732 : i32
        %convert_element_type3A_734 = arith.extui %ge3A_733 : i1 to i32
        %cond3A_735 = arith.constant 0 : i32
        %cond3A_736 = arith.cmpi ne, %convert_element_type3A_734, %cond3A_735 : i32
        scf.if %cond3A_736 {
          %dma_wait3A_847 = arith.constant 6 : i32
          %dma_wait3A_848 = arith.constant 6 : i32
          %dma_wait3A_849 = arith.constant 0 : i32
          %dma_wait3A_850 = arith.constant 0 : i32
          %dma_wait3A_851 = tpu.memref_slice %arg6[%dma_wait3A_847, %dma_wait3A_849, %dma_wait3A_850] : memref<8x100x64xf32, #tpu.memory_space<vmem>> -> memref<1x100x64xf32, #tpu.memory_space<vmem>>
          %dma_wait3A_852 = tpu.memref_squeeze %dma_wait3A_851 : memref<1x100x64xf32, #tpu.memory_space<vmem>> -> memref<100x64xf32, #tpu.memory_space<vmem>>
          %dma_wait3A_853 = arith.constant 0 : i32
          %dma_wait3A_854 = arith.constant 0 : i32
          %dma_wait3A_855 = tpu.memref_slice %arg4[%mul3A_2, %dma_wait3A_853, %dma_wait3A_854] : memref<8192x100x64xf32, #tpu.memory_space<hbm>> -> memref<1x100x64xf32, #tpu.memory_space<hbm>>
          %dma_wait3A_856 = tpu.memref_squeeze %dma_wait3A_855 : memref<1x100x64xf32, #tpu.memory_space<hbm>> -> memref<100x64xf32, #tpu.memory_space<hbm>>
          %dma_wait3A_857 = tpu.memref_slice %arg8[%dma_wait3A_848] : memref<8x!tpu.dma_semaphore, #tpu.memory_space<semaphore_mem>> -> memref<1x!tpu.dma_semaphore, #tpu.memory_space<semaphore_mem>>
          %dma_wait3A_858 = tpu.memref_squeeze %dma_wait3A_857 : memref<1x!tpu.dma_semaphore, #tpu.memory_space<semaphore_mem>> -> memref<!tpu.dma_semaphore, #tpu.memory_space<semaphore_mem>>
          %dma_wait3A_859 = arith.constant 0 : i32
          %dma_wait3A_860 = arith.constant 0 : i32
          %dma_wait3A_861 = tpu.memref_slice %arg4[%mul3A_2, %dma_wait3A_859, %dma_wait3A_860] : memref<8192x100x64xf32, #tpu.memory_space<hbm>> -> memref<1x100x64xf32, #tpu.memory_space<hbm>>
          %dma_wait3A_862 = tpu.memref_squeeze %dma_wait3A_861 : memref<1x100x64xf32, #tpu.memory_space<hbm>> -> memref<100x64xf32, #tpu.memory_space<hbm>>
          %dma_wait3A_863 = arith.constant 0 : i32
          %dma_wait3A_864 = arith.constant 0 : i32
          %dma_wait3A_865 = tpu.memref_slice %arg6[%dma_wait3A_847, %dma_wait3A_863, %dma_wait3A_864] : memref<8x100x64xf32, #tpu.memory_space<vmem>> -> memref<1x100x64xf32, #tpu.memory_space<vmem>>
          %dma_wait3A_866 = tpu.memref_squeeze %dma_wait3A_865 : memref<1x100x64xf32, #tpu.memory_space<vmem>> -> memref<100x64xf32, #tpu.memory_space<vmem>>
          tpu.wait_dma2 semaphore(%dma_wait3A_858 : memref<!tpu.dma_semaphore, #tpu.memory_space<semaphore_mem>>) src(%dma_wait3A_866 : memref<100x64xf32, #tpu.memory_space<vmem>>) dst(%dma_wait3A_862 : memref<100x64xf32, #tpu.memory_space<hbm>>)
        } else {
        }
        %add3A_737 = arith.constant 4 : i32
        %add3A_738 = arith.addi %add3A_269, %add3A_737 : i32
        %jit3A_739 = arith.constant 64 : i32
        %eq3A_740 = arith.constant 0 : i32
        %eq3A_741 = arith.cmpi eq, %jit3A_739, %eq3A_740 : i32
        %jit3A_742 = arith.constant 1 : i32
        %select_n3A_743 = arith.select %eq3A_741, %jit3A_742, %jit3A_739 : i32
        %rem3A_744 = arith.remsi %add3A_738, %select_n3A_743 : i32
        %ne3A_745 = arith.constant 0 : i32
        %ne3A_746 = arith.cmpi ne, %rem3A_744, %ne3A_745 : i32
        %lt3A_747 = arith.constant 0 : i32
        %lt3A_748 = arith.cmpi slt, %rem3A_744, %lt3A_747 : i32
        %lt3A_749 = arith.constant 0 : i32
        %lt3A_750 = arith.cmpi slt, %select_n3A_743, %lt3A_749 : i32
        %ne3A_751 = arith.xori %lt3A_748, %lt3A_750 : i1
        %and3A_752 = arith.andi %ne3A_751, %ne3A_746 : i1
        %add3A_753 = arith.addi %rem3A_744, %select_n3A_743 : i32
        %select_n3A_754 = arith.select %and3A_752, %add3A_753, %rem3A_744 : i32
        %dma_start3A_755 = arith.constant 6 : i32
        %dma_start3A_756 = arith.constant 6 : i32
        %dma_start3A_757 = arith.constant 0 : i32
        %dma_start3A_758 = arith.constant 0 : i32
        %dma_start3A_759 = tpu.memref_slice %arg6[%dma_start3A_755, %dma_start3A_757, %dma_start3A_758] : memref<8x100x64xf32, #tpu.memory_space<vmem>> -> memref<1x100x64xf32, #tpu.memory_space<vmem>>
        %dma_start3A_760 = tpu.memref_squeeze %dma_start3A_759 : memref<1x100x64xf32, #tpu.memory_space<vmem>> -> memref<100x64xf32, #tpu.memory_space<vmem>>
        %dma_start3A_761 = arith.constant 0 : i32
        %dma_start3A_762 = tpu.memref_slice %arg5[%select_n3A_754, %dma_start3A_761] : memref<64x100xi32, #tpu.memory_space<vmem>> -> memref<1x100xi32, #tpu.memory_space<vmem>>
        %dma_start3A_763 = tpu.memref_squeeze %dma_start3A_762 : memref<1x100xi32, #tpu.memory_space<vmem>> -> memref<100xi32, #tpu.memory_space<vmem>>
        %dma_start3A_764 = arith.constant 0 : i32
        %dma_start3A_765 = arith.constant 0 : i32
        %dma_start3A_766 = tpu.memref_slice %arg3[%dma_start3A_764, %dma_start3A_765] : memref<1000000x64xf32, #tpu.memory_space<hbm>> -> memref<1000000x64xf32, #tpu.memory_space<hbm>>
        %dma_start3A_767 = tpu.memref_slice %arg7[%dma_start3A_756] : memref<8x!tpu.dma_semaphore, #tpu.memory_space<semaphore_mem>> -> memref<1x!tpu.dma_semaphore, #tpu.memory_space<semaphore_mem>>
        %dma_start3A_768 = tpu.memref_squeeze %dma_start3A_767 : memref<1x!tpu.dma_semaphore, #tpu.memory_space<semaphore_mem>> -> memref<!tpu.dma_semaphore, #tpu.memory_space<semaphore_mem>>
        tpu.enqueue_indirect_dma source(%dma_start3A_766 : memref<1000000x64xf32, #tpu.memory_space<hbm>>) target(%dma_start3A_760 : memref<100x64xf32, #tpu.memory_space<vmem>>) offsets(%dma_start3A_763 : memref<100xi32, #tpu.memory_space<vmem>>) semaphore(%dma_start3A_768 : memref<!tpu.dma_semaphore, #tpu.memory_space<semaphore_mem>>)
        %add3A_769 = arith.constant 5 : i32
        %add3A_770 = arith.addi %add3A_269, %add3A_769 : i32
        %ge3A_771 = arith.constant 8 : i32
        %ge3A_772 = arith.cmpi sge, %add3A_770, %ge3A_771 : i32
        %convert_element_type3A_773 = arith.extui %ge3A_772 : i1 to i32
        %cond3A_774 = arith.constant 0 : i32
        %cond3A_775 = arith.cmpi ne, %convert_element_type3A_773, %cond3A_774 : i32
        scf.if %cond3A_775 {
          %dma_wait3A_847 = arith.constant 7 : i32
          %dma_wait3A_848 = arith.constant 7 : i32
          %dma_wait3A_849 = arith.constant 0 : i32
          %dma_wait3A_850 = arith.constant 0 : i32
          %dma_wait3A_851 = tpu.memref_slice %arg6[%dma_wait3A_847, %dma_wait3A_849, %dma_wait3A_850] : memref<8x100x64xf32, #tpu.memory_space<vmem>> -> memref<1x100x64xf32, #tpu.memory_space<vmem>>
          %dma_wait3A_852 = tpu.memref_squeeze %dma_wait3A_851 : memref<1x100x64xf32, #tpu.memory_space<vmem>> -> memref<100x64xf32, #tpu.memory_space<vmem>>
          %dma_wait3A_853 = arith.constant 0 : i32
          %dma_wait3A_854 = arith.constant 0 : i32
          %dma_wait3A_855 = tpu.memref_slice %arg4[%mul3A_2, %dma_wait3A_853, %dma_wait3A_854] : memref<8192x100x64xf32, #tpu.memory_space<hbm>> -> memref<1x100x64xf32, #tpu.memory_space<hbm>>
          %dma_wait3A_856 = tpu.memref_squeeze %dma_wait3A_855 : memref<1x100x64xf32, #tpu.memory_space<hbm>> -> memref<100x64xf32, #tpu.memory_space<hbm>>
          %dma_wait3A_857 = tpu.memref_slice %arg8[%dma_wait3A_848] : memref<8x!tpu.dma_semaphore, #tpu.memory_space<semaphore_mem>> -> memref<1x!tpu.dma_semaphore, #tpu.memory_space<semaphore_mem>>
          %dma_wait3A_858 = tpu.memref_squeeze %dma_wait3A_857 : memref<1x!tpu.dma_semaphore, #tpu.memory_space<semaphore_mem>> -> memref<!tpu.dma_semaphore, #tpu.memory_space<semaphore_mem>>
          %dma_wait3A_859 = arith.constant 0 : i32
          %dma_wait3A_860 = arith.constant 0 : i32
          %dma_wait3A_861 = tpu.memref_slice %arg4[%mul3A_2, %dma_wait3A_859, %dma_wait3A_860] : memref<8192x100x64xf32, #tpu.memory_space<hbm>> -> memref<1x100x64xf32, #tpu.memory_space<hbm>>
          %dma_wait3A_862 = tpu.memref_squeeze %dma_wait3A_861 : memref<1x100x64xf32, #tpu.memory_space<hbm>> -> memref<100x64xf32, #tpu.memory_space<hbm>>
          %dma_wait3A_863 = arith.constant 0 : i32
          %dma_wait3A_864 = arith.constant 0 : i32
          %dma_wait3A_865 = tpu.memref_slice %arg6[%dma_wait3A_847, %dma_wait3A_863, %dma_wait3A_864] : memref<8x100x64xf32, #tpu.memory_space<vmem>> -> memref<1x100x64xf32, #tpu.memory_space<vmem>>
          %dma_wait3A_866 = tpu.memref_squeeze %dma_wait3A_865 : memref<1x100x64xf32, #tpu.memory_space<vmem>> -> memref<100x64xf32, #tpu.memory_space<vmem>>
          tpu.wait_dma2 semaphore(%dma_wait3A_858 : memref<!tpu.dma_semaphore, #tpu.memory_space<semaphore_mem>>) src(%dma_wait3A_866 : memref<100x64xf32, #tpu.memory_space<vmem>>) dst(%dma_wait3A_862 : memref<100x64xf32, #tpu.memory_space<hbm>>)
        } else {
        }
        %add3A_776 = arith.constant 5 : i32
        %add3A_777 = arith.addi %add3A_269, %add3A_776 : i32
        %jit3A_778 = arith.constant 64 : i32
        %eq3A_779 = arith.constant 0 : i32
        %eq3A_780 = arith.cmpi eq, %jit3A_778, %eq3A_779 : i32
        %jit3A_781 = arith.constant 1 : i32
        %select_n3A_782 = arith.select %eq3A_780, %jit3A_781, %jit3A_778 : i32
        %rem3A_783 = arith.remsi %add3A_777, %select_n3A_782 : i32
        %ne3A_784 = arith.constant 0 : i32
        %ne3A_785 = arith.cmpi ne, %rem3A_783, %ne3A_784 : i32
        %lt3A_786 = arith.constant 0 : i32
        %lt3A_787 = arith.cmpi slt, %rem3A_783, %lt3A_786 : i32
        %lt3A_788 = arith.constant 0 : i32
        %lt3A_789 = arith.cmpi slt, %select_n3A_782, %lt3A_788 : i32
        %ne3A_790 = arith.xori %lt3A_787, %lt3A_789 : i1
        %and3A_791 = arith.andi %ne3A_790, %ne3A_785 : i1
        %add3A_792 = arith.addi %rem3A_783, %select_n3A_782 : i32
        %select_n3A_793 = arith.select %and3A_791, %add3A_792, %rem3A_783 : i32
        %dma_start3A_794 = arith.constant 7 : i32
        %dma_start3A_795 = arith.constant 7 : i32
        %dma_start3A_796 = arith.constant 0 : i32
        %dma_start3A_797 = arith.constant 0 : i32
        %dma_start3A_798 = tpu.memref_slice %arg6[%dma_start3A_794, %dma_start3A_796, %dma_start3A_797] : memref<8x100x64xf32, #tpu.memory_space<vmem>> -> memref<1x100x64xf32, #tpu.memory_space<vmem>>
        %dma_start3A_799 = tpu.memref_squeeze %dma_start3A_798 : memref<1x100x64xf32, #tpu.memory_space<vmem>> -> memref<100x64xf32, #tpu.memory_space<vmem>>
        %dma_start3A_800 = arith.constant 0 : i32
        %dma_start3A_801 = tpu.memref_slice %arg5[%select_n3A_793, %dma_start3A_800] : memref<64x100xi32, #tpu.memory_space<vmem>> -> memref<1x100xi32, #tpu.memory_space<vmem>>
        %dma_start3A_802 = tpu.memref_squeeze %dma_start3A_801 : memref<1x100xi32, #tpu.memory_space<vmem>> -> memref<100xi32, #tpu.memory_space<vmem>>
        %dma_start3A_803 = arith.constant 0 : i32
        %dma_start3A_804 = arith.constant 0 : i32
        %dma_start3A_805 = tpu.memref_slice %arg3[%dma_start3A_803, %dma_start3A_804] : memref<1000000x64xf32, #tpu.memory_space<hbm>> -> memref<1000000x64xf32, #tpu.memory_space<hbm>>
        %dma_start3A_806 = tpu.memref_slice %arg7[%dma_start3A_795] : memref<8x!tpu.dma_semaphore, #tpu.memory_space<semaphore_mem>> -> memref<1x!tpu.dma_semaphore, #tpu.memory_space<semaphore_mem>>
        %dma_start3A_807 = tpu.memref_squeeze %dma_start3A_806 : memref<1x!tpu.dma_semaphore, #tpu.memory_space<semaphore_mem>> -> memref<!tpu.dma_semaphore, #tpu.memory_space<semaphore_mem>>
        tpu.enqueue_indirect_dma source(%dma_start3A_805 : memref<1000000x64xf32, #tpu.memory_space<hbm>>) target(%dma_start3A_799 : memref<100x64xf32, #tpu.memory_space<vmem>>) offsets(%dma_start3A_802 : memref<100xi32, #tpu.memory_space<vmem>>) semaphore(%dma_start3A_807 : memref<!tpu.dma_semaphore, #tpu.memory_space<semaphore_mem>>)
        %add3A_808 = arith.constant 6 : i32
        %add3A_809 = arith.addi %add3A_269, %add3A_808 : i32
        %ge3A_810 = arith.constant 8 : i32
        %ge3A_811 = arith.cmpi sge, %add3A_809, %ge3A_810 : i32
        %convert_element_type3A_812 = arith.extui %ge3A_811 : i1 to i32
        %cond3A_813 = arith.constant 0 : i32
        %cond3A_814 = arith.cmpi ne, %convert_element_type3A_812, %cond3A_813 : i32
        scf.if %cond3A_814 {
          %dma_wait3A_847 = arith.constant 0 : i32
          %dma_wait3A_848 = arith.constant 0 : i32
          %dma_wait3A_849 = arith.constant 0 : i32
          %dma_wait3A_850 = arith.constant 0 : i32
          %dma_wait3A_851 = tpu.memref_slice %arg6[%dma_wait3A_847, %dma_wait3A_849, %dma_wait3A_850] : memref<8x100x64xf32, #tpu.memory_space<vmem>> -> memref<1x100x64xf32, #tpu.memory_space<vmem>>
          %dma_wait3A_852 = tpu.memref_squeeze %dma_wait3A_851 : memref<1x100x64xf32, #tpu.memory_space<vmem>> -> memref<100x64xf32, #tpu.memory_space<vmem>>
          %dma_wait3A_853 = arith.constant 0 : i32
          %dma_wait3A_854 = arith.constant 0 : i32
          %dma_wait3A_855 = tpu.memref_slice %arg4[%mul3A_2, %dma_wait3A_853, %dma_wait3A_854] : memref<8192x100x64xf32, #tpu.memory_space<hbm>> -> memref<1x100x64xf32, #tpu.memory_space<hbm>>
          %dma_wait3A_856 = tpu.memref_squeeze %dma_wait3A_855 : memref<1x100x64xf32, #tpu.memory_space<hbm>> -> memref<100x64xf32, #tpu.memory_space<hbm>>
          %dma_wait3A_857 = tpu.memref_slice %arg8[%dma_wait3A_848] : memref<8x!tpu.dma_semaphore, #tpu.memory_space<semaphore_mem>> -> memref<1x!tpu.dma_semaphore, #tpu.memory_space<semaphore_mem>>
          %dma_wait3A_858 = tpu.memref_squeeze %dma_wait3A_857 : memref<1x!tpu.dma_semaphore, #tpu.memory_space<semaphore_mem>> -> memref<!tpu.dma_semaphore, #tpu.memory_space<semaphore_mem>>
          %dma_wait3A_859 = arith.constant 0 : i32
          %dma_wait3A_860 = arith.constant 0 : i32
          %dma_wait3A_861 = tpu.memref_slice %arg4[%mul3A_2, %dma_wait3A_859, %dma_wait3A_860] : memref<8192x100x64xf32, #tpu.memory_space<hbm>> -> memref<1x100x64xf32, #tpu.memory_space<hbm>>
          %dma_wait3A_862 = tpu.memref_squeeze %dma_wait3A_861 : memref<1x100x64xf32, #tpu.memory_space<hbm>> -> memref<100x64xf32, #tpu.memory_space<hbm>>
          %dma_wait3A_863 = arith.constant 0 : i32
          %dma_wait3A_864 = arith.constant 0 : i32
          %dma_wait3A_865 = tpu.memref_slice %arg6[%dma_wait3A_847, %dma_wait3A_863, %dma_wait3A_864] : memref<8x100x64xf32, #tpu.memory_space<vmem>> -> memref<1x100x64xf32, #tpu.memory_space<vmem>>
          %dma_wait3A_866 = tpu.memref_squeeze %dma_wait3A_865 : memref<1x100x64xf32, #tpu.memory_space<vmem>> -> memref<100x64xf32, #tpu.memory_space<vmem>>
          tpu.wait_dma2 semaphore(%dma_wait3A_858 : memref<!tpu.dma_semaphore, #tpu.memory_space<semaphore_mem>>) src(%dma_wait3A_866 : memref<100x64xf32, #tpu.memory_space<vmem>>) dst(%dma_wait3A_862 : memref<100x64xf32, #tpu.memory_space<hbm>>)
        } else {
        }
        %add3A_815 = arith.constant 6 : i32
        %add3A_816 = arith.addi %add3A_269, %add3A_815 : i32
        %jit3A_817 = arith.constant 64 : i32
        %eq3A_818 = arith.constant 0 : i32
        %eq3A_819 = arith.cmpi eq, %jit3A_817, %eq3A_818 : i32
        %jit3A_820 = arith.constant 1 : i32
        %select_n3A_821 = arith.select %eq3A_819, %jit3A_820, %jit3A_817 : i32
        %rem3A_822 = arith.remsi %add3A_816, %select_n3A_821 : i32
        %ne3A_823 = arith.constant 0 : i32
        %ne3A_824 = arith.cmpi ne, %rem3A_822, %ne3A_823 : i32
        %lt3A_825 = arith.constant 0 : i32
        %lt3A_826 = arith.cmpi slt, %rem3A_822, %lt3A_825 : i32
        %lt3A_827 = arith.constant 0 : i32
        %lt3A_828 = arith.cmpi slt, %select_n3A_821, %lt3A_827 : i32
        %ne3A_829 = arith.xori %lt3A_826, %lt3A_828 : i1
        %and3A_830 = arith.andi %ne3A_829, %ne3A_824 : i1
        %add3A_831 = arith.addi %rem3A_822, %select_n3A_821 : i32
        %select_n3A_832 = arith.select %and3A_830, %add3A_831, %rem3A_822 : i32
        %dma_start3A_833 = arith.constant 0 : i32
        %dma_start3A_834 = arith.constant 0 : i32
        %dma_start3A_835 = arith.constant 0 : i32
        %dma_start3A_836 = arith.constant 0 : i32
        %dma_start3A_837 = tpu.memref_slice %arg6[%dma_start3A_833, %dma_start3A_835, %dma_start3A_836] : memref<8x100x64xf32, #tpu.memory_space<vmem>> -> memref<1x100x64xf32, #tpu.memory_space<vmem>>
        %dma_start3A_838 = tpu.memref_squeeze %dma_start3A_837 : memref<1x100x64xf32, #tpu.memory_space<vmem>> -> memref<100x64xf32, #tpu.memory_space<vmem>>
        %dma_start3A_839 = arith.constant 0 : i32
        %dma_start3A_840 = tpu.memref_slice %arg5[%select_n3A_832, %dma_start3A_839] : memref<64x100xi32, #tpu.memory_space<vmem>> -> memref<1x100xi32, #tpu.memory_space<vmem>>
        %dma_start3A_841 = tpu.memref_squeeze %dma_start3A_840 : memref<1x100xi32, #tpu.memory_space<vmem>> -> memref<100xi32, #tpu.memory_space<vmem>>
        %dma_start3A_842 = arith.constant 0 : i32
        %dma_start3A_843 = arith.constant 0 : i32
        %dma_start3A_844 = tpu.memref_slice %arg3[%dma_start3A_842, %dma_start3A_843] : memref<1000000x64xf32, #tpu.memory_space<hbm>> -> memref<1000000x64xf32, #tpu.memory_space<hbm>>
        %dma_start3A_845 = tpu.memref_slice %arg7[%dma_start3A_834] : memref<8x!tpu.dma_semaphore, #tpu.memory_space<semaphore_mem>> -> memref<1x!tpu.dma_semaphore, #tpu.memory_space<semaphore_mem>>
        %dma_start3A_846 = tpu.memref_squeeze %dma_start3A_845 : memref<1x!tpu.dma_semaphore, #tpu.memory_space<semaphore_mem>> -> memref<!tpu.dma_semaphore, #tpu.memory_space<semaphore_mem>>
        tpu.enqueue_indirect_dma source(%dma_start3A_844 : memref<1000000x64xf32, #tpu.memory_space<hbm>>) target(%dma_start3A_838 : memref<100x64xf32, #tpu.memory_space<vmem>>) offsets(%dma_start3A_841 : memref<100xi32, #tpu.memory_space<vmem>>) semaphore(%dma_start3A_846 : memref<!tpu.dma_semaphore, #tpu.memory_space<semaphore_mem>>)
      } else {
      }
      %dma_wait3A_277 = arith.constant 0 : i32
      %dma_wait3A_278 = arith.constant 2 : i32
      %dma_wait3A_279 = arith.constant 2 : i32
      %dma_wait3A_280 = arith.constant 0 : i32
      %dma_wait3A_281 = arith.constant 0 : i32
      %dma_wait3A_282 = tpu.memref_slice %arg6[%dma_wait3A_278, %dma_wait3A_280, %dma_wait3A_281] : memref<8x100x64xf32, #tpu.memory_space<vmem>> -> memref<1x100x64xf32, #tpu.memory_space<vmem>>
      %dma_wait3A_283 = tpu.memref_squeeze %dma_wait3A_282 : memref<1x100x64xf32, #tpu.memory_space<vmem>> -> memref<100x64xf32, #tpu.memory_space<vmem>>
      %dma_wait3A_284 = arith.constant 0 : i32
      %dma_wait3A_285 = tpu.memref_slice %arg5[%dma_wait3A_277, %dma_wait3A_284] : memref<64x100xi32, #tpu.memory_space<vmem>> -> memref<1x100xi32, #tpu.memory_space<vmem>>
      %dma_wait3A_286 = tpu.memref_squeeze %dma_wait3A_285 : memref<1x100xi32, #tpu.memory_space<vmem>> -> memref<100xi32, #tpu.memory_space<vmem>>
      %dma_wait3A_287 = arith.constant 0 : i32
      %dma_wait3A_288 = arith.constant 0 : i32
      %dma_wait3A_289 = tpu.memref_slice %arg3[%dma_wait3A_287, %dma_wait3A_288] : memref<1000000x64xf32, #tpu.memory_space<hbm>> -> memref<1000000x64xf32, #tpu.memory_space<hbm>>
      %dma_wait3A_290 = tpu.memref_slice %arg7[%dma_wait3A_279] : memref<8x!tpu.dma_semaphore, #tpu.memory_space<semaphore_mem>> -> memref<1x!tpu.dma_semaphore, #tpu.memory_space<semaphore_mem>>
      %dma_wait3A_291 = tpu.memref_squeeze %dma_wait3A_290 : memref<1x!tpu.dma_semaphore, #tpu.memory_space<semaphore_mem>> -> memref<!tpu.dma_semaphore, #tpu.memory_space<semaphore_mem>>
      tpu.wait_indirect_dma semaphore(%dma_wait3A_291 : memref<!tpu.dma_semaphore, #tpu.memory_space<semaphore_mem>>) src(%dma_wait3A_289 : memref<1000000x64xf32, #tpu.memory_space<hbm>>) dst(%dma_wait3A_283 : memref<100x64xf32, #tpu.memory_space<vmem>>)
      %add3A_292 = arith.addi %mul3A_2, %add3A_269 : i32
      %dma_start3A_293 = arith.constant 2 : i32
      %dma_start3A_294 = arith.constant 2 : i32
      %dma_start3A_295 = arith.constant 0 : i32
      %dma_start3A_296 = arith.constant 0 : i32
      %dma_start3A_297 = tpu.memref_slice %arg6[%dma_start3A_293, %dma_start3A_295, %dma_start3A_296] : memref<8x100x64xf32, #tpu.memory_space<vmem>> -> memref<1x100x64xf32, #tpu.memory_space<vmem>>
      %dma_start3A_298 = tpu.memref_squeeze %dma_start3A_297 : memref<1x100x64xf32, #tpu.memory_space<vmem>> -> memref<100x64xf32, #tpu.memory_space<vmem>>
      %dma_start3A_299 = arith.constant 0 : i32
      %dma_start3A_300 = arith.constant 0 : i32
      %dma_start3A_301 = tpu.memref_slice %arg4[%add3A_292, %dma_start3A_299, %dma_start3A_300] : memref<8192x100x64xf32, #tpu.memory_space<hbm>> -> memref<1x100x64xf32, #tpu.memory_space<hbm>>
      %dma_start3A_302 = tpu.memref_squeeze %dma_start3A_301 : memref<1x100x64xf32, #tpu.memory_space<hbm>> -> memref<100x64xf32, #tpu.memory_space<hbm>>
      %dma_start3A_303 = tpu.memref_slice %arg8[%dma_start3A_294] : memref<8x!tpu.dma_semaphore, #tpu.memory_space<semaphore_mem>> -> memref<1x!tpu.dma_semaphore, #tpu.memory_space<semaphore_mem>>
      %dma_start3A_304 = tpu.memref_squeeze %dma_start3A_303 : memref<1x!tpu.dma_semaphore, #tpu.memory_space<semaphore_mem>> -> memref<!tpu.dma_semaphore, #tpu.memory_space<semaphore_mem>>
      %dma_start3A_305 = arith.constant 0 : i32
      %dma_start3A_306 = arith.constant 0 : i32
      %dma_start3A_307 = tpu.memref_slice %arg4[%add3A_292, %dma_start3A_305, %dma_start3A_306] : memref<8192x100x64xf32, #tpu.memory_space<hbm>> -> memref<1x100x64xf32, #tpu.memory_space<hbm>>
      %dma_start3A_308 = tpu.memref_squeeze %dma_start3A_307 : memref<1x100x64xf32, #tpu.memory_space<hbm>> -> memref<100x64xf32, #tpu.memory_space<hbm>>
      %dma_start3A_309 = arith.constant 0 : i32
      %dma_start3A_310 = arith.constant 0 : i32
      %dma_start3A_311 = tpu.memref_slice %arg6[%dma_start3A_293, %dma_start3A_309, %dma_start3A_310] : memref<8x100x64xf32, #tpu.memory_space<vmem>> -> memref<1x100x64xf32, #tpu.memory_space<vmem>>
      %dma_start3A_312 = tpu.memref_squeeze %dma_start3A_311 : memref<1x100x64xf32, #tpu.memory_space<vmem>> -> memref<100x64xf32, #tpu.memory_space<vmem>>
      tpu.enqueue_dma source(%dma_start3A_312 : memref<100x64xf32, #tpu.memory_space<vmem>>) target(%dma_start3A_308 : memref<100x64xf32, #tpu.memory_space<hbm>>) target_semaphore(%dma_start3A_304 : memref<!tpu.dma_semaphore, #tpu.memory_space<semaphore_mem>>)
      %lt3A_313 = arith.constant 57 : i32
      %lt3A_314 = arith.cmpi slt, %rem3A_271, %lt3A_313 : i32
      %convert_element_type3A_315 = arith.extui %lt3A_314 : i1 to i32
      %cond3A_316 = arith.constant 0 : i32
      %cond3A_317 = arith.cmpi ne, %convert_element_type3A_315, %cond3A_316 : i32
      scf.if %cond3A_317 {
        %ge3A = arith.constant 1 : i32
        %ge3A_578 = arith.cmpi sge, %add3A_269, %ge3A : i32
        %convert_element_type3A_579 = arith.extui %ge3A_578 : i1 to i32
        %cond3A_580 = arith.constant 0 : i32
        %cond3A_581 = arith.cmpi ne, %convert_element_type3A_579, %cond3A_580 : i32
        scf.if %cond3A_581 {
          %dma_wait3A_611 = arith.constant 1 : i32
          %dma_wait3A_612 = arith.constant 1 : i32
          %dma_wait3A_613 = arith.constant 0 : i32
          %dma_wait3A_614 = arith.constant 0 : i32
          %dma_wait3A_615 = tpu.memref_slice %arg6[%dma_wait3A_611, %dma_wait3A_613, %dma_wait3A_614] : memref<8x100x64xf32, #tpu.memory_space<vmem>> -> memref<1x100x64xf32, #tpu.memory_space<vmem>>
          %dma_wait3A_616 = tpu.memref_squeeze %dma_wait3A_615 : memref<1x100x64xf32, #tpu.memory_space<vmem>> -> memref<100x64xf32, #tpu.memory_space<vmem>>
          %dma_wait3A_617 = arith.constant 0 : i32
          %dma_wait3A_618 = arith.constant 0 : i32
          %dma_wait3A_619 = tpu.memref_slice %arg4[%mul3A_2, %dma_wait3A_617, %dma_wait3A_618] : memref<8192x100x64xf32, #tpu.memory_space<hbm>> -> memref<1x100x64xf32, #tpu.memory_space<hbm>>
          %dma_wait3A_620 = tpu.memref_squeeze %dma_wait3A_619 : memref<1x100x64xf32, #tpu.memory_space<hbm>> -> memref<100x64xf32, #tpu.memory_space<hbm>>
          %dma_wait3A_621 = tpu.memref_slice %arg8[%dma_wait3A_612] : memref<8x!tpu.dma_semaphore, #tpu.memory_space<semaphore_mem>> -> memref<1x!tpu.dma_semaphore, #tpu.memory_space<semaphore_mem>>
          %dma_wait3A_622 = tpu.memref_squeeze %dma_wait3A_621 : memref<1x!tpu.dma_semaphore, #tpu.memory_space<semaphore_mem>> -> memref<!tpu.dma_semaphore, #tpu.memory_space<semaphore_mem>>
          %dma_wait3A_623 = arith.constant 0 : i32
          %dma_wait3A_624 = arith.constant 0 : i32
          %dma_wait3A_625 = tpu.memref_slice %arg4[%mul3A_2, %dma_wait3A_623, %dma_wait3A_624] : memref<8192x100x64xf32, #tpu.memory_space<hbm>> -> memref<1x100x64xf32, #tpu.memory_space<hbm>>
          %dma_wait3A_626 = tpu.memref_squeeze %dma_wait3A_625 : memref<1x100x64xf32, #tpu.memory_space<hbm>> -> memref<100x64xf32, #tpu.memory_space<hbm>>
          %dma_wait3A_627 = arith.constant 0 : i32
          %dma_wait3A_628 = arith.constant 0 : i32
          %dma_wait3A_629 = tpu.memref_slice %arg6[%dma_wait3A_611, %dma_wait3A_627, %dma_wait3A_628] : memref<8x100x64xf32, #tpu.memory_space<vmem>> -> memref<1x100x64xf32, #tpu.memory_space<vmem>>
          %dma_wait3A_630 = tpu.memref_squeeze %dma_wait3A_629 : memref<1x100x64xf32, #tpu.memory_space<vmem>> -> memref<100x64xf32, #tpu.memory_space<vmem>>
          tpu.wait_dma2 semaphore(%dma_wait3A_622 : memref<!tpu.dma_semaphore, #tpu.memory_space<semaphore_mem>>) src(%dma_wait3A_630 : memref<100x64xf32, #tpu.memory_space<vmem>>) dst(%dma_wait3A_626 : memref<100x64xf32, #tpu.memory_space<hbm>>)
        } else {
        }
        %add3A_582 = arith.constant 8 : i32
        %add3A_583 = arith.addi %add3A_269, %add3A_582 : i32
        %sub3A = arith.constant 1 : i32
        %sub3A_584 = arith.subi %add3A_583, %sub3A : i32
        %jit3A = arith.constant 64 : i32
        %eq3A_585 = arith.constant 0 : i32
        %eq3A_586 = arith.cmpi eq, %jit3A, %eq3A_585 : i32
        %jit3A_587 = arith.constant 1 : i32
        %select_n3A = arith.select %eq3A_586, %jit3A_587, %jit3A : i32
        %rem3A_588 = arith.remsi %sub3A_584, %select_n3A : i32
        %ne3A = arith.constant 0 : i32
        %ne3A_589 = arith.cmpi ne, %rem3A_588, %ne3A : i32
        %lt3A_590 = arith.constant 0 : i32
        %lt3A_591 = arith.cmpi slt, %rem3A_588, %lt3A_590 : i32
        %lt3A_592 = arith.constant 0 : i32
        %lt3A_593 = arith.cmpi slt, %select_n3A, %lt3A_592 : i32
        %ne3A_594 = arith.xori %lt3A_591, %lt3A_593 : i1
        %and3A = arith.andi %ne3A_594, %ne3A_589 : i1
        %add3A_595 = arith.addi %rem3A_588, %select_n3A : i32
        %select_n3A_596 = arith.select %and3A, %add3A_595, %rem3A_588 : i32
        %dma_start3A_597 = arith.constant 1 : i32
        %dma_start3A_598 = arith.constant 1 : i32
        %dma_start3A_599 = arith.constant 0 : i32
        %dma_start3A_600 = arith.constant 0 : i32
        %dma_start3A_601 = tpu.memref_slice %arg6[%dma_start3A_597, %dma_start3A_599, %dma_start3A_600] : memref<8x100x64xf32, #tpu.memory_space<vmem>> -> memref<1x100x64xf32, #tpu.memory_space<vmem>>
        %dma_start3A_602 = tpu.memref_squeeze %dma_start3A_601 : memref<1x100x64xf32, #tpu.memory_space<vmem>> -> memref<100x64xf32, #tpu.memory_space<vmem>>
        %dma_start3A_603 = arith.constant 0 : i32
        %dma_start3A_604 = tpu.memref_slice %arg5[%select_n3A_596, %dma_start3A_603] : memref<64x100xi32, #tpu.memory_space<vmem>> -> memref<1x100xi32, #tpu.memory_space<vmem>>
        %dma_start3A_605 = tpu.memref_squeeze %dma_start3A_604 : memref<1x100xi32, #tpu.memory_space<vmem>> -> memref<100xi32, #tpu.memory_space<vmem>>
        %dma_start3A_606 = arith.constant 0 : i32
        %dma_start3A_607 = arith.constant 0 : i32
        %dma_start3A_608 = tpu.memref_slice %arg3[%dma_start3A_606, %dma_start3A_607] : memref<1000000x64xf32, #tpu.memory_space<hbm>> -> memref<1000000x64xf32, #tpu.memory_space<hbm>>
        %dma_start3A_609 = tpu.memref_slice %arg7[%dma_start3A_598] : memref<8x!tpu.dma_semaphore, #tpu.memory_space<semaphore_mem>> -> memref<1x!tpu.dma_semaphore, #tpu.memory_space<semaphore_mem>>
        %dma_start3A_610 = tpu.memref_squeeze %dma_start3A_609 : memref<1x!tpu.dma_semaphore, #tpu.memory_space<semaphore_mem>> -> memref<!tpu.dma_semaphore, #tpu.memory_space<semaphore_mem>>
        tpu.enqueue_indirect_dma source(%dma_start3A_608 : memref<1000000x64xf32, #tpu.memory_space<hbm>>) target(%dma_start3A_602 : memref<100x64xf32, #tpu.memory_space<vmem>>) offsets(%dma_start3A_605 : memref<100xi32, #tpu.memory_space<vmem>>) semaphore(%dma_start3A_610 : memref<!tpu.dma_semaphore, #tpu.memory_space<semaphore_mem>>)
      } else {
      }
      %mul3A_318 = arith.constant 8 : i32
      %mul3A_319 = arith.muli %mul3A_318, %scan3A_167 : i32
      %add3A_320 = arith.constant 3 : i32
      %add3A_321 = arith.addi %mul3A_319, %add3A_320 : i32
      %rem3A_322 = arith.constant 64 : i32
      %rem3A_323 = arith.remsi %add3A_321, %rem3A_322 : i32
      %eq3A_324 = arith.constant 0 : i32
      %eq3A_325 = arith.cmpi eq, %rem3A_323, %eq3A_324 : i32
      %convert_element_type3A_326 = arith.extui %eq3A_325 : i1 to i32
      %cond3A_327 = arith.constant 0 : i32
      %cond3A_328 = arith.cmpi ne, %convert_element_type3A_326, %cond3A_327 : i32
      scf.if %cond3A_328 {
        %add3A_578 = arith.addi %mul3A_2, %add3A_321 : i32
        %multiple_of3A = tpu.assume_multiple %add3A_578, 64 : i32
        "tpu.region"() ({
          %run_scoped3A = tpu.sem_alloc : memref<!tpu.dma_semaphore, #tpu.memory_space<semaphore_mem>>
          %dma_start3A_847 = arith.constant 0 : i32
          %dma_start3A_848 = tpu.memref_slice %arg2[%multiple_of3A, %dma_start3A_847] : memref<8192x100xi32, #tpu.memory_space<hbm>> -> memref<64x100xi32, #tpu.memory_space<hbm>>
          %dma_start3A_849 = arith.constant 0 : i32
          %dma_start3A_850 = tpu.memref_slice %arg2[%multiple_of3A, %dma_start3A_849] : memref<8192x100xi32, #tpu.memory_space<hbm>> -> memref<64x100xi32, #tpu.memory_space<hbm>>
          tpu.enqueue_dma source(%dma_start3A_850 : memref<64x100xi32, #tpu.memory_space<hbm>>) target(%arg5 : memref<64x100xi32, #tpu.memory_space<vmem>>) target_semaphore(%run_scoped3A : memref<!tpu.dma_semaphore, #tpu.memory_space<semaphore_mem>>)
          %dma_wait3A_851 = arith.constant 0 : i32
          %dma_wait3A_852 = tpu.memref_slice %arg2[%multiple_of3A, %dma_wait3A_851] : memref<8192x100xi32, #tpu.memory_space<hbm>> -> memref<64x100xi32, #tpu.memory_space<hbm>>
          %dma_wait3A_853 = arith.constant 0 : i32
          %dma_wait3A_854 = tpu.memref_slice %arg2[%multiple_of3A, %dma_wait3A_853] : memref<8192x100xi32, #tpu.memory_space<hbm>> -> memref<64x100xi32, #tpu.memory_space<hbm>>
          tpu.wait_dma2 semaphore(%run_scoped3A : memref<!tpu.dma_semaphore, #tpu.memory_space<semaphore_mem>>) src(%dma_wait3A_854 : memref<64x100xi32, #tpu.memory_space<hbm>>) dst(%arg5 : memref<64x100xi32, #tpu.memory_space<vmem>>)
          tpu.yield
        }) : () -> ()
        %add3A_579 = arith.constant 0 : i32
        %add3A_580 = arith.addi %add3A_321, %add3A_579 : i32
        %ge3A = arith.constant 8 : i32
        %ge3A_581 = arith.cmpi sge, %add3A_580, %ge3A : i32
        %convert_element_type3A_582 = arith.extui %ge3A_581 : i1 to i32
        %cond3A_583 = arith.constant 0 : i32
        %cond3A_584 = arith.cmpi ne, %convert_element_type3A_582, %cond3A_583 : i32
        scf.if %cond3A_584 {
          %dma_wait3A_847 = arith.constant 3 : i32
          %dma_wait3A_848 = arith.constant 3 : i32
          %dma_wait3A_849 = arith.constant 0 : i32
          %dma_wait3A_850 = arith.constant 0 : i32
          %dma_wait3A_851 = tpu.memref_slice %arg6[%dma_wait3A_847, %dma_wait3A_849, %dma_wait3A_850] : memref<8x100x64xf32, #tpu.memory_space<vmem>> -> memref<1x100x64xf32, #tpu.memory_space<vmem>>
          %dma_wait3A_852 = tpu.memref_squeeze %dma_wait3A_851 : memref<1x100x64xf32, #tpu.memory_space<vmem>> -> memref<100x64xf32, #tpu.memory_space<vmem>>
          %dma_wait3A_853 = arith.constant 0 : i32
          %dma_wait3A_854 = arith.constant 0 : i32
          %dma_wait3A_855 = tpu.memref_slice %arg4[%mul3A_2, %dma_wait3A_853, %dma_wait3A_854] : memref<8192x100x64xf32, #tpu.memory_space<hbm>> -> memref<1x100x64xf32, #tpu.memory_space<hbm>>
          %dma_wait3A_856 = tpu.memref_squeeze %dma_wait3A_855 : memref<1x100x64xf32, #tpu.memory_space<hbm>> -> memref<100x64xf32, #tpu.memory_space<hbm>>
          %dma_wait3A_857 = tpu.memref_slice %arg8[%dma_wait3A_848] : memref<8x!tpu.dma_semaphore, #tpu.memory_space<semaphore_mem>> -> memref<1x!tpu.dma_semaphore, #tpu.memory_space<semaphore_mem>>
          %dma_wait3A_858 = tpu.memref_squeeze %dma_wait3A_857 : memref<1x!tpu.dma_semaphore, #tpu.memory_space<semaphore_mem>> -> memref<!tpu.dma_semaphore, #tpu.memory_space<semaphore_mem>>
          %dma_wait3A_859 = arith.constant 0 : i32
          %dma_wait3A_860 = arith.constant 0 : i32
          %dma_wait3A_861 = tpu.memref_slice %arg4[%mul3A_2, %dma_wait3A_859, %dma_wait3A_860] : memref<8192x100x64xf32, #tpu.memory_space<hbm>> -> memref<1x100x64xf32, #tpu.memory_space<hbm>>
          %dma_wait3A_862 = tpu.memref_squeeze %dma_wait3A_861 : memref<1x100x64xf32, #tpu.memory_space<hbm>> -> memref<100x64xf32, #tpu.memory_space<hbm>>
          %dma_wait3A_863 = arith.constant 0 : i32
          %dma_wait3A_864 = arith.constant 0 : i32
          %dma_wait3A_865 = tpu.memref_slice %arg6[%dma_wait3A_847, %dma_wait3A_863, %dma_wait3A_864] : memref<8x100x64xf32, #tpu.memory_space<vmem>> -> memref<1x100x64xf32, #tpu.memory_space<vmem>>
          %dma_wait3A_866 = tpu.memref_squeeze %dma_wait3A_865 : memref<1x100x64xf32, #tpu.memory_space<vmem>> -> memref<100x64xf32, #tpu.memory_space<vmem>>
          tpu.wait_dma2 semaphore(%dma_wait3A_858 : memref<!tpu.dma_semaphore, #tpu.memory_space<semaphore_mem>>) src(%dma_wait3A_866 : memref<100x64xf32, #tpu.memory_space<vmem>>) dst(%dma_wait3A_862 : memref<100x64xf32, #tpu.memory_space<hbm>>)
        } else {
        }
        %add3A_585 = arith.constant 0 : i32
        %add3A_586 = arith.addi %add3A_321, %add3A_585 : i32
        %jit3A = arith.constant 64 : i32
        %eq3A_587 = arith.constant 0 : i32
        %eq3A_588 = arith.cmpi eq, %jit3A, %eq3A_587 : i32
        %jit3A_589 = arith.constant 1 : i32
        %select_n3A = arith.select %eq3A_588, %jit3A_589, %jit3A : i32
        %rem3A_590 = arith.remsi %add3A_586, %select_n3A : i32
        %ne3A = arith.constant 0 : i32
        %ne3A_591 = arith.cmpi ne, %rem3A_590, %ne3A : i32
        %lt3A_592 = arith.constant 0 : i32
        %lt3A_593 = arith.cmpi slt, %rem3A_590, %lt3A_592 : i32
        %lt3A_594 = arith.constant 0 : i32
        %lt3A_595 = arith.cmpi slt, %select_n3A, %lt3A_594 : i32
        %ne3A_596 = arith.xori %lt3A_593, %lt3A_595 : i1
        %and3A = arith.andi %ne3A_596, %ne3A_591 : i1
        %add3A_597 = arith.addi %rem3A_590, %select_n3A : i32
        %select_n3A_598 = arith.select %and3A, %add3A_597, %rem3A_590 : i32
        %dma_start3A_599 = arith.constant 3 : i32
        %dma_start3A_600 = arith.constant 3 : i32
        %dma_start3A_601 = arith.constant 0 : i32
        %dma_start3A_602 = arith.constant 0 : i32
        %dma_start3A_603 = tpu.memref_slice %arg6[%dma_start3A_599, %dma_start3A_601, %dma_start3A_602] : memref<8x100x64xf32, #tpu.memory_space<vmem>> -> memref<1x100x64xf32, #tpu.memory_space<vmem>>
        %dma_start3A_604 = tpu.memref_squeeze %dma_start3A_603 : memref<1x100x64xf32, #tpu.memory_space<vmem>> -> memref<100x64xf32, #tpu.memory_space<vmem>>
        %dma_start3A_605 = arith.constant 0 : i32
        %dma_start3A_606 = tpu.memref_slice %arg5[%select_n3A_598, %dma_start3A_605] : memref<64x100xi32, #tpu.memory_space<vmem>> -> memref<1x100xi32, #tpu.memory_space<vmem>>
        %dma_start3A_607 = tpu.memref_squeeze %dma_start3A_606 : memref<1x100xi32, #tpu.memory_space<vmem>> -> memref<100xi32, #tpu.memory_space<vmem>>
        %dma_start3A_608 = arith.constant 0 : i32
        %dma_start3A_609 = arith.constant 0 : i32
        %dma_start3A_610 = tpu.memref_slice %arg3[%dma_start3A_608, %dma_start3A_609] : memref<1000000x64xf32, #tpu.memory_space<hbm>> -> memref<1000000x64xf32, #tpu.memory_space<hbm>>
        %dma_start3A_611 = tpu.memref_slice %arg7[%dma_start3A_600] : memref<8x!tpu.dma_semaphore, #tpu.memory_space<semaphore_mem>> -> memref<1x!tpu.dma_semaphore, #tpu.memory_space<semaphore_mem>>
        %dma_start3A_612 = tpu.memref_squeeze %dma_start3A_611 : memref<1x!tpu.dma_semaphore, #tpu.memory_space<semaphore_mem>> -> memref<!tpu.dma_semaphore, #tpu.memory_space<semaphore_mem>>
        tpu.enqueue_indirect_dma source(%dma_start3A_610 : memref<1000000x64xf32, #tpu.memory_space<hbm>>) target(%dma_start3A_604 : memref<100x64xf32, #tpu.memory_space<vmem>>) offsets(%dma_start3A_607 : memref<100xi32, #tpu.memory_space<vmem>>) semaphore(%dma_start3A_612 : memref<!tpu.dma_semaphore, #tpu.memory_space<semaphore_mem>>)
        %add3A_613 = arith.constant 1 : i32
        %add3A_614 = arith.addi %add3A_321, %add3A_613 : i32
        %ge3A_615 = arith.constant 8 : i32
        %ge3A_616 = arith.cmpi sge, %add3A_614, %ge3A_615 : i32
        %convert_element_type3A_617 = arith.extui %ge3A_616 : i1 to i32
        %cond3A_618 = arith.constant 0 : i32
        %cond3A_619 = arith.cmpi ne, %convert_element_type3A_617, %cond3A_618 : i32
        scf.if %cond3A_619 {
          %dma_wait3A_847 = arith.constant 4 : i32
          %dma_wait3A_848 = arith.constant 4 : i32
          %dma_wait3A_849 = arith.constant 0 : i32
          %dma_wait3A_850 = arith.constant 0 : i32
          %dma_wait3A_851 = tpu.memref_slice %arg6[%dma_wait3A_847, %dma_wait3A_849, %dma_wait3A_850] : memref<8x100x64xf32, #tpu.memory_space<vmem>> -> memref<1x100x64xf32, #tpu.memory_space<vmem>>
          %dma_wait3A_852 = tpu.memref_squeeze %dma_wait3A_851 : memref<1x100x64xf32, #tpu.memory_space<vmem>> -> memref<100x64xf32, #tpu.memory_space<vmem>>
          %dma_wait3A_853 = arith.constant 0 : i32
          %dma_wait3A_854 = arith.constant 0 : i32
          %dma_wait3A_855 = tpu.memref_slice %arg4[%mul3A_2, %dma_wait3A_853, %dma_wait3A_854] : memref<8192x100x64xf32, #tpu.memory_space<hbm>> -> memref<1x100x64xf32, #tpu.memory_space<hbm>>
          %dma_wait3A_856 = tpu.memref_squeeze %dma_wait3A_855 : memref<1x100x64xf32, #tpu.memory_space<hbm>> -> memref<100x64xf32, #tpu.memory_space<hbm>>
          %dma_wait3A_857 = tpu.memref_slice %arg8[%dma_wait3A_848] : memref<8x!tpu.dma_semaphore, #tpu.memory_space<semaphore_mem>> -> memref<1x!tpu.dma_semaphore, #tpu.memory_space<semaphore_mem>>
          %dma_wait3A_858 = tpu.memref_squeeze %dma_wait3A_857 : memref<1x!tpu.dma_semaphore, #tpu.memory_space<semaphore_mem>> -> memref<!tpu.dma_semaphore, #tpu.memory_space<semaphore_mem>>
          %dma_wait3A_859 = arith.constant 0 : i32
          %dma_wait3A_860 = arith.constant 0 : i32
          %dma_wait3A_861 = tpu.memref_slice %arg4[%mul3A_2, %dma_wait3A_859, %dma_wait3A_860] : memref<8192x100x64xf32, #tpu.memory_space<hbm>> -> memref<1x100x64xf32, #tpu.memory_space<hbm>>
          %dma_wait3A_862 = tpu.memref_squeeze %dma_wait3A_861 : memref<1x100x64xf32, #tpu.memory_space<hbm>> -> memref<100x64xf32, #tpu.memory_space<hbm>>
          %dma_wait3A_863 = arith.constant 0 : i32
          %dma_wait3A_864 = arith.constant 0 : i32
          %dma_wait3A_865 = tpu.memref_slice %arg6[%dma_wait3A_847, %dma_wait3A_863, %dma_wait3A_864] : memref<8x100x64xf32, #tpu.memory_space<vmem>> -> memref<1x100x64xf32, #tpu.memory_space<vmem>>
          %dma_wait3A_866 = tpu.memref_squeeze %dma_wait3A_865 : memref<1x100x64xf32, #tpu.memory_space<vmem>> -> memref<100x64xf32, #tpu.memory_space<vmem>>
          tpu.wait_dma2 semaphore(%dma_wait3A_858 : memref<!tpu.dma_semaphore, #tpu.memory_space<semaphore_mem>>) src(%dma_wait3A_866 : memref<100x64xf32, #tpu.memory_space<vmem>>) dst(%dma_wait3A_862 : memref<100x64xf32, #tpu.memory_space<hbm>>)
        } else {
        }
        %add3A_620 = arith.constant 1 : i32
        %add3A_621 = arith.addi %add3A_321, %add3A_620 : i32
        %jit3A_622 = arith.constant 64 : i32
        %eq3A_623 = arith.constant 0 : i32
        %eq3A_624 = arith.cmpi eq, %jit3A_622, %eq3A_623 : i32
        %jit3A_625 = arith.constant 1 : i32
        %select_n3A_626 = arith.select %eq3A_624, %jit3A_625, %jit3A_622 : i32
        %rem3A_627 = arith.remsi %add3A_621, %select_n3A_626 : i32
        %ne3A_628 = arith.constant 0 : i32
        %ne3A_629 = arith.cmpi ne, %rem3A_627, %ne3A_628 : i32
        %lt3A_630 = arith.constant 0 : i32
        %lt3A_631 = arith.cmpi slt, %rem3A_627, %lt3A_630 : i32
        %lt3A_632 = arith.constant 0 : i32
        %lt3A_633 = arith.cmpi slt, %select_n3A_626, %lt3A_632 : i32
        %ne3A_634 = arith.xori %lt3A_631, %lt3A_633 : i1
        %and3A_635 = arith.andi %ne3A_634, %ne3A_629 : i1
        %add3A_636 = arith.addi %rem3A_627, %select_n3A_626 : i32
        %select_n3A_637 = arith.select %and3A_635, %add3A_636, %rem3A_627 : i32
        %dma_start3A_638 = arith.constant 4 : i32
        %dma_start3A_639 = arith.constant 4 : i32
        %dma_start3A_640 = arith.constant 0 : i32
        %dma_start3A_641 = arith.constant 0 : i32
        %dma_start3A_642 = tpu.memref_slice %arg6[%dma_start3A_638, %dma_start3A_640, %dma_start3A_641] : memref<8x100x64xf32, #tpu.memory_space<vmem>> -> memref<1x100x64xf32, #tpu.memory_space<vmem>>
        %dma_start3A_643 = tpu.memref_squeeze %dma_start3A_642 : memref<1x100x64xf32, #tpu.memory_space<vmem>> -> memref<100x64xf32, #tpu.memory_space<vmem>>
        %dma_start3A_644 = arith.constant 0 : i32
        %dma_start3A_645 = tpu.memref_slice %arg5[%select_n3A_637, %dma_start3A_644] : memref<64x100xi32, #tpu.memory_space<vmem>> -> memref<1x100xi32, #tpu.memory_space<vmem>>
        %dma_start3A_646 = tpu.memref_squeeze %dma_start3A_645 : memref<1x100xi32, #tpu.memory_space<vmem>> -> memref<100xi32, #tpu.memory_space<vmem>>
        %dma_start3A_647 = arith.constant 0 : i32
        %dma_start3A_648 = arith.constant 0 : i32
        %dma_start3A_649 = tpu.memref_slice %arg3[%dma_start3A_647, %dma_start3A_648] : memref<1000000x64xf32, #tpu.memory_space<hbm>> -> memref<1000000x64xf32, #tpu.memory_space<hbm>>
        %dma_start3A_650 = tpu.memref_slice %arg7[%dma_start3A_639] : memref<8x!tpu.dma_semaphore, #tpu.memory_space<semaphore_mem>> -> memref<1x!tpu.dma_semaphore, #tpu.memory_space<semaphore_mem>>
        %dma_start3A_651 = tpu.memref_squeeze %dma_start3A_650 : memref<1x!tpu.dma_semaphore, #tpu.memory_space<semaphore_mem>> -> memref<!tpu.dma_semaphore, #tpu.memory_space<semaphore_mem>>
        tpu.enqueue_indirect_dma source(%dma_start3A_649 : memref<1000000x64xf32, #tpu.memory_space<hbm>>) target(%dma_start3A_643 : memref<100x64xf32, #tpu.memory_space<vmem>>) offsets(%dma_start3A_646 : memref<100xi32, #tpu.memory_space<vmem>>) semaphore(%dma_start3A_651 : memref<!tpu.dma_semaphore, #tpu.memory_space<semaphore_mem>>)
        %add3A_652 = arith.constant 2 : i32
        %add3A_653 = arith.addi %add3A_321, %add3A_652 : i32
        %ge3A_654 = arith.constant 8 : i32
        %ge3A_655 = arith.cmpi sge, %add3A_653, %ge3A_654 : i32
        %convert_element_type3A_656 = arith.extui %ge3A_655 : i1 to i32
        %cond3A_657 = arith.constant 0 : i32
        %cond3A_658 = arith.cmpi ne, %convert_element_type3A_656, %cond3A_657 : i32
        scf.if %cond3A_658 {
          %dma_wait3A_847 = arith.constant 5 : i32
          %dma_wait3A_848 = arith.constant 5 : i32
          %dma_wait3A_849 = arith.constant 0 : i32
          %dma_wait3A_850 = arith.constant 0 : i32
          %dma_wait3A_851 = tpu.memref_slice %arg6[%dma_wait3A_847, %dma_wait3A_849, %dma_wait3A_850] : memref<8x100x64xf32, #tpu.memory_space<vmem>> -> memref<1x100x64xf32, #tpu.memory_space<vmem>>
          %dma_wait3A_852 = tpu.memref_squeeze %dma_wait3A_851 : memref<1x100x64xf32, #tpu.memory_space<vmem>> -> memref<100x64xf32, #tpu.memory_space<vmem>>
          %dma_wait3A_853 = arith.constant 0 : i32
          %dma_wait3A_854 = arith.constant 0 : i32
          %dma_wait3A_855 = tpu.memref_slice %arg4[%mul3A_2, %dma_wait3A_853, %dma_wait3A_854] : memref<8192x100x64xf32, #tpu.memory_space<hbm>> -> memref<1x100x64xf32, #tpu.memory_space<hbm>>
          %dma_wait3A_856 = tpu.memref_squeeze %dma_wait3A_855 : memref<1x100x64xf32, #tpu.memory_space<hbm>> -> memref<100x64xf32, #tpu.memory_space<hbm>>
          %dma_wait3A_857 = tpu.memref_slice %arg8[%dma_wait3A_848] : memref<8x!tpu.dma_semaphore, #tpu.memory_space<semaphore_mem>> -> memref<1x!tpu.dma_semaphore, #tpu.memory_space<semaphore_mem>>
          %dma_wait3A_858 = tpu.memref_squeeze %dma_wait3A_857 : memref<1x!tpu.dma_semaphore, #tpu.memory_space<semaphore_mem>> -> memref<!tpu.dma_semaphore, #tpu.memory_space<semaphore_mem>>
          %dma_wait3A_859 = arith.constant 0 : i32
          %dma_wait3A_860 = arith.constant 0 : i32
          %dma_wait3A_861 = tpu.memref_slice %arg4[%mul3A_2, %dma_wait3A_859, %dma_wait3A_860] : memref<8192x100x64xf32, #tpu.memory_space<hbm>> -> memref<1x100x64xf32, #tpu.memory_space<hbm>>
          %dma_wait3A_862 = tpu.memref_squeeze %dma_wait3A_861 : memref<1x100x64xf32, #tpu.memory_space<hbm>> -> memref<100x64xf32, #tpu.memory_space<hbm>>
          %dma_wait3A_863 = arith.constant 0 : i32
          %dma_wait3A_864 = arith.constant 0 : i32
          %dma_wait3A_865 = tpu.memref_slice %arg6[%dma_wait3A_847, %dma_wait3A_863, %dma_wait3A_864] : memref<8x100x64xf32, #tpu.memory_space<vmem>> -> memref<1x100x64xf32, #tpu.memory_space<vmem>>
          %dma_wait3A_866 = tpu.memref_squeeze %dma_wait3A_865 : memref<1x100x64xf32, #tpu.memory_space<vmem>> -> memref<100x64xf32, #tpu.memory_space<vmem>>
          tpu.wait_dma2 semaphore(%dma_wait3A_858 : memref<!tpu.dma_semaphore, #tpu.memory_space<semaphore_mem>>) src(%dma_wait3A_866 : memref<100x64xf32, #tpu.memory_space<vmem>>) dst(%dma_wait3A_862 : memref<100x64xf32, #tpu.memory_space<hbm>>)
        } else {
        }
        %add3A_659 = arith.constant 2 : i32
        %add3A_660 = arith.addi %add3A_321, %add3A_659 : i32
        %jit3A_661 = arith.constant 64 : i32
        %eq3A_662 = arith.constant 0 : i32
        %eq3A_663 = arith.cmpi eq, %jit3A_661, %eq3A_662 : i32
        %jit3A_664 = arith.constant 1 : i32
        %select_n3A_665 = arith.select %eq3A_663, %jit3A_664, %jit3A_661 : i32
        %rem3A_666 = arith.remsi %add3A_660, %select_n3A_665 : i32
        %ne3A_667 = arith.constant 0 : i32
        %ne3A_668 = arith.cmpi ne, %rem3A_666, %ne3A_667 : i32
        %lt3A_669 = arith.constant 0 : i32
        %lt3A_670 = arith.cmpi slt, %rem3A_666, %lt3A_669 : i32
        %lt3A_671 = arith.constant 0 : i32
        %lt3A_672 = arith.cmpi slt, %select_n3A_665, %lt3A_671 : i32
        %ne3A_673 = arith.xori %lt3A_670, %lt3A_672 : i1
        %and3A_674 = arith.andi %ne3A_673, %ne3A_668 : i1
        %add3A_675 = arith.addi %rem3A_666, %select_n3A_665 : i32
        %select_n3A_676 = arith.select %and3A_674, %add3A_675, %rem3A_666 : i32
        %dma_start3A_677 = arith.constant 5 : i32
        %dma_start3A_678 = arith.constant 5 : i32
        %dma_start3A_679 = arith.constant 0 : i32
        %dma_start3A_680 = arith.constant 0 : i32
        %dma_start3A_681 = tpu.memref_slice %arg6[%dma_start3A_677, %dma_start3A_679, %dma_start3A_680] : memref<8x100x64xf32, #tpu.memory_space<vmem>> -> memref<1x100x64xf32, #tpu.memory_space<vmem>>
        %dma_start3A_682 = tpu.memref_squeeze %dma_start3A_681 : memref<1x100x64xf32, #tpu.memory_space<vmem>> -> memref<100x64xf32, #tpu.memory_space<vmem>>
        %dma_start3A_683 = arith.constant 0 : i32
        %dma_start3A_684 = tpu.memref_slice %arg5[%select_n3A_676, %dma_start3A_683] : memref<64x100xi32, #tpu.memory_space<vmem>> -> memref<1x100xi32, #tpu.memory_space<vmem>>
        %dma_start3A_685 = tpu.memref_squeeze %dma_start3A_684 : memref<1x100xi32, #tpu.memory_space<vmem>> -> memref<100xi32, #tpu.memory_space<vmem>>
        %dma_start3A_686 = arith.constant 0 : i32
        %dma_start3A_687 = arith.constant 0 : i32
        %dma_start3A_688 = tpu.memref_slice %arg3[%dma_start3A_686, %dma_start3A_687] : memref<1000000x64xf32, #tpu.memory_space<hbm>> -> memref<1000000x64xf32, #tpu.memory_space<hbm>>
        %dma_start3A_689 = tpu.memref_slice %arg7[%dma_start3A_678] : memref<8x!tpu.dma_semaphore, #tpu.memory_space<semaphore_mem>> -> memref<1x!tpu.dma_semaphore, #tpu.memory_space<semaphore_mem>>
        %dma_start3A_690 = tpu.memref_squeeze %dma_start3A_689 : memref<1x!tpu.dma_semaphore, #tpu.memory_space<semaphore_mem>> -> memref<!tpu.dma_semaphore, #tpu.memory_space<semaphore_mem>>
        tpu.enqueue_indirect_dma source(%dma_start3A_688 : memref<1000000x64xf32, #tpu.memory_space<hbm>>) target(%dma_start3A_682 : memref<100x64xf32, #tpu.memory_space<vmem>>) offsets(%dma_start3A_685 : memref<100xi32, #tpu.memory_space<vmem>>) semaphore(%dma_start3A_690 : memref<!tpu.dma_semaphore, #tpu.memory_space<semaphore_mem>>)
        %add3A_691 = arith.constant 3 : i32
        %add3A_692 = arith.addi %add3A_321, %add3A_691 : i32
        %ge3A_693 = arith.constant 8 : i32
        %ge3A_694 = arith.cmpi sge, %add3A_692, %ge3A_693 : i32
        %convert_element_type3A_695 = arith.extui %ge3A_694 : i1 to i32
        %cond3A_696 = arith.constant 0 : i32
        %cond3A_697 = arith.cmpi ne, %convert_element_type3A_695, %cond3A_696 : i32
        scf.if %cond3A_697 {
          %dma_wait3A_847 = arith.constant 6 : i32
          %dma_wait3A_848 = arith.constant 6 : i32
          %dma_wait3A_849 = arith.constant 0 : i32
          %dma_wait3A_850 = arith.constant 0 : i32
          %dma_wait3A_851 = tpu.memref_slice %arg6[%dma_wait3A_847, %dma_wait3A_849, %dma_wait3A_850] : memref<8x100x64xf32, #tpu.memory_space<vmem>> -> memref<1x100x64xf32, #tpu.memory_space<vmem>>
          %dma_wait3A_852 = tpu.memref_squeeze %dma_wait3A_851 : memref<1x100x64xf32, #tpu.memory_space<vmem>> -> memref<100x64xf32, #tpu.memory_space<vmem>>
          %dma_wait3A_853 = arith.constant 0 : i32
          %dma_wait3A_854 = arith.constant 0 : i32
          %dma_wait3A_855 = tpu.memref_slice %arg4[%mul3A_2, %dma_wait3A_853, %dma_wait3A_854] : memref<8192x100x64xf32, #tpu.memory_space<hbm>> -> memref<1x100x64xf32, #tpu.memory_space<hbm>>
          %dma_wait3A_856 = tpu.memref_squeeze %dma_wait3A_855 : memref<1x100x64xf32, #tpu.memory_space<hbm>> -> memref<100x64xf32, #tpu.memory_space<hbm>>
          %dma_wait3A_857 = tpu.memref_slice %arg8[%dma_wait3A_848] : memref<8x!tpu.dma_semaphore, #tpu.memory_space<semaphore_mem>> -> memref<1x!tpu.dma_semaphore, #tpu.memory_space<semaphore_mem>>
          %dma_wait3A_858 = tpu.memref_squeeze %dma_wait3A_857 : memref<1x!tpu.dma_semaphore, #tpu.memory_space<semaphore_mem>> -> memref<!tpu.dma_semaphore, #tpu.memory_space<semaphore_mem>>
          %dma_wait3A_859 = arith.constant 0 : i32
          %dma_wait3A_860 = arith.constant 0 : i32
          %dma_wait3A_861 = tpu.memref_slice %arg4[%mul3A_2, %dma_wait3A_859, %dma_wait3A_860] : memref<8192x100x64xf32, #tpu.memory_space<hbm>> -> memref<1x100x64xf32, #tpu.memory_space<hbm>>
          %dma_wait3A_862 = tpu.memref_squeeze %dma_wait3A_861 : memref<1x100x64xf32, #tpu.memory_space<hbm>> -> memref<100x64xf32, #tpu.memory_space<hbm>>
          %dma_wait3A_863 = arith.constant 0 : i32
          %dma_wait3A_864 = arith.constant 0 : i32
          %dma_wait3A_865 = tpu.memref_slice %arg6[%dma_wait3A_847, %dma_wait3A_863, %dma_wait3A_864] : memref<8x100x64xf32, #tpu.memory_space<vmem>> -> memref<1x100x64xf32, #tpu.memory_space<vmem>>
          %dma_wait3A_866 = tpu.memref_squeeze %dma_wait3A_865 : memref<1x100x64xf32, #tpu.memory_space<vmem>> -> memref<100x64xf32, #tpu.memory_space<vmem>>
          tpu.wait_dma2 semaphore(%dma_wait3A_858 : memref<!tpu.dma_semaphore, #tpu.memory_space<semaphore_mem>>) src(%dma_wait3A_866 : memref<100x64xf32, #tpu.memory_space<vmem>>) dst(%dma_wait3A_862 : memref<100x64xf32, #tpu.memory_space<hbm>>)
        } else {
        }
        %add3A_698 = arith.constant 3 : i32
        %add3A_699 = arith.addi %add3A_321, %add3A_698 : i32
        %jit3A_700 = arith.constant 64 : i32
        %eq3A_701 = arith.constant 0 : i32
        %eq3A_702 = arith.cmpi eq, %jit3A_700, %eq3A_701 : i32
        %jit3A_703 = arith.constant 1 : i32
        %select_n3A_704 = arith.select %eq3A_702, %jit3A_703, %jit3A_700 : i32
        %rem3A_705 = arith.remsi %add3A_699, %select_n3A_704 : i32
        %ne3A_706 = arith.constant 0 : i32
        %ne3A_707 = arith.cmpi ne, %rem3A_705, %ne3A_706 : i32
        %lt3A_708 = arith.constant 0 : i32
        %lt3A_709 = arith.cmpi slt, %rem3A_705, %lt3A_708 : i32
        %lt3A_710 = arith.constant 0 : i32
        %lt3A_711 = arith.cmpi slt, %select_n3A_704, %lt3A_710 : i32
        %ne3A_712 = arith.xori %lt3A_709, %lt3A_711 : i1
        %and3A_713 = arith.andi %ne3A_712, %ne3A_707 : i1
        %add3A_714 = arith.addi %rem3A_705, %select_n3A_704 : i32
        %select_n3A_715 = arith.select %and3A_713, %add3A_714, %rem3A_705 : i32
        %dma_start3A_716 = arith.constant 6 : i32
        %dma_start3A_717 = arith.constant 6 : i32
        %dma_start3A_718 = arith.constant 0 : i32
        %dma_start3A_719 = arith.constant 0 : i32
        %dma_start3A_720 = tpu.memref_slice %arg6[%dma_start3A_716, %dma_start3A_718, %dma_start3A_719] : memref<8x100x64xf32, #tpu.memory_space<vmem>> -> memref<1x100x64xf32, #tpu.memory_space<vmem>>
        %dma_start3A_721 = tpu.memref_squeeze %dma_start3A_720 : memref<1x100x64xf32, #tpu.memory_space<vmem>> -> memref<100x64xf32, #tpu.memory_space<vmem>>
        %dma_start3A_722 = arith.constant 0 : i32
        %dma_start3A_723 = tpu.memref_slice %arg5[%select_n3A_715, %dma_start3A_722] : memref<64x100xi32, #tpu.memory_space<vmem>> -> memref<1x100xi32, #tpu.memory_space<vmem>>
        %dma_start3A_724 = tpu.memref_squeeze %dma_start3A_723 : memref<1x100xi32, #tpu.memory_space<vmem>> -> memref<100xi32, #tpu.memory_space<vmem>>
        %dma_start3A_725 = arith.constant 0 : i32
        %dma_start3A_726 = arith.constant 0 : i32
        %dma_start3A_727 = tpu.memref_slice %arg3[%dma_start3A_725, %dma_start3A_726] : memref<1000000x64xf32, #tpu.memory_space<hbm>> -> memref<1000000x64xf32, #tpu.memory_space<hbm>>
        %dma_start3A_728 = tpu.memref_slice %arg7[%dma_start3A_717] : memref<8x!tpu.dma_semaphore, #tpu.memory_space<semaphore_mem>> -> memref<1x!tpu.dma_semaphore, #tpu.memory_space<semaphore_mem>>
        %dma_start3A_729 = tpu.memref_squeeze %dma_start3A_728 : memref<1x!tpu.dma_semaphore, #tpu.memory_space<semaphore_mem>> -> memref<!tpu.dma_semaphore, #tpu.memory_space<semaphore_mem>>
        tpu.enqueue_indirect_dma source(%dma_start3A_727 : memref<1000000x64xf32, #tpu.memory_space<hbm>>) target(%dma_start3A_721 : memref<100x64xf32, #tpu.memory_space<vmem>>) offsets(%dma_start3A_724 : memref<100xi32, #tpu.memory_space<vmem>>) semaphore(%dma_start3A_729 : memref<!tpu.dma_semaphore, #tpu.memory_space<semaphore_mem>>)
        %add3A_730 = arith.constant 4 : i32
        %add3A_731 = arith.addi %add3A_321, %add3A_730 : i32
        %ge3A_732 = arith.constant 8 : i32
        %ge3A_733 = arith.cmpi sge, %add3A_731, %ge3A_732 : i32
        %convert_element_type3A_734 = arith.extui %ge3A_733 : i1 to i32
        %cond3A_735 = arith.constant 0 : i32
        %cond3A_736 = arith.cmpi ne, %convert_element_type3A_734, %cond3A_735 : i32
        scf.if %cond3A_736 {
          %dma_wait3A_847 = arith.constant 7 : i32
          %dma_wait3A_848 = arith.constant 7 : i32
          %dma_wait3A_849 = arith.constant 0 : i32
          %dma_wait3A_850 = arith.constant 0 : i32
          %dma_wait3A_851 = tpu.memref_slice %arg6[%dma_wait3A_847, %dma_wait3A_849, %dma_wait3A_850] : memref<8x100x64xf32, #tpu.memory_space<vmem>> -> memref<1x100x64xf32, #tpu.memory_space<vmem>>
          %dma_wait3A_852 = tpu.memref_squeeze %dma_wait3A_851 : memref<1x100x64xf32, #tpu.memory_space<vmem>> -> memref<100x64xf32, #tpu.memory_space<vmem>>
          %dma_wait3A_853 = arith.constant 0 : i32
          %dma_wait3A_854 = arith.constant 0 : i32
          %dma_wait3A_855 = tpu.memref_slice %arg4[%mul3A_2, %dma_wait3A_853, %dma_wait3A_854] : memref<8192x100x64xf32, #tpu.memory_space<hbm>> -> memref<1x100x64xf32, #tpu.memory_space<hbm>>
          %dma_wait3A_856 = tpu.memref_squeeze %dma_wait3A_855 : memref<1x100x64xf32, #tpu.memory_space<hbm>> -> memref<100x64xf32, #tpu.memory_space<hbm>>
          %dma_wait3A_857 = tpu.memref_slice %arg8[%dma_wait3A_848] : memref<8x!tpu.dma_semaphore, #tpu.memory_space<semaphore_mem>> -> memref<1x!tpu.dma_semaphore, #tpu.memory_space<semaphore_mem>>
          %dma_wait3A_858 = tpu.memref_squeeze %dma_wait3A_857 : memref<1x!tpu.dma_semaphore, #tpu.memory_space<semaphore_mem>> -> memref<!tpu.dma_semaphore, #tpu.memory_space<semaphore_mem>>
          %dma_wait3A_859 = arith.constant 0 : i32
          %dma_wait3A_860 = arith.constant 0 : i32
          %dma_wait3A_861 = tpu.memref_slice %arg4[%mul3A_2, %dma_wait3A_859, %dma_wait3A_860] : memref<8192x100x64xf32, #tpu.memory_space<hbm>> -> memref<1x100x64xf32, #tpu.memory_space<hbm>>
          %dma_wait3A_862 = tpu.memref_squeeze %dma_wait3A_861 : memref<1x100x64xf32, #tpu.memory_space<hbm>> -> memref<100x64xf32, #tpu.memory_space<hbm>>
          %dma_wait3A_863 = arith.constant 0 : i32
          %dma_wait3A_864 = arith.constant 0 : i32
          %dma_wait3A_865 = tpu.memref_slice %arg6[%dma_wait3A_847, %dma_wait3A_863, %dma_wait3A_864] : memref<8x100x64xf32, #tpu.memory_space<vmem>> -> memref<1x100x64xf32, #tpu.memory_space<vmem>>
          %dma_wait3A_866 = tpu.memref_squeeze %dma_wait3A_865 : memref<1x100x64xf32, #tpu.memory_space<vmem>> -> memref<100x64xf32, #tpu.memory_space<vmem>>
          tpu.wait_dma2 semaphore(%dma_wait3A_858 : memref<!tpu.dma_semaphore, #tpu.memory_space<semaphore_mem>>) src(%dma_wait3A_866 : memref<100x64xf32, #tpu.memory_space<vmem>>) dst(%dma_wait3A_862 : memref<100x64xf32, #tpu.memory_space<hbm>>)
        } else {
        }
        %add3A_737 = arith.constant 4 : i32
        %add3A_738 = arith.addi %add3A_321, %add3A_737 : i32
        %jit3A_739 = arith.constant 64 : i32
        %eq3A_740 = arith.constant 0 : i32
        %eq3A_741 = arith.cmpi eq, %jit3A_739, %eq3A_740 : i32
        %jit3A_742 = arith.constant 1 : i32
        %select_n3A_743 = arith.select %eq3A_741, %jit3A_742, %jit3A_739 : i32
        %rem3A_744 = arith.remsi %add3A_738, %select_n3A_743 : i32
        %ne3A_745 = arith.constant 0 : i32
        %ne3A_746 = arith.cmpi ne, %rem3A_744, %ne3A_745 : i32
        %lt3A_747 = arith.constant 0 : i32
        %lt3A_748 = arith.cmpi slt, %rem3A_744, %lt3A_747 : i32
        %lt3A_749 = arith.constant 0 : i32
        %lt3A_750 = arith.cmpi slt, %select_n3A_743, %lt3A_749 : i32
        %ne3A_751 = arith.xori %lt3A_748, %lt3A_750 : i1
        %and3A_752 = arith.andi %ne3A_751, %ne3A_746 : i1
        %add3A_753 = arith.addi %rem3A_744, %select_n3A_743 : i32
        %select_n3A_754 = arith.select %and3A_752, %add3A_753, %rem3A_744 : i32
        %dma_start3A_755 = arith.constant 7 : i32
        %dma_start3A_756 = arith.constant 7 : i32
        %dma_start3A_757 = arith.constant 0 : i32
        %dma_start3A_758 = arith.constant 0 : i32
        %dma_start3A_759 = tpu.memref_slice %arg6[%dma_start3A_755, %dma_start3A_757, %dma_start3A_758] : memref<8x100x64xf32, #tpu.memory_space<vmem>> -> memref<1x100x64xf32, #tpu.memory_space<vmem>>
        %dma_start3A_760 = tpu.memref_squeeze %dma_start3A_759 : memref<1x100x64xf32, #tpu.memory_space<vmem>> -> memref<100x64xf32, #tpu.memory_space<vmem>>
        %dma_start3A_761 = arith.constant 0 : i32
        %dma_start3A_762 = tpu.memref_slice %arg5[%select_n3A_754, %dma_start3A_761] : memref<64x100xi32, #tpu.memory_space<vmem>> -> memref<1x100xi32, #tpu.memory_space<vmem>>
        %dma_start3A_763 = tpu.memref_squeeze %dma_start3A_762 : memref<1x100xi32, #tpu.memory_space<vmem>> -> memref<100xi32, #tpu.memory_space<vmem>>
        %dma_start3A_764 = arith.constant 0 : i32
        %dma_start3A_765 = arith.constant 0 : i32
        %dma_start3A_766 = tpu.memref_slice %arg3[%dma_start3A_764, %dma_start3A_765] : memref<1000000x64xf32, #tpu.memory_space<hbm>> -> memref<1000000x64xf32, #tpu.memory_space<hbm>>
        %dma_start3A_767 = tpu.memref_slice %arg7[%dma_start3A_756] : memref<8x!tpu.dma_semaphore, #tpu.memory_space<semaphore_mem>> -> memref<1x!tpu.dma_semaphore, #tpu.memory_space<semaphore_mem>>
        %dma_start3A_768 = tpu.memref_squeeze %dma_start3A_767 : memref<1x!tpu.dma_semaphore, #tpu.memory_space<semaphore_mem>> -> memref<!tpu.dma_semaphore, #tpu.memory_space<semaphore_mem>>
        tpu.enqueue_indirect_dma source(%dma_start3A_766 : memref<1000000x64xf32, #tpu.memory_space<hbm>>) target(%dma_start3A_760 : memref<100x64xf32, #tpu.memory_space<vmem>>) offsets(%dma_start3A_763 : memref<100xi32, #tpu.memory_space<vmem>>) semaphore(%dma_start3A_768 : memref<!tpu.dma_semaphore, #tpu.memory_space<semaphore_mem>>)
        %add3A_769 = arith.constant 5 : i32
        %add3A_770 = arith.addi %add3A_321, %add3A_769 : i32
        %ge3A_771 = arith.constant 8 : i32
        %ge3A_772 = arith.cmpi sge, %add3A_770, %ge3A_771 : i32
        %convert_element_type3A_773 = arith.extui %ge3A_772 : i1 to i32
        %cond3A_774 = arith.constant 0 : i32
        %cond3A_775 = arith.cmpi ne, %convert_element_type3A_773, %cond3A_774 : i32
        scf.if %cond3A_775 {
          %dma_wait3A_847 = arith.constant 0 : i32
          %dma_wait3A_848 = arith.constant 0 : i32
          %dma_wait3A_849 = arith.constant 0 : i32
          %dma_wait3A_850 = arith.constant 0 : i32
          %dma_wait3A_851 = tpu.memref_slice %arg6[%dma_wait3A_847, %dma_wait3A_849, %dma_wait3A_850] : memref<8x100x64xf32, #tpu.memory_space<vmem>> -> memref<1x100x64xf32, #tpu.memory_space<vmem>>
          %dma_wait3A_852 = tpu.memref_squeeze %dma_wait3A_851 : memref<1x100x64xf32, #tpu.memory_space<vmem>> -> memref<100x64xf32, #tpu.memory_space<vmem>>
          %dma_wait3A_853 = arith.constant 0 : i32
          %dma_wait3A_854 = arith.constant 0 : i32
          %dma_wait3A_855 = tpu.memref_slice %arg4[%mul3A_2, %dma_wait3A_853, %dma_wait3A_854] : memref<8192x100x64xf32, #tpu.memory_space<hbm>> -> memref<1x100x64xf32, #tpu.memory_space<hbm>>
          %dma_wait3A_856 = tpu.memref_squeeze %dma_wait3A_855 : memref<1x100x64xf32, #tpu.memory_space<hbm>> -> memref<100x64xf32, #tpu.memory_space<hbm>>
          %dma_wait3A_857 = tpu.memref_slice %arg8[%dma_wait3A_848] : memref<8x!tpu.dma_semaphore, #tpu.memory_space<semaphore_mem>> -> memref<1x!tpu.dma_semaphore, #tpu.memory_space<semaphore_mem>>
          %dma_wait3A_858 = tpu.memref_squeeze %dma_wait3A_857 : memref<1x!tpu.dma_semaphore, #tpu.memory_space<semaphore_mem>> -> memref<!tpu.dma_semaphore, #tpu.memory_space<semaphore_mem>>
          %dma_wait3A_859 = arith.constant 0 : i32
          %dma_wait3A_860 = arith.constant 0 : i32
          %dma_wait3A_861 = tpu.memref_slice %arg4[%mul3A_2, %dma_wait3A_859, %dma_wait3A_860] : memref<8192x100x64xf32, #tpu.memory_space<hbm>> -> memref<1x100x64xf32, #tpu.memory_space<hbm>>
          %dma_wait3A_862 = tpu.memref_squeeze %dma_wait3A_861 : memref<1x100x64xf32, #tpu.memory_space<hbm>> -> memref<100x64xf32, #tpu.memory_space<hbm>>
          %dma_wait3A_863 = arith.constant 0 : i32
          %dma_wait3A_864 = arith.constant 0 : i32
          %dma_wait3A_865 = tpu.memref_slice %arg6[%dma_wait3A_847, %dma_wait3A_863, %dma_wait3A_864] : memref<8x100x64xf32, #tpu.memory_space<vmem>> -> memref<1x100x64xf32, #tpu.memory_space<vmem>>
          %dma_wait3A_866 = tpu.memref_squeeze %dma_wait3A_865 : memref<1x100x64xf32, #tpu.memory_space<vmem>> -> memref<100x64xf32, #tpu.memory_space<vmem>>
          tpu.wait_dma2 semaphore(%dma_wait3A_858 : memref<!tpu.dma_semaphore, #tpu.memory_space<semaphore_mem>>) src(%dma_wait3A_866 : memref<100x64xf32, #tpu.memory_space<vmem>>) dst(%dma_wait3A_862 : memref<100x64xf32, #tpu.memory_space<hbm>>)
        } else {
        }
        %add3A_776 = arith.constant 5 : i32
        %add3A_777 = arith.addi %add3A_321, %add3A_776 : i32
        %jit3A_778 = arith.constant 64 : i32
        %eq3A_779 = arith.constant 0 : i32
        %eq3A_780 = arith.cmpi eq, %jit3A_778, %eq3A_779 : i32
        %jit3A_781 = arith.constant 1 : i32
        %select_n3A_782 = arith.select %eq3A_780, %jit3A_781, %jit3A_778 : i32
        %rem3A_783 = arith.remsi %add3A_777, %select_n3A_782 : i32
        %ne3A_784 = arith.constant 0 : i32
        %ne3A_785 = arith.cmpi ne, %rem3A_783, %ne3A_784 : i32
        %lt3A_786 = arith.constant 0 : i32
        %lt3A_787 = arith.cmpi slt, %rem3A_783, %lt3A_786 : i32
        %lt3A_788 = arith.constant 0 : i32
        %lt3A_789 = arith.cmpi slt, %select_n3A_782, %lt3A_788 : i32
        %ne3A_790 = arith.xori %lt3A_787, %lt3A_789 : i1
        %and3A_791 = arith.andi %ne3A_790, %ne3A_785 : i1
        %add3A_792 = arith.addi %rem3A_783, %select_n3A_782 : i32
        %select_n3A_793 = arith.select %and3A_791, %add3A_792, %rem3A_783 : i32
        %dma_start3A_794 = arith.constant 0 : i32
        %dma_start3A_795 = arith.constant 0 : i32
        %dma_start3A_796 = arith.constant 0 : i32
        %dma_start3A_797 = arith.constant 0 : i32
        %dma_start3A_798 = tpu.memref_slice %arg6[%dma_start3A_794, %dma_start3A_796, %dma_start3A_797] : memref<8x100x64xf32, #tpu.memory_space<vmem>> -> memref<1x100x64xf32, #tpu.memory_space<vmem>>
        %dma_start3A_799 = tpu.memref_squeeze %dma_start3A_798 : memref<1x100x64xf32, #tpu.memory_space<vmem>> -> memref<100x64xf32, #tpu.memory_space<vmem>>
        %dma_start3A_800 = arith.constant 0 : i32
        %dma_start3A_801 = tpu.memref_slice %arg5[%select_n3A_793, %dma_start3A_800] : memref<64x100xi32, #tpu.memory_space<vmem>> -> memref<1x100xi32, #tpu.memory_space<vmem>>
        %dma_start3A_802 = tpu.memref_squeeze %dma_start3A_801 : memref<1x100xi32, #tpu.memory_space<vmem>> -> memref<100xi32, #tpu.memory_space<vmem>>
        %dma_start3A_803 = arith.constant 0 : i32
        %dma_start3A_804 = arith.constant 0 : i32
        %dma_start3A_805 = tpu.memref_slice %arg3[%dma_start3A_803, %dma_start3A_804] : memref<1000000x64xf32, #tpu.memory_space<hbm>> -> memref<1000000x64xf32, #tpu.memory_space<hbm>>
        %dma_start3A_806 = tpu.memref_slice %arg7[%dma_start3A_795] : memref<8x!tpu.dma_semaphore, #tpu.memory_space<semaphore_mem>> -> memref<1x!tpu.dma_semaphore, #tpu.memory_space<semaphore_mem>>
        %dma_start3A_807 = tpu.memref_squeeze %dma_start3A_806 : memref<1x!tpu.dma_semaphore, #tpu.memory_space<semaphore_mem>> -> memref<!tpu.dma_semaphore, #tpu.memory_space<semaphore_mem>>
        tpu.enqueue_indirect_dma source(%dma_start3A_805 : memref<1000000x64xf32, #tpu.memory_space<hbm>>) target(%dma_start3A_799 : memref<100x64xf32, #tpu.memory_space<vmem>>) offsets(%dma_start3A_802 : memref<100xi32, #tpu.memory_space<vmem>>) semaphore(%dma_start3A_807 : memref<!tpu.dma_semaphore, #tpu.memory_space<semaphore_mem>>)
        %add3A_808 = arith.constant 6 : i32
        %add3A_809 = arith.addi %add3A_321, %add3A_808 : i32
        %ge3A_810 = arith.constant 8 : i32
        %ge3A_811 = arith.cmpi sge, %add3A_809, %ge3A_810 : i32
        %convert_element_type3A_812 = arith.extui %ge3A_811 : i1 to i32
        %cond3A_813 = arith.constant 0 : i32
        %cond3A_814 = arith.cmpi ne, %convert_element_type3A_812, %cond3A_813 : i32
        scf.if %cond3A_814 {
          %dma_wait3A_847 = arith.constant 1 : i32
          %dma_wait3A_848 = arith.constant 1 : i32
          %dma_wait3A_849 = arith.constant 0 : i32
          %dma_wait3A_850 = arith.constant 0 : i32
          %dma_wait3A_851 = tpu.memref_slice %arg6[%dma_wait3A_847, %dma_wait3A_849, %dma_wait3A_850] : memref<8x100x64xf32, #tpu.memory_space<vmem>> -> memref<1x100x64xf32, #tpu.memory_space<vmem>>
          %dma_wait3A_852 = tpu.memref_squeeze %dma_wait3A_851 : memref<1x100x64xf32, #tpu.memory_space<vmem>> -> memref<100x64xf32, #tpu.memory_space<vmem>>
          %dma_wait3A_853 = arith.constant 0 : i32
          %dma_wait3A_854 = arith.constant 0 : i32
          %dma_wait3A_855 = tpu.memref_slice %arg4[%mul3A_2, %dma_wait3A_853, %dma_wait3A_854] : memref<8192x100x64xf32, #tpu.memory_space<hbm>> -> memref<1x100x64xf32, #tpu.memory_space<hbm>>
          %dma_wait3A_856 = tpu.memref_squeeze %dma_wait3A_855 : memref<1x100x64xf32, #tpu.memory_space<hbm>> -> memref<100x64xf32, #tpu.memory_space<hbm>>
          %dma_wait3A_857 = tpu.memref_slice %arg8[%dma_wait3A_848] : memref<8x!tpu.dma_semaphore, #tpu.memory_space<semaphore_mem>> -> memref<1x!tpu.dma_semaphore, #tpu.memory_space<semaphore_mem>>
          %dma_wait3A_858 = tpu.memref_squeeze %dma_wait3A_857 : memref<1x!tpu.dma_semaphore, #tpu.memory_space<semaphore_mem>> -> memref<!tpu.dma_semaphore, #tpu.memory_space<semaphore_mem>>
          %dma_wait3A_859 = arith.constant 0 : i32
          %dma_wait3A_860 = arith.constant 0 : i32
          %dma_wait3A_861 = tpu.memref_slice %arg4[%mul3A_2, %dma_wait3A_859, %dma_wait3A_860] : memref<8192x100x64xf32, #tpu.memory_space<hbm>> -> memref<1x100x64xf32, #tpu.memory_space<hbm>>
          %dma_wait3A_862 = tpu.memref_squeeze %dma_wait3A_861 : memref<1x100x64xf32, #tpu.memory_space<hbm>> -> memref<100x64xf32, #tpu.memory_space<hbm>>
          %dma_wait3A_863 = arith.constant 0 : i32
          %dma_wait3A_864 = arith.constant 0 : i32
          %dma_wait3A_865 = tpu.memref_slice %arg6[%dma_wait3A_847, %dma_wait3A_863, %dma_wait3A_864] : memref<8x100x64xf32, #tpu.memory_space<vmem>> -> memref<1x100x64xf32, #tpu.memory_space<vmem>>
          %dma_wait3A_866 = tpu.memref_squeeze %dma_wait3A_865 : memref<1x100x64xf32, #tpu.memory_space<vmem>> -> memref<100x64xf32, #tpu.memory_space<vmem>>
          tpu.wait_dma2 semaphore(%dma_wait3A_858 : memref<!tpu.dma_semaphore, #tpu.memory_space<semaphore_mem>>) src(%dma_wait3A_866 : memref<100x64xf32, #tpu.memory_space<vmem>>) dst(%dma_wait3A_862 : memref<100x64xf32, #tpu.memory_space<hbm>>)
        } else {
        }
        %add3A_815 = arith.constant 6 : i32
        %add3A_816 = arith.addi %add3A_321, %add3A_815 : i32
        %jit3A_817 = arith.constant 64 : i32
        %eq3A_818 = arith.constant 0 : i32
        %eq3A_819 = arith.cmpi eq, %jit3A_817, %eq3A_818 : i32
        %jit3A_820 = arith.constant 1 : i32
        %select_n3A_821 = arith.select %eq3A_819, %jit3A_820, %jit3A_817 : i32
        %rem3A_822 = arith.remsi %add3A_816, %select_n3A_821 : i32
        %ne3A_823 = arith.constant 0 : i32
        %ne3A_824 = arith.cmpi ne, %rem3A_822, %ne3A_823 : i32
        %lt3A_825 = arith.constant 0 : i32
        %lt3A_826 = arith.cmpi slt, %rem3A_822, %lt3A_825 : i32
        %lt3A_827 = arith.constant 0 : i32
        %lt3A_828 = arith.cmpi slt, %select_n3A_821, %lt3A_827 : i32
        %ne3A_829 = arith.xori %lt3A_826, %lt3A_828 : i1
        %and3A_830 = arith.andi %ne3A_829, %ne3A_824 : i1
        %add3A_831 = arith.addi %rem3A_822, %select_n3A_821 : i32
        %select_n3A_832 = arith.select %and3A_830, %add3A_831, %rem3A_822 : i32
        %dma_start3A_833 = arith.constant 1 : i32
        %dma_start3A_834 = arith.constant 1 : i32
        %dma_start3A_835 = arith.constant 0 : i32
        %dma_start3A_836 = arith.constant 0 : i32
        %dma_start3A_837 = tpu.memref_slice %arg6[%dma_start3A_833, %dma_start3A_835, %dma_start3A_836] : memref<8x100x64xf32, #tpu.memory_space<vmem>> -> memref<1x100x64xf32, #tpu.memory_space<vmem>>
        %dma_start3A_838 = tpu.memref_squeeze %dma_start3A_837 : memref<1x100x64xf32, #tpu.memory_space<vmem>> -> memref<100x64xf32, #tpu.memory_space<vmem>>
        %dma_start3A_839 = arith.constant 0 : i32
        %dma_start3A_840 = tpu.memref_slice %arg5[%select_n3A_832, %dma_start3A_839] : memref<64x100xi32, #tpu.memory_space<vmem>> -> memref<1x100xi32, #tpu.memory_space<vmem>>
        %dma_start3A_841 = tpu.memref_squeeze %dma_start3A_840 : memref<1x100xi32, #tpu.memory_space<vmem>> -> memref<100xi32, #tpu.memory_space<vmem>>
        %dma_start3A_842 = arith.constant 0 : i32
        %dma_start3A_843 = arith.constant 0 : i32
        %dma_start3A_844 = tpu.memref_slice %arg3[%dma_start3A_842, %dma_start3A_843] : memref<1000000x64xf32, #tpu.memory_space<hbm>> -> memref<1000000x64xf32, #tpu.memory_space<hbm>>
        %dma_start3A_845 = tpu.memref_slice %arg7[%dma_start3A_834] : memref<8x!tpu.dma_semaphore, #tpu.memory_space<semaphore_mem>> -> memref<1x!tpu.dma_semaphore, #tpu.memory_space<semaphore_mem>>
        %dma_start3A_846 = tpu.memref_squeeze %dma_start3A_845 : memref<1x!tpu.dma_semaphore, #tpu.memory_space<semaphore_mem>> -> memref<!tpu.dma_semaphore, #tpu.memory_space<semaphore_mem>>
        tpu.enqueue_indirect_dma source(%dma_start3A_844 : memref<1000000x64xf32, #tpu.memory_space<hbm>>) target(%dma_start3A_838 : memref<100x64xf32, #tpu.memory_space<vmem>>) offsets(%dma_start3A_841 : memref<100xi32, #tpu.memory_space<vmem>>) semaphore(%dma_start3A_846 : memref<!tpu.dma_semaphore, #tpu.memory_space<semaphore_mem>>)
      } else {
      }
      %dma_wait3A_329 = arith.constant 0 : i32
      %dma_wait3A_330 = arith.constant 3 : i32
      %dma_wait3A_331 = arith.constant 3 : i32
      %dma_wait3A_332 = arith.constant 0 : i32
      %dma_wait3A_333 = arith.constant 0 : i32
      %dma_wait3A_334 = tpu.memref_slice %arg6[%dma_wait3A_330, %dma_wait3A_332, %dma_wait3A_333] : memref<8x100x64xf32, #tpu.memory_space<vmem>> -> memref<1x100x64xf32, #tpu.memory_space<vmem>>
      %dma_wait3A_335 = tpu.memref_squeeze %dma_wait3A_334 : memref<1x100x64xf32, #tpu.memory_space<vmem>> -> memref<100x64xf32, #tpu.memory_space<vmem>>
      %dma_wait3A_336 = arith.constant 0 : i32
      %dma_wait3A_337 = tpu.memref_slice %arg5[%dma_wait3A_329, %dma_wait3A_336] : memref<64x100xi32, #tpu.memory_space<vmem>> -> memref<1x100xi32, #tpu.memory_space<vmem>>
      %dma_wait3A_338 = tpu.memref_squeeze %dma_wait3A_337 : memref<1x100xi32, #tpu.memory_space<vmem>> -> memref<100xi32, #tpu.memory_space<vmem>>
      %dma_wait3A_339 = arith.constant 0 : i32
      %dma_wait3A_340 = arith.constant 0 : i32
      %dma_wait3A_341 = tpu.memref_slice %arg3[%dma_wait3A_339, %dma_wait3A_340] : memref<1000000x64xf32, #tpu.memory_space<hbm>> -> memref<1000000x64xf32, #tpu.memory_space<hbm>>
      %dma_wait3A_342 = tpu.memref_slice %arg7[%dma_wait3A_331] : memref<8x!tpu.dma_semaphore, #tpu.memory_space<semaphore_mem>> -> memref<1x!tpu.dma_semaphore, #tpu.memory_space<semaphore_mem>>
      %dma_wait3A_343 = tpu.memref_squeeze %dma_wait3A_342 : memref<1x!tpu.dma_semaphore, #tpu.memory_space<semaphore_mem>> -> memref<!tpu.dma_semaphore, #tpu.memory_space<semaphore_mem>>
      tpu.wait_indirect_dma semaphore(%dma_wait3A_343 : memref<!tpu.dma_semaphore, #tpu.memory_space<semaphore_mem>>) src(%dma_wait3A_341 : memref<1000000x64xf32, #tpu.memory_space<hbm>>) dst(%dma_wait3A_335 : memref<100x64xf32, #tpu.memory_space<vmem>>)
      %add3A_344 = arith.addi %mul3A_2, %add3A_321 : i32
      %dma_start3A_345 = arith.constant 3 : i32
      %dma_start3A_346 = arith.constant 3 : i32
      %dma_start3A_347 = arith.constant 0 : i32
      %dma_start3A_348 = arith.constant 0 : i32
      %dma_start3A_349 = tpu.memref_slice %arg6[%dma_start3A_345, %dma_start3A_347, %dma_start3A_348] : memref<8x100x64xf32, #tpu.memory_space<vmem>> -> memref<1x100x64xf32, #tpu.memory_space<vmem>>
      %dma_start3A_350 = tpu.memref_squeeze %dma_start3A_349 : memref<1x100x64xf32, #tpu.memory_space<vmem>> -> memref<100x64xf32, #tpu.memory_space<vmem>>
      %dma_start3A_351 = arith.constant 0 : i32
      %dma_start3A_352 = arith.constant 0 : i32
      %dma_start3A_353 = tpu.memref_slice %arg4[%add3A_344, %dma_start3A_351, %dma_start3A_352] : memref<8192x100x64xf32, #tpu.memory_space<hbm>> -> memref<1x100x64xf32, #tpu.memory_space<hbm>>
      %dma_start3A_354 = tpu.memref_squeeze %dma_start3A_353 : memref<1x100x64xf32, #tpu.memory_space<hbm>> -> memref<100x64xf32, #tpu.memory_space<hbm>>
      %dma_start3A_355 = tpu.memref_slice %arg8[%dma_start3A_346] : memref<8x!tpu.dma_semaphore, #tpu.memory_space<semaphore_mem>> -> memref<1x!tpu.dma_semaphore, #tpu.memory_space<semaphore_mem>>
      %dma_start3A_356 = tpu.memref_squeeze %dma_start3A_355 : memref<1x!tpu.dma_semaphore, #tpu.memory_space<semaphore_mem>> -> memref<!tpu.dma_semaphore, #tpu.memory_space<semaphore_mem>>
      %dma_start3A_357 = arith.constant 0 : i32
      %dma_start3A_358 = arith.constant 0 : i32
      %dma_start3A_359 = tpu.memref_slice %arg4[%add3A_344, %dma_start3A_357, %dma_start3A_358] : memref<8192x100x64xf32, #tpu.memory_space<hbm>> -> memref<1x100x64xf32, #tpu.memory_space<hbm>>
      %dma_start3A_360 = tpu.memref_squeeze %dma_start3A_359 : memref<1x100x64xf32, #tpu.memory_space<hbm>> -> memref<100x64xf32, #tpu.memory_space<hbm>>
      %dma_start3A_361 = arith.constant 0 : i32
      %dma_start3A_362 = arith.constant 0 : i32
      %dma_start3A_363 = tpu.memref_slice %arg6[%dma_start3A_345, %dma_start3A_361, %dma_start3A_362] : memref<8x100x64xf32, #tpu.memory_space<vmem>> -> memref<1x100x64xf32, #tpu.memory_space<vmem>>
      %dma_start3A_364 = tpu.memref_squeeze %dma_start3A_363 : memref<1x100x64xf32, #tpu.memory_space<vmem>> -> memref<100x64xf32, #tpu.memory_space<vmem>>
      tpu.enqueue_dma source(%dma_start3A_364 : memref<100x64xf32, #tpu.memory_space<vmem>>) target(%dma_start3A_360 : memref<100x64xf32, #tpu.memory_space<hbm>>) target_semaphore(%dma_start3A_356 : memref<!tpu.dma_semaphore, #tpu.memory_space<semaphore_mem>>)
      %lt3A_365 = arith.constant 57 : i32
      %lt3A_366 = arith.cmpi slt, %rem3A_323, %lt3A_365 : i32
      %convert_element_type3A_367 = arith.extui %lt3A_366 : i1 to i32
      %cond3A_368 = arith.constant 0 : i32
      %cond3A_369 = arith.cmpi ne, %convert_element_type3A_367, %cond3A_368 : i32
      scf.if %cond3A_369 {
        %ge3A = arith.constant 1 : i32
        %ge3A_578 = arith.cmpi sge, %add3A_321, %ge3A : i32
        %convert_element_type3A_579 = arith.extui %ge3A_578 : i1 to i32
        %cond3A_580 = arith.constant 0 : i32
        %cond3A_581 = arith.cmpi ne, %convert_element_type3A_579, %cond3A_580 : i32
        scf.if %cond3A_581 {
          %dma_wait3A_611 = arith.constant 2 : i32
          %dma_wait3A_612 = arith.constant 2 : i32
          %dma_wait3A_613 = arith.constant 0 : i32
          %dma_wait3A_614 = arith.constant 0 : i32
          %dma_wait3A_615 = tpu.memref_slice %arg6[%dma_wait3A_611, %dma_wait3A_613, %dma_wait3A_614] : memref<8x100x64xf32, #tpu.memory_space<vmem>> -> memref<1x100x64xf32, #tpu.memory_space<vmem>>
          %dma_wait3A_616 = tpu.memref_squeeze %dma_wait3A_615 : memref<1x100x64xf32, #tpu.memory_space<vmem>> -> memref<100x64xf32, #tpu.memory_space<vmem>>
          %dma_wait3A_617 = arith.constant 0 : i32
          %dma_wait3A_618 = arith.constant 0 : i32
          %dma_wait3A_619 = tpu.memref_slice %arg4[%mul3A_2, %dma_wait3A_617, %dma_wait3A_618] : memref<8192x100x64xf32, #tpu.memory_space<hbm>> -> memref<1x100x64xf32, #tpu.memory_space<hbm>>
          %dma_wait3A_620 = tpu.memref_squeeze %dma_wait3A_619 : memref<1x100x64xf32, #tpu.memory_space<hbm>> -> memref<100x64xf32, #tpu.memory_space<hbm>>
          %dma_wait3A_621 = tpu.memref_slice %arg8[%dma_wait3A_612] : memref<8x!tpu.dma_semaphore, #tpu.memory_space<semaphore_mem>> -> memref<1x!tpu.dma_semaphore, #tpu.memory_space<semaphore_mem>>
          %dma_wait3A_622 = tpu.memref_squeeze %dma_wait3A_621 : memref<1x!tpu.dma_semaphore, #tpu.memory_space<semaphore_mem>> -> memref<!tpu.dma_semaphore, #tpu.memory_space<semaphore_mem>>
          %dma_wait3A_623 = arith.constant 0 : i32
          %dma_wait3A_624 = arith.constant 0 : i32
          %dma_wait3A_625 = tpu.memref_slice %arg4[%mul3A_2, %dma_wait3A_623, %dma_wait3A_624] : memref<8192x100x64xf32, #tpu.memory_space<hbm>> -> memref<1x100x64xf32, #tpu.memory_space<hbm>>
          %dma_wait3A_626 = tpu.memref_squeeze %dma_wait3A_625 : memref<1x100x64xf32, #tpu.memory_space<hbm>> -> memref<100x64xf32, #tpu.memory_space<hbm>>
          %dma_wait3A_627 = arith.constant 0 : i32
          %dma_wait3A_628 = arith.constant 0 : i32
          %dma_wait3A_629 = tpu.memref_slice %arg6[%dma_wait3A_611, %dma_wait3A_627, %dma_wait3A_628] : memref<8x100x64xf32, #tpu.memory_space<vmem>> -> memref<1x100x64xf32, #tpu.memory_space<vmem>>
          %dma_wait3A_630 = tpu.memref_squeeze %dma_wait3A_629 : memref<1x100x64xf32, #tpu.memory_space<vmem>> -> memref<100x64xf32, #tpu.memory_space<vmem>>
          tpu.wait_dma2 semaphore(%dma_wait3A_622 : memref<!tpu.dma_semaphore, #tpu.memory_space<semaphore_mem>>) src(%dma_wait3A_630 : memref<100x64xf32, #tpu.memory_space<vmem>>) dst(%dma_wait3A_626 : memref<100x64xf32, #tpu.memory_space<hbm>>)
        } else {
        }
        %add3A_582 = arith.constant 8 : i32
        %add3A_583 = arith.addi %add3A_321, %add3A_582 : i32
        %sub3A = arith.constant 1 : i32
        %sub3A_584 = arith.subi %add3A_583, %sub3A : i32
        %jit3A = arith.constant 64 : i32
        %eq3A_585 = arith.constant 0 : i32
        %eq3A_586 = arith.cmpi eq, %jit3A, %eq3A_585 : i32
        %jit3A_587 = arith.constant 1 : i32
        %select_n3A = arith.select %eq3A_586, %jit3A_587, %jit3A : i32
        %rem3A_588 = arith.remsi %sub3A_584, %select_n3A : i32
        %ne3A = arith.constant 0 : i32
        %ne3A_589 = arith.cmpi ne, %rem3A_588, %ne3A : i32
        %lt3A_590 = arith.constant 0 : i32
        %lt3A_591 = arith.cmpi slt, %rem3A_588, %lt3A_590 : i32
        %lt3A_592 = arith.constant 0 : i32
        %lt3A_593 = arith.cmpi slt, %select_n3A, %lt3A_592 : i32
        %ne3A_594 = arith.xori %lt3A_591, %lt3A_593 : i1
        %and3A = arith.andi %ne3A_594, %ne3A_589 : i1
        %add3A_595 = arith.addi %rem3A_588, %select_n3A : i32
        %select_n3A_596 = arith.select %and3A, %add3A_595, %rem3A_588 : i32
        %dma_start3A_597 = arith.constant 2 : i32
        %dma_start3A_598 = arith.constant 2 : i32
        %dma_start3A_599 = arith.constant 0 : i32
        %dma_start3A_600 = arith.constant 0 : i32
        %dma_start3A_601 = tpu.memref_slice %arg6[%dma_start3A_597, %dma_start3A_599, %dma_start3A_600] : memref<8x100x64xf32, #tpu.memory_space<vmem>> -> memref<1x100x64xf32, #tpu.memory_space<vmem>>
        %dma_start3A_602 = tpu.memref_squeeze %dma_start3A_601 : memref<1x100x64xf32, #tpu.memory_space<vmem>> -> memref<100x64xf32, #tpu.memory_space<vmem>>
        %dma_start3A_603 = arith.constant 0 : i32
        %dma_start3A_604 = tpu.memref_slice %arg5[%select_n3A_596, %dma_start3A_603] : memref<64x100xi32, #tpu.memory_space<vmem>> -> memref<1x100xi32, #tpu.memory_space<vmem>>
        %dma_start3A_605 = tpu.memref_squeeze %dma_start3A_604 : memref<1x100xi32, #tpu.memory_space<vmem>> -> memref<100xi32, #tpu.memory_space<vmem>>
        %dma_start3A_606 = arith.constant 0 : i32
        %dma_start3A_607 = arith.constant 0 : i32
        %dma_start3A_608 = tpu.memref_slice %arg3[%dma_start3A_606, %dma_start3A_607] : memref<1000000x64xf32, #tpu.memory_space<hbm>> -> memref<1000000x64xf32, #tpu.memory_space<hbm>>
        %dma_start3A_609 = tpu.memref_slice %arg7[%dma_start3A_598] : memref<8x!tpu.dma_semaphore, #tpu.memory_space<semaphore_mem>> -> memref<1x!tpu.dma_semaphore, #tpu.memory_space<semaphore_mem>>
        %dma_start3A_610 = tpu.memref_squeeze %dma_start3A_609 : memref<1x!tpu.dma_semaphore, #tpu.memory_space<semaphore_mem>> -> memref<!tpu.dma_semaphore, #tpu.memory_space<semaphore_mem>>
        tpu.enqueue_indirect_dma source(%dma_start3A_608 : memref<1000000x64xf32, #tpu.memory_space<hbm>>) target(%dma_start3A_602 : memref<100x64xf32, #tpu.memory_space<vmem>>) offsets(%dma_start3A_605 : memref<100xi32, #tpu.memory_space<vmem>>) semaphore(%dma_start3A_610 : memref<!tpu.dma_semaphore, #tpu.memory_space<semaphore_mem>>)
      } else {
      }
      %mul3A_370 = arith.constant 8 : i32
      %mul3A_371 = arith.muli %mul3A_370, %scan3A_167 : i32
      %add3A_372 = arith.constant 4 : i32
      %add3A_373 = arith.addi %mul3A_371, %add3A_372 : i32
      %rem3A_374 = arith.constant 64 : i32
      %rem3A_375 = arith.remsi %add3A_373, %rem3A_374 : i32
      %eq3A_376 = arith.constant 0 : i32
      %eq3A_377 = arith.cmpi eq, %rem3A_375, %eq3A_376 : i32
      %convert_element_type3A_378 = arith.extui %eq3A_377 : i1 to i32
      %cond3A_379 = arith.constant 0 : i32
      %cond3A_380 = arith.cmpi ne, %convert_element_type3A_378, %cond3A_379 : i32
      scf.if %cond3A_380 {
        %add3A_578 = arith.addi %mul3A_2, %add3A_373 : i32
        %multiple_of3A = tpu.assume_multiple %add3A_578, 64 : i32
        "tpu.region"() ({
          %run_scoped3A = tpu.sem_alloc : memref<!tpu.dma_semaphore, #tpu.memory_space<semaphore_mem>>
          %dma_start3A_847 = arith.constant 0 : i32
          %dma_start3A_848 = tpu.memref_slice %arg2[%multiple_of3A, %dma_start3A_847] : memref<8192x100xi32, #tpu.memory_space<hbm>> -> memref<64x100xi32, #tpu.memory_space<hbm>>
          %dma_start3A_849 = arith.constant 0 : i32
          %dma_start3A_850 = tpu.memref_slice %arg2[%multiple_of3A, %dma_start3A_849] : memref<8192x100xi32, #tpu.memory_space<hbm>> -> memref<64x100xi32, #tpu.memory_space<hbm>>
          tpu.enqueue_dma source(%dma_start3A_850 : memref<64x100xi32, #tpu.memory_space<hbm>>) target(%arg5 : memref<64x100xi32, #tpu.memory_space<vmem>>) target_semaphore(%run_scoped3A : memref<!tpu.dma_semaphore, #tpu.memory_space<semaphore_mem>>)
          %dma_wait3A_851 = arith.constant 0 : i32
          %dma_wait3A_852 = tpu.memref_slice %arg2[%multiple_of3A, %dma_wait3A_851] : memref<8192x100xi32, #tpu.memory_space<hbm>> -> memref<64x100xi32, #tpu.memory_space<hbm>>
          %dma_wait3A_853 = arith.constant 0 : i32
          %dma_wait3A_854 = tpu.memref_slice %arg2[%multiple_of3A, %dma_wait3A_853] : memref<8192x100xi32, #tpu.memory_space<hbm>> -> memref<64x100xi32, #tpu.memory_space<hbm>>
          tpu.wait_dma2 semaphore(%run_scoped3A : memref<!tpu.dma_semaphore, #tpu.memory_space<semaphore_mem>>) src(%dma_wait3A_854 : memref<64x100xi32, #tpu.memory_space<hbm>>) dst(%arg5 : memref<64x100xi32, #tpu.memory_space<vmem>>)
          tpu.yield
        }) : () -> ()
        %add3A_579 = arith.constant 0 : i32
        %add3A_580 = arith.addi %add3A_373, %add3A_579 : i32
        %ge3A = arith.constant 8 : i32
        %ge3A_581 = arith.cmpi sge, %add3A_580, %ge3A : i32
        %convert_element_type3A_582 = arith.extui %ge3A_581 : i1 to i32
        %cond3A_583 = arith.constant 0 : i32
        %cond3A_584 = arith.cmpi ne, %convert_element_type3A_582, %cond3A_583 : i32
        scf.if %cond3A_584 {
          %dma_wait3A_847 = arith.constant 4 : i32
          %dma_wait3A_848 = arith.constant 4 : i32
          %dma_wait3A_849 = arith.constant 0 : i32
          %dma_wait3A_850 = arith.constant 0 : i32
          %dma_wait3A_851 = tpu.memref_slice %arg6[%dma_wait3A_847, %dma_wait3A_849, %dma_wait3A_850] : memref<8x100x64xf32, #tpu.memory_space<vmem>> -> memref<1x100x64xf32, #tpu.memory_space<vmem>>
          %dma_wait3A_852 = tpu.memref_squeeze %dma_wait3A_851 : memref<1x100x64xf32, #tpu.memory_space<vmem>> -> memref<100x64xf32, #tpu.memory_space<vmem>>
          %dma_wait3A_853 = arith.constant 0 : i32
          %dma_wait3A_854 = arith.constant 0 : i32
          %dma_wait3A_855 = tpu.memref_slice %arg4[%mul3A_2, %dma_wait3A_853, %dma_wait3A_854] : memref<8192x100x64xf32, #tpu.memory_space<hbm>> -> memref<1x100x64xf32, #tpu.memory_space<hbm>>
          %dma_wait3A_856 = tpu.memref_squeeze %dma_wait3A_855 : memref<1x100x64xf32, #tpu.memory_space<hbm>> -> memref<100x64xf32, #tpu.memory_space<hbm>>
          %dma_wait3A_857 = tpu.memref_slice %arg8[%dma_wait3A_848] : memref<8x!tpu.dma_semaphore, #tpu.memory_space<semaphore_mem>> -> memref<1x!tpu.dma_semaphore, #tpu.memory_space<semaphore_mem>>
          %dma_wait3A_858 = tpu.memref_squeeze %dma_wait3A_857 : memref<1x!tpu.dma_semaphore, #tpu.memory_space<semaphore_mem>> -> memref<!tpu.dma_semaphore, #tpu.memory_space<semaphore_mem>>
          %dma_wait3A_859 = arith.constant 0 : i32
          %dma_wait3A_860 = arith.constant 0 : i32
          %dma_wait3A_861 = tpu.memref_slice %arg4[%mul3A_2, %dma_wait3A_859, %dma_wait3A_860] : memref<8192x100x64xf32, #tpu.memory_space<hbm>> -> memref<1x100x64xf32, #tpu.memory_space<hbm>>
          %dma_wait3A_862 = tpu.memref_squeeze %dma_wait3A_861 : memref<1x100x64xf32, #tpu.memory_space<hbm>> -> memref<100x64xf32, #tpu.memory_space<hbm>>
          %dma_wait3A_863 = arith.constant 0 : i32
          %dma_wait3A_864 = arith.constant 0 : i32
          %dma_wait3A_865 = tpu.memref_slice %arg6[%dma_wait3A_847, %dma_wait3A_863, %dma_wait3A_864] : memref<8x100x64xf32, #tpu.memory_space<vmem>> -> memref<1x100x64xf32, #tpu.memory_space<vmem>>
          %dma_wait3A_866 = tpu.memref_squeeze %dma_wait3A_865 : memref<1x100x64xf32, #tpu.memory_space<vmem>> -> memref<100x64xf32, #tpu.memory_space<vmem>>
          tpu.wait_dma2 semaphore(%dma_wait3A_858 : memref<!tpu.dma_semaphore, #tpu.memory_space<semaphore_mem>>) src(%dma_wait3A_866 : memref<100x64xf32, #tpu.memory_space<vmem>>) dst(%dma_wait3A_862 : memref<100x64xf32, #tpu.memory_space<hbm>>)
        } else {
        }
        %add3A_585 = arith.constant 0 : i32
        %add3A_586 = arith.addi %add3A_373, %add3A_585 : i32
        %jit3A = arith.constant 64 : i32
        %eq3A_587 = arith.constant 0 : i32
        %eq3A_588 = arith.cmpi eq, %jit3A, %eq3A_587 : i32
        %jit3A_589 = arith.constant 1 : i32
        %select_n3A = arith.select %eq3A_588, %jit3A_589, %jit3A : i32
        %rem3A_590 = arith.remsi %add3A_586, %select_n3A : i32
        %ne3A = arith.constant 0 : i32
        %ne3A_591 = arith.cmpi ne, %rem3A_590, %ne3A : i32
        %lt3A_592 = arith.constant 0 : i32
        %lt3A_593 = arith.cmpi slt, %rem3A_590, %lt3A_592 : i32
        %lt3A_594 = arith.constant 0 : i32
        %lt3A_595 = arith.cmpi slt, %select_n3A, %lt3A_594 : i32
        %ne3A_596 = arith.xori %lt3A_593, %lt3A_595 : i1
        %and3A = arith.andi %ne3A_596, %ne3A_591 : i1
        %add3A_597 = arith.addi %rem3A_590, %select_n3A : i32
        %select_n3A_598 = arith.select %and3A, %add3A_597, %rem3A_590 : i32
        %dma_start3A_599 = arith.constant 4 : i32
        %dma_start3A_600 = arith.constant 4 : i32
        %dma_start3A_601 = arith.constant 0 : i32
        %dma_start3A_602 = arith.constant 0 : i32
        %dma_start3A_603 = tpu.memref_slice %arg6[%dma_start3A_599, %dma_start3A_601, %dma_start3A_602] : memref<8x100x64xf32, #tpu.memory_space<vmem>> -> memref<1x100x64xf32, #tpu.memory_space<vmem>>
        %dma_start3A_604 = tpu.memref_squeeze %dma_start3A_603 : memref<1x100x64xf32, #tpu.memory_space<vmem>> -> memref<100x64xf32, #tpu.memory_space<vmem>>
        %dma_start3A_605 = arith.constant 0 : i32
        %dma_start3A_606 = tpu.memref_slice %arg5[%select_n3A_598, %dma_start3A_605] : memref<64x100xi32, #tpu.memory_space<vmem>> -> memref<1x100xi32, #tpu.memory_space<vmem>>
        %dma_start3A_607 = tpu.memref_squeeze %dma_start3A_606 : memref<1x100xi32, #tpu.memory_space<vmem>> -> memref<100xi32, #tpu.memory_space<vmem>>
        %dma_start3A_608 = arith.constant 0 : i32
        %dma_start3A_609 = arith.constant 0 : i32
        %dma_start3A_610 = tpu.memref_slice %arg3[%dma_start3A_608, %dma_start3A_609] : memref<1000000x64xf32, #tpu.memory_space<hbm>> -> memref<1000000x64xf32, #tpu.memory_space<hbm>>
        %dma_start3A_611 = tpu.memref_slice %arg7[%dma_start3A_600] : memref<8x!tpu.dma_semaphore, #tpu.memory_space<semaphore_mem>> -> memref<1x!tpu.dma_semaphore, #tpu.memory_space<semaphore_mem>>
        %dma_start3A_612 = tpu.memref_squeeze %dma_start3A_611 : memref<1x!tpu.dma_semaphore, #tpu.memory_space<semaphore_mem>> -> memref<!tpu.dma_semaphore, #tpu.memory_space<semaphore_mem>>
        tpu.enqueue_indirect_dma source(%dma_start3A_610 : memref<1000000x64xf32, #tpu.memory_space<hbm>>) target(%dma_start3A_604 : memref<100x64xf32, #tpu.memory_space<vmem>>) offsets(%dma_start3A_607 : memref<100xi32, #tpu.memory_space<vmem>>) semaphore(%dma_start3A_612 : memref<!tpu.dma_semaphore, #tpu.memory_space<semaphore_mem>>)
        %add3A_613 = arith.constant 1 : i32
        %add3A_614 = arith.addi %add3A_373, %add3A_613 : i32
        %ge3A_615 = arith.constant 8 : i32
        %ge3A_616 = arith.cmpi sge, %add3A_614, %ge3A_615 : i32
        %convert_element_type3A_617 = arith.extui %ge3A_616 : i1 to i32
        %cond3A_618 = arith.constant 0 : i32
        %cond3A_619 = arith.cmpi ne, %convert_element_type3A_617, %cond3A_618 : i32
        scf.if %cond3A_619 {
          %dma_wait3A_847 = arith.constant 5 : i32
          %dma_wait3A_848 = arith.constant 5 : i32
          %dma_wait3A_849 = arith.constant 0 : i32
          %dma_wait3A_850 = arith.constant 0 : i32
          %dma_wait3A_851 = tpu.memref_slice %arg6[%dma_wait3A_847, %dma_wait3A_849, %dma_wait3A_850] : memref<8x100x64xf32, #tpu.memory_space<vmem>> -> memref<1x100x64xf32, #tpu.memory_space<vmem>>
          %dma_wait3A_852 = tpu.memref_squeeze %dma_wait3A_851 : memref<1x100x64xf32, #tpu.memory_space<vmem>> -> memref<100x64xf32, #tpu.memory_space<vmem>>
          %dma_wait3A_853 = arith.constant 0 : i32
          %dma_wait3A_854 = arith.constant 0 : i32
          %dma_wait3A_855 = tpu.memref_slice %arg4[%mul3A_2, %dma_wait3A_853, %dma_wait3A_854] : memref<8192x100x64xf32, #tpu.memory_space<hbm>> -> memref<1x100x64xf32, #tpu.memory_space<hbm>>
          %dma_wait3A_856 = tpu.memref_squeeze %dma_wait3A_855 : memref<1x100x64xf32, #tpu.memory_space<hbm>> -> memref<100x64xf32, #tpu.memory_space<hbm>>
          %dma_wait3A_857 = tpu.memref_slice %arg8[%dma_wait3A_848] : memref<8x!tpu.dma_semaphore, #tpu.memory_space<semaphore_mem>> -> memref<1x!tpu.dma_semaphore, #tpu.memory_space<semaphore_mem>>
          %dma_wait3A_858 = tpu.memref_squeeze %dma_wait3A_857 : memref<1x!tpu.dma_semaphore, #tpu.memory_space<semaphore_mem>> -> memref<!tpu.dma_semaphore, #tpu.memory_space<semaphore_mem>>
          %dma_wait3A_859 = arith.constant 0 : i32
          %dma_wait3A_860 = arith.constant 0 : i32
          %dma_wait3A_861 = tpu.memref_slice %arg4[%mul3A_2, %dma_wait3A_859, %dma_wait3A_860] : memref<8192x100x64xf32, #tpu.memory_space<hbm>> -> memref<1x100x64xf32, #tpu.memory_space<hbm>>
          %dma_wait3A_862 = tpu.memref_squeeze %dma_wait3A_861 : memref<1x100x64xf32, #tpu.memory_space<hbm>> -> memref<100x64xf32, #tpu.memory_space<hbm>>
          %dma_wait3A_863 = arith.constant 0 : i32
          %dma_wait3A_864 = arith.constant 0 : i32
          %dma_wait3A_865 = tpu.memref_slice %arg6[%dma_wait3A_847, %dma_wait3A_863, %dma_wait3A_864] : memref<8x100x64xf32, #tpu.memory_space<vmem>> -> memref<1x100x64xf32, #tpu.memory_space<vmem>>
          %dma_wait3A_866 = tpu.memref_squeeze %dma_wait3A_865 : memref<1x100x64xf32, #tpu.memory_space<vmem>> -> memref<100x64xf32, #tpu.memory_space<vmem>>
          tpu.wait_dma2 semaphore(%dma_wait3A_858 : memref<!tpu.dma_semaphore, #tpu.memory_space<semaphore_mem>>) src(%dma_wait3A_866 : memref<100x64xf32, #tpu.memory_space<vmem>>) dst(%dma_wait3A_862 : memref<100x64xf32, #tpu.memory_space<hbm>>)
        } else {
        }
        %add3A_620 = arith.constant 1 : i32
        %add3A_621 = arith.addi %add3A_373, %add3A_620 : i32
        %jit3A_622 = arith.constant 64 : i32
        %eq3A_623 = arith.constant 0 : i32
        %eq3A_624 = arith.cmpi eq, %jit3A_622, %eq3A_623 : i32
        %jit3A_625 = arith.constant 1 : i32
        %select_n3A_626 = arith.select %eq3A_624, %jit3A_625, %jit3A_622 : i32
        %rem3A_627 = arith.remsi %add3A_621, %select_n3A_626 : i32
        %ne3A_628 = arith.constant 0 : i32
        %ne3A_629 = arith.cmpi ne, %rem3A_627, %ne3A_628 : i32
        %lt3A_630 = arith.constant 0 : i32
        %lt3A_631 = arith.cmpi slt, %rem3A_627, %lt3A_630 : i32
        %lt3A_632 = arith.constant 0 : i32
        %lt3A_633 = arith.cmpi slt, %select_n3A_626, %lt3A_632 : i32
        %ne3A_634 = arith.xori %lt3A_631, %lt3A_633 : i1
        %and3A_635 = arith.andi %ne3A_634, %ne3A_629 : i1
        %add3A_636 = arith.addi %rem3A_627, %select_n3A_626 : i32
        %select_n3A_637 = arith.select %and3A_635, %add3A_636, %rem3A_627 : i32
        %dma_start3A_638 = arith.constant 5 : i32
        %dma_start3A_639 = arith.constant 5 : i32
        %dma_start3A_640 = arith.constant 0 : i32
        %dma_start3A_641 = arith.constant 0 : i32
        %dma_start3A_642 = tpu.memref_slice %arg6[%dma_start3A_638, %dma_start3A_640, %dma_start3A_641] : memref<8x100x64xf32, #tpu.memory_space<vmem>> -> memref<1x100x64xf32, #tpu.memory_space<vmem>>
        %dma_start3A_643 = tpu.memref_squeeze %dma_start3A_642 : memref<1x100x64xf32, #tpu.memory_space<vmem>> -> memref<100x64xf32, #tpu.memory_space<vmem>>
        %dma_start3A_644 = arith.constant 0 : i32
        %dma_start3A_645 = tpu.memref_slice %arg5[%select_n3A_637, %dma_start3A_644] : memref<64x100xi32, #tpu.memory_space<vmem>> -> memref<1x100xi32, #tpu.memory_space<vmem>>
        %dma_start3A_646 = tpu.memref_squeeze %dma_start3A_645 : memref<1x100xi32, #tpu.memory_space<vmem>> -> memref<100xi32, #tpu.memory_space<vmem>>
        %dma_start3A_647 = arith.constant 0 : i32
        %dma_start3A_648 = arith.constant 0 : i32
        %dma_start3A_649 = tpu.memref_slice %arg3[%dma_start3A_647, %dma_start3A_648] : memref<1000000x64xf32, #tpu.memory_space<hbm>> -> memref<1000000x64xf32, #tpu.memory_space<hbm>>
        %dma_start3A_650 = tpu.memref_slice %arg7[%dma_start3A_639] : memref<8x!tpu.dma_semaphore, #tpu.memory_space<semaphore_mem>> -> memref<1x!tpu.dma_semaphore, #tpu.memory_space<semaphore_mem>>
        %dma_start3A_651 = tpu.memref_squeeze %dma_start3A_650 : memref<1x!tpu.dma_semaphore, #tpu.memory_space<semaphore_mem>> -> memref<!tpu.dma_semaphore, #tpu.memory_space<semaphore_mem>>
        tpu.enqueue_indirect_dma source(%dma_start3A_649 : memref<1000000x64xf32, #tpu.memory_space<hbm>>) target(%dma_start3A_643 : memref<100x64xf32, #tpu.memory_space<vmem>>) offsets(%dma_start3A_646 : memref<100xi32, #tpu.memory_space<vmem>>) semaphore(%dma_start3A_651 : memref<!tpu.dma_semaphore, #tpu.memory_space<semaphore_mem>>)
        %add3A_652 = arith.constant 2 : i32
        %add3A_653 = arith.addi %add3A_373, %add3A_652 : i32
        %ge3A_654 = arith.constant 8 : i32
        %ge3A_655 = arith.cmpi sge, %add3A_653, %ge3A_654 : i32
        %convert_element_type3A_656 = arith.extui %ge3A_655 : i1 to i32
        %cond3A_657 = arith.constant 0 : i32
        %cond3A_658 = arith.cmpi ne, %convert_element_type3A_656, %cond3A_657 : i32
        scf.if %cond3A_658 {
          %dma_wait3A_847 = arith.constant 6 : i32
          %dma_wait3A_848 = arith.constant 6 : i32
          %dma_wait3A_849 = arith.constant 0 : i32
          %dma_wait3A_850 = arith.constant 0 : i32
          %dma_wait3A_851 = tpu.memref_slice %arg6[%dma_wait3A_847, %dma_wait3A_849, %dma_wait3A_850] : memref<8x100x64xf32, #tpu.memory_space<vmem>> -> memref<1x100x64xf32, #tpu.memory_space<vmem>>
          %dma_wait3A_852 = tpu.memref_squeeze %dma_wait3A_851 : memref<1x100x64xf32, #tpu.memory_space<vmem>> -> memref<100x64xf32, #tpu.memory_space<vmem>>
          %dma_wait3A_853 = arith.constant 0 : i32
          %dma_wait3A_854 = arith.constant 0 : i32
          %dma_wait3A_855 = tpu.memref_slice %arg4[%mul3A_2, %dma_wait3A_853, %dma_wait3A_854] : memref<8192x100x64xf32, #tpu.memory_space<hbm>> -> memref<1x100x64xf32, #tpu.memory_space<hbm>>
          %dma_wait3A_856 = tpu.memref_squeeze %dma_wait3A_855 : memref<1x100x64xf32, #tpu.memory_space<hbm>> -> memref<100x64xf32, #tpu.memory_space<hbm>>
          %dma_wait3A_857 = tpu.memref_slice %arg8[%dma_wait3A_848] : memref<8x!tpu.dma_semaphore, #tpu.memory_space<semaphore_mem>> -> memref<1x!tpu.dma_semaphore, #tpu.memory_space<semaphore_mem>>
          %dma_wait3A_858 = tpu.memref_squeeze %dma_wait3A_857 : memref<1x!tpu.dma_semaphore, #tpu.memory_space<semaphore_mem>> -> memref<!tpu.dma_semaphore, #tpu.memory_space<semaphore_mem>>
          %dma_wait3A_859 = arith.constant 0 : i32
          %dma_wait3A_860 = arith.constant 0 : i32
          %dma_wait3A_861 = tpu.memref_slice %arg4[%mul3A_2, %dma_wait3A_859, %dma_wait3A_860] : memref<8192x100x64xf32, #tpu.memory_space<hbm>> -> memref<1x100x64xf32, #tpu.memory_space<hbm>>
          %dma_wait3A_862 = tpu.memref_squeeze %dma_wait3A_861 : memref<1x100x64xf32, #tpu.memory_space<hbm>> -> memref<100x64xf32, #tpu.memory_space<hbm>>
          %dma_wait3A_863 = arith.constant 0 : i32
          %dma_wait3A_864 = arith.constant 0 : i32
          %dma_wait3A_865 = tpu.memref_slice %arg6[%dma_wait3A_847, %dma_wait3A_863, %dma_wait3A_864] : memref<8x100x64xf32, #tpu.memory_space<vmem>> -> memref<1x100x64xf32, #tpu.memory_space<vmem>>
          %dma_wait3A_866 = tpu.memref_squeeze %dma_wait3A_865 : memref<1x100x64xf32, #tpu.memory_space<vmem>> -> memref<100x64xf32, #tpu.memory_space<vmem>>
          tpu.wait_dma2 semaphore(%dma_wait3A_858 : memref<!tpu.dma_semaphore, #tpu.memory_space<semaphore_mem>>) src(%dma_wait3A_866 : memref<100x64xf32, #tpu.memory_space<vmem>>) dst(%dma_wait3A_862 : memref<100x64xf32, #tpu.memory_space<hbm>>)
        } else {
        }
        %add3A_659 = arith.constant 2 : i32
        %add3A_660 = arith.addi %add3A_373, %add3A_659 : i32
        %jit3A_661 = arith.constant 64 : i32
        %eq3A_662 = arith.constant 0 : i32
        %eq3A_663 = arith.cmpi eq, %jit3A_661, %eq3A_662 : i32
        %jit3A_664 = arith.constant 1 : i32
        %select_n3A_665 = arith.select %eq3A_663, %jit3A_664, %jit3A_661 : i32
        %rem3A_666 = arith.remsi %add3A_660, %select_n3A_665 : i32
        %ne3A_667 = arith.constant 0 : i32
        %ne3A_668 = arith.cmpi ne, %rem3A_666, %ne3A_667 : i32
        %lt3A_669 = arith.constant 0 : i32
        %lt3A_670 = arith.cmpi slt, %rem3A_666, %lt3A_669 : i32
        %lt3A_671 = arith.constant 0 : i32
        %lt3A_672 = arith.cmpi slt, %select_n3A_665, %lt3A_671 : i32
        %ne3A_673 = arith.xori %lt3A_670, %lt3A_672 : i1
        %and3A_674 = arith.andi %ne3A_673, %ne3A_668 : i1
        %add3A_675 = arith.addi %rem3A_666, %select_n3A_665 : i32
        %select_n3A_676 = arith.select %and3A_674, %add3A_675, %rem3A_666 : i32
        %dma_start3A_677 = arith.constant 6 : i32
        %dma_start3A_678 = arith.constant 6 : i32
        %dma_start3A_679 = arith.constant 0 : i32
        %dma_start3A_680 = arith.constant 0 : i32
        %dma_start3A_681 = tpu.memref_slice %arg6[%dma_start3A_677, %dma_start3A_679, %dma_start3A_680] : memref<8x100x64xf32, #tpu.memory_space<vmem>> -> memref<1x100x64xf32, #tpu.memory_space<vmem>>
        %dma_start3A_682 = tpu.memref_squeeze %dma_start3A_681 : memref<1x100x64xf32, #tpu.memory_space<vmem>> -> memref<100x64xf32, #tpu.memory_space<vmem>>
        %dma_start3A_683 = arith.constant 0 : i32
        %dma_start3A_684 = tpu.memref_slice %arg5[%select_n3A_676, %dma_start3A_683] : memref<64x100xi32, #tpu.memory_space<vmem>> -> memref<1x100xi32, #tpu.memory_space<vmem>>
        %dma_start3A_685 = tpu.memref_squeeze %dma_start3A_684 : memref<1x100xi32, #tpu.memory_space<vmem>> -> memref<100xi32, #tpu.memory_space<vmem>>
        %dma_start3A_686 = arith.constant 0 : i32
        %dma_start3A_687 = arith.constant 0 : i32
        %dma_start3A_688 = tpu.memref_slice %arg3[%dma_start3A_686, %dma_start3A_687] : memref<1000000x64xf32, #tpu.memory_space<hbm>> -> memref<1000000x64xf32, #tpu.memory_space<hbm>>
        %dma_start3A_689 = tpu.memref_slice %arg7[%dma_start3A_678] : memref<8x!tpu.dma_semaphore, #tpu.memory_space<semaphore_mem>> -> memref<1x!tpu.dma_semaphore, #tpu.memory_space<semaphore_mem>>
        %dma_start3A_690 = tpu.memref_squeeze %dma_start3A_689 : memref<1x!tpu.dma_semaphore, #tpu.memory_space<semaphore_mem>> -> memref<!tpu.dma_semaphore, #tpu.memory_space<semaphore_mem>>
        tpu.enqueue_indirect_dma source(%dma_start3A_688 : memref<1000000x64xf32, #tpu.memory_space<hbm>>) target(%dma_start3A_682 : memref<100x64xf32, #tpu.memory_space<vmem>>) offsets(%dma_start3A_685 : memref<100xi32, #tpu.memory_space<vmem>>) semaphore(%dma_start3A_690 : memref<!tpu.dma_semaphore, #tpu.memory_space<semaphore_mem>>)
        %add3A_691 = arith.constant 3 : i32
        %add3A_692 = arith.addi %add3A_373, %add3A_691 : i32
        %ge3A_693 = arith.constant 8 : i32
        %ge3A_694 = arith.cmpi sge, %add3A_692, %ge3A_693 : i32
        %convert_element_type3A_695 = arith.extui %ge3A_694 : i1 to i32
        %cond3A_696 = arith.constant 0 : i32
        %cond3A_697 = arith.cmpi ne, %convert_element_type3A_695, %cond3A_696 : i32
        scf.if %cond3A_697 {
          %dma_wait3A_847 = arith.constant 7 : i32
          %dma_wait3A_848 = arith.constant 7 : i32
          %dma_wait3A_849 = arith.constant 0 : i32
          %dma_wait3A_850 = arith.constant 0 : i32
          %dma_wait3A_851 = tpu.memref_slice %arg6[%dma_wait3A_847, %dma_wait3A_849, %dma_wait3A_850] : memref<8x100x64xf32, #tpu.memory_space<vmem>> -> memref<1x100x64xf32, #tpu.memory_space<vmem>>
          %dma_wait3A_852 = tpu.memref_squeeze %dma_wait3A_851 : memref<1x100x64xf32, #tpu.memory_space<vmem>> -> memref<100x64xf32, #tpu.memory_space<vmem>>
          %dma_wait3A_853 = arith.constant 0 : i32
          %dma_wait3A_854 = arith.constant 0 : i32
          %dma_wait3A_855 = tpu.memref_slice %arg4[%mul3A_2, %dma_wait3A_853, %dma_wait3A_854] : memref<8192x100x64xf32, #tpu.memory_space<hbm>> -> memref<1x100x64xf32, #tpu.memory_space<hbm>>
          %dma_wait3A_856 = tpu.memref_squeeze %dma_wait3A_855 : memref<1x100x64xf32, #tpu.memory_space<hbm>> -> memref<100x64xf32, #tpu.memory_space<hbm>>
          %dma_wait3A_857 = tpu.memref_slice %arg8[%dma_wait3A_848] : memref<8x!tpu.dma_semaphore, #tpu.memory_space<semaphore_mem>> -> memref<1x!tpu.dma_semaphore, #tpu.memory_space<semaphore_mem>>
          %dma_wait3A_858 = tpu.memref_squeeze %dma_wait3A_857 : memref<1x!tpu.dma_semaphore, #tpu.memory_space<semaphore_mem>> -> memref<!tpu.dma_semaphore, #tpu.memory_space<semaphore_mem>>
          %dma_wait3A_859 = arith.constant 0 : i32
          %dma_wait3A_860 = arith.constant 0 : i32
          %dma_wait3A_861 = tpu.memref_slice %arg4[%mul3A_2, %dma_wait3A_859, %dma_wait3A_860] : memref<8192x100x64xf32, #tpu.memory_space<hbm>> -> memref<1x100x64xf32, #tpu.memory_space<hbm>>
          %dma_wait3A_862 = tpu.memref_squeeze %dma_wait3A_861 : memref<1x100x64xf32, #tpu.memory_space<hbm>> -> memref<100x64xf32, #tpu.memory_space<hbm>>
          %dma_wait3A_863 = arith.constant 0 : i32
          %dma_wait3A_864 = arith.constant 0 : i32
          %dma_wait3A_865 = tpu.memref_slice %arg6[%dma_wait3A_847, %dma_wait3A_863, %dma_wait3A_864] : memref<8x100x64xf32, #tpu.memory_space<vmem>> -> memref<1x100x64xf32, #tpu.memory_space<vmem>>
          %dma_wait3A_866 = tpu.memref_squeeze %dma_wait3A_865 : memref<1x100x64xf32, #tpu.memory_space<vmem>> -> memref<100x64xf32, #tpu.memory_space<vmem>>
          tpu.wait_dma2 semaphore(%dma_wait3A_858 : memref<!tpu.dma_semaphore, #tpu.memory_space<semaphore_mem>>) src(%dma_wait3A_866 : memref<100x64xf32, #tpu.memory_space<vmem>>) dst(%dma_wait3A_862 : memref<100x64xf32, #tpu.memory_space<hbm>>)
        } else {
        }
        %add3A_698 = arith.constant 3 : i32
        %add3A_699 = arith.addi %add3A_373, %add3A_698 : i32
        %jit3A_700 = arith.constant 64 : i32
        %eq3A_701 = arith.constant 0 : i32
        %eq3A_702 = arith.cmpi eq, %jit3A_700, %eq3A_701 : i32
        %jit3A_703 = arith.constant 1 : i32
        %select_n3A_704 = arith.select %eq3A_702, %jit3A_703, %jit3A_700 : i32
        %rem3A_705 = arith.remsi %add3A_699, %select_n3A_704 : i32
        %ne3A_706 = arith.constant 0 : i32
        %ne3A_707 = arith.cmpi ne, %rem3A_705, %ne3A_706 : i32
        %lt3A_708 = arith.constant 0 : i32
        %lt3A_709 = arith.cmpi slt, %rem3A_705, %lt3A_708 : i32
        %lt3A_710 = arith.constant 0 : i32
        %lt3A_711 = arith.cmpi slt, %select_n3A_704, %lt3A_710 : i32
        %ne3A_712 = arith.xori %lt3A_709, %lt3A_711 : i1
        %and3A_713 = arith.andi %ne3A_712, %ne3A_707 : i1
        %add3A_714 = arith.addi %rem3A_705, %select_n3A_704 : i32
        %select_n3A_715 = arith.select %and3A_713, %add3A_714, %rem3A_705 : i32
        %dma_start3A_716 = arith.constant 7 : i32
        %dma_start3A_717 = arith.constant 7 : i32
        %dma_start3A_718 = arith.constant 0 : i32
        %dma_start3A_719 = arith.constant 0 : i32
        %dma_start3A_720 = tpu.memref_slice %arg6[%dma_start3A_716, %dma_start3A_718, %dma_start3A_719] : memref<8x100x64xf32, #tpu.memory_space<vmem>> -> memref<1x100x64xf32, #tpu.memory_space<vmem>>
        %dma_start3A_721 = tpu.memref_squeeze %dma_start3A_720 : memref<1x100x64xf32, #tpu.memory_space<vmem>> -> memref<100x64xf32, #tpu.memory_space<vmem>>
        %dma_start3A_722 = arith.constant 0 : i32
        %dma_start3A_723 = tpu.memref_slice %arg5[%select_n3A_715, %dma_start3A_722] : memref<64x100xi32, #tpu.memory_space<vmem>> -> memref<1x100xi32, #tpu.memory_space<vmem>>
        %dma_start3A_724 = tpu.memref_squeeze %dma_start3A_723 : memref<1x100xi32, #tpu.memory_space<vmem>> -> memref<100xi32, #tpu.memory_space<vmem>>
        %dma_start3A_725 = arith.constant 0 : i32
        %dma_start3A_726 = arith.constant 0 : i32
        %dma_start3A_727 = tpu.memref_slice %arg3[%dma_start3A_725, %dma_start3A_726] : memref<1000000x64xf32, #tpu.memory_space<hbm>> -> memref<1000000x64xf32, #tpu.memory_space<hbm>>
        %dma_start3A_728 = tpu.memref_slice %arg7[%dma_start3A_717] : memref<8x!tpu.dma_semaphore, #tpu.memory_space<semaphore_mem>> -> memref<1x!tpu.dma_semaphore, #tpu.memory_space<semaphore_mem>>
        %dma_start3A_729 = tpu.memref_squeeze %dma_start3A_728 : memref<1x!tpu.dma_semaphore, #tpu.memory_space<semaphore_mem>> -> memref<!tpu.dma_semaphore, #tpu.memory_space<semaphore_mem>>
        tpu.enqueue_indirect_dma source(%dma_start3A_727 : memref<1000000x64xf32, #tpu.memory_space<hbm>>) target(%dma_start3A_721 : memref<100x64xf32, #tpu.memory_space<vmem>>) offsets(%dma_start3A_724 : memref<100xi32, #tpu.memory_space<vmem>>) semaphore(%dma_start3A_729 : memref<!tpu.dma_semaphore, #tpu.memory_space<semaphore_mem>>)
        %add3A_730 = arith.constant 4 : i32
        %add3A_731 = arith.addi %add3A_373, %add3A_730 : i32
        %ge3A_732 = arith.constant 8 : i32
        %ge3A_733 = arith.cmpi sge, %add3A_731, %ge3A_732 : i32
        %convert_element_type3A_734 = arith.extui %ge3A_733 : i1 to i32
        %cond3A_735 = arith.constant 0 : i32
        %cond3A_736 = arith.cmpi ne, %convert_element_type3A_734, %cond3A_735 : i32
        scf.if %cond3A_736 {
          %dma_wait3A_847 = arith.constant 0 : i32
          %dma_wait3A_848 = arith.constant 0 : i32
          %dma_wait3A_849 = arith.constant 0 : i32
          %dma_wait3A_850 = arith.constant 0 : i32
          %dma_wait3A_851 = tpu.memref_slice %arg6[%dma_wait3A_847, %dma_wait3A_849, %dma_wait3A_850] : memref<8x100x64xf32, #tpu.memory_space<vmem>> -> memref<1x100x64xf32, #tpu.memory_space<vmem>>
          %dma_wait3A_852 = tpu.memref_squeeze %dma_wait3A_851 : memref<1x100x64xf32, #tpu.memory_space<vmem>> -> memref<100x64xf32, #tpu.memory_space<vmem>>
          %dma_wait3A_853 = arith.constant 0 : i32
          %dma_wait3A_854 = arith.constant 0 : i32
          %dma_wait3A_855 = tpu.memref_slice %arg4[%mul3A_2, %dma_wait3A_853, %dma_wait3A_854] : memref<8192x100x64xf32, #tpu.memory_space<hbm>> -> memref<1x100x64xf32, #tpu.memory_space<hbm>>
          %dma_wait3A_856 = tpu.memref_squeeze %dma_wait3A_855 : memref<1x100x64xf32, #tpu.memory_space<hbm>> -> memref<100x64xf32, #tpu.memory_space<hbm>>
          %dma_wait3A_857 = tpu.memref_slice %arg8[%dma_wait3A_848] : memref<8x!tpu.dma_semaphore, #tpu.memory_space<semaphore_mem>> -> memref<1x!tpu.dma_semaphore, #tpu.memory_space<semaphore_mem>>
          %dma_wait3A_858 = tpu.memref_squeeze %dma_wait3A_857 : memref<1x!tpu.dma_semaphore, #tpu.memory_space<semaphore_mem>> -> memref<!tpu.dma_semaphore, #tpu.memory_space<semaphore_mem>>
          %dma_wait3A_859 = arith.constant 0 : i32
          %dma_wait3A_860 = arith.constant 0 : i32
          %dma_wait3A_861 = tpu.memref_slice %arg4[%mul3A_2, %dma_wait3A_859, %dma_wait3A_860] : memref<8192x100x64xf32, #tpu.memory_space<hbm>> -> memref<1x100x64xf32, #tpu.memory_space<hbm>>
          %dma_wait3A_862 = tpu.memref_squeeze %dma_wait3A_861 : memref<1x100x64xf32, #tpu.memory_space<hbm>> -> memref<100x64xf32, #tpu.memory_space<hbm>>
          %dma_wait3A_863 = arith.constant 0 : i32
          %dma_wait3A_864 = arith.constant 0 : i32
          %dma_wait3A_865 = tpu.memref_slice %arg6[%dma_wait3A_847, %dma_wait3A_863, %dma_wait3A_864] : memref<8x100x64xf32, #tpu.memory_space<vmem>> -> memref<1x100x64xf32, #tpu.memory_space<vmem>>
          %dma_wait3A_866 = tpu.memref_squeeze %dma_wait3A_865 : memref<1x100x64xf32, #tpu.memory_space<vmem>> -> memref<100x64xf32, #tpu.memory_space<vmem>>
          tpu.wait_dma2 semaphore(%dma_wait3A_858 : memref<!tpu.dma_semaphore, #tpu.memory_space<semaphore_mem>>) src(%dma_wait3A_866 : memref<100x64xf32, #tpu.memory_space<vmem>>) dst(%dma_wait3A_862 : memref<100x64xf32, #tpu.memory_space<hbm>>)
        } else {
        }
        %add3A_737 = arith.constant 4 : i32
        %add3A_738 = arith.addi %add3A_373, %add3A_737 : i32
        %jit3A_739 = arith.constant 64 : i32
        %eq3A_740 = arith.constant 0 : i32
        %eq3A_741 = arith.cmpi eq, %jit3A_739, %eq3A_740 : i32
        %jit3A_742 = arith.constant 1 : i32
        %select_n3A_743 = arith.select %eq3A_741, %jit3A_742, %jit3A_739 : i32
        %rem3A_744 = arith.remsi %add3A_738, %select_n3A_743 : i32
        %ne3A_745 = arith.constant 0 : i32
        %ne3A_746 = arith.cmpi ne, %rem3A_744, %ne3A_745 : i32
        %lt3A_747 = arith.constant 0 : i32
        %lt3A_748 = arith.cmpi slt, %rem3A_744, %lt3A_747 : i32
        %lt3A_749 = arith.constant 0 : i32
        %lt3A_750 = arith.cmpi slt, %select_n3A_743, %lt3A_749 : i32
        %ne3A_751 = arith.xori %lt3A_748, %lt3A_750 : i1
        %and3A_752 = arith.andi %ne3A_751, %ne3A_746 : i1
        %add3A_753 = arith.addi %rem3A_744, %select_n3A_743 : i32
        %select_n3A_754 = arith.select %and3A_752, %add3A_753, %rem3A_744 : i32
        %dma_start3A_755 = arith.constant 0 : i32
        %dma_start3A_756 = arith.constant 0 : i32
        %dma_start3A_757 = arith.constant 0 : i32
        %dma_start3A_758 = arith.constant 0 : i32
        %dma_start3A_759 = tpu.memref_slice %arg6[%dma_start3A_755, %dma_start3A_757, %dma_start3A_758] : memref<8x100x64xf32, #tpu.memory_space<vmem>> -> memref<1x100x64xf32, #tpu.memory_space<vmem>>
        %dma_start3A_760 = tpu.memref_squeeze %dma_start3A_759 : memref<1x100x64xf32, #tpu.memory_space<vmem>> -> memref<100x64xf32, #tpu.memory_space<vmem>>
        %dma_start3A_761 = arith.constant 0 : i32
        %dma_start3A_762 = tpu.memref_slice %arg5[%select_n3A_754, %dma_start3A_761] : memref<64x100xi32, #tpu.memory_space<vmem>> -> memref<1x100xi32, #tpu.memory_space<vmem>>
        %dma_start3A_763 = tpu.memref_squeeze %dma_start3A_762 : memref<1x100xi32, #tpu.memory_space<vmem>> -> memref<100xi32, #tpu.memory_space<vmem>>
        %dma_start3A_764 = arith.constant 0 : i32
        %dma_start3A_765 = arith.constant 0 : i32
        %dma_start3A_766 = tpu.memref_slice %arg3[%dma_start3A_764, %dma_start3A_765] : memref<1000000x64xf32, #tpu.memory_space<hbm>> -> memref<1000000x64xf32, #tpu.memory_space<hbm>>
        %dma_start3A_767 = tpu.memref_slice %arg7[%dma_start3A_756] : memref<8x!tpu.dma_semaphore, #tpu.memory_space<semaphore_mem>> -> memref<1x!tpu.dma_semaphore, #tpu.memory_space<semaphore_mem>>
        %dma_start3A_768 = tpu.memref_squeeze %dma_start3A_767 : memref<1x!tpu.dma_semaphore, #tpu.memory_space<semaphore_mem>> -> memref<!tpu.dma_semaphore, #tpu.memory_space<semaphore_mem>>
        tpu.enqueue_indirect_dma source(%dma_start3A_766 : memref<1000000x64xf32, #tpu.memory_space<hbm>>) target(%dma_start3A_760 : memref<100x64xf32, #tpu.memory_space<vmem>>) offsets(%dma_start3A_763 : memref<100xi32, #tpu.memory_space<vmem>>) semaphore(%dma_start3A_768 : memref<!tpu.dma_semaphore, #tpu.memory_space<semaphore_mem>>)
        %add3A_769 = arith.constant 5 : i32
        %add3A_770 = arith.addi %add3A_373, %add3A_769 : i32
        %ge3A_771 = arith.constant 8 : i32
        %ge3A_772 = arith.cmpi sge, %add3A_770, %ge3A_771 : i32
        %convert_element_type3A_773 = arith.extui %ge3A_772 : i1 to i32
        %cond3A_774 = arith.constant 0 : i32
        %cond3A_775 = arith.cmpi ne, %convert_element_type3A_773, %cond3A_774 : i32
        scf.if %cond3A_775 {
          %dma_wait3A_847 = arith.constant 1 : i32
          %dma_wait3A_848 = arith.constant 1 : i32
          %dma_wait3A_849 = arith.constant 0 : i32
          %dma_wait3A_850 = arith.constant 0 : i32
          %dma_wait3A_851 = tpu.memref_slice %arg6[%dma_wait3A_847, %dma_wait3A_849, %dma_wait3A_850] : memref<8x100x64xf32, #tpu.memory_space<vmem>> -> memref<1x100x64xf32, #tpu.memory_space<vmem>>
          %dma_wait3A_852 = tpu.memref_squeeze %dma_wait3A_851 : memref<1x100x64xf32, #tpu.memory_space<vmem>> -> memref<100x64xf32, #tpu.memory_space<vmem>>
          %dma_wait3A_853 = arith.constant 0 : i32
          %dma_wait3A_854 = arith.constant 0 : i32
          %dma_wait3A_855 = tpu.memref_slice %arg4[%mul3A_2, %dma_wait3A_853, %dma_wait3A_854] : memref<8192x100x64xf32, #tpu.memory_space<hbm>> -> memref<1x100x64xf32, #tpu.memory_space<hbm>>
          %dma_wait3A_856 = tpu.memref_squeeze %dma_wait3A_855 : memref<1x100x64xf32, #tpu.memory_space<hbm>> -> memref<100x64xf32, #tpu.memory_space<hbm>>
          %dma_wait3A_857 = tpu.memref_slice %arg8[%dma_wait3A_848] : memref<8x!tpu.dma_semaphore, #tpu.memory_space<semaphore_mem>> -> memref<1x!tpu.dma_semaphore, #tpu.memory_space<semaphore_mem>>
          %dma_wait3A_858 = tpu.memref_squeeze %dma_wait3A_857 : memref<1x!tpu.dma_semaphore, #tpu.memory_space<semaphore_mem>> -> memref<!tpu.dma_semaphore, #tpu.memory_space<semaphore_mem>>
          %dma_wait3A_859 = arith.constant 0 : i32
          %dma_wait3A_860 = arith.constant 0 : i32
          %dma_wait3A_861 = tpu.memref_slice %arg4[%mul3A_2, %dma_wait3A_859, %dma_wait3A_860] : memref<8192x100x64xf32, #tpu.memory_space<hbm>> -> memref<1x100x64xf32, #tpu.memory_space<hbm>>
          %dma_wait3A_862 = tpu.memref_squeeze %dma_wait3A_861 : memref<1x100x64xf32, #tpu.memory_space<hbm>> -> memref<100x64xf32, #tpu.memory_space<hbm>>
          %dma_wait3A_863 = arith.constant 0 : i32
          %dma_wait3A_864 = arith.constant 0 : i32
          %dma_wait3A_865 = tpu.memref_slice %arg6[%dma_wait3A_847, %dma_wait3A_863, %dma_wait3A_864] : memref<8x100x64xf32, #tpu.memory_space<vmem>> -> memref<1x100x64xf32, #tpu.memory_space<vmem>>
          %dma_wait3A_866 = tpu.memref_squeeze %dma_wait3A_865 : memref<1x100x64xf32, #tpu.memory_space<vmem>> -> memref<100x64xf32, #tpu.memory_space<vmem>>
          tpu.wait_dma2 semaphore(%dma_wait3A_858 : memref<!tpu.dma_semaphore, #tpu.memory_space<semaphore_mem>>) src(%dma_wait3A_866 : memref<100x64xf32, #tpu.memory_space<vmem>>) dst(%dma_wait3A_862 : memref<100x64xf32, #tpu.memory_space<hbm>>)
        } else {
        }
        %add3A_776 = arith.constant 5 : i32
        %add3A_777 = arith.addi %add3A_373, %add3A_776 : i32
        %jit3A_778 = arith.constant 64 : i32
        %eq3A_779 = arith.constant 0 : i32
        %eq3A_780 = arith.cmpi eq, %jit3A_778, %eq3A_779 : i32
        %jit3A_781 = arith.constant 1 : i32
        %select_n3A_782 = arith.select %eq3A_780, %jit3A_781, %jit3A_778 : i32
        %rem3A_783 = arith.remsi %add3A_777, %select_n3A_782 : i32
        %ne3A_784 = arith.constant 0 : i32
        %ne3A_785 = arith.cmpi ne, %rem3A_783, %ne3A_784 : i32
        %lt3A_786 = arith.constant 0 : i32
        %lt3A_787 = arith.cmpi slt, %rem3A_783, %lt3A_786 : i32
        %lt3A_788 = arith.constant 0 : i32
        %lt3A_789 = arith.cmpi slt, %select_n3A_782, %lt3A_788 : i32
        %ne3A_790 = arith.xori %lt3A_787, %lt3A_789 : i1
        %and3A_791 = arith.andi %ne3A_790, %ne3A_785 : i1
        %add3A_792 = arith.addi %rem3A_783, %select_n3A_782 : i32
        %select_n3A_793 = arith.select %and3A_791, %add3A_792, %rem3A_783 : i32
        %dma_start3A_794 = arith.constant 1 : i32
        %dma_start3A_795 = arith.constant 1 : i32
        %dma_start3A_796 = arith.constant 0 : i32
        %dma_start3A_797 = arith.constant 0 : i32
        %dma_start3A_798 = tpu.memref_slice %arg6[%dma_start3A_794, %dma_start3A_796, %dma_start3A_797] : memref<8x100x64xf32, #tpu.memory_space<vmem>> -> memref<1x100x64xf32, #tpu.memory_space<vmem>>
        %dma_start3A_799 = tpu.memref_squeeze %dma_start3A_798 : memref<1x100x64xf32, #tpu.memory_space<vmem>> -> memref<100x64xf32, #tpu.memory_space<vmem>>
        %dma_start3A_800 = arith.constant 0 : i32
        %dma_start3A_801 = tpu.memref_slice %arg5[%select_n3A_793, %dma_start3A_800] : memref<64x100xi32, #tpu.memory_space<vmem>> -> memref<1x100xi32, #tpu.memory_space<vmem>>
        %dma_start3A_802 = tpu.memref_squeeze %dma_start3A_801 : memref<1x100xi32, #tpu.memory_space<vmem>> -> memref<100xi32, #tpu.memory_space<vmem>>
        %dma_start3A_803 = arith.constant 0 : i32
        %dma_start3A_804 = arith.constant 0 : i32
        %dma_start3A_805 = tpu.memref_slice %arg3[%dma_start3A_803, %dma_start3A_804] : memref<1000000x64xf32, #tpu.memory_space<hbm>> -> memref<1000000x64xf32, #tpu.memory_space<hbm>>
        %dma_start3A_806 = tpu.memref_slice %arg7[%dma_start3A_795] : memref<8x!tpu.dma_semaphore, #tpu.memory_space<semaphore_mem>> -> memref<1x!tpu.dma_semaphore, #tpu.memory_space<semaphore_mem>>
        %dma_start3A_807 = tpu.memref_squeeze %dma_start3A_806 : memref<1x!tpu.dma_semaphore, #tpu.memory_space<semaphore_mem>> -> memref<!tpu.dma_semaphore, #tpu.memory_space<semaphore_mem>>
        tpu.enqueue_indirect_dma source(%dma_start3A_805 : memref<1000000x64xf32, #tpu.memory_space<hbm>>) target(%dma_start3A_799 : memref<100x64xf32, #tpu.memory_space<vmem>>) offsets(%dma_start3A_802 : memref<100xi32, #tpu.memory_space<vmem>>) semaphore(%dma_start3A_807 : memref<!tpu.dma_semaphore, #tpu.memory_space<semaphore_mem>>)
        %add3A_808 = arith.constant 6 : i32
        %add3A_809 = arith.addi %add3A_373, %add3A_808 : i32
        %ge3A_810 = arith.constant 8 : i32
        %ge3A_811 = arith.cmpi sge, %add3A_809, %ge3A_810 : i32
        %convert_element_type3A_812 = arith.extui %ge3A_811 : i1 to i32
        %cond3A_813 = arith.constant 0 : i32
        %cond3A_814 = arith.cmpi ne, %convert_element_type3A_812, %cond3A_813 : i32
        scf.if %cond3A_814 {
          %dma_wait3A_847 = arith.constant 2 : i32
          %dma_wait3A_848 = arith.constant 2 : i32
          %dma_wait3A_849 = arith.constant 0 : i32
          %dma_wait3A_850 = arith.constant 0 : i32
          %dma_wait3A_851 = tpu.memref_slice %arg6[%dma_wait3A_847, %dma_wait3A_849, %dma_wait3A_850] : memref<8x100x64xf32, #tpu.memory_space<vmem>> -> memref<1x100x64xf32, #tpu.memory_space<vmem>>
          %dma_wait3A_852 = tpu.memref_squeeze %dma_wait3A_851 : memref<1x100x64xf32, #tpu.memory_space<vmem>> -> memref<100x64xf32, #tpu.memory_space<vmem>>
          %dma_wait3A_853 = arith.constant 0 : i32
          %dma_wait3A_854 = arith.constant 0 : i32
          %dma_wait3A_855 = tpu.memref_slice %arg4[%mul3A_2, %dma_wait3A_853, %dma_wait3A_854] : memref<8192x100x64xf32, #tpu.memory_space<hbm>> -> memref<1x100x64xf32, #tpu.memory_space<hbm>>
          %dma_wait3A_856 = tpu.memref_squeeze %dma_wait3A_855 : memref<1x100x64xf32, #tpu.memory_space<hbm>> -> memref<100x64xf32, #tpu.memory_space<hbm>>
          %dma_wait3A_857 = tpu.memref_slice %arg8[%dma_wait3A_848] : memref<8x!tpu.dma_semaphore, #tpu.memory_space<semaphore_mem>> -> memref<1x!tpu.dma_semaphore, #tpu.memory_space<semaphore_mem>>
          %dma_wait3A_858 = tpu.memref_squeeze %dma_wait3A_857 : memref<1x!tpu.dma_semaphore, #tpu.memory_space<semaphore_mem>> -> memref<!tpu.dma_semaphore, #tpu.memory_space<semaphore_mem>>
          %dma_wait3A_859 = arith.constant 0 : i32
          %dma_wait3A_860 = arith.constant 0 : i32
          %dma_wait3A_861 = tpu.memref_slice %arg4[%mul3A_2, %dma_wait3A_859, %dma_wait3A_860] : memref<8192x100x64xf32, #tpu.memory_space<hbm>> -> memref<1x100x64xf32, #tpu.memory_space<hbm>>
          %dma_wait3A_862 = tpu.memref_squeeze %dma_wait3A_861 : memref<1x100x64xf32, #tpu.memory_space<hbm>> -> memref<100x64xf32, #tpu.memory_space<hbm>>
          %dma_wait3A_863 = arith.constant 0 : i32
          %dma_wait3A_864 = arith.constant 0 : i32
          %dma_wait3A_865 = tpu.memref_slice %arg6[%dma_wait3A_847, %dma_wait3A_863, %dma_wait3A_864] : memref<8x100x64xf32, #tpu.memory_space<vmem>> -> memref<1x100x64xf32, #tpu.memory_space<vmem>>
          %dma_wait3A_866 = tpu.memref_squeeze %dma_wait3A_865 : memref<1x100x64xf32, #tpu.memory_space<vmem>> -> memref<100x64xf32, #tpu.memory_space<vmem>>
          tpu.wait_dma2 semaphore(%dma_wait3A_858 : memref<!tpu.dma_semaphore, #tpu.memory_space<semaphore_mem>>) src(%dma_wait3A_866 : memref<100x64xf32, #tpu.memory_space<vmem>>) dst(%dma_wait3A_862 : memref<100x64xf32, #tpu.memory_space<hbm>>)
        } else {
        }
        %add3A_815 = arith.constant 6 : i32
        %add3A_816 = arith.addi %add3A_373, %add3A_815 : i32
        %jit3A_817 = arith.constant 64 : i32
        %eq3A_818 = arith.constant 0 : i32
        %eq3A_819 = arith.cmpi eq, %jit3A_817, %eq3A_818 : i32
        %jit3A_820 = arith.constant 1 : i32
        %select_n3A_821 = arith.select %eq3A_819, %jit3A_820, %jit3A_817 : i32
        %rem3A_822 = arith.remsi %add3A_816, %select_n3A_821 : i32
        %ne3A_823 = arith.constant 0 : i32
        %ne3A_824 = arith.cmpi ne, %rem3A_822, %ne3A_823 : i32
        %lt3A_825 = arith.constant 0 : i32
        %lt3A_826 = arith.cmpi slt, %rem3A_822, %lt3A_825 : i32
        %lt3A_827 = arith.constant 0 : i32
        %lt3A_828 = arith.cmpi slt, %select_n3A_821, %lt3A_827 : i32
        %ne3A_829 = arith.xori %lt3A_826, %lt3A_828 : i1
        %and3A_830 = arith.andi %ne3A_829, %ne3A_824 : i1
        %add3A_831 = arith.addi %rem3A_822, %select_n3A_821 : i32
        %select_n3A_832 = arith.select %and3A_830, %add3A_831, %rem3A_822 : i32
        %dma_start3A_833 = arith.constant 2 : i32
        %dma_start3A_834 = arith.constant 2 : i32
        %dma_start3A_835 = arith.constant 0 : i32
        %dma_start3A_836 = arith.constant 0 : i32
        %dma_start3A_837 = tpu.memref_slice %arg6[%dma_start3A_833, %dma_start3A_835, %dma_start3A_836] : memref<8x100x64xf32, #tpu.memory_space<vmem>> -> memref<1x100x64xf32, #tpu.memory_space<vmem>>
        %dma_start3A_838 = tpu.memref_squeeze %dma_start3A_837 : memref<1x100x64xf32, #tpu.memory_space<vmem>> -> memref<100x64xf32, #tpu.memory_space<vmem>>
        %dma_start3A_839 = arith.constant 0 : i32
        %dma_start3A_840 = tpu.memref_slice %arg5[%select_n3A_832, %dma_start3A_839] : memref<64x100xi32, #tpu.memory_space<vmem>> -> memref<1x100xi32, #tpu.memory_space<vmem>>
        %dma_start3A_841 = tpu.memref_squeeze %dma_start3A_840 : memref<1x100xi32, #tpu.memory_space<vmem>> -> memref<100xi32, #tpu.memory_space<vmem>>
        %dma_start3A_842 = arith.constant 0 : i32
        %dma_start3A_843 = arith.constant 0 : i32
        %dma_start3A_844 = tpu.memref_slice %arg3[%dma_start3A_842, %dma_start3A_843] : memref<1000000x64xf32, #tpu.memory_space<hbm>> -> memref<1000000x64xf32, #tpu.memory_space<hbm>>
        %dma_start3A_845 = tpu.memref_slice %arg7[%dma_start3A_834] : memref<8x!tpu.dma_semaphore, #tpu.memory_space<semaphore_mem>> -> memref<1x!tpu.dma_semaphore, #tpu.memory_space<semaphore_mem>>
        %dma_start3A_846 = tpu.memref_squeeze %dma_start3A_845 : memref<1x!tpu.dma_semaphore, #tpu.memory_space<semaphore_mem>> -> memref<!tpu.dma_semaphore, #tpu.memory_space<semaphore_mem>>
        tpu.enqueue_indirect_dma source(%dma_start3A_844 : memref<1000000x64xf32, #tpu.memory_space<hbm>>) target(%dma_start3A_838 : memref<100x64xf32, #tpu.memory_space<vmem>>) offsets(%dma_start3A_841 : memref<100xi32, #tpu.memory_space<vmem>>) semaphore(%dma_start3A_846 : memref<!tpu.dma_semaphore, #tpu.memory_space<semaphore_mem>>)
      } else {
      }
      %dma_wait3A_381 = arith.constant 0 : i32
      %dma_wait3A_382 = arith.constant 4 : i32
      %dma_wait3A_383 = arith.constant 4 : i32
      %dma_wait3A_384 = arith.constant 0 : i32
      %dma_wait3A_385 = arith.constant 0 : i32
      %dma_wait3A_386 = tpu.memref_slice %arg6[%dma_wait3A_382, %dma_wait3A_384, %dma_wait3A_385] : memref<8x100x64xf32, #tpu.memory_space<vmem>> -> memref<1x100x64xf32, #tpu.memory_space<vmem>>
      %dma_wait3A_387 = tpu.memref_squeeze %dma_wait3A_386 : memref<1x100x64xf32, #tpu.memory_space<vmem>> -> memref<100x64xf32, #tpu.memory_space<vmem>>
      %dma_wait3A_388 = arith.constant 0 : i32
      %dma_wait3A_389 = tpu.memref_slice %arg5[%dma_wait3A_381, %dma_wait3A_388] : memref<64x100xi32, #tpu.memory_space<vmem>> -> memref<1x100xi32, #tpu.memory_space<vmem>>
      %dma_wait3A_390 = tpu.memref_squeeze %dma_wait3A_389 : memref<1x100xi32, #tpu.memory_space<vmem>> -> memref<100xi32, #tpu.memory_space<vmem>>
      %dma_wait3A_391 = arith.constant 0 : i32
      %dma_wait3A_392 = arith.constant 0 : i32
      %dma_wait3A_393 = tpu.memref_slice %arg3[%dma_wait3A_391, %dma_wait3A_392] : memref<1000000x64xf32, #tpu.memory_space<hbm>> -> memref<1000000x64xf32, #tpu.memory_space<hbm>>
      %dma_wait3A_394 = tpu.memref_slice %arg7[%dma_wait3A_383] : memref<8x!tpu.dma_semaphore, #tpu.memory_space<semaphore_mem>> -> memref<1x!tpu.dma_semaphore, #tpu.memory_space<semaphore_mem>>
      %dma_wait3A_395 = tpu.memref_squeeze %dma_wait3A_394 : memref<1x!tpu.dma_semaphore, #tpu.memory_space<semaphore_mem>> -> memref<!tpu.dma_semaphore, #tpu.memory_space<semaphore_mem>>
      tpu.wait_indirect_dma semaphore(%dma_wait3A_395 : memref<!tpu.dma_semaphore, #tpu.memory_space<semaphore_mem>>) src(%dma_wait3A_393 : memref<1000000x64xf32, #tpu.memory_space<hbm>>) dst(%dma_wait3A_387 : memref<100x64xf32, #tpu.memory_space<vmem>>)
      %add3A_396 = arith.addi %mul3A_2, %add3A_373 : i32
      %dma_start3A_397 = arith.constant 4 : i32
      %dma_start3A_398 = arith.constant 4 : i32
      %dma_start3A_399 = arith.constant 0 : i32
      %dma_start3A_400 = arith.constant 0 : i32
      %dma_start3A_401 = tpu.memref_slice %arg6[%dma_start3A_397, %dma_start3A_399, %dma_start3A_400] : memref<8x100x64xf32, #tpu.memory_space<vmem>> -> memref<1x100x64xf32, #tpu.memory_space<vmem>>
      %dma_start3A_402 = tpu.memref_squeeze %dma_start3A_401 : memref<1x100x64xf32, #tpu.memory_space<vmem>> -> memref<100x64xf32, #tpu.memory_space<vmem>>
      %dma_start3A_403 = arith.constant 0 : i32
      %dma_start3A_404 = arith.constant 0 : i32
      %dma_start3A_405 = tpu.memref_slice %arg4[%add3A_396, %dma_start3A_403, %dma_start3A_404] : memref<8192x100x64xf32, #tpu.memory_space<hbm>> -> memref<1x100x64xf32, #tpu.memory_space<hbm>>
      %dma_start3A_406 = tpu.memref_squeeze %dma_start3A_405 : memref<1x100x64xf32, #tpu.memory_space<hbm>> -> memref<100x64xf32, #tpu.memory_space<hbm>>
      %dma_start3A_407 = tpu.memref_slice %arg8[%dma_start3A_398] : memref<8x!tpu.dma_semaphore, #tpu.memory_space<semaphore_mem>> -> memref<1x!tpu.dma_semaphore, #tpu.memory_space<semaphore_mem>>
      %dma_start3A_408 = tpu.memref_squeeze %dma_start3A_407 : memref<1x!tpu.dma_semaphore, #tpu.memory_space<semaphore_mem>> -> memref<!tpu.dma_semaphore, #tpu.memory_space<semaphore_mem>>
      %dma_start3A_409 = arith.constant 0 : i32
      %dma_start3A_410 = arith.constant 0 : i32
      %dma_start3A_411 = tpu.memref_slice %arg4[%add3A_396, %dma_start3A_409, %dma_start3A_410] : memref<8192x100x64xf32, #tpu.memory_space<hbm>> -> memref<1x100x64xf32, #tpu.memory_space<hbm>>
      %dma_start3A_412 = tpu.memref_squeeze %dma_start3A_411 : memref<1x100x64xf32, #tpu.memory_space<hbm>> -> memref<100x64xf32, #tpu.memory_space<hbm>>
      %dma_start3A_413 = arith.constant 0 : i32
      %dma_start3A_414 = arith.constant 0 : i32
      %dma_start3A_415 = tpu.memref_slice %arg6[%dma_start3A_397, %dma_start3A_413, %dma_start3A_414] : memref<8x100x64xf32, #tpu.memory_space<vmem>> -> memref<1x100x64xf32, #tpu.memory_space<vmem>>
      %dma_start3A_416 = tpu.memref_squeeze %dma_start3A_415 : memref<1x100x64xf32, #tpu.memory_space<vmem>> -> memref<100x64xf32, #tpu.memory_space<vmem>>
      tpu.enqueue_dma source(%dma_start3A_416 : memref<100x64xf32, #tpu.memory_space<vmem>>) target(%dma_start3A_412 : memref<100x64xf32, #tpu.memory_space<hbm>>) target_semaphore(%dma_start3A_408 : memref<!tpu.dma_semaphore, #tpu.memory_space<semaphore_mem>>)
      %lt3A_417 = arith.constant 57 : i32
      %lt3A_418 = arith.cmpi slt, %rem3A_375, %lt3A_417 : i32
      %convert_element_type3A_419 = arith.extui %lt3A_418 : i1 to i32
      %cond3A_420 = arith.constant 0 : i32
      %cond3A_421 = arith.cmpi ne, %convert_element_type3A_419, %cond3A_420 : i32
      scf.if %cond3A_421 {
        %ge3A = arith.constant 1 : i32
        %ge3A_578 = arith.cmpi sge, %add3A_373, %ge3A : i32
        %convert_element_type3A_579 = arith.extui %ge3A_578 : i1 to i32
        %cond3A_580 = arith.constant 0 : i32
        %cond3A_581 = arith.cmpi ne, %convert_element_type3A_579, %cond3A_580 : i32
        scf.if %cond3A_581 {
          %dma_wait3A_611 = arith.constant 3 : i32
          %dma_wait3A_612 = arith.constant 3 : i32
          %dma_wait3A_613 = arith.constant 0 : i32
          %dma_wait3A_614 = arith.constant 0 : i32
          %dma_wait3A_615 = tpu.memref_slice %arg6[%dma_wait3A_611, %dma_wait3A_613, %dma_wait3A_614] : memref<8x100x64xf32, #tpu.memory_space<vmem>> -> memref<1x100x64xf32, #tpu.memory_space<vmem>>
          %dma_wait3A_616 = tpu.memref_squeeze %dma_wait3A_615 : memref<1x100x64xf32, #tpu.memory_space<vmem>> -> memref<100x64xf32, #tpu.memory_space<vmem>>
          %dma_wait3A_617 = arith.constant 0 : i32
          %dma_wait3A_618 = arith.constant 0 : i32
          %dma_wait3A_619 = tpu.memref_slice %arg4[%mul3A_2, %dma_wait3A_617, %dma_wait3A_618] : memref<8192x100x64xf32, #tpu.memory_space<hbm>> -> memref<1x100x64xf32, #tpu.memory_space<hbm>>
          %dma_wait3A_620 = tpu.memref_squeeze %dma_wait3A_619 : memref<1x100x64xf32, #tpu.memory_space<hbm>> -> memref<100x64xf32, #tpu.memory_space<hbm>>
          %dma_wait3A_621 = tpu.memref_slice %arg8[%dma_wait3A_612] : memref<8x!tpu.dma_semaphore, #tpu.memory_space<semaphore_mem>> -> memref<1x!tpu.dma_semaphore, #tpu.memory_space<semaphore_mem>>
          %dma_wait3A_622 = tpu.memref_squeeze %dma_wait3A_621 : memref<1x!tpu.dma_semaphore, #tpu.memory_space<semaphore_mem>> -> memref<!tpu.dma_semaphore, #tpu.memory_space<semaphore_mem>>
          %dma_wait3A_623 = arith.constant 0 : i32
          %dma_wait3A_624 = arith.constant 0 : i32
          %dma_wait3A_625 = tpu.memref_slice %arg4[%mul3A_2, %dma_wait3A_623, %dma_wait3A_624] : memref<8192x100x64xf32, #tpu.memory_space<hbm>> -> memref<1x100x64xf32, #tpu.memory_space<hbm>>
          %dma_wait3A_626 = tpu.memref_squeeze %dma_wait3A_625 : memref<1x100x64xf32, #tpu.memory_space<hbm>> -> memref<100x64xf32, #tpu.memory_space<hbm>>
          %dma_wait3A_627 = arith.constant 0 : i32
          %dma_wait3A_628 = arith.constant 0 : i32
          %dma_wait3A_629 = tpu.memref_slice %arg6[%dma_wait3A_611, %dma_wait3A_627, %dma_wait3A_628] : memref<8x100x64xf32, #tpu.memory_space<vmem>> -> memref<1x100x64xf32, #tpu.memory_space<vmem>>
          %dma_wait3A_630 = tpu.memref_squeeze %dma_wait3A_629 : memref<1x100x64xf32, #tpu.memory_space<vmem>> -> memref<100x64xf32, #tpu.memory_space<vmem>>
          tpu.wait_dma2 semaphore(%dma_wait3A_622 : memref<!tpu.dma_semaphore, #tpu.memory_space<semaphore_mem>>) src(%dma_wait3A_630 : memref<100x64xf32, #tpu.memory_space<vmem>>) dst(%dma_wait3A_626 : memref<100x64xf32, #tpu.memory_space<hbm>>)
        } else {
        }
        %add3A_582 = arith.constant 8 : i32
        %add3A_583 = arith.addi %add3A_373, %add3A_582 : i32
        %sub3A = arith.constant 1 : i32
        %sub3A_584 = arith.subi %add3A_583, %sub3A : i32
        %jit3A = arith.constant 64 : i32
        %eq3A_585 = arith.constant 0 : i32
        %eq3A_586 = arith.cmpi eq, %jit3A, %eq3A_585 : i32
        %jit3A_587 = arith.constant 1 : i32
        %select_n3A = arith.select %eq3A_586, %jit3A_587, %jit3A : i32
        %rem3A_588 = arith.remsi %sub3A_584, %select_n3A : i32
        %ne3A = arith.constant 0 : i32
        %ne3A_589 = arith.cmpi ne, %rem3A_588, %ne3A : i32
        %lt3A_590 = arith.constant 0 : i32
        %lt3A_591 = arith.cmpi slt, %rem3A_588, %lt3A_590 : i32
        %lt3A_592 = arith.constant 0 : i32
        %lt3A_593 = arith.cmpi slt, %select_n3A, %lt3A_592 : i32
        %ne3A_594 = arith.xori %lt3A_591, %lt3A_593 : i1
        %and3A = arith.andi %ne3A_594, %ne3A_589 : i1
        %add3A_595 = arith.addi %rem3A_588, %select_n3A : i32
        %select_n3A_596 = arith.select %and3A, %add3A_595, %rem3A_588 : i32
        %dma_start3A_597 = arith.constant 3 : i32
        %dma_start3A_598 = arith.constant 3 : i32
        %dma_start3A_599 = arith.constant 0 : i32
        %dma_start3A_600 = arith.constant 0 : i32
        %dma_start3A_601 = tpu.memref_slice %arg6[%dma_start3A_597, %dma_start3A_599, %dma_start3A_600] : memref<8x100x64xf32, #tpu.memory_space<vmem>> -> memref<1x100x64xf32, #tpu.memory_space<vmem>>
        %dma_start3A_602 = tpu.memref_squeeze %dma_start3A_601 : memref<1x100x64xf32, #tpu.memory_space<vmem>> -> memref<100x64xf32, #tpu.memory_space<vmem>>
        %dma_start3A_603 = arith.constant 0 : i32
        %dma_start3A_604 = tpu.memref_slice %arg5[%select_n3A_596, %dma_start3A_603] : memref<64x100xi32, #tpu.memory_space<vmem>> -> memref<1x100xi32, #tpu.memory_space<vmem>>
        %dma_start3A_605 = tpu.memref_squeeze %dma_start3A_604 : memref<1x100xi32, #tpu.memory_space<vmem>> -> memref<100xi32, #tpu.memory_space<vmem>>
        %dma_start3A_606 = arith.constant 0 : i32
        %dma_start3A_607 = arith.constant 0 : i32
        %dma_start3A_608 = tpu.memref_slice %arg3[%dma_start3A_606, %dma_start3A_607] : memref<1000000x64xf32, #tpu.memory_space<hbm>> -> memref<1000000x64xf32, #tpu.memory_space<hbm>>
        %dma_start3A_609 = tpu.memref_slice %arg7[%dma_start3A_598] : memref<8x!tpu.dma_semaphore, #tpu.memory_space<semaphore_mem>> -> memref<1x!tpu.dma_semaphore, #tpu.memory_space<semaphore_mem>>
        %dma_start3A_610 = tpu.memref_squeeze %dma_start3A_609 : memref<1x!tpu.dma_semaphore, #tpu.memory_space<semaphore_mem>> -> memref<!tpu.dma_semaphore, #tpu.memory_space<semaphore_mem>>
        tpu.enqueue_indirect_dma source(%dma_start3A_608 : memref<1000000x64xf32, #tpu.memory_space<hbm>>) target(%dma_start3A_602 : memref<100x64xf32, #tpu.memory_space<vmem>>) offsets(%dma_start3A_605 : memref<100xi32, #tpu.memory_space<vmem>>) semaphore(%dma_start3A_610 : memref<!tpu.dma_semaphore, #tpu.memory_space<semaphore_mem>>)
      } else {
      }
      %mul3A_422 = arith.constant 8 : i32
      %mul3A_423 = arith.muli %mul3A_422, %scan3A_167 : i32
      %add3A_424 = arith.constant 5 : i32
      %add3A_425 = arith.addi %mul3A_423, %add3A_424 : i32
      %rem3A_426 = arith.constant 64 : i32
      %rem3A_427 = arith.remsi %add3A_425, %rem3A_426 : i32
      %eq3A_428 = arith.constant 0 : i32
      %eq3A_429 = arith.cmpi eq, %rem3A_427, %eq3A_428 : i32
      %convert_element_type3A_430 = arith.extui %eq3A_429 : i1 to i32
      %cond3A_431 = arith.constant 0 : i32
      %cond3A_432 = arith.cmpi ne, %convert_element_type3A_430, %cond3A_431 : i32
      scf.if %cond3A_432 {
        %add3A_578 = arith.addi %mul3A_2, %add3A_425 : i32
        %multiple_of3A = tpu.assume_multiple %add3A_578, 64 : i32
        "tpu.region"() ({
          %run_scoped3A = tpu.sem_alloc : memref<!tpu.dma_semaphore, #tpu.memory_space<semaphore_mem>>
          %dma_start3A_847 = arith.constant 0 : i32
          %dma_start3A_848 = tpu.memref_slice %arg2[%multiple_of3A, %dma_start3A_847] : memref<8192x100xi32, #tpu.memory_space<hbm>> -> memref<64x100xi32, #tpu.memory_space<hbm>>
          %dma_start3A_849 = arith.constant 0 : i32
          %dma_start3A_850 = tpu.memref_slice %arg2[%multiple_of3A, %dma_start3A_849] : memref<8192x100xi32, #tpu.memory_space<hbm>> -> memref<64x100xi32, #tpu.memory_space<hbm>>
          tpu.enqueue_dma source(%dma_start3A_850 : memref<64x100xi32, #tpu.memory_space<hbm>>) target(%arg5 : memref<64x100xi32, #tpu.memory_space<vmem>>) target_semaphore(%run_scoped3A : memref<!tpu.dma_semaphore, #tpu.memory_space<semaphore_mem>>)
          %dma_wait3A_851 = arith.constant 0 : i32
          %dma_wait3A_852 = tpu.memref_slice %arg2[%multiple_of3A, %dma_wait3A_851] : memref<8192x100xi32, #tpu.memory_space<hbm>> -> memref<64x100xi32, #tpu.memory_space<hbm>>
          %dma_wait3A_853 = arith.constant 0 : i32
          %dma_wait3A_854 = tpu.memref_slice %arg2[%multiple_of3A, %dma_wait3A_853] : memref<8192x100xi32, #tpu.memory_space<hbm>> -> memref<64x100xi32, #tpu.memory_space<hbm>>
          tpu.wait_dma2 semaphore(%run_scoped3A : memref<!tpu.dma_semaphore, #tpu.memory_space<semaphore_mem>>) src(%dma_wait3A_854 : memref<64x100xi32, #tpu.memory_space<hbm>>) dst(%arg5 : memref<64x100xi32, #tpu.memory_space<vmem>>)
          tpu.yield
        }) : () -> ()
        %add3A_579 = arith.constant 0 : i32
        %add3A_580 = arith.addi %add3A_425, %add3A_579 : i32
        %ge3A = arith.constant 8 : i32
        %ge3A_581 = arith.cmpi sge, %add3A_580, %ge3A : i32
        %convert_element_type3A_582 = arith.extui %ge3A_581 : i1 to i32
        %cond3A_583 = arith.constant 0 : i32
        %cond3A_584 = arith.cmpi ne, %convert_element_type3A_582, %cond3A_583 : i32
        scf.if %cond3A_584 {
          %dma_wait3A_847 = arith.constant 5 : i32
          %dma_wait3A_848 = arith.constant 5 : i32
          %dma_wait3A_849 = arith.constant 0 : i32
          %dma_wait3A_850 = arith.constant 0 : i32
          %dma_wait3A_851 = tpu.memref_slice %arg6[%dma_wait3A_847, %dma_wait3A_849, %dma_wait3A_850] : memref<8x100x64xf32, #tpu.memory_space<vmem>> -> memref<1x100x64xf32, #tpu.memory_space<vmem>>
          %dma_wait3A_852 = tpu.memref_squeeze %dma_wait3A_851 : memref<1x100x64xf32, #tpu.memory_space<vmem>> -> memref<100x64xf32, #tpu.memory_space<vmem>>
          %dma_wait3A_853 = arith.constant 0 : i32
          %dma_wait3A_854 = arith.constant 0 : i32
          %dma_wait3A_855 = tpu.memref_slice %arg4[%mul3A_2, %dma_wait3A_853, %dma_wait3A_854] : memref<8192x100x64xf32, #tpu.memory_space<hbm>> -> memref<1x100x64xf32, #tpu.memory_space<hbm>>
          %dma_wait3A_856 = tpu.memref_squeeze %dma_wait3A_855 : memref<1x100x64xf32, #tpu.memory_space<hbm>> -> memref<100x64xf32, #tpu.memory_space<hbm>>
          %dma_wait3A_857 = tpu.memref_slice %arg8[%dma_wait3A_848] : memref<8x!tpu.dma_semaphore, #tpu.memory_space<semaphore_mem>> -> memref<1x!tpu.dma_semaphore, #tpu.memory_space<semaphore_mem>>
          %dma_wait3A_858 = tpu.memref_squeeze %dma_wait3A_857 : memref<1x!tpu.dma_semaphore, #tpu.memory_space<semaphore_mem>> -> memref<!tpu.dma_semaphore, #tpu.memory_space<semaphore_mem>>
          %dma_wait3A_859 = arith.constant 0 : i32
          %dma_wait3A_860 = arith.constant 0 : i32
          %dma_wait3A_861 = tpu.memref_slice %arg4[%mul3A_2, %dma_wait3A_859, %dma_wait3A_860] : memref<8192x100x64xf32, #tpu.memory_space<hbm>> -> memref<1x100x64xf32, #tpu.memory_space<hbm>>
          %dma_wait3A_862 = tpu.memref_squeeze %dma_wait3A_861 : memref<1x100x64xf32, #tpu.memory_space<hbm>> -> memref<100x64xf32, #tpu.memory_space<hbm>>
          %dma_wait3A_863 = arith.constant 0 : i32
          %dma_wait3A_864 = arith.constant 0 : i32
          %dma_wait3A_865 = tpu.memref_slice %arg6[%dma_wait3A_847, %dma_wait3A_863, %dma_wait3A_864] : memref<8x100x64xf32, #tpu.memory_space<vmem>> -> memref<1x100x64xf32, #tpu.memory_space<vmem>>
          %dma_wait3A_866 = tpu.memref_squeeze %dma_wait3A_865 : memref<1x100x64xf32, #tpu.memory_space<vmem>> -> memref<100x64xf32, #tpu.memory_space<vmem>>
          tpu.wait_dma2 semaphore(%dma_wait3A_858 : memref<!tpu.dma_semaphore, #tpu.memory_space<semaphore_mem>>) src(%dma_wait3A_866 : memref<100x64xf32, #tpu.memory_space<vmem>>) dst(%dma_wait3A_862 : memref<100x64xf32, #tpu.memory_space<hbm>>)
        } else {
        }
        %add3A_585 = arith.constant 0 : i32
        %add3A_586 = arith.addi %add3A_425, %add3A_585 : i32
        %jit3A = arith.constant 64 : i32
        %eq3A_587 = arith.constant 0 : i32
        %eq3A_588 = arith.cmpi eq, %jit3A, %eq3A_587 : i32
        %jit3A_589 = arith.constant 1 : i32
        %select_n3A = arith.select %eq3A_588, %jit3A_589, %jit3A : i32
        %rem3A_590 = arith.remsi %add3A_586, %select_n3A : i32
        %ne3A = arith.constant 0 : i32
        %ne3A_591 = arith.cmpi ne, %rem3A_590, %ne3A : i32
        %lt3A_592 = arith.constant 0 : i32
        %lt3A_593 = arith.cmpi slt, %rem3A_590, %lt3A_592 : i32
        %lt3A_594 = arith.constant 0 : i32
        %lt3A_595 = arith.cmpi slt, %select_n3A, %lt3A_594 : i32
        %ne3A_596 = arith.xori %lt3A_593, %lt3A_595 : i1
        %and3A = arith.andi %ne3A_596, %ne3A_591 : i1
        %add3A_597 = arith.addi %rem3A_590, %select_n3A : i32
        %select_n3A_598 = arith.select %and3A, %add3A_597, %rem3A_590 : i32
        %dma_start3A_599 = arith.constant 5 : i32
        %dma_start3A_600 = arith.constant 5 : i32
        %dma_start3A_601 = arith.constant 0 : i32
        %dma_start3A_602 = arith.constant 0 : i32
        %dma_start3A_603 = tpu.memref_slice %arg6[%dma_start3A_599, %dma_start3A_601, %dma_start3A_602] : memref<8x100x64xf32, #tpu.memory_space<vmem>> -> memref<1x100x64xf32, #tpu.memory_space<vmem>>
        %dma_start3A_604 = tpu.memref_squeeze %dma_start3A_603 : memref<1x100x64xf32, #tpu.memory_space<vmem>> -> memref<100x64xf32, #tpu.memory_space<vmem>>
        %dma_start3A_605 = arith.constant 0 : i32
        %dma_start3A_606 = tpu.memref_slice %arg5[%select_n3A_598, %dma_start3A_605] : memref<64x100xi32, #tpu.memory_space<vmem>> -> memref<1x100xi32, #tpu.memory_space<vmem>>
        %dma_start3A_607 = tpu.memref_squeeze %dma_start3A_606 : memref<1x100xi32, #tpu.memory_space<vmem>> -> memref<100xi32, #tpu.memory_space<vmem>>
        %dma_start3A_608 = arith.constant 0 : i32
        %dma_start3A_609 = arith.constant 0 : i32
        %dma_start3A_610 = tpu.memref_slice %arg3[%dma_start3A_608, %dma_start3A_609] : memref<1000000x64xf32, #tpu.memory_space<hbm>> -> memref<1000000x64xf32, #tpu.memory_space<hbm>>
        %dma_start3A_611 = tpu.memref_slice %arg7[%dma_start3A_600] : memref<8x!tpu.dma_semaphore, #tpu.memory_space<semaphore_mem>> -> memref<1x!tpu.dma_semaphore, #tpu.memory_space<semaphore_mem>>
        %dma_start3A_612 = tpu.memref_squeeze %dma_start3A_611 : memref<1x!tpu.dma_semaphore, #tpu.memory_space<semaphore_mem>> -> memref<!tpu.dma_semaphore, #tpu.memory_space<semaphore_mem>>
        tpu.enqueue_indirect_dma source(%dma_start3A_610 : memref<1000000x64xf32, #tpu.memory_space<hbm>>) target(%dma_start3A_604 : memref<100x64xf32, #tpu.memory_space<vmem>>) offsets(%dma_start3A_607 : memref<100xi32, #tpu.memory_space<vmem>>) semaphore(%dma_start3A_612 : memref<!tpu.dma_semaphore, #tpu.memory_space<semaphore_mem>>)
        %add3A_613 = arith.constant 1 : i32
        %add3A_614 = arith.addi %add3A_425, %add3A_613 : i32
        %ge3A_615 = arith.constant 8 : i32
        %ge3A_616 = arith.cmpi sge, %add3A_614, %ge3A_615 : i32
        %convert_element_type3A_617 = arith.extui %ge3A_616 : i1 to i32
        %cond3A_618 = arith.constant 0 : i32
        %cond3A_619 = arith.cmpi ne, %convert_element_type3A_617, %cond3A_618 : i32
        scf.if %cond3A_619 {
          %dma_wait3A_847 = arith.constant 6 : i32
          %dma_wait3A_848 = arith.constant 6 : i32
          %dma_wait3A_849 = arith.constant 0 : i32
          %dma_wait3A_850 = arith.constant 0 : i32
          %dma_wait3A_851 = tpu.memref_slice %arg6[%dma_wait3A_847, %dma_wait3A_849, %dma_wait3A_850] : memref<8x100x64xf32, #tpu.memory_space<vmem>> -> memref<1x100x64xf32, #tpu.memory_space<vmem>>
          %dma_wait3A_852 = tpu.memref_squeeze %dma_wait3A_851 : memref<1x100x64xf32, #tpu.memory_space<vmem>> -> memref<100x64xf32, #tpu.memory_space<vmem>>
          %dma_wait3A_853 = arith.constant 0 : i32
          %dma_wait3A_854 = arith.constant 0 : i32
          %dma_wait3A_855 = tpu.memref_slice %arg4[%mul3A_2, %dma_wait3A_853, %dma_wait3A_854] : memref<8192x100x64xf32, #tpu.memory_space<hbm>> -> memref<1x100x64xf32, #tpu.memory_space<hbm>>
          %dma_wait3A_856 = tpu.memref_squeeze %dma_wait3A_855 : memref<1x100x64xf32, #tpu.memory_space<hbm>> -> memref<100x64xf32, #tpu.memory_space<hbm>>
          %dma_wait3A_857 = tpu.memref_slice %arg8[%dma_wait3A_848] : memref<8x!tpu.dma_semaphore, #tpu.memory_space<semaphore_mem>> -> memref<1x!tpu.dma_semaphore, #tpu.memory_space<semaphore_mem>>
          %dma_wait3A_858 = tpu.memref_squeeze %dma_wait3A_857 : memref<1x!tpu.dma_semaphore, #tpu.memory_space<semaphore_mem>> -> memref<!tpu.dma_semaphore, #tpu.memory_space<semaphore_mem>>
          %dma_wait3A_859 = arith.constant 0 : i32
          %dma_wait3A_860 = arith.constant 0 : i32
          %dma_wait3A_861 = tpu.memref_slice %arg4[%mul3A_2, %dma_wait3A_859, %dma_wait3A_860] : memref<8192x100x64xf32, #tpu.memory_space<hbm>> -> memref<1x100x64xf32, #tpu.memory_space<hbm>>
          %dma_wait3A_862 = tpu.memref_squeeze %dma_wait3A_861 : memref<1x100x64xf32, #tpu.memory_space<hbm>> -> memref<100x64xf32, #tpu.memory_space<hbm>>
          %dma_wait3A_863 = arith.constant 0 : i32
          %dma_wait3A_864 = arith.constant 0 : i32
          %dma_wait3A_865 = tpu.memref_slice %arg6[%dma_wait3A_847, %dma_wait3A_863, %dma_wait3A_864] : memref<8x100x64xf32, #tpu.memory_space<vmem>> -> memref<1x100x64xf32, #tpu.memory_space<vmem>>
          %dma_wait3A_866 = tpu.memref_squeeze %dma_wait3A_865 : memref<1x100x64xf32, #tpu.memory_space<vmem>> -> memref<100x64xf32, #tpu.memory_space<vmem>>
          tpu.wait_dma2 semaphore(%dma_wait3A_858 : memref<!tpu.dma_semaphore, #tpu.memory_space<semaphore_mem>>) src(%dma_wait3A_866 : memref<100x64xf32, #tpu.memory_space<vmem>>) dst(%dma_wait3A_862 : memref<100x64xf32, #tpu.memory_space<hbm>>)
        } else {
        }
        %add3A_620 = arith.constant 1 : i32
        %add3A_621 = arith.addi %add3A_425, %add3A_620 : i32
        %jit3A_622 = arith.constant 64 : i32
        %eq3A_623 = arith.constant 0 : i32
        %eq3A_624 = arith.cmpi eq, %jit3A_622, %eq3A_623 : i32
        %jit3A_625 = arith.constant 1 : i32
        %select_n3A_626 = arith.select %eq3A_624, %jit3A_625, %jit3A_622 : i32
        %rem3A_627 = arith.remsi %add3A_621, %select_n3A_626 : i32
        %ne3A_628 = arith.constant 0 : i32
        %ne3A_629 = arith.cmpi ne, %rem3A_627, %ne3A_628 : i32
        %lt3A_630 = arith.constant 0 : i32
        %lt3A_631 = arith.cmpi slt, %rem3A_627, %lt3A_630 : i32
        %lt3A_632 = arith.constant 0 : i32
        %lt3A_633 = arith.cmpi slt, %select_n3A_626, %lt3A_632 : i32
        %ne3A_634 = arith.xori %lt3A_631, %lt3A_633 : i1
        %and3A_635 = arith.andi %ne3A_634, %ne3A_629 : i1
        %add3A_636 = arith.addi %rem3A_627, %select_n3A_626 : i32
        %select_n3A_637 = arith.select %and3A_635, %add3A_636, %rem3A_627 : i32
        %dma_start3A_638 = arith.constant 6 : i32
        %dma_start3A_639 = arith.constant 6 : i32
        %dma_start3A_640 = arith.constant 0 : i32
        %dma_start3A_641 = arith.constant 0 : i32
        %dma_start3A_642 = tpu.memref_slice %arg6[%dma_start3A_638, %dma_start3A_640, %dma_start3A_641] : memref<8x100x64xf32, #tpu.memory_space<vmem>> -> memref<1x100x64xf32, #tpu.memory_space<vmem>>
        %dma_start3A_643 = tpu.memref_squeeze %dma_start3A_642 : memref<1x100x64xf32, #tpu.memory_space<vmem>> -> memref<100x64xf32, #tpu.memory_space<vmem>>
        %dma_start3A_644 = arith.constant 0 : i32
        %dma_start3A_645 = tpu.memref_slice %arg5[%select_n3A_637, %dma_start3A_644] : memref<64x100xi32, #tpu.memory_space<vmem>> -> memref<1x100xi32, #tpu.memory_space<vmem>>
        %dma_start3A_646 = tpu.memref_squeeze %dma_start3A_645 : memref<1x100xi32, #tpu.memory_space<vmem>> -> memref<100xi32, #tpu.memory_space<vmem>>
        %dma_start3A_647 = arith.constant 0 : i32
        %dma_start3A_648 = arith.constant 0 : i32
        %dma_start3A_649 = tpu.memref_slice %arg3[%dma_start3A_647, %dma_start3A_648] : memref<1000000x64xf32, #tpu.memory_space<hbm>> -> memref<1000000x64xf32, #tpu.memory_space<hbm>>
        %dma_start3A_650 = tpu.memref_slice %arg7[%dma_start3A_639] : memref<8x!tpu.dma_semaphore, #tpu.memory_space<semaphore_mem>> -> memref<1x!tpu.dma_semaphore, #tpu.memory_space<semaphore_mem>>
        %dma_start3A_651 = tpu.memref_squeeze %dma_start3A_650 : memref<1x!tpu.dma_semaphore, #tpu.memory_space<semaphore_mem>> -> memref<!tpu.dma_semaphore, #tpu.memory_space<semaphore_mem>>
        tpu.enqueue_indirect_dma source(%dma_start3A_649 : memref<1000000x64xf32, #tpu.memory_space<hbm>>) target(%dma_start3A_643 : memref<100x64xf32, #tpu.memory_space<vmem>>) offsets(%dma_start3A_646 : memref<100xi32, #tpu.memory_space<vmem>>) semaphore(%dma_start3A_651 : memref<!tpu.dma_semaphore, #tpu.memory_space<semaphore_mem>>)
        %add3A_652 = arith.constant 2 : i32
        %add3A_653 = arith.addi %add3A_425, %add3A_652 : i32
        %ge3A_654 = arith.constant 8 : i32
        %ge3A_655 = arith.cmpi sge, %add3A_653, %ge3A_654 : i32
        %convert_element_type3A_656 = arith.extui %ge3A_655 : i1 to i32
        %cond3A_657 = arith.constant 0 : i32
        %cond3A_658 = arith.cmpi ne, %convert_element_type3A_656, %cond3A_657 : i32
        scf.if %cond3A_658 {
          %dma_wait3A_847 = arith.constant 7 : i32
          %dma_wait3A_848 = arith.constant 7 : i32
          %dma_wait3A_849 = arith.constant 0 : i32
          %dma_wait3A_850 = arith.constant 0 : i32
          %dma_wait3A_851 = tpu.memref_slice %arg6[%dma_wait3A_847, %dma_wait3A_849, %dma_wait3A_850] : memref<8x100x64xf32, #tpu.memory_space<vmem>> -> memref<1x100x64xf32, #tpu.memory_space<vmem>>
          %dma_wait3A_852 = tpu.memref_squeeze %dma_wait3A_851 : memref<1x100x64xf32, #tpu.memory_space<vmem>> -> memref<100x64xf32, #tpu.memory_space<vmem>>
          %dma_wait3A_853 = arith.constant 0 : i32
          %dma_wait3A_854 = arith.constant 0 : i32
          %dma_wait3A_855 = tpu.memref_slice %arg4[%mul3A_2, %dma_wait3A_853, %dma_wait3A_854] : memref<8192x100x64xf32, #tpu.memory_space<hbm>> -> memref<1x100x64xf32, #tpu.memory_space<hbm>>
          %dma_wait3A_856 = tpu.memref_squeeze %dma_wait3A_855 : memref<1x100x64xf32, #tpu.memory_space<hbm>> -> memref<100x64xf32, #tpu.memory_space<hbm>>
          %dma_wait3A_857 = tpu.memref_slice %arg8[%dma_wait3A_848] : memref<8x!tpu.dma_semaphore, #tpu.memory_space<semaphore_mem>> -> memref<1x!tpu.dma_semaphore, #tpu.memory_space<semaphore_mem>>
          %dma_wait3A_858 = tpu.memref_squeeze %dma_wait3A_857 : memref<1x!tpu.dma_semaphore, #tpu.memory_space<semaphore_mem>> -> memref<!tpu.dma_semaphore, #tpu.memory_space<semaphore_mem>>
          %dma_wait3A_859 = arith.constant 0 : i32
          %dma_wait3A_860 = arith.constant 0 : i32
          %dma_wait3A_861 = tpu.memref_slice %arg4[%mul3A_2, %dma_wait3A_859, %dma_wait3A_860] : memref<8192x100x64xf32, #tpu.memory_space<hbm>> -> memref<1x100x64xf32, #tpu.memory_space<hbm>>
          %dma_wait3A_862 = tpu.memref_squeeze %dma_wait3A_861 : memref<1x100x64xf32, #tpu.memory_space<hbm>> -> memref<100x64xf32, #tpu.memory_space<hbm>>
          %dma_wait3A_863 = arith.constant 0 : i32
          %dma_wait3A_864 = arith.constant 0 : i32
          %dma_wait3A_865 = tpu.memref_slice %arg6[%dma_wait3A_847, %dma_wait3A_863, %dma_wait3A_864] : memref<8x100x64xf32, #tpu.memory_space<vmem>> -> memref<1x100x64xf32, #tpu.memory_space<vmem>>
          %dma_wait3A_866 = tpu.memref_squeeze %dma_wait3A_865 : memref<1x100x64xf32, #tpu.memory_space<vmem>> -> memref<100x64xf32, #tpu.memory_space<vmem>>
          tpu.wait_dma2 semaphore(%dma_wait3A_858 : memref<!tpu.dma_semaphore, #tpu.memory_space<semaphore_mem>>) src(%dma_wait3A_866 : memref<100x64xf32, #tpu.memory_space<vmem>>) dst(%dma_wait3A_862 : memref<100x64xf32, #tpu.memory_space<hbm>>)
        } else {
        }
        %add3A_659 = arith.constant 2 : i32
        %add3A_660 = arith.addi %add3A_425, %add3A_659 : i32
        %jit3A_661 = arith.constant 64 : i32
        %eq3A_662 = arith.constant 0 : i32
        %eq3A_663 = arith.cmpi eq, %jit3A_661, %eq3A_662 : i32
        %jit3A_664 = arith.constant 1 : i32
        %select_n3A_665 = arith.select %eq3A_663, %jit3A_664, %jit3A_661 : i32
        %rem3A_666 = arith.remsi %add3A_660, %select_n3A_665 : i32
        %ne3A_667 = arith.constant 0 : i32
        %ne3A_668 = arith.cmpi ne, %rem3A_666, %ne3A_667 : i32
        %lt3A_669 = arith.constant 0 : i32
        %lt3A_670 = arith.cmpi slt, %rem3A_666, %lt3A_669 : i32
        %lt3A_671 = arith.constant 0 : i32
        %lt3A_672 = arith.cmpi slt, %select_n3A_665, %lt3A_671 : i32
        %ne3A_673 = arith.xori %lt3A_670, %lt3A_672 : i1
        %and3A_674 = arith.andi %ne3A_673, %ne3A_668 : i1
        %add3A_675 = arith.addi %rem3A_666, %select_n3A_665 : i32
        %select_n3A_676 = arith.select %and3A_674, %add3A_675, %rem3A_666 : i32
        %dma_start3A_677 = arith.constant 7 : i32
        %dma_start3A_678 = arith.constant 7 : i32
        %dma_start3A_679 = arith.constant 0 : i32
        %dma_start3A_680 = arith.constant 0 : i32
        %dma_start3A_681 = tpu.memref_slice %arg6[%dma_start3A_677, %dma_start3A_679, %dma_start3A_680] : memref<8x100x64xf32, #tpu.memory_space<vmem>> -> memref<1x100x64xf32, #tpu.memory_space<vmem>>
        %dma_start3A_682 = tpu.memref_squeeze %dma_start3A_681 : memref<1x100x64xf32, #tpu.memory_space<vmem>> -> memref<100x64xf32, #tpu.memory_space<vmem>>
        %dma_start3A_683 = arith.constant 0 : i32
        %dma_start3A_684 = tpu.memref_slice %arg5[%select_n3A_676, %dma_start3A_683] : memref<64x100xi32, #tpu.memory_space<vmem>> -> memref<1x100xi32, #tpu.memory_space<vmem>>
        %dma_start3A_685 = tpu.memref_squeeze %dma_start3A_684 : memref<1x100xi32, #tpu.memory_space<vmem>> -> memref<100xi32, #tpu.memory_space<vmem>>
        %dma_start3A_686 = arith.constant 0 : i32
        %dma_start3A_687 = arith.constant 0 : i32
        %dma_start3A_688 = tpu.memref_slice %arg3[%dma_start3A_686, %dma_start3A_687] : memref<1000000x64xf32, #tpu.memory_space<hbm>> -> memref<1000000x64xf32, #tpu.memory_space<hbm>>
        %dma_start3A_689 = tpu.memref_slice %arg7[%dma_start3A_678] : memref<8x!tpu.dma_semaphore, #tpu.memory_space<semaphore_mem>> -> memref<1x!tpu.dma_semaphore, #tpu.memory_space<semaphore_mem>>
        %dma_start3A_690 = tpu.memref_squeeze %dma_start3A_689 : memref<1x!tpu.dma_semaphore, #tpu.memory_space<semaphore_mem>> -> memref<!tpu.dma_semaphore, #tpu.memory_space<semaphore_mem>>
        tpu.enqueue_indirect_dma source(%dma_start3A_688 : memref<1000000x64xf32, #tpu.memory_space<hbm>>) target(%dma_start3A_682 : memref<100x64xf32, #tpu.memory_space<vmem>>) offsets(%dma_start3A_685 : memref<100xi32, #tpu.memory_space<vmem>>) semaphore(%dma_start3A_690 : memref<!tpu.dma_semaphore, #tpu.memory_space<semaphore_mem>>)
        %add3A_691 = arith.constant 3 : i32
        %add3A_692 = arith.addi %add3A_425, %add3A_691 : i32
        %ge3A_693 = arith.constant 8 : i32
        %ge3A_694 = arith.cmpi sge, %add3A_692, %ge3A_693 : i32
        %convert_element_type3A_695 = arith.extui %ge3A_694 : i1 to i32
        %cond3A_696 = arith.constant 0 : i32
        %cond3A_697 = arith.cmpi ne, %convert_element_type3A_695, %cond3A_696 : i32
        scf.if %cond3A_697 {
          %dma_wait3A_847 = arith.constant 0 : i32
          %dma_wait3A_848 = arith.constant 0 : i32
          %dma_wait3A_849 = arith.constant 0 : i32
          %dma_wait3A_850 = arith.constant 0 : i32
          %dma_wait3A_851 = tpu.memref_slice %arg6[%dma_wait3A_847, %dma_wait3A_849, %dma_wait3A_850] : memref<8x100x64xf32, #tpu.memory_space<vmem>> -> memref<1x100x64xf32, #tpu.memory_space<vmem>>
          %dma_wait3A_852 = tpu.memref_squeeze %dma_wait3A_851 : memref<1x100x64xf32, #tpu.memory_space<vmem>> -> memref<100x64xf32, #tpu.memory_space<vmem>>
          %dma_wait3A_853 = arith.constant 0 : i32
          %dma_wait3A_854 = arith.constant 0 : i32
          %dma_wait3A_855 = tpu.memref_slice %arg4[%mul3A_2, %dma_wait3A_853, %dma_wait3A_854] : memref<8192x100x64xf32, #tpu.memory_space<hbm>> -> memref<1x100x64xf32, #tpu.memory_space<hbm>>
          %dma_wait3A_856 = tpu.memref_squeeze %dma_wait3A_855 : memref<1x100x64xf32, #tpu.memory_space<hbm>> -> memref<100x64xf32, #tpu.memory_space<hbm>>
          %dma_wait3A_857 = tpu.memref_slice %arg8[%dma_wait3A_848] : memref<8x!tpu.dma_semaphore, #tpu.memory_space<semaphore_mem>> -> memref<1x!tpu.dma_semaphore, #tpu.memory_space<semaphore_mem>>
          %dma_wait3A_858 = tpu.memref_squeeze %dma_wait3A_857 : memref<1x!tpu.dma_semaphore, #tpu.memory_space<semaphore_mem>> -> memref<!tpu.dma_semaphore, #tpu.memory_space<semaphore_mem>>
          %dma_wait3A_859 = arith.constant 0 : i32
          %dma_wait3A_860 = arith.constant 0 : i32
          %dma_wait3A_861 = tpu.memref_slice %arg4[%mul3A_2, %dma_wait3A_859, %dma_wait3A_860] : memref<8192x100x64xf32, #tpu.memory_space<hbm>> -> memref<1x100x64xf32, #tpu.memory_space<hbm>>
          %dma_wait3A_862 = tpu.memref_squeeze %dma_wait3A_861 : memref<1x100x64xf32, #tpu.memory_space<hbm>> -> memref<100x64xf32, #tpu.memory_space<hbm>>
          %dma_wait3A_863 = arith.constant 0 : i32
          %dma_wait3A_864 = arith.constant 0 : i32
          %dma_wait3A_865 = tpu.memref_slice %arg6[%dma_wait3A_847, %dma_wait3A_863, %dma_wait3A_864] : memref<8x100x64xf32, #tpu.memory_space<vmem>> -> memref<1x100x64xf32, #tpu.memory_space<vmem>>
          %dma_wait3A_866 = tpu.memref_squeeze %dma_wait3A_865 : memref<1x100x64xf32, #tpu.memory_space<vmem>> -> memref<100x64xf32, #tpu.memory_space<vmem>>
          tpu.wait_dma2 semaphore(%dma_wait3A_858 : memref<!tpu.dma_semaphore, #tpu.memory_space<semaphore_mem>>) src(%dma_wait3A_866 : memref<100x64xf32, #tpu.memory_space<vmem>>) dst(%dma_wait3A_862 : memref<100x64xf32, #tpu.memory_space<hbm>>)
        } else {
        }
        %add3A_698 = arith.constant 3 : i32
        %add3A_699 = arith.addi %add3A_425, %add3A_698 : i32
        %jit3A_700 = arith.constant 64 : i32
        %eq3A_701 = arith.constant 0 : i32
        %eq3A_702 = arith.cmpi eq, %jit3A_700, %eq3A_701 : i32
        %jit3A_703 = arith.constant 1 : i32
        %select_n3A_704 = arith.select %eq3A_702, %jit3A_703, %jit3A_700 : i32
        %rem3A_705 = arith.remsi %add3A_699, %select_n3A_704 : i32
        %ne3A_706 = arith.constant 0 : i32
        %ne3A_707 = arith.cmpi ne, %rem3A_705, %ne3A_706 : i32
        %lt3A_708 = arith.constant 0 : i32
        %lt3A_709 = arith.cmpi slt, %rem3A_705, %lt3A_708 : i32
        %lt3A_710 = arith.constant 0 : i32
        %lt3A_711 = arith.cmpi slt, %select_n3A_704, %lt3A_710 : i32
        %ne3A_712 = arith.xori %lt3A_709, %lt3A_711 : i1
        %and3A_713 = arith.andi %ne3A_712, %ne3A_707 : i1
        %add3A_714 = arith.addi %rem3A_705, %select_n3A_704 : i32
        %select_n3A_715 = arith.select %and3A_713, %add3A_714, %rem3A_705 : i32
        %dma_start3A_716 = arith.constant 0 : i32
        %dma_start3A_717 = arith.constant 0 : i32
        %dma_start3A_718 = arith.constant 0 : i32
        %dma_start3A_719 = arith.constant 0 : i32
        %dma_start3A_720 = tpu.memref_slice %arg6[%dma_start3A_716, %dma_start3A_718, %dma_start3A_719] : memref<8x100x64xf32, #tpu.memory_space<vmem>> -> memref<1x100x64xf32, #tpu.memory_space<vmem>>
        %dma_start3A_721 = tpu.memref_squeeze %dma_start3A_720 : memref<1x100x64xf32, #tpu.memory_space<vmem>> -> memref<100x64xf32, #tpu.memory_space<vmem>>
        %dma_start3A_722 = arith.constant 0 : i32
        %dma_start3A_723 = tpu.memref_slice %arg5[%select_n3A_715, %dma_start3A_722] : memref<64x100xi32, #tpu.memory_space<vmem>> -> memref<1x100xi32, #tpu.memory_space<vmem>>
        %dma_start3A_724 = tpu.memref_squeeze %dma_start3A_723 : memref<1x100xi32, #tpu.memory_space<vmem>> -> memref<100xi32, #tpu.memory_space<vmem>>
        %dma_start3A_725 = arith.constant 0 : i32
        %dma_start3A_726 = arith.constant 0 : i32
        %dma_start3A_727 = tpu.memref_slice %arg3[%dma_start3A_725, %dma_start3A_726] : memref<1000000x64xf32, #tpu.memory_space<hbm>> -> memref<1000000x64xf32, #tpu.memory_space<hbm>>
        %dma_start3A_728 = tpu.memref_slice %arg7[%dma_start3A_717] : memref<8x!tpu.dma_semaphore, #tpu.memory_space<semaphore_mem>> -> memref<1x!tpu.dma_semaphore, #tpu.memory_space<semaphore_mem>>
        %dma_start3A_729 = tpu.memref_squeeze %dma_start3A_728 : memref<1x!tpu.dma_semaphore, #tpu.memory_space<semaphore_mem>> -> memref<!tpu.dma_semaphore, #tpu.memory_space<semaphore_mem>>
        tpu.enqueue_indirect_dma source(%dma_start3A_727 : memref<1000000x64xf32, #tpu.memory_space<hbm>>) target(%dma_start3A_721 : memref<100x64xf32, #tpu.memory_space<vmem>>) offsets(%dma_start3A_724 : memref<100xi32, #tpu.memory_space<vmem>>) semaphore(%dma_start3A_729 : memref<!tpu.dma_semaphore, #tpu.memory_space<semaphore_mem>>)
        %add3A_730 = arith.constant 4 : i32
        %add3A_731 = arith.addi %add3A_425, %add3A_730 : i32
        %ge3A_732 = arith.constant 8 : i32
        %ge3A_733 = arith.cmpi sge, %add3A_731, %ge3A_732 : i32
        %convert_element_type3A_734 = arith.extui %ge3A_733 : i1 to i32
        %cond3A_735 = arith.constant 0 : i32
        %cond3A_736 = arith.cmpi ne, %convert_element_type3A_734, %cond3A_735 : i32
        scf.if %cond3A_736 {
          %dma_wait3A_847 = arith.constant 1 : i32
          %dma_wait3A_848 = arith.constant 1 : i32
          %dma_wait3A_849 = arith.constant 0 : i32
          %dma_wait3A_850 = arith.constant 0 : i32
          %dma_wait3A_851 = tpu.memref_slice %arg6[%dma_wait3A_847, %dma_wait3A_849, %dma_wait3A_850] : memref<8x100x64xf32, #tpu.memory_space<vmem>> -> memref<1x100x64xf32, #tpu.memory_space<vmem>>
          %dma_wait3A_852 = tpu.memref_squeeze %dma_wait3A_851 : memref<1x100x64xf32, #tpu.memory_space<vmem>> -> memref<100x64xf32, #tpu.memory_space<vmem>>
          %dma_wait3A_853 = arith.constant 0 : i32
          %dma_wait3A_854 = arith.constant 0 : i32
          %dma_wait3A_855 = tpu.memref_slice %arg4[%mul3A_2, %dma_wait3A_853, %dma_wait3A_854] : memref<8192x100x64xf32, #tpu.memory_space<hbm>> -> memref<1x100x64xf32, #tpu.memory_space<hbm>>
          %dma_wait3A_856 = tpu.memref_squeeze %dma_wait3A_855 : memref<1x100x64xf32, #tpu.memory_space<hbm>> -> memref<100x64xf32, #tpu.memory_space<hbm>>
          %dma_wait3A_857 = tpu.memref_slice %arg8[%dma_wait3A_848] : memref<8x!tpu.dma_semaphore, #tpu.memory_space<semaphore_mem>> -> memref<1x!tpu.dma_semaphore, #tpu.memory_space<semaphore_mem>>
          %dma_wait3A_858 = tpu.memref_squeeze %dma_wait3A_857 : memref<1x!tpu.dma_semaphore, #tpu.memory_space<semaphore_mem>> -> memref<!tpu.dma_semaphore, #tpu.memory_space<semaphore_mem>>
          %dma_wait3A_859 = arith.constant 0 : i32
          %dma_wait3A_860 = arith.constant 0 : i32
          %dma_wait3A_861 = tpu.memref_slice %arg4[%mul3A_2, %dma_wait3A_859, %dma_wait3A_860] : memref<8192x100x64xf32, #tpu.memory_space<hbm>> -> memref<1x100x64xf32, #tpu.memory_space<hbm>>
          %dma_wait3A_862 = tpu.memref_squeeze %dma_wait3A_861 : memref<1x100x64xf32, #tpu.memory_space<hbm>> -> memref<100x64xf32, #tpu.memory_space<hbm>>
          %dma_wait3A_863 = arith.constant 0 : i32
          %dma_wait3A_864 = arith.constant 0 : i32
          %dma_wait3A_865 = tpu.memref_slice %arg6[%dma_wait3A_847, %dma_wait3A_863, %dma_wait3A_864] : memref<8x100x64xf32, #tpu.memory_space<vmem>> -> memref<1x100x64xf32, #tpu.memory_space<vmem>>
          %dma_wait3A_866 = tpu.memref_squeeze %dma_wait3A_865 : memref<1x100x64xf32, #tpu.memory_space<vmem>> -> memref<100x64xf32, #tpu.memory_space<vmem>>
          tpu.wait_dma2 semaphore(%dma_wait3A_858 : memref<!tpu.dma_semaphore, #tpu.memory_space<semaphore_mem>>) src(%dma_wait3A_866 : memref<100x64xf32, #tpu.memory_space<vmem>>) dst(%dma_wait3A_862 : memref<100x64xf32, #tpu.memory_space<hbm>>)
        } else {
        }
        %add3A_737 = arith.constant 4 : i32
        %add3A_738 = arith.addi %add3A_425, %add3A_737 : i32
        %jit3A_739 = arith.constant 64 : i32
        %eq3A_740 = arith.constant 0 : i32
        %eq3A_741 = arith.cmpi eq, %jit3A_739, %eq3A_740 : i32
        %jit3A_742 = arith.constant 1 : i32
        %select_n3A_743 = arith.select %eq3A_741, %jit3A_742, %jit3A_739 : i32
        %rem3A_744 = arith.remsi %add3A_738, %select_n3A_743 : i32
        %ne3A_745 = arith.constant 0 : i32
        %ne3A_746 = arith.cmpi ne, %rem3A_744, %ne3A_745 : i32
        %lt3A_747 = arith.constant 0 : i32
        %lt3A_748 = arith.cmpi slt, %rem3A_744, %lt3A_747 : i32
        %lt3A_749 = arith.constant 0 : i32
        %lt3A_750 = arith.cmpi slt, %select_n3A_743, %lt3A_749 : i32
        %ne3A_751 = arith.xori %lt3A_748, %lt3A_750 : i1
        %and3A_752 = arith.andi %ne3A_751, %ne3A_746 : i1
        %add3A_753 = arith.addi %rem3A_744, %select_n3A_743 : i32
        %select_n3A_754 = arith.select %and3A_752, %add3A_753, %rem3A_744 : i32
        %dma_start3A_755 = arith.constant 1 : i32
        %dma_start3A_756 = arith.constant 1 : i32
        %dma_start3A_757 = arith.constant 0 : i32
        %dma_start3A_758 = arith.constant 0 : i32
        %dma_start3A_759 = tpu.memref_slice %arg6[%dma_start3A_755, %dma_start3A_757, %dma_start3A_758] : memref<8x100x64xf32, #tpu.memory_space<vmem>> -> memref<1x100x64xf32, #tpu.memory_space<vmem>>
        %dma_start3A_760 = tpu.memref_squeeze %dma_start3A_759 : memref<1x100x64xf32, #tpu.memory_space<vmem>> -> memref<100x64xf32, #tpu.memory_space<vmem>>
        %dma_start3A_761 = arith.constant 0 : i32
        %dma_start3A_762 = tpu.memref_slice %arg5[%select_n3A_754, %dma_start3A_761] : memref<64x100xi32, #tpu.memory_space<vmem>> -> memref<1x100xi32, #tpu.memory_space<vmem>>
        %dma_start3A_763 = tpu.memref_squeeze %dma_start3A_762 : memref<1x100xi32, #tpu.memory_space<vmem>> -> memref<100xi32, #tpu.memory_space<vmem>>
        %dma_start3A_764 = arith.constant 0 : i32
        %dma_start3A_765 = arith.constant 0 : i32
        %dma_start3A_766 = tpu.memref_slice %arg3[%dma_start3A_764, %dma_start3A_765] : memref<1000000x64xf32, #tpu.memory_space<hbm>> -> memref<1000000x64xf32, #tpu.memory_space<hbm>>
        %dma_start3A_767 = tpu.memref_slice %arg7[%dma_start3A_756] : memref<8x!tpu.dma_semaphore, #tpu.memory_space<semaphore_mem>> -> memref<1x!tpu.dma_semaphore, #tpu.memory_space<semaphore_mem>>
        %dma_start3A_768 = tpu.memref_squeeze %dma_start3A_767 : memref<1x!tpu.dma_semaphore, #tpu.memory_space<semaphore_mem>> -> memref<!tpu.dma_semaphore, #tpu.memory_space<semaphore_mem>>
        tpu.enqueue_indirect_dma source(%dma_start3A_766 : memref<1000000x64xf32, #tpu.memory_space<hbm>>) target(%dma_start3A_760 : memref<100x64xf32, #tpu.memory_space<vmem>>) offsets(%dma_start3A_763 : memref<100xi32, #tpu.memory_space<vmem>>) semaphore(%dma_start3A_768 : memref<!tpu.dma_semaphore, #tpu.memory_space<semaphore_mem>>)
        %add3A_769 = arith.constant 5 : i32
        %add3A_770 = arith.addi %add3A_425, %add3A_769 : i32
        %ge3A_771 = arith.constant 8 : i32
        %ge3A_772 = arith.cmpi sge, %add3A_770, %ge3A_771 : i32
        %convert_element_type3A_773 = arith.extui %ge3A_772 : i1 to i32
        %cond3A_774 = arith.constant 0 : i32
        %cond3A_775 = arith.cmpi ne, %convert_element_type3A_773, %cond3A_774 : i32
        scf.if %cond3A_775 {
          %dma_wait3A_847 = arith.constant 2 : i32
          %dma_wait3A_848 = arith.constant 2 : i32
          %dma_wait3A_849 = arith.constant 0 : i32
          %dma_wait3A_850 = arith.constant 0 : i32
          %dma_wait3A_851 = tpu.memref_slice %arg6[%dma_wait3A_847, %dma_wait3A_849, %dma_wait3A_850] : memref<8x100x64xf32, #tpu.memory_space<vmem>> -> memref<1x100x64xf32, #tpu.memory_space<vmem>>
          %dma_wait3A_852 = tpu.memref_squeeze %dma_wait3A_851 : memref<1x100x64xf32, #tpu.memory_space<vmem>> -> memref<100x64xf32, #tpu.memory_space<vmem>>
          %dma_wait3A_853 = arith.constant 0 : i32
          %dma_wait3A_854 = arith.constant 0 : i32
          %dma_wait3A_855 = tpu.memref_slice %arg4[%mul3A_2, %dma_wait3A_853, %dma_wait3A_854] : memref<8192x100x64xf32, #tpu.memory_space<hbm>> -> memref<1x100x64xf32, #tpu.memory_space<hbm>>
          %dma_wait3A_856 = tpu.memref_squeeze %dma_wait3A_855 : memref<1x100x64xf32, #tpu.memory_space<hbm>> -> memref<100x64xf32, #tpu.memory_space<hbm>>
          %dma_wait3A_857 = tpu.memref_slice %arg8[%dma_wait3A_848] : memref<8x!tpu.dma_semaphore, #tpu.memory_space<semaphore_mem>> -> memref<1x!tpu.dma_semaphore, #tpu.memory_space<semaphore_mem>>
          %dma_wait3A_858 = tpu.memref_squeeze %dma_wait3A_857 : memref<1x!tpu.dma_semaphore, #tpu.memory_space<semaphore_mem>> -> memref<!tpu.dma_semaphore, #tpu.memory_space<semaphore_mem>>
          %dma_wait3A_859 = arith.constant 0 : i32
          %dma_wait3A_860 = arith.constant 0 : i32
          %dma_wait3A_861 = tpu.memref_slice %arg4[%mul3A_2, %dma_wait3A_859, %dma_wait3A_860] : memref<8192x100x64xf32, #tpu.memory_space<hbm>> -> memref<1x100x64xf32, #tpu.memory_space<hbm>>
          %dma_wait3A_862 = tpu.memref_squeeze %dma_wait3A_861 : memref<1x100x64xf32, #tpu.memory_space<hbm>> -> memref<100x64xf32, #tpu.memory_space<hbm>>
          %dma_wait3A_863 = arith.constant 0 : i32
          %dma_wait3A_864 = arith.constant 0 : i32
          %dma_wait3A_865 = tpu.memref_slice %arg6[%dma_wait3A_847, %dma_wait3A_863, %dma_wait3A_864] : memref<8x100x64xf32, #tpu.memory_space<vmem>> -> memref<1x100x64xf32, #tpu.memory_space<vmem>>
          %dma_wait3A_866 = tpu.memref_squeeze %dma_wait3A_865 : memref<1x100x64xf32, #tpu.memory_space<vmem>> -> memref<100x64xf32, #tpu.memory_space<vmem>>
          tpu.wait_dma2 semaphore(%dma_wait3A_858 : memref<!tpu.dma_semaphore, #tpu.memory_space<semaphore_mem>>) src(%dma_wait3A_866 : memref<100x64xf32, #tpu.memory_space<vmem>>) dst(%dma_wait3A_862 : memref<100x64xf32, #tpu.memory_space<hbm>>)
        } else {
        }
        %add3A_776 = arith.constant 5 : i32
        %add3A_777 = arith.addi %add3A_425, %add3A_776 : i32
        %jit3A_778 = arith.constant 64 : i32
        %eq3A_779 = arith.constant 0 : i32
        %eq3A_780 = arith.cmpi eq, %jit3A_778, %eq3A_779 : i32
        %jit3A_781 = arith.constant 1 : i32
        %select_n3A_782 = arith.select %eq3A_780, %jit3A_781, %jit3A_778 : i32
        %rem3A_783 = arith.remsi %add3A_777, %select_n3A_782 : i32
        %ne3A_784 = arith.constant 0 : i32
        %ne3A_785 = arith.cmpi ne, %rem3A_783, %ne3A_784 : i32
        %lt3A_786 = arith.constant 0 : i32
        %lt3A_787 = arith.cmpi slt, %rem3A_783, %lt3A_786 : i32
        %lt3A_788 = arith.constant 0 : i32
        %lt3A_789 = arith.cmpi slt, %select_n3A_782, %lt3A_788 : i32
        %ne3A_790 = arith.xori %lt3A_787, %lt3A_789 : i1
        %and3A_791 = arith.andi %ne3A_790, %ne3A_785 : i1
        %add3A_792 = arith.addi %rem3A_783, %select_n3A_782 : i32
        %select_n3A_793 = arith.select %and3A_791, %add3A_792, %rem3A_783 : i32
        %dma_start3A_794 = arith.constant 2 : i32
        %dma_start3A_795 = arith.constant 2 : i32
        %dma_start3A_796 = arith.constant 0 : i32
        %dma_start3A_797 = arith.constant 0 : i32
        %dma_start3A_798 = tpu.memref_slice %arg6[%dma_start3A_794, %dma_start3A_796, %dma_start3A_797] : memref<8x100x64xf32, #tpu.memory_space<vmem>> -> memref<1x100x64xf32, #tpu.memory_space<vmem>>
        %dma_start3A_799 = tpu.memref_squeeze %dma_start3A_798 : memref<1x100x64xf32, #tpu.memory_space<vmem>> -> memref<100x64xf32, #tpu.memory_space<vmem>>
        %dma_start3A_800 = arith.constant 0 : i32
        %dma_start3A_801 = tpu.memref_slice %arg5[%select_n3A_793, %dma_start3A_800] : memref<64x100xi32, #tpu.memory_space<vmem>> -> memref<1x100xi32, #tpu.memory_space<vmem>>
        %dma_start3A_802 = tpu.memref_squeeze %dma_start3A_801 : memref<1x100xi32, #tpu.memory_space<vmem>> -> memref<100xi32, #tpu.memory_space<vmem>>
        %dma_start3A_803 = arith.constant 0 : i32
        %dma_start3A_804 = arith.constant 0 : i32
        %dma_start3A_805 = tpu.memref_slice %arg3[%dma_start3A_803, %dma_start3A_804] : memref<1000000x64xf32, #tpu.memory_space<hbm>> -> memref<1000000x64xf32, #tpu.memory_space<hbm>>
        %dma_start3A_806 = tpu.memref_slice %arg7[%dma_start3A_795] : memref<8x!tpu.dma_semaphore, #tpu.memory_space<semaphore_mem>> -> memref<1x!tpu.dma_semaphore, #tpu.memory_space<semaphore_mem>>
        %dma_start3A_807 = tpu.memref_squeeze %dma_start3A_806 : memref<1x!tpu.dma_semaphore, #tpu.memory_space<semaphore_mem>> -> memref<!tpu.dma_semaphore, #tpu.memory_space<semaphore_mem>>
        tpu.enqueue_indirect_dma source(%dma_start3A_805 : memref<1000000x64xf32, #tpu.memory_space<hbm>>) target(%dma_start3A_799 : memref<100x64xf32, #tpu.memory_space<vmem>>) offsets(%dma_start3A_802 : memref<100xi32, #tpu.memory_space<vmem>>) semaphore(%dma_start3A_807 : memref<!tpu.dma_semaphore, #tpu.memory_space<semaphore_mem>>)
        %add3A_808 = arith.constant 6 : i32
        %add3A_809 = arith.addi %add3A_425, %add3A_808 : i32
        %ge3A_810 = arith.constant 8 : i32
        %ge3A_811 = arith.cmpi sge, %add3A_809, %ge3A_810 : i32
        %convert_element_type3A_812 = arith.extui %ge3A_811 : i1 to i32
        %cond3A_813 = arith.constant 0 : i32
        %cond3A_814 = arith.cmpi ne, %convert_element_type3A_812, %cond3A_813 : i32
        scf.if %cond3A_814 {
          %dma_wait3A_847 = arith.constant 3 : i32
          %dma_wait3A_848 = arith.constant 3 : i32
          %dma_wait3A_849 = arith.constant 0 : i32
          %dma_wait3A_850 = arith.constant 0 : i32
          %dma_wait3A_851 = tpu.memref_slice %arg6[%dma_wait3A_847, %dma_wait3A_849, %dma_wait3A_850] : memref<8x100x64xf32, #tpu.memory_space<vmem>> -> memref<1x100x64xf32, #tpu.memory_space<vmem>>
          %dma_wait3A_852 = tpu.memref_squeeze %dma_wait3A_851 : memref<1x100x64xf32, #tpu.memory_space<vmem>> -> memref<100x64xf32, #tpu.memory_space<vmem>>
          %dma_wait3A_853 = arith.constant 0 : i32
          %dma_wait3A_854 = arith.constant 0 : i32
          %dma_wait3A_855 = tpu.memref_slice %arg4[%mul3A_2, %dma_wait3A_853, %dma_wait3A_854] : memref<8192x100x64xf32, #tpu.memory_space<hbm>> -> memref<1x100x64xf32, #tpu.memory_space<hbm>>
          %dma_wait3A_856 = tpu.memref_squeeze %dma_wait3A_855 : memref<1x100x64xf32, #tpu.memory_space<hbm>> -> memref<100x64xf32, #tpu.memory_space<hbm>>
          %dma_wait3A_857 = tpu.memref_slice %arg8[%dma_wait3A_848] : memref<8x!tpu.dma_semaphore, #tpu.memory_space<semaphore_mem>> -> memref<1x!tpu.dma_semaphore, #tpu.memory_space<semaphore_mem>>
          %dma_wait3A_858 = tpu.memref_squeeze %dma_wait3A_857 : memref<1x!tpu.dma_semaphore, #tpu.memory_space<semaphore_mem>> -> memref<!tpu.dma_semaphore, #tpu.memory_space<semaphore_mem>>
          %dma_wait3A_859 = arith.constant 0 : i32
          %dma_wait3A_860 = arith.constant 0 : i32
          %dma_wait3A_861 = tpu.memref_slice %arg4[%mul3A_2, %dma_wait3A_859, %dma_wait3A_860] : memref<8192x100x64xf32, #tpu.memory_space<hbm>> -> memref<1x100x64xf32, #tpu.memory_space<hbm>>
          %dma_wait3A_862 = tpu.memref_squeeze %dma_wait3A_861 : memref<1x100x64xf32, #tpu.memory_space<hbm>> -> memref<100x64xf32, #tpu.memory_space<hbm>>
          %dma_wait3A_863 = arith.constant 0 : i32
          %dma_wait3A_864 = arith.constant 0 : i32
          %dma_wait3A_865 = tpu.memref_slice %arg6[%dma_wait3A_847, %dma_wait3A_863, %dma_wait3A_864] : memref<8x100x64xf32, #tpu.memory_space<vmem>> -> memref<1x100x64xf32, #tpu.memory_space<vmem>>
          %dma_wait3A_866 = tpu.memref_squeeze %dma_wait3A_865 : memref<1x100x64xf32, #tpu.memory_space<vmem>> -> memref<100x64xf32, #tpu.memory_space<vmem>>
          tpu.wait_dma2 semaphore(%dma_wait3A_858 : memref<!tpu.dma_semaphore, #tpu.memory_space<semaphore_mem>>) src(%dma_wait3A_866 : memref<100x64xf32, #tpu.memory_space<vmem>>) dst(%dma_wait3A_862 : memref<100x64xf32, #tpu.memory_space<hbm>>)
        } else {
        }
        %add3A_815 = arith.constant 6 : i32
        %add3A_816 = arith.addi %add3A_425, %add3A_815 : i32
        %jit3A_817 = arith.constant 64 : i32
        %eq3A_818 = arith.constant 0 : i32
        %eq3A_819 = arith.cmpi eq, %jit3A_817, %eq3A_818 : i32
        %jit3A_820 = arith.constant 1 : i32
        %select_n3A_821 = arith.select %eq3A_819, %jit3A_820, %jit3A_817 : i32
        %rem3A_822 = arith.remsi %add3A_816, %select_n3A_821 : i32
        %ne3A_823 = arith.constant 0 : i32
        %ne3A_824 = arith.cmpi ne, %rem3A_822, %ne3A_823 : i32
        %lt3A_825 = arith.constant 0 : i32
        %lt3A_826 = arith.cmpi slt, %rem3A_822, %lt3A_825 : i32
        %lt3A_827 = arith.constant 0 : i32
        %lt3A_828 = arith.cmpi slt, %select_n3A_821, %lt3A_827 : i32
        %ne3A_829 = arith.xori %lt3A_826, %lt3A_828 : i1
        %and3A_830 = arith.andi %ne3A_829, %ne3A_824 : i1
        %add3A_831 = arith.addi %rem3A_822, %select_n3A_821 : i32
        %select_n3A_832 = arith.select %and3A_830, %add3A_831, %rem3A_822 : i32
        %dma_start3A_833 = arith.constant 3 : i32
        %dma_start3A_834 = arith.constant 3 : i32
        %dma_start3A_835 = arith.constant 0 : i32
        %dma_start3A_836 = arith.constant 0 : i32
        %dma_start3A_837 = tpu.memref_slice %arg6[%dma_start3A_833, %dma_start3A_835, %dma_start3A_836] : memref<8x100x64xf32, #tpu.memory_space<vmem>> -> memref<1x100x64xf32, #tpu.memory_space<vmem>>
        %dma_start3A_838 = tpu.memref_squeeze %dma_start3A_837 : memref<1x100x64xf32, #tpu.memory_space<vmem>> -> memref<100x64xf32, #tpu.memory_space<vmem>>
        %dma_start3A_839 = arith.constant 0 : i32
        %dma_start3A_840 = tpu.memref_slice %arg5[%select_n3A_832, %dma_start3A_839] : memref<64x100xi32, #tpu.memory_space<vmem>> -> memref<1x100xi32, #tpu.memory_space<vmem>>
        %dma_start3A_841 = tpu.memref_squeeze %dma_start3A_840 : memref<1x100xi32, #tpu.memory_space<vmem>> -> memref<100xi32, #tpu.memory_space<vmem>>
        %dma_start3A_842 = arith.constant 0 : i32
        %dma_start3A_843 = arith.constant 0 : i32
        %dma_start3A_844 = tpu.memref_slice %arg3[%dma_start3A_842, %dma_start3A_843] : memref<1000000x64xf32, #tpu.memory_space<hbm>> -> memref<1000000x64xf32, #tpu.memory_space<hbm>>
        %dma_start3A_845 = tpu.memref_slice %arg7[%dma_start3A_834] : memref<8x!tpu.dma_semaphore, #tpu.memory_space<semaphore_mem>> -> memref<1x!tpu.dma_semaphore, #tpu.memory_space<semaphore_mem>>
        %dma_start3A_846 = tpu.memref_squeeze %dma_start3A_845 : memref<1x!tpu.dma_semaphore, #tpu.memory_space<semaphore_mem>> -> memref<!tpu.dma_semaphore, #tpu.memory_space<semaphore_mem>>
        tpu.enqueue_indirect_dma source(%dma_start3A_844 : memref<1000000x64xf32, #tpu.memory_space<hbm>>) target(%dma_start3A_838 : memref<100x64xf32, #tpu.memory_space<vmem>>) offsets(%dma_start3A_841 : memref<100xi32, #tpu.memory_space<vmem>>) semaphore(%dma_start3A_846 : memref<!tpu.dma_semaphore, #tpu.memory_space<semaphore_mem>>)
      } else {
      }
      %dma_wait3A_433 = arith.constant 0 : i32
      %dma_wait3A_434 = arith.constant 5 : i32
      %dma_wait3A_435 = arith.constant 5 : i32
      %dma_wait3A_436 = arith.constant 0 : i32
      %dma_wait3A_437 = arith.constant 0 : i32
      %dma_wait3A_438 = tpu.memref_slice %arg6[%dma_wait3A_434, %dma_wait3A_436, %dma_wait3A_437] : memref<8x100x64xf32, #tpu.memory_space<vmem>> -> memref<1x100x64xf32, #tpu.memory_space<vmem>>
      %dma_wait3A_439 = tpu.memref_squeeze %dma_wait3A_438 : memref<1x100x64xf32, #tpu.memory_space<vmem>> -> memref<100x64xf32, #tpu.memory_space<vmem>>
      %dma_wait3A_440 = arith.constant 0 : i32
      %dma_wait3A_441 = tpu.memref_slice %arg5[%dma_wait3A_433, %dma_wait3A_440] : memref<64x100xi32, #tpu.memory_space<vmem>> -> memref<1x100xi32, #tpu.memory_space<vmem>>
      %dma_wait3A_442 = tpu.memref_squeeze %dma_wait3A_441 : memref<1x100xi32, #tpu.memory_space<vmem>> -> memref<100xi32, #tpu.memory_space<vmem>>
      %dma_wait3A_443 = arith.constant 0 : i32
      %dma_wait3A_444 = arith.constant 0 : i32
      %dma_wait3A_445 = tpu.memref_slice %arg3[%dma_wait3A_443, %dma_wait3A_444] : memref<1000000x64xf32, #tpu.memory_space<hbm>> -> memref<1000000x64xf32, #tpu.memory_space<hbm>>
      %dma_wait3A_446 = tpu.memref_slice %arg7[%dma_wait3A_435] : memref<8x!tpu.dma_semaphore, #tpu.memory_space<semaphore_mem>> -> memref<1x!tpu.dma_semaphore, #tpu.memory_space<semaphore_mem>>
      %dma_wait3A_447 = tpu.memref_squeeze %dma_wait3A_446 : memref<1x!tpu.dma_semaphore, #tpu.memory_space<semaphore_mem>> -> memref<!tpu.dma_semaphore, #tpu.memory_space<semaphore_mem>>
      tpu.wait_indirect_dma semaphore(%dma_wait3A_447 : memref<!tpu.dma_semaphore, #tpu.memory_space<semaphore_mem>>) src(%dma_wait3A_445 : memref<1000000x64xf32, #tpu.memory_space<hbm>>) dst(%dma_wait3A_439 : memref<100x64xf32, #tpu.memory_space<vmem>>)
      %add3A_448 = arith.addi %mul3A_2, %add3A_425 : i32
      %dma_start3A_449 = arith.constant 5 : i32
      %dma_start3A_450 = arith.constant 5 : i32
      %dma_start3A_451 = arith.constant 0 : i32
      %dma_start3A_452 = arith.constant 0 : i32
      %dma_start3A_453 = tpu.memref_slice %arg6[%dma_start3A_449, %dma_start3A_451, %dma_start3A_452] : memref<8x100x64xf32, #tpu.memory_space<vmem>> -> memref<1x100x64xf32, #tpu.memory_space<vmem>>
      %dma_start3A_454 = tpu.memref_squeeze %dma_start3A_453 : memref<1x100x64xf32, #tpu.memory_space<vmem>> -> memref<100x64xf32, #tpu.memory_space<vmem>>
      %dma_start3A_455 = arith.constant 0 : i32
      %dma_start3A_456 = arith.constant 0 : i32
      %dma_start3A_457 = tpu.memref_slice %arg4[%add3A_448, %dma_start3A_455, %dma_start3A_456] : memref<8192x100x64xf32, #tpu.memory_space<hbm>> -> memref<1x100x64xf32, #tpu.memory_space<hbm>>
      %dma_start3A_458 = tpu.memref_squeeze %dma_start3A_457 : memref<1x100x64xf32, #tpu.memory_space<hbm>> -> memref<100x64xf32, #tpu.memory_space<hbm>>
      %dma_start3A_459 = tpu.memref_slice %arg8[%dma_start3A_450] : memref<8x!tpu.dma_semaphore, #tpu.memory_space<semaphore_mem>> -> memref<1x!tpu.dma_semaphore, #tpu.memory_space<semaphore_mem>>
      %dma_start3A_460 = tpu.memref_squeeze %dma_start3A_459 : memref<1x!tpu.dma_semaphore, #tpu.memory_space<semaphore_mem>> -> memref<!tpu.dma_semaphore, #tpu.memory_space<semaphore_mem>>
      %dma_start3A_461 = arith.constant 0 : i32
      %dma_start3A_462 = arith.constant 0 : i32
      %dma_start3A_463 = tpu.memref_slice %arg4[%add3A_448, %dma_start3A_461, %dma_start3A_462] : memref<8192x100x64xf32, #tpu.memory_space<hbm>> -> memref<1x100x64xf32, #tpu.memory_space<hbm>>
      %dma_start3A_464 = tpu.memref_squeeze %dma_start3A_463 : memref<1x100x64xf32, #tpu.memory_space<hbm>> -> memref<100x64xf32, #tpu.memory_space<hbm>>
      %dma_start3A_465 = arith.constant 0 : i32
      %dma_start3A_466 = arith.constant 0 : i32
      %dma_start3A_467 = tpu.memref_slice %arg6[%dma_start3A_449, %dma_start3A_465, %dma_start3A_466] : memref<8x100x64xf32, #tpu.memory_space<vmem>> -> memref<1x100x64xf32, #tpu.memory_space<vmem>>
      %dma_start3A_468 = tpu.memref_squeeze %dma_start3A_467 : memref<1x100x64xf32, #tpu.memory_space<vmem>> -> memref<100x64xf32, #tpu.memory_space<vmem>>
      tpu.enqueue_dma source(%dma_start3A_468 : memref<100x64xf32, #tpu.memory_space<vmem>>) target(%dma_start3A_464 : memref<100x64xf32, #tpu.memory_space<hbm>>) target_semaphore(%dma_start3A_460 : memref<!tpu.dma_semaphore, #tpu.memory_space<semaphore_mem>>)
      %lt3A_469 = arith.constant 57 : i32
      %lt3A_470 = arith.cmpi slt, %rem3A_427, %lt3A_469 : i32
      %convert_element_type3A_471 = arith.extui %lt3A_470 : i1 to i32
      %cond3A_472 = arith.constant 0 : i32
      %cond3A_473 = arith.cmpi ne, %convert_element_type3A_471, %cond3A_472 : i32
      scf.if %cond3A_473 {
        %ge3A = arith.constant 1 : i32
        %ge3A_578 = arith.cmpi sge, %add3A_425, %ge3A : i32
        %convert_element_type3A_579 = arith.extui %ge3A_578 : i1 to i32
        %cond3A_580 = arith.constant 0 : i32
        %cond3A_581 = arith.cmpi ne, %convert_element_type3A_579, %cond3A_580 : i32
        scf.if %cond3A_581 {
          %dma_wait3A_611 = arith.constant 4 : i32
          %dma_wait3A_612 = arith.constant 4 : i32
          %dma_wait3A_613 = arith.constant 0 : i32
          %dma_wait3A_614 = arith.constant 0 : i32
          %dma_wait3A_615 = tpu.memref_slice %arg6[%dma_wait3A_611, %dma_wait3A_613, %dma_wait3A_614] : memref<8x100x64xf32, #tpu.memory_space<vmem>> -> memref<1x100x64xf32, #tpu.memory_space<vmem>>
          %dma_wait3A_616 = tpu.memref_squeeze %dma_wait3A_615 : memref<1x100x64xf32, #tpu.memory_space<vmem>> -> memref<100x64xf32, #tpu.memory_space<vmem>>
          %dma_wait3A_617 = arith.constant 0 : i32
          %dma_wait3A_618 = arith.constant 0 : i32
          %dma_wait3A_619 = tpu.memref_slice %arg4[%mul3A_2, %dma_wait3A_617, %dma_wait3A_618] : memref<8192x100x64xf32, #tpu.memory_space<hbm>> -> memref<1x100x64xf32, #tpu.memory_space<hbm>>
          %dma_wait3A_620 = tpu.memref_squeeze %dma_wait3A_619 : memref<1x100x64xf32, #tpu.memory_space<hbm>> -> memref<100x64xf32, #tpu.memory_space<hbm>>
          %dma_wait3A_621 = tpu.memref_slice %arg8[%dma_wait3A_612] : memref<8x!tpu.dma_semaphore, #tpu.memory_space<semaphore_mem>> -> memref<1x!tpu.dma_semaphore, #tpu.memory_space<semaphore_mem>>
          %dma_wait3A_622 = tpu.memref_squeeze %dma_wait3A_621 : memref<1x!tpu.dma_semaphore, #tpu.memory_space<semaphore_mem>> -> memref<!tpu.dma_semaphore, #tpu.memory_space<semaphore_mem>>
          %dma_wait3A_623 = arith.constant 0 : i32
          %dma_wait3A_624 = arith.constant 0 : i32
          %dma_wait3A_625 = tpu.memref_slice %arg4[%mul3A_2, %dma_wait3A_623, %dma_wait3A_624] : memref<8192x100x64xf32, #tpu.memory_space<hbm>> -> memref<1x100x64xf32, #tpu.memory_space<hbm>>
          %dma_wait3A_626 = tpu.memref_squeeze %dma_wait3A_625 : memref<1x100x64xf32, #tpu.memory_space<hbm>> -> memref<100x64xf32, #tpu.memory_space<hbm>>
          %dma_wait3A_627 = arith.constant 0 : i32
          %dma_wait3A_628 = arith.constant 0 : i32
          %dma_wait3A_629 = tpu.memref_slice %arg6[%dma_wait3A_611, %dma_wait3A_627, %dma_wait3A_628] : memref<8x100x64xf32, #tpu.memory_space<vmem>> -> memref<1x100x64xf32, #tpu.memory_space<vmem>>
          %dma_wait3A_630 = tpu.memref_squeeze %dma_wait3A_629 : memref<1x100x64xf32, #tpu.memory_space<vmem>> -> memref<100x64xf32, #tpu.memory_space<vmem>>
          tpu.wait_dma2 semaphore(%dma_wait3A_622 : memref<!tpu.dma_semaphore, #tpu.memory_space<semaphore_mem>>) src(%dma_wait3A_630 : memref<100x64xf32, #tpu.memory_space<vmem>>) dst(%dma_wait3A_626 : memref<100x64xf32, #tpu.memory_space<hbm>>)
        } else {
        }
        %add3A_582 = arith.constant 8 : i32
        %add3A_583 = arith.addi %add3A_425, %add3A_582 : i32
        %sub3A = arith.constant 1 : i32
        %sub3A_584 = arith.subi %add3A_583, %sub3A : i32
        %jit3A = arith.constant 64 : i32
        %eq3A_585 = arith.constant 0 : i32
        %eq3A_586 = arith.cmpi eq, %jit3A, %eq3A_585 : i32
        %jit3A_587 = arith.constant 1 : i32
        %select_n3A = arith.select %eq3A_586, %jit3A_587, %jit3A : i32
        %rem3A_588 = arith.remsi %sub3A_584, %select_n3A : i32
        %ne3A = arith.constant 0 : i32
        %ne3A_589 = arith.cmpi ne, %rem3A_588, %ne3A : i32
        %lt3A_590 = arith.constant 0 : i32
        %lt3A_591 = arith.cmpi slt, %rem3A_588, %lt3A_590 : i32
        %lt3A_592 = arith.constant 0 : i32
        %lt3A_593 = arith.cmpi slt, %select_n3A, %lt3A_592 : i32
        %ne3A_594 = arith.xori %lt3A_591, %lt3A_593 : i1
        %and3A = arith.andi %ne3A_594, %ne3A_589 : i1
        %add3A_595 = arith.addi %rem3A_588, %select_n3A : i32
        %select_n3A_596 = arith.select %and3A, %add3A_595, %rem3A_588 : i32
        %dma_start3A_597 = arith.constant 4 : i32
        %dma_start3A_598 = arith.constant 4 : i32
        %dma_start3A_599 = arith.constant 0 : i32
        %dma_start3A_600 = arith.constant 0 : i32
        %dma_start3A_601 = tpu.memref_slice %arg6[%dma_start3A_597, %dma_start3A_599, %dma_start3A_600] : memref<8x100x64xf32, #tpu.memory_space<vmem>> -> memref<1x100x64xf32, #tpu.memory_space<vmem>>
        %dma_start3A_602 = tpu.memref_squeeze %dma_start3A_601 : memref<1x100x64xf32, #tpu.memory_space<vmem>> -> memref<100x64xf32, #tpu.memory_space<vmem>>
        %dma_start3A_603 = arith.constant 0 : i32
        %dma_start3A_604 = tpu.memref_slice %arg5[%select_n3A_596, %dma_start3A_603] : memref<64x100xi32, #tpu.memory_space<vmem>> -> memref<1x100xi32, #tpu.memory_space<vmem>>
        %dma_start3A_605 = tpu.memref_squeeze %dma_start3A_604 : memref<1x100xi32, #tpu.memory_space<vmem>> -> memref<100xi32, #tpu.memory_space<vmem>>
        %dma_start3A_606 = arith.constant 0 : i32
        %dma_start3A_607 = arith.constant 0 : i32
        %dma_start3A_608 = tpu.memref_slice %arg3[%dma_start3A_606, %dma_start3A_607] : memref<1000000x64xf32, #tpu.memory_space<hbm>> -> memref<1000000x64xf32, #tpu.memory_space<hbm>>
        %dma_start3A_609 = tpu.memref_slice %arg7[%dma_start3A_598] : memref<8x!tpu.dma_semaphore, #tpu.memory_space<semaphore_mem>> -> memref<1x!tpu.dma_semaphore, #tpu.memory_space<semaphore_mem>>
        %dma_start3A_610 = tpu.memref_squeeze %dma_start3A_609 : memref<1x!tpu.dma_semaphore, #tpu.memory_space<semaphore_mem>> -> memref<!tpu.dma_semaphore, #tpu.memory_space<semaphore_mem>>
        tpu.enqueue_indirect_dma source(%dma_start3A_608 : memref<1000000x64xf32, #tpu.memory_space<hbm>>) target(%dma_start3A_602 : memref<100x64xf32, #tpu.memory_space<vmem>>) offsets(%dma_start3A_605 : memref<100xi32, #tpu.memory_space<vmem>>) semaphore(%dma_start3A_610 : memref<!tpu.dma_semaphore, #tpu.memory_space<semaphore_mem>>)
      } else {
      }
      %mul3A_474 = arith.constant 8 : i32
      %mul3A_475 = arith.muli %mul3A_474, %scan3A_167 : i32
      %add3A_476 = arith.constant 6 : i32
      %add3A_477 = arith.addi %mul3A_475, %add3A_476 : i32
      %rem3A_478 = arith.constant 64 : i32
      %rem3A_479 = arith.remsi %add3A_477, %rem3A_478 : i32
      %eq3A_480 = arith.constant 0 : i32
      %eq3A_481 = arith.cmpi eq, %rem3A_479, %eq3A_480 : i32
      %convert_element_type3A_482 = arith.extui %eq3A_481 : i1 to i32
      %cond3A_483 = arith.constant 0 : i32
      %cond3A_484 = arith.cmpi ne, %convert_element_type3A_482, %cond3A_483 : i32
      scf.if %cond3A_484 {
        %add3A_578 = arith.addi %mul3A_2, %add3A_477 : i32
        %multiple_of3A = tpu.assume_multiple %add3A_578, 64 : i32
        "tpu.region"() ({
          %run_scoped3A = tpu.sem_alloc : memref<!tpu.dma_semaphore, #tpu.memory_space<semaphore_mem>>
          %dma_start3A_847 = arith.constant 0 : i32
          %dma_start3A_848 = tpu.memref_slice %arg2[%multiple_of3A, %dma_start3A_847] : memref<8192x100xi32, #tpu.memory_space<hbm>> -> memref<64x100xi32, #tpu.memory_space<hbm>>
          %dma_start3A_849 = arith.constant 0 : i32
          %dma_start3A_850 = tpu.memref_slice %arg2[%multiple_of3A, %dma_start3A_849] : memref<8192x100xi32, #tpu.memory_space<hbm>> -> memref<64x100xi32, #tpu.memory_space<hbm>>
          tpu.enqueue_dma source(%dma_start3A_850 : memref<64x100xi32, #tpu.memory_space<hbm>>) target(%arg5 : memref<64x100xi32, #tpu.memory_space<vmem>>) target_semaphore(%run_scoped3A : memref<!tpu.dma_semaphore, #tpu.memory_space<semaphore_mem>>)
          %dma_wait3A_851 = arith.constant 0 : i32
          %dma_wait3A_852 = tpu.memref_slice %arg2[%multiple_of3A, %dma_wait3A_851] : memref<8192x100xi32, #tpu.memory_space<hbm>> -> memref<64x100xi32, #tpu.memory_space<hbm>>
          %dma_wait3A_853 = arith.constant 0 : i32
          %dma_wait3A_854 = tpu.memref_slice %arg2[%multiple_of3A, %dma_wait3A_853] : memref<8192x100xi32, #tpu.memory_space<hbm>> -> memref<64x100xi32, #tpu.memory_space<hbm>>
          tpu.wait_dma2 semaphore(%run_scoped3A : memref<!tpu.dma_semaphore, #tpu.memory_space<semaphore_mem>>) src(%dma_wait3A_854 : memref<64x100xi32, #tpu.memory_space<hbm>>) dst(%arg5 : memref<64x100xi32, #tpu.memory_space<vmem>>)
          tpu.yield
        }) : () -> ()
        %add3A_579 = arith.constant 0 : i32
        %add3A_580 = arith.addi %add3A_477, %add3A_579 : i32
        %ge3A = arith.constant 8 : i32
        %ge3A_581 = arith.cmpi sge, %add3A_580, %ge3A : i32
        %convert_element_type3A_582 = arith.extui %ge3A_581 : i1 to i32
        %cond3A_583 = arith.constant 0 : i32
        %cond3A_584 = arith.cmpi ne, %convert_element_type3A_582, %cond3A_583 : i32
        scf.if %cond3A_584 {
          %dma_wait3A_847 = arith.constant 6 : i32
          %dma_wait3A_848 = arith.constant 6 : i32
          %dma_wait3A_849 = arith.constant 0 : i32
          %dma_wait3A_850 = arith.constant 0 : i32
          %dma_wait3A_851 = tpu.memref_slice %arg6[%dma_wait3A_847, %dma_wait3A_849, %dma_wait3A_850] : memref<8x100x64xf32, #tpu.memory_space<vmem>> -> memref<1x100x64xf32, #tpu.memory_space<vmem>>
          %dma_wait3A_852 = tpu.memref_squeeze %dma_wait3A_851 : memref<1x100x64xf32, #tpu.memory_space<vmem>> -> memref<100x64xf32, #tpu.memory_space<vmem>>
          %dma_wait3A_853 = arith.constant 0 : i32
          %dma_wait3A_854 = arith.constant 0 : i32
          %dma_wait3A_855 = tpu.memref_slice %arg4[%mul3A_2, %dma_wait3A_853, %dma_wait3A_854] : memref<8192x100x64xf32, #tpu.memory_space<hbm>> -> memref<1x100x64xf32, #tpu.memory_space<hbm>>
          %dma_wait3A_856 = tpu.memref_squeeze %dma_wait3A_855 : memref<1x100x64xf32, #tpu.memory_space<hbm>> -> memref<100x64xf32, #tpu.memory_space<hbm>>
          %dma_wait3A_857 = tpu.memref_slice %arg8[%dma_wait3A_848] : memref<8x!tpu.dma_semaphore, #tpu.memory_space<semaphore_mem>> -> memref<1x!tpu.dma_semaphore, #tpu.memory_space<semaphore_mem>>
          %dma_wait3A_858 = tpu.memref_squeeze %dma_wait3A_857 : memref<1x!tpu.dma_semaphore, #tpu.memory_space<semaphore_mem>> -> memref<!tpu.dma_semaphore, #tpu.memory_space<semaphore_mem>>
          %dma_wait3A_859 = arith.constant 0 : i32
          %dma_wait3A_860 = arith.constant 0 : i32
          %dma_wait3A_861 = tpu.memref_slice %arg4[%mul3A_2, %dma_wait3A_859, %dma_wait3A_860] : memref<8192x100x64xf32, #tpu.memory_space<hbm>> -> memref<1x100x64xf32, #tpu.memory_space<hbm>>
          %dma_wait3A_862 = tpu.memref_squeeze %dma_wait3A_861 : memref<1x100x64xf32, #tpu.memory_space<hbm>> -> memref<100x64xf32, #tpu.memory_space<hbm>>
          %dma_wait3A_863 = arith.constant 0 : i32
          %dma_wait3A_864 = arith.constant 0 : i32
          %dma_wait3A_865 = tpu.memref_slice %arg6[%dma_wait3A_847, %dma_wait3A_863, %dma_wait3A_864] : memref<8x100x64xf32, #tpu.memory_space<vmem>> -> memref<1x100x64xf32, #tpu.memory_space<vmem>>
          %dma_wait3A_866 = tpu.memref_squeeze %dma_wait3A_865 : memref<1x100x64xf32, #tpu.memory_space<vmem>> -> memref<100x64xf32, #tpu.memory_space<vmem>>
          tpu.wait_dma2 semaphore(%dma_wait3A_858 : memref<!tpu.dma_semaphore, #tpu.memory_space<semaphore_mem>>) src(%dma_wait3A_866 : memref<100x64xf32, #tpu.memory_space<vmem>>) dst(%dma_wait3A_862 : memref<100x64xf32, #tpu.memory_space<hbm>>)
        } else {
        }
        %add3A_585 = arith.constant 0 : i32
        %add3A_586 = arith.addi %add3A_477, %add3A_585 : i32
        %jit3A = arith.constant 64 : i32
        %eq3A_587 = arith.constant 0 : i32
        %eq3A_588 = arith.cmpi eq, %jit3A, %eq3A_587 : i32
        %jit3A_589 = arith.constant 1 : i32
        %select_n3A = arith.select %eq3A_588, %jit3A_589, %jit3A : i32
        %rem3A_590 = arith.remsi %add3A_586, %select_n3A : i32
        %ne3A = arith.constant 0 : i32
        %ne3A_591 = arith.cmpi ne, %rem3A_590, %ne3A : i32
        %lt3A_592 = arith.constant 0 : i32
        %lt3A_593 = arith.cmpi slt, %rem3A_590, %lt3A_592 : i32
        %lt3A_594 = arith.constant 0 : i32
        %lt3A_595 = arith.cmpi slt, %select_n3A, %lt3A_594 : i32
        %ne3A_596 = arith.xori %lt3A_593, %lt3A_595 : i1
        %and3A = arith.andi %ne3A_596, %ne3A_591 : i1
        %add3A_597 = arith.addi %rem3A_590, %select_n3A : i32
        %select_n3A_598 = arith.select %and3A, %add3A_597, %rem3A_590 : i32
        %dma_start3A_599 = arith.constant 6 : i32
        %dma_start3A_600 = arith.constant 6 : i32
        %dma_start3A_601 = arith.constant 0 : i32
        %dma_start3A_602 = arith.constant 0 : i32
        %dma_start3A_603 = tpu.memref_slice %arg6[%dma_start3A_599, %dma_start3A_601, %dma_start3A_602] : memref<8x100x64xf32, #tpu.memory_space<vmem>> -> memref<1x100x64xf32, #tpu.memory_space<vmem>>
        %dma_start3A_604 = tpu.memref_squeeze %dma_start3A_603 : memref<1x100x64xf32, #tpu.memory_space<vmem>> -> memref<100x64xf32, #tpu.memory_space<vmem>>
        %dma_start3A_605 = arith.constant 0 : i32
        %dma_start3A_606 = tpu.memref_slice %arg5[%select_n3A_598, %dma_start3A_605] : memref<64x100xi32, #tpu.memory_space<vmem>> -> memref<1x100xi32, #tpu.memory_space<vmem>>
        %dma_start3A_607 = tpu.memref_squeeze %dma_start3A_606 : memref<1x100xi32, #tpu.memory_space<vmem>> -> memref<100xi32, #tpu.memory_space<vmem>>
        %dma_start3A_608 = arith.constant 0 : i32
        %dma_start3A_609 = arith.constant 0 : i32
        %dma_start3A_610 = tpu.memref_slice %arg3[%dma_start3A_608, %dma_start3A_609] : memref<1000000x64xf32, #tpu.memory_space<hbm>> -> memref<1000000x64xf32, #tpu.memory_space<hbm>>
        %dma_start3A_611 = tpu.memref_slice %arg7[%dma_start3A_600] : memref<8x!tpu.dma_semaphore, #tpu.memory_space<semaphore_mem>> -> memref<1x!tpu.dma_semaphore, #tpu.memory_space<semaphore_mem>>
        %dma_start3A_612 = tpu.memref_squeeze %dma_start3A_611 : memref<1x!tpu.dma_semaphore, #tpu.memory_space<semaphore_mem>> -> memref<!tpu.dma_semaphore, #tpu.memory_space<semaphore_mem>>
        tpu.enqueue_indirect_dma source(%dma_start3A_610 : memref<1000000x64xf32, #tpu.memory_space<hbm>>) target(%dma_start3A_604 : memref<100x64xf32, #tpu.memory_space<vmem>>) offsets(%dma_start3A_607 : memref<100xi32, #tpu.memory_space<vmem>>) semaphore(%dma_start3A_612 : memref<!tpu.dma_semaphore, #tpu.memory_space<semaphore_mem>>)
        %add3A_613 = arith.constant 1 : i32
        %add3A_614 = arith.addi %add3A_477, %add3A_613 : i32
        %ge3A_615 = arith.constant 8 : i32
        %ge3A_616 = arith.cmpi sge, %add3A_614, %ge3A_615 : i32
        %convert_element_type3A_617 = arith.extui %ge3A_616 : i1 to i32
        %cond3A_618 = arith.constant 0 : i32
        %cond3A_619 = arith.cmpi ne, %convert_element_type3A_617, %cond3A_618 : i32
        scf.if %cond3A_619 {
          %dma_wait3A_847 = arith.constant 7 : i32
          %dma_wait3A_848 = arith.constant 7 : i32
          %dma_wait3A_849 = arith.constant 0 : i32
          %dma_wait3A_850 = arith.constant 0 : i32
          %dma_wait3A_851 = tpu.memref_slice %arg6[%dma_wait3A_847, %dma_wait3A_849, %dma_wait3A_850] : memref<8x100x64xf32, #tpu.memory_space<vmem>> -> memref<1x100x64xf32, #tpu.memory_space<vmem>>
          %dma_wait3A_852 = tpu.memref_squeeze %dma_wait3A_851 : memref<1x100x64xf32, #tpu.memory_space<vmem>> -> memref<100x64xf32, #tpu.memory_space<vmem>>
          %dma_wait3A_853 = arith.constant 0 : i32
          %dma_wait3A_854 = arith.constant 0 : i32
          %dma_wait3A_855 = tpu.memref_slice %arg4[%mul3A_2, %dma_wait3A_853, %dma_wait3A_854] : memref<8192x100x64xf32, #tpu.memory_space<hbm>> -> memref<1x100x64xf32, #tpu.memory_space<hbm>>
          %dma_wait3A_856 = tpu.memref_squeeze %dma_wait3A_855 : memref<1x100x64xf32, #tpu.memory_space<hbm>> -> memref<100x64xf32, #tpu.memory_space<hbm>>
          %dma_wait3A_857 = tpu.memref_slice %arg8[%dma_wait3A_848] : memref<8x!tpu.dma_semaphore, #tpu.memory_space<semaphore_mem>> -> memref<1x!tpu.dma_semaphore, #tpu.memory_space<semaphore_mem>>
          %dma_wait3A_858 = tpu.memref_squeeze %dma_wait3A_857 : memref<1x!tpu.dma_semaphore, #tpu.memory_space<semaphore_mem>> -> memref<!tpu.dma_semaphore, #tpu.memory_space<semaphore_mem>>
          %dma_wait3A_859 = arith.constant 0 : i32
          %dma_wait3A_860 = arith.constant 0 : i32
          %dma_wait3A_861 = tpu.memref_slice %arg4[%mul3A_2, %dma_wait3A_859, %dma_wait3A_860] : memref<8192x100x64xf32, #tpu.memory_space<hbm>> -> memref<1x100x64xf32, #tpu.memory_space<hbm>>
          %dma_wait3A_862 = tpu.memref_squeeze %dma_wait3A_861 : memref<1x100x64xf32, #tpu.memory_space<hbm>> -> memref<100x64xf32, #tpu.memory_space<hbm>>
          %dma_wait3A_863 = arith.constant 0 : i32
          %dma_wait3A_864 = arith.constant 0 : i32
          %dma_wait3A_865 = tpu.memref_slice %arg6[%dma_wait3A_847, %dma_wait3A_863, %dma_wait3A_864] : memref<8x100x64xf32, #tpu.memory_space<vmem>> -> memref<1x100x64xf32, #tpu.memory_space<vmem>>
          %dma_wait3A_866 = tpu.memref_squeeze %dma_wait3A_865 : memref<1x100x64xf32, #tpu.memory_space<vmem>> -> memref<100x64xf32, #tpu.memory_space<vmem>>
          tpu.wait_dma2 semaphore(%dma_wait3A_858 : memref<!tpu.dma_semaphore, #tpu.memory_space<semaphore_mem>>) src(%dma_wait3A_866 : memref<100x64xf32, #tpu.memory_space<vmem>>) dst(%dma_wait3A_862 : memref<100x64xf32, #tpu.memory_space<hbm>>)
        } else {
        }
        %add3A_620 = arith.constant 1 : i32
        %add3A_621 = arith.addi %add3A_477, %add3A_620 : i32
        %jit3A_622 = arith.constant 64 : i32
        %eq3A_623 = arith.constant 0 : i32
        %eq3A_624 = arith.cmpi eq, %jit3A_622, %eq3A_623 : i32
        %jit3A_625 = arith.constant 1 : i32
        %select_n3A_626 = arith.select %eq3A_624, %jit3A_625, %jit3A_622 : i32
        %rem3A_627 = arith.remsi %add3A_621, %select_n3A_626 : i32
        %ne3A_628 = arith.constant 0 : i32
        %ne3A_629 = arith.cmpi ne, %rem3A_627, %ne3A_628 : i32
        %lt3A_630 = arith.constant 0 : i32
        %lt3A_631 = arith.cmpi slt, %rem3A_627, %lt3A_630 : i32
        %lt3A_632 = arith.constant 0 : i32
        %lt3A_633 = arith.cmpi slt, %select_n3A_626, %lt3A_632 : i32
        %ne3A_634 = arith.xori %lt3A_631, %lt3A_633 : i1
        %and3A_635 = arith.andi %ne3A_634, %ne3A_629 : i1
        %add3A_636 = arith.addi %rem3A_627, %select_n3A_626 : i32
        %select_n3A_637 = arith.select %and3A_635, %add3A_636, %rem3A_627 : i32
        %dma_start3A_638 = arith.constant 7 : i32
        %dma_start3A_639 = arith.constant 7 : i32
        %dma_start3A_640 = arith.constant 0 : i32
        %dma_start3A_641 = arith.constant 0 : i32
        %dma_start3A_642 = tpu.memref_slice %arg6[%dma_start3A_638, %dma_start3A_640, %dma_start3A_641] : memref<8x100x64xf32, #tpu.memory_space<vmem>> -> memref<1x100x64xf32, #tpu.memory_space<vmem>>
        %dma_start3A_643 = tpu.memref_squeeze %dma_start3A_642 : memref<1x100x64xf32, #tpu.memory_space<vmem>> -> memref<100x64xf32, #tpu.memory_space<vmem>>
        %dma_start3A_644 = arith.constant 0 : i32
        %dma_start3A_645 = tpu.memref_slice %arg5[%select_n3A_637, %dma_start3A_644] : memref<64x100xi32, #tpu.memory_space<vmem>> -> memref<1x100xi32, #tpu.memory_space<vmem>>
        %dma_start3A_646 = tpu.memref_squeeze %dma_start3A_645 : memref<1x100xi32, #tpu.memory_space<vmem>> -> memref<100xi32, #tpu.memory_space<vmem>>
        %dma_start3A_647 = arith.constant 0 : i32
        %dma_start3A_648 = arith.constant 0 : i32
        %dma_start3A_649 = tpu.memref_slice %arg3[%dma_start3A_647, %dma_start3A_648] : memref<1000000x64xf32, #tpu.memory_space<hbm>> -> memref<1000000x64xf32, #tpu.memory_space<hbm>>
        %dma_start3A_650 = tpu.memref_slice %arg7[%dma_start3A_639] : memref<8x!tpu.dma_semaphore, #tpu.memory_space<semaphore_mem>> -> memref<1x!tpu.dma_semaphore, #tpu.memory_space<semaphore_mem>>
        %dma_start3A_651 = tpu.memref_squeeze %dma_start3A_650 : memref<1x!tpu.dma_semaphore, #tpu.memory_space<semaphore_mem>> -> memref<!tpu.dma_semaphore, #tpu.memory_space<semaphore_mem>>
        tpu.enqueue_indirect_dma source(%dma_start3A_649 : memref<1000000x64xf32, #tpu.memory_space<hbm>>) target(%dma_start3A_643 : memref<100x64xf32, #tpu.memory_space<vmem>>) offsets(%dma_start3A_646 : memref<100xi32, #tpu.memory_space<vmem>>) semaphore(%dma_start3A_651 : memref<!tpu.dma_semaphore, #tpu.memory_space<semaphore_mem>>)
        %add3A_652 = arith.constant 2 : i32
        %add3A_653 = arith.addi %add3A_477, %add3A_652 : i32
        %ge3A_654 = arith.constant 8 : i32
        %ge3A_655 = arith.cmpi sge, %add3A_653, %ge3A_654 : i32
        %convert_element_type3A_656 = arith.extui %ge3A_655 : i1 to i32
        %cond3A_657 = arith.constant 0 : i32
        %cond3A_658 = arith.cmpi ne, %convert_element_type3A_656, %cond3A_657 : i32
        scf.if %cond3A_658 {
          %dma_wait3A_847 = arith.constant 0 : i32
          %dma_wait3A_848 = arith.constant 0 : i32
          %dma_wait3A_849 = arith.constant 0 : i32
          %dma_wait3A_850 = arith.constant 0 : i32
          %dma_wait3A_851 = tpu.memref_slice %arg6[%dma_wait3A_847, %dma_wait3A_849, %dma_wait3A_850] : memref<8x100x64xf32, #tpu.memory_space<vmem>> -> memref<1x100x64xf32, #tpu.memory_space<vmem>>
          %dma_wait3A_852 = tpu.memref_squeeze %dma_wait3A_851 : memref<1x100x64xf32, #tpu.memory_space<vmem>> -> memref<100x64xf32, #tpu.memory_space<vmem>>
          %dma_wait3A_853 = arith.constant 0 : i32
          %dma_wait3A_854 = arith.constant 0 : i32
          %dma_wait3A_855 = tpu.memref_slice %arg4[%mul3A_2, %dma_wait3A_853, %dma_wait3A_854] : memref<8192x100x64xf32, #tpu.memory_space<hbm>> -> memref<1x100x64xf32, #tpu.memory_space<hbm>>
          %dma_wait3A_856 = tpu.memref_squeeze %dma_wait3A_855 : memref<1x100x64xf32, #tpu.memory_space<hbm>> -> memref<100x64xf32, #tpu.memory_space<hbm>>
          %dma_wait3A_857 = tpu.memref_slice %arg8[%dma_wait3A_848] : memref<8x!tpu.dma_semaphore, #tpu.memory_space<semaphore_mem>> -> memref<1x!tpu.dma_semaphore, #tpu.memory_space<semaphore_mem>>
          %dma_wait3A_858 = tpu.memref_squeeze %dma_wait3A_857 : memref<1x!tpu.dma_semaphore, #tpu.memory_space<semaphore_mem>> -> memref<!tpu.dma_semaphore, #tpu.memory_space<semaphore_mem>>
          %dma_wait3A_859 = arith.constant 0 : i32
          %dma_wait3A_860 = arith.constant 0 : i32
          %dma_wait3A_861 = tpu.memref_slice %arg4[%mul3A_2, %dma_wait3A_859, %dma_wait3A_860] : memref<8192x100x64xf32, #tpu.memory_space<hbm>> -> memref<1x100x64xf32, #tpu.memory_space<hbm>>
          %dma_wait3A_862 = tpu.memref_squeeze %dma_wait3A_861 : memref<1x100x64xf32, #tpu.memory_space<hbm>> -> memref<100x64xf32, #tpu.memory_space<hbm>>
          %dma_wait3A_863 = arith.constant 0 : i32
          %dma_wait3A_864 = arith.constant 0 : i32
          %dma_wait3A_865 = tpu.memref_slice %arg6[%dma_wait3A_847, %dma_wait3A_863, %dma_wait3A_864] : memref<8x100x64xf32, #tpu.memory_space<vmem>> -> memref<1x100x64xf32, #tpu.memory_space<vmem>>
          %dma_wait3A_866 = tpu.memref_squeeze %dma_wait3A_865 : memref<1x100x64xf32, #tpu.memory_space<vmem>> -> memref<100x64xf32, #tpu.memory_space<vmem>>
          tpu.wait_dma2 semaphore(%dma_wait3A_858 : memref<!tpu.dma_semaphore, #tpu.memory_space<semaphore_mem>>) src(%dma_wait3A_866 : memref<100x64xf32, #tpu.memory_space<vmem>>) dst(%dma_wait3A_862 : memref<100x64xf32, #tpu.memory_space<hbm>>)
        } else {
        }
        %add3A_659 = arith.constant 2 : i32
        %add3A_660 = arith.addi %add3A_477, %add3A_659 : i32
        %jit3A_661 = arith.constant 64 : i32
        %eq3A_662 = arith.constant 0 : i32
        %eq3A_663 = arith.cmpi eq, %jit3A_661, %eq3A_662 : i32
        %jit3A_664 = arith.constant 1 : i32
        %select_n3A_665 = arith.select %eq3A_663, %jit3A_664, %jit3A_661 : i32
        %rem3A_666 = arith.remsi %add3A_660, %select_n3A_665 : i32
        %ne3A_667 = arith.constant 0 : i32
        %ne3A_668 = arith.cmpi ne, %rem3A_666, %ne3A_667 : i32
        %lt3A_669 = arith.constant 0 : i32
        %lt3A_670 = arith.cmpi slt, %rem3A_666, %lt3A_669 : i32
        %lt3A_671 = arith.constant 0 : i32
        %lt3A_672 = arith.cmpi slt, %select_n3A_665, %lt3A_671 : i32
        %ne3A_673 = arith.xori %lt3A_670, %lt3A_672 : i1
        %and3A_674 = arith.andi %ne3A_673, %ne3A_668 : i1
        %add3A_675 = arith.addi %rem3A_666, %select_n3A_665 : i32
        %select_n3A_676 = arith.select %and3A_674, %add3A_675, %rem3A_666 : i32
        %dma_start3A_677 = arith.constant 0 : i32
        %dma_start3A_678 = arith.constant 0 : i32
        %dma_start3A_679 = arith.constant 0 : i32
        %dma_start3A_680 = arith.constant 0 : i32
        %dma_start3A_681 = tpu.memref_slice %arg6[%dma_start3A_677, %dma_start3A_679, %dma_start3A_680] : memref<8x100x64xf32, #tpu.memory_space<vmem>> -> memref<1x100x64xf32, #tpu.memory_space<vmem>>
        %dma_start3A_682 = tpu.memref_squeeze %dma_start3A_681 : memref<1x100x64xf32, #tpu.memory_space<vmem>> -> memref<100x64xf32, #tpu.memory_space<vmem>>
        %dma_start3A_683 = arith.constant 0 : i32
        %dma_start3A_684 = tpu.memref_slice %arg5[%select_n3A_676, %dma_start3A_683] : memref<64x100xi32, #tpu.memory_space<vmem>> -> memref<1x100xi32, #tpu.memory_space<vmem>>
        %dma_start3A_685 = tpu.memref_squeeze %dma_start3A_684 : memref<1x100xi32, #tpu.memory_space<vmem>> -> memref<100xi32, #tpu.memory_space<vmem>>
        %dma_start3A_686 = arith.constant 0 : i32
        %dma_start3A_687 = arith.constant 0 : i32
        %dma_start3A_688 = tpu.memref_slice %arg3[%dma_start3A_686, %dma_start3A_687] : memref<1000000x64xf32, #tpu.memory_space<hbm>> -> memref<1000000x64xf32, #tpu.memory_space<hbm>>
        %dma_start3A_689 = tpu.memref_slice %arg7[%dma_start3A_678] : memref<8x!tpu.dma_semaphore, #tpu.memory_space<semaphore_mem>> -> memref<1x!tpu.dma_semaphore, #tpu.memory_space<semaphore_mem>>
        %dma_start3A_690 = tpu.memref_squeeze %dma_start3A_689 : memref<1x!tpu.dma_semaphore, #tpu.memory_space<semaphore_mem>> -> memref<!tpu.dma_semaphore, #tpu.memory_space<semaphore_mem>>
        tpu.enqueue_indirect_dma source(%dma_start3A_688 : memref<1000000x64xf32, #tpu.memory_space<hbm>>) target(%dma_start3A_682 : memref<100x64xf32, #tpu.memory_space<vmem>>) offsets(%dma_start3A_685 : memref<100xi32, #tpu.memory_space<vmem>>) semaphore(%dma_start3A_690 : memref<!tpu.dma_semaphore, #tpu.memory_space<semaphore_mem>>)
        %add3A_691 = arith.constant 3 : i32
        %add3A_692 = arith.addi %add3A_477, %add3A_691 : i32
        %ge3A_693 = arith.constant 8 : i32
        %ge3A_694 = arith.cmpi sge, %add3A_692, %ge3A_693 : i32
        %convert_element_type3A_695 = arith.extui %ge3A_694 : i1 to i32
        %cond3A_696 = arith.constant 0 : i32
        %cond3A_697 = arith.cmpi ne, %convert_element_type3A_695, %cond3A_696 : i32
        scf.if %cond3A_697 {
          %dma_wait3A_847 = arith.constant 1 : i32
          %dma_wait3A_848 = arith.constant 1 : i32
          %dma_wait3A_849 = arith.constant 0 : i32
          %dma_wait3A_850 = arith.constant 0 : i32
          %dma_wait3A_851 = tpu.memref_slice %arg6[%dma_wait3A_847, %dma_wait3A_849, %dma_wait3A_850] : memref<8x100x64xf32, #tpu.memory_space<vmem>> -> memref<1x100x64xf32, #tpu.memory_space<vmem>>
          %dma_wait3A_852 = tpu.memref_squeeze %dma_wait3A_851 : memref<1x100x64xf32, #tpu.memory_space<vmem>> -> memref<100x64xf32, #tpu.memory_space<vmem>>
          %dma_wait3A_853 = arith.constant 0 : i32
          %dma_wait3A_854 = arith.constant 0 : i32
          %dma_wait3A_855 = tpu.memref_slice %arg4[%mul3A_2, %dma_wait3A_853, %dma_wait3A_854] : memref<8192x100x64xf32, #tpu.memory_space<hbm>> -> memref<1x100x64xf32, #tpu.memory_space<hbm>>
          %dma_wait3A_856 = tpu.memref_squeeze %dma_wait3A_855 : memref<1x100x64xf32, #tpu.memory_space<hbm>> -> memref<100x64xf32, #tpu.memory_space<hbm>>
          %dma_wait3A_857 = tpu.memref_slice %arg8[%dma_wait3A_848] : memref<8x!tpu.dma_semaphore, #tpu.memory_space<semaphore_mem>> -> memref<1x!tpu.dma_semaphore, #tpu.memory_space<semaphore_mem>>
          %dma_wait3A_858 = tpu.memref_squeeze %dma_wait3A_857 : memref<1x!tpu.dma_semaphore, #tpu.memory_space<semaphore_mem>> -> memref<!tpu.dma_semaphore, #tpu.memory_space<semaphore_mem>>
          %dma_wait3A_859 = arith.constant 0 : i32
          %dma_wait3A_860 = arith.constant 0 : i32
          %dma_wait3A_861 = tpu.memref_slice %arg4[%mul3A_2, %dma_wait3A_859, %dma_wait3A_860] : memref<8192x100x64xf32, #tpu.memory_space<hbm>> -> memref<1x100x64xf32, #tpu.memory_space<hbm>>
          %dma_wait3A_862 = tpu.memref_squeeze %dma_wait3A_861 : memref<1x100x64xf32, #tpu.memory_space<hbm>> -> memref<100x64xf32, #tpu.memory_space<hbm>>
          %dma_wait3A_863 = arith.constant 0 : i32
          %dma_wait3A_864 = arith.constant 0 : i32
          %dma_wait3A_865 = tpu.memref_slice %arg6[%dma_wait3A_847, %dma_wait3A_863, %dma_wait3A_864] : memref<8x100x64xf32, #tpu.memory_space<vmem>> -> memref<1x100x64xf32, #tpu.memory_space<vmem>>
          %dma_wait3A_866 = tpu.memref_squeeze %dma_wait3A_865 : memref<1x100x64xf32, #tpu.memory_space<vmem>> -> memref<100x64xf32, #tpu.memory_space<vmem>>
          tpu.wait_dma2 semaphore(%dma_wait3A_858 : memref<!tpu.dma_semaphore, #tpu.memory_space<semaphore_mem>>) src(%dma_wait3A_866 : memref<100x64xf32, #tpu.memory_space<vmem>>) dst(%dma_wait3A_862 : memref<100x64xf32, #tpu.memory_space<hbm>>)
        } else {
        }
        %add3A_698 = arith.constant 3 : i32
        %add3A_699 = arith.addi %add3A_477, %add3A_698 : i32
        %jit3A_700 = arith.constant 64 : i32
        %eq3A_701 = arith.constant 0 : i32
        %eq3A_702 = arith.cmpi eq, %jit3A_700, %eq3A_701 : i32
        %jit3A_703 = arith.constant 1 : i32
        %select_n3A_704 = arith.select %eq3A_702, %jit3A_703, %jit3A_700 : i32
        %rem3A_705 = arith.remsi %add3A_699, %select_n3A_704 : i32
        %ne3A_706 = arith.constant 0 : i32
        %ne3A_707 = arith.cmpi ne, %rem3A_705, %ne3A_706 : i32
        %lt3A_708 = arith.constant 0 : i32
        %lt3A_709 = arith.cmpi slt, %rem3A_705, %lt3A_708 : i32
        %lt3A_710 = arith.constant 0 : i32
        %lt3A_711 = arith.cmpi slt, %select_n3A_704, %lt3A_710 : i32
        %ne3A_712 = arith.xori %lt3A_709, %lt3A_711 : i1
        %and3A_713 = arith.andi %ne3A_712, %ne3A_707 : i1
        %add3A_714 = arith.addi %rem3A_705, %select_n3A_704 : i32
        %select_n3A_715 = arith.select %and3A_713, %add3A_714, %rem3A_705 : i32
        %dma_start3A_716 = arith.constant 1 : i32
        %dma_start3A_717 = arith.constant 1 : i32
        %dma_start3A_718 = arith.constant 0 : i32
        %dma_start3A_719 = arith.constant 0 : i32
        %dma_start3A_720 = tpu.memref_slice %arg6[%dma_start3A_716, %dma_start3A_718, %dma_start3A_719] : memref<8x100x64xf32, #tpu.memory_space<vmem>> -> memref<1x100x64xf32, #tpu.memory_space<vmem>>
        %dma_start3A_721 = tpu.memref_squeeze %dma_start3A_720 : memref<1x100x64xf32, #tpu.memory_space<vmem>> -> memref<100x64xf32, #tpu.memory_space<vmem>>
        %dma_start3A_722 = arith.constant 0 : i32
        %dma_start3A_723 = tpu.memref_slice %arg5[%select_n3A_715, %dma_start3A_722] : memref<64x100xi32, #tpu.memory_space<vmem>> -> memref<1x100xi32, #tpu.memory_space<vmem>>
        %dma_start3A_724 = tpu.memref_squeeze %dma_start3A_723 : memref<1x100xi32, #tpu.memory_space<vmem>> -> memref<100xi32, #tpu.memory_space<vmem>>
        %dma_start3A_725 = arith.constant 0 : i32
        %dma_start3A_726 = arith.constant 0 : i32
        %dma_start3A_727 = tpu.memref_slice %arg3[%dma_start3A_725, %dma_start3A_726] : memref<1000000x64xf32, #tpu.memory_space<hbm>> -> memref<1000000x64xf32, #tpu.memory_space<hbm>>
        %dma_start3A_728 = tpu.memref_slice %arg7[%dma_start3A_717] : memref<8x!tpu.dma_semaphore, #tpu.memory_space<semaphore_mem>> -> memref<1x!tpu.dma_semaphore, #tpu.memory_space<semaphore_mem>>
        %dma_start3A_729 = tpu.memref_squeeze %dma_start3A_728 : memref<1x!tpu.dma_semaphore, #tpu.memory_space<semaphore_mem>> -> memref<!tpu.dma_semaphore, #tpu.memory_space<semaphore_mem>>
        tpu.enqueue_indirect_dma source(%dma_start3A_727 : memref<1000000x64xf32, #tpu.memory_space<hbm>>) target(%dma_start3A_721 : memref<100x64xf32, #tpu.memory_space<vmem>>) offsets(%dma_start3A_724 : memref<100xi32, #tpu.memory_space<vmem>>) semaphore(%dma_start3A_729 : memref<!tpu.dma_semaphore, #tpu.memory_space<semaphore_mem>>)
        %add3A_730 = arith.constant 4 : i32
        %add3A_731 = arith.addi %add3A_477, %add3A_730 : i32
        %ge3A_732 = arith.constant 8 : i32
        %ge3A_733 = arith.cmpi sge, %add3A_731, %ge3A_732 : i32
        %convert_element_type3A_734 = arith.extui %ge3A_733 : i1 to i32
        %cond3A_735 = arith.constant 0 : i32
        %cond3A_736 = arith.cmpi ne, %convert_element_type3A_734, %cond3A_735 : i32
        scf.if %cond3A_736 {
          %dma_wait3A_847 = arith.constant 2 : i32
          %dma_wait3A_848 = arith.constant 2 : i32
          %dma_wait3A_849 = arith.constant 0 : i32
          %dma_wait3A_850 = arith.constant 0 : i32
          %dma_wait3A_851 = tpu.memref_slice %arg6[%dma_wait3A_847, %dma_wait3A_849, %dma_wait3A_850] : memref<8x100x64xf32, #tpu.memory_space<vmem>> -> memref<1x100x64xf32, #tpu.memory_space<vmem>>
          %dma_wait3A_852 = tpu.memref_squeeze %dma_wait3A_851 : memref<1x100x64xf32, #tpu.memory_space<vmem>> -> memref<100x64xf32, #tpu.memory_space<vmem>>
          %dma_wait3A_853 = arith.constant 0 : i32
          %dma_wait3A_854 = arith.constant 0 : i32
          %dma_wait3A_855 = tpu.memref_slice %arg4[%mul3A_2, %dma_wait3A_853, %dma_wait3A_854] : memref<8192x100x64xf32, #tpu.memory_space<hbm>> -> memref<1x100x64xf32, #tpu.memory_space<hbm>>
          %dma_wait3A_856 = tpu.memref_squeeze %dma_wait3A_855 : memref<1x100x64xf32, #tpu.memory_space<hbm>> -> memref<100x64xf32, #tpu.memory_space<hbm>>
          %dma_wait3A_857 = tpu.memref_slice %arg8[%dma_wait3A_848] : memref<8x!tpu.dma_semaphore, #tpu.memory_space<semaphore_mem>> -> memref<1x!tpu.dma_semaphore, #tpu.memory_space<semaphore_mem>>
          %dma_wait3A_858 = tpu.memref_squeeze %dma_wait3A_857 : memref<1x!tpu.dma_semaphore, #tpu.memory_space<semaphore_mem>> -> memref<!tpu.dma_semaphore, #tpu.memory_space<semaphore_mem>>
          %dma_wait3A_859 = arith.constant 0 : i32
          %dma_wait3A_860 = arith.constant 0 : i32
          %dma_wait3A_861 = tpu.memref_slice %arg4[%mul3A_2, %dma_wait3A_859, %dma_wait3A_860] : memref<8192x100x64xf32, #tpu.memory_space<hbm>> -> memref<1x100x64xf32, #tpu.memory_space<hbm>>
          %dma_wait3A_862 = tpu.memref_squeeze %dma_wait3A_861 : memref<1x100x64xf32, #tpu.memory_space<hbm>> -> memref<100x64xf32, #tpu.memory_space<hbm>>
          %dma_wait3A_863 = arith.constant 0 : i32
          %dma_wait3A_864 = arith.constant 0 : i32
          %dma_wait3A_865 = tpu.memref_slice %arg6[%dma_wait3A_847, %dma_wait3A_863, %dma_wait3A_864] : memref<8x100x64xf32, #tpu.memory_space<vmem>> -> memref<1x100x64xf32, #tpu.memory_space<vmem>>
          %dma_wait3A_866 = tpu.memref_squeeze %dma_wait3A_865 : memref<1x100x64xf32, #tpu.memory_space<vmem>> -> memref<100x64xf32, #tpu.memory_space<vmem>>
          tpu.wait_dma2 semaphore(%dma_wait3A_858 : memref<!tpu.dma_semaphore, #tpu.memory_space<semaphore_mem>>) src(%dma_wait3A_866 : memref<100x64xf32, #tpu.memory_space<vmem>>) dst(%dma_wait3A_862 : memref<100x64xf32, #tpu.memory_space<hbm>>)
        } else {
        }
        %add3A_737 = arith.constant 4 : i32
        %add3A_738 = arith.addi %add3A_477, %add3A_737 : i32
        %jit3A_739 = arith.constant 64 : i32
        %eq3A_740 = arith.constant 0 : i32
        %eq3A_741 = arith.cmpi eq, %jit3A_739, %eq3A_740 : i32
        %jit3A_742 = arith.constant 1 : i32
        %select_n3A_743 = arith.select %eq3A_741, %jit3A_742, %jit3A_739 : i32
        %rem3A_744 = arith.remsi %add3A_738, %select_n3A_743 : i32
        %ne3A_745 = arith.constant 0 : i32
        %ne3A_746 = arith.cmpi ne, %rem3A_744, %ne3A_745 : i32
        %lt3A_747 = arith.constant 0 : i32
        %lt3A_748 = arith.cmpi slt, %rem3A_744, %lt3A_747 : i32
        %lt3A_749 = arith.constant 0 : i32
        %lt3A_750 = arith.cmpi slt, %select_n3A_743, %lt3A_749 : i32
        %ne3A_751 = arith.xori %lt3A_748, %lt3A_750 : i1
        %and3A_752 = arith.andi %ne3A_751, %ne3A_746 : i1
        %add3A_753 = arith.addi %rem3A_744, %select_n3A_743 : i32
        %select_n3A_754 = arith.select %and3A_752, %add3A_753, %rem3A_744 : i32
        %dma_start3A_755 = arith.constant 2 : i32
        %dma_start3A_756 = arith.constant 2 : i32
        %dma_start3A_757 = arith.constant 0 : i32
        %dma_start3A_758 = arith.constant 0 : i32
        %dma_start3A_759 = tpu.memref_slice %arg6[%dma_start3A_755, %dma_start3A_757, %dma_start3A_758] : memref<8x100x64xf32, #tpu.memory_space<vmem>> -> memref<1x100x64xf32, #tpu.memory_space<vmem>>
        %dma_start3A_760 = tpu.memref_squeeze %dma_start3A_759 : memref<1x100x64xf32, #tpu.memory_space<vmem>> -> memref<100x64xf32, #tpu.memory_space<vmem>>
        %dma_start3A_761 = arith.constant 0 : i32
        %dma_start3A_762 = tpu.memref_slice %arg5[%select_n3A_754, %dma_start3A_761] : memref<64x100xi32, #tpu.memory_space<vmem>> -> memref<1x100xi32, #tpu.memory_space<vmem>>
        %dma_start3A_763 = tpu.memref_squeeze %dma_start3A_762 : memref<1x100xi32, #tpu.memory_space<vmem>> -> memref<100xi32, #tpu.memory_space<vmem>>
        %dma_start3A_764 = arith.constant 0 : i32
        %dma_start3A_765 = arith.constant 0 : i32
        %dma_start3A_766 = tpu.memref_slice %arg3[%dma_start3A_764, %dma_start3A_765] : memref<1000000x64xf32, #tpu.memory_space<hbm>> -> memref<1000000x64xf32, #tpu.memory_space<hbm>>
        %dma_start3A_767 = tpu.memref_slice %arg7[%dma_start3A_756] : memref<8x!tpu.dma_semaphore, #tpu.memory_space<semaphore_mem>> -> memref<1x!tpu.dma_semaphore, #tpu.memory_space<semaphore_mem>>
        %dma_start3A_768 = tpu.memref_squeeze %dma_start3A_767 : memref<1x!tpu.dma_semaphore, #tpu.memory_space<semaphore_mem>> -> memref<!tpu.dma_semaphore, #tpu.memory_space<semaphore_mem>>
        tpu.enqueue_indirect_dma source(%dma_start3A_766 : memref<1000000x64xf32, #tpu.memory_space<hbm>>) target(%dma_start3A_760 : memref<100x64xf32, #tpu.memory_space<vmem>>) offsets(%dma_start3A_763 : memref<100xi32, #tpu.memory_space<vmem>>) semaphore(%dma_start3A_768 : memref<!tpu.dma_semaphore, #tpu.memory_space<semaphore_mem>>)
        %add3A_769 = arith.constant 5 : i32
        %add3A_770 = arith.addi %add3A_477, %add3A_769 : i32
        %ge3A_771 = arith.constant 8 : i32
        %ge3A_772 = arith.cmpi sge, %add3A_770, %ge3A_771 : i32
        %convert_element_type3A_773 = arith.extui %ge3A_772 : i1 to i32
        %cond3A_774 = arith.constant 0 : i32
        %cond3A_775 = arith.cmpi ne, %convert_element_type3A_773, %cond3A_774 : i32
        scf.if %cond3A_775 {
          %dma_wait3A_847 = arith.constant 3 : i32
          %dma_wait3A_848 = arith.constant 3 : i32
          %dma_wait3A_849 = arith.constant 0 : i32
          %dma_wait3A_850 = arith.constant 0 : i32
          %dma_wait3A_851 = tpu.memref_slice %arg6[%dma_wait3A_847, %dma_wait3A_849, %dma_wait3A_850] : memref<8x100x64xf32, #tpu.memory_space<vmem>> -> memref<1x100x64xf32, #tpu.memory_space<vmem>>
          %dma_wait3A_852 = tpu.memref_squeeze %dma_wait3A_851 : memref<1x100x64xf32, #tpu.memory_space<vmem>> -> memref<100x64xf32, #tpu.memory_space<vmem>>
          %dma_wait3A_853 = arith.constant 0 : i32
          %dma_wait3A_854 = arith.constant 0 : i32
          %dma_wait3A_855 = tpu.memref_slice %arg4[%mul3A_2, %dma_wait3A_853, %dma_wait3A_854] : memref<8192x100x64xf32, #tpu.memory_space<hbm>> -> memref<1x100x64xf32, #tpu.memory_space<hbm>>
          %dma_wait3A_856 = tpu.memref_squeeze %dma_wait3A_855 : memref<1x100x64xf32, #tpu.memory_space<hbm>> -> memref<100x64xf32, #tpu.memory_space<hbm>>
          %dma_wait3A_857 = tpu.memref_slice %arg8[%dma_wait3A_848] : memref<8x!tpu.dma_semaphore, #tpu.memory_space<semaphore_mem>> -> memref<1x!tpu.dma_semaphore, #tpu.memory_space<semaphore_mem>>
          %dma_wait3A_858 = tpu.memref_squeeze %dma_wait3A_857 : memref<1x!tpu.dma_semaphore, #tpu.memory_space<semaphore_mem>> -> memref<!tpu.dma_semaphore, #tpu.memory_space<semaphore_mem>>
          %dma_wait3A_859 = arith.constant 0 : i32
          %dma_wait3A_860 = arith.constant 0 : i32
          %dma_wait3A_861 = tpu.memref_slice %arg4[%mul3A_2, %dma_wait3A_859, %dma_wait3A_860] : memref<8192x100x64xf32, #tpu.memory_space<hbm>> -> memref<1x100x64xf32, #tpu.memory_space<hbm>>
          %dma_wait3A_862 = tpu.memref_squeeze %dma_wait3A_861 : memref<1x100x64xf32, #tpu.memory_space<hbm>> -> memref<100x64xf32, #tpu.memory_space<hbm>>
          %dma_wait3A_863 = arith.constant 0 : i32
          %dma_wait3A_864 = arith.constant 0 : i32
          %dma_wait3A_865 = tpu.memref_slice %arg6[%dma_wait3A_847, %dma_wait3A_863, %dma_wait3A_864] : memref<8x100x64xf32, #tpu.memory_space<vmem>> -> memref<1x100x64xf32, #tpu.memory_space<vmem>>
          %dma_wait3A_866 = tpu.memref_squeeze %dma_wait3A_865 : memref<1x100x64xf32, #tpu.memory_space<vmem>> -> memref<100x64xf32, #tpu.memory_space<vmem>>
          tpu.wait_dma2 semaphore(%dma_wait3A_858 : memref<!tpu.dma_semaphore, #tpu.memory_space<semaphore_mem>>) src(%dma_wait3A_866 : memref<100x64xf32, #tpu.memory_space<vmem>>) dst(%dma_wait3A_862 : memref<100x64xf32, #tpu.memory_space<hbm>>)
        } else {
        }
        %add3A_776 = arith.constant 5 : i32
        %add3A_777 = arith.addi %add3A_477, %add3A_776 : i32
        %jit3A_778 = arith.constant 64 : i32
        %eq3A_779 = arith.constant 0 : i32
        %eq3A_780 = arith.cmpi eq, %jit3A_778, %eq3A_779 : i32
        %jit3A_781 = arith.constant 1 : i32
        %select_n3A_782 = arith.select %eq3A_780, %jit3A_781, %jit3A_778 : i32
        %rem3A_783 = arith.remsi %add3A_777, %select_n3A_782 : i32
        %ne3A_784 = arith.constant 0 : i32
        %ne3A_785 = arith.cmpi ne, %rem3A_783, %ne3A_784 : i32
        %lt3A_786 = arith.constant 0 : i32
        %lt3A_787 = arith.cmpi slt, %rem3A_783, %lt3A_786 : i32
        %lt3A_788 = arith.constant 0 : i32
        %lt3A_789 = arith.cmpi slt, %select_n3A_782, %lt3A_788 : i32
        %ne3A_790 = arith.xori %lt3A_787, %lt3A_789 : i1
        %and3A_791 = arith.andi %ne3A_790, %ne3A_785 : i1
        %add3A_792 = arith.addi %rem3A_783, %select_n3A_782 : i32
        %select_n3A_793 = arith.select %and3A_791, %add3A_792, %rem3A_783 : i32
        %dma_start3A_794 = arith.constant 3 : i32
        %dma_start3A_795 = arith.constant 3 : i32
        %dma_start3A_796 = arith.constant 0 : i32
        %dma_start3A_797 = arith.constant 0 : i32
        %dma_start3A_798 = tpu.memref_slice %arg6[%dma_start3A_794, %dma_start3A_796, %dma_start3A_797] : memref<8x100x64xf32, #tpu.memory_space<vmem>> -> memref<1x100x64xf32, #tpu.memory_space<vmem>>
        %dma_start3A_799 = tpu.memref_squeeze %dma_start3A_798 : memref<1x100x64xf32, #tpu.memory_space<vmem>> -> memref<100x64xf32, #tpu.memory_space<vmem>>
        %dma_start3A_800 = arith.constant 0 : i32
        %dma_start3A_801 = tpu.memref_slice %arg5[%select_n3A_793, %dma_start3A_800] : memref<64x100xi32, #tpu.memory_space<vmem>> -> memref<1x100xi32, #tpu.memory_space<vmem>>
        %dma_start3A_802 = tpu.memref_squeeze %dma_start3A_801 : memref<1x100xi32, #tpu.memory_space<vmem>> -> memref<100xi32, #tpu.memory_space<vmem>>
        %dma_start3A_803 = arith.constant 0 : i32
        %dma_start3A_804 = arith.constant 0 : i32
        %dma_start3A_805 = tpu.memref_slice %arg3[%dma_start3A_803, %dma_start3A_804] : memref<1000000x64xf32, #tpu.memory_space<hbm>> -> memref<1000000x64xf32, #tpu.memory_space<hbm>>
        %dma_start3A_806 = tpu.memref_slice %arg7[%dma_start3A_795] : memref<8x!tpu.dma_semaphore, #tpu.memory_space<semaphore_mem>> -> memref<1x!tpu.dma_semaphore, #tpu.memory_space<semaphore_mem>>
        %dma_start3A_807 = tpu.memref_squeeze %dma_start3A_806 : memref<1x!tpu.dma_semaphore, #tpu.memory_space<semaphore_mem>> -> memref<!tpu.dma_semaphore, #tpu.memory_space<semaphore_mem>>
        tpu.enqueue_indirect_dma source(%dma_start3A_805 : memref<1000000x64xf32, #tpu.memory_space<hbm>>) target(%dma_start3A_799 : memref<100x64xf32, #tpu.memory_space<vmem>>) offsets(%dma_start3A_802 : memref<100xi32, #tpu.memory_space<vmem>>) semaphore(%dma_start3A_807 : memref<!tpu.dma_semaphore, #tpu.memory_space<semaphore_mem>>)
        %add3A_808 = arith.constant 6 : i32
        %add3A_809 = arith.addi %add3A_477, %add3A_808 : i32
        %ge3A_810 = arith.constant 8 : i32
        %ge3A_811 = arith.cmpi sge, %add3A_809, %ge3A_810 : i32
        %convert_element_type3A_812 = arith.extui %ge3A_811 : i1 to i32
        %cond3A_813 = arith.constant 0 : i32
        %cond3A_814 = arith.cmpi ne, %convert_element_type3A_812, %cond3A_813 : i32
        scf.if %cond3A_814 {
          %dma_wait3A_847 = arith.constant 4 : i32
          %dma_wait3A_848 = arith.constant 4 : i32
          %dma_wait3A_849 = arith.constant 0 : i32
          %dma_wait3A_850 = arith.constant 0 : i32
          %dma_wait3A_851 = tpu.memref_slice %arg6[%dma_wait3A_847, %dma_wait3A_849, %dma_wait3A_850] : memref<8x100x64xf32, #tpu.memory_space<vmem>> -> memref<1x100x64xf32, #tpu.memory_space<vmem>>
          %dma_wait3A_852 = tpu.memref_squeeze %dma_wait3A_851 : memref<1x100x64xf32, #tpu.memory_space<vmem>> -> memref<100x64xf32, #tpu.memory_space<vmem>>
          %dma_wait3A_853 = arith.constant 0 : i32
          %dma_wait3A_854 = arith.constant 0 : i32
          %dma_wait3A_855 = tpu.memref_slice %arg4[%mul3A_2, %dma_wait3A_853, %dma_wait3A_854] : memref<8192x100x64xf32, #tpu.memory_space<hbm>> -> memref<1x100x64xf32, #tpu.memory_space<hbm>>
          %dma_wait3A_856 = tpu.memref_squeeze %dma_wait3A_855 : memref<1x100x64xf32, #tpu.memory_space<hbm>> -> memref<100x64xf32, #tpu.memory_space<hbm>>
          %dma_wait3A_857 = tpu.memref_slice %arg8[%dma_wait3A_848] : memref<8x!tpu.dma_semaphore, #tpu.memory_space<semaphore_mem>> -> memref<1x!tpu.dma_semaphore, #tpu.memory_space<semaphore_mem>>
          %dma_wait3A_858 = tpu.memref_squeeze %dma_wait3A_857 : memref<1x!tpu.dma_semaphore, #tpu.memory_space<semaphore_mem>> -> memref<!tpu.dma_semaphore, #tpu.memory_space<semaphore_mem>>
          %dma_wait3A_859 = arith.constant 0 : i32
          %dma_wait3A_860 = arith.constant 0 : i32
          %dma_wait3A_861 = tpu.memref_slice %arg4[%mul3A_2, %dma_wait3A_859, %dma_wait3A_860] : memref<8192x100x64xf32, #tpu.memory_space<hbm>> -> memref<1x100x64xf32, #tpu.memory_space<hbm>>
          %dma_wait3A_862 = tpu.memref_squeeze %dma_wait3A_861 : memref<1x100x64xf32, #tpu.memory_space<hbm>> -> memref<100x64xf32, #tpu.memory_space<hbm>>
          %dma_wait3A_863 = arith.constant 0 : i32
          %dma_wait3A_864 = arith.constant 0 : i32
          %dma_wait3A_865 = tpu.memref_slice %arg6[%dma_wait3A_847, %dma_wait3A_863, %dma_wait3A_864] : memref<8x100x64xf32, #tpu.memory_space<vmem>> -> memref<1x100x64xf32, #tpu.memory_space<vmem>>
          %dma_wait3A_866 = tpu.memref_squeeze %dma_wait3A_865 : memref<1x100x64xf32, #tpu.memory_space<vmem>> -> memref<100x64xf32, #tpu.memory_space<vmem>>
          tpu.wait_dma2 semaphore(%dma_wait3A_858 : memref<!tpu.dma_semaphore, #tpu.memory_space<semaphore_mem>>) src(%dma_wait3A_866 : memref<100x64xf32, #tpu.memory_space<vmem>>) dst(%dma_wait3A_862 : memref<100x64xf32, #tpu.memory_space<hbm>>)
        } else {
        }
        %add3A_815 = arith.constant 6 : i32
        %add3A_816 = arith.addi %add3A_477, %add3A_815 : i32
        %jit3A_817 = arith.constant 64 : i32
        %eq3A_818 = arith.constant 0 : i32
        %eq3A_819 = arith.cmpi eq, %jit3A_817, %eq3A_818 : i32
        %jit3A_820 = arith.constant 1 : i32
        %select_n3A_821 = arith.select %eq3A_819, %jit3A_820, %jit3A_817 : i32
        %rem3A_822 = arith.remsi %add3A_816, %select_n3A_821 : i32
        %ne3A_823 = arith.constant 0 : i32
        %ne3A_824 = arith.cmpi ne, %rem3A_822, %ne3A_823 : i32
        %lt3A_825 = arith.constant 0 : i32
        %lt3A_826 = arith.cmpi slt, %rem3A_822, %lt3A_825 : i32
        %lt3A_827 = arith.constant 0 : i32
        %lt3A_828 = arith.cmpi slt, %select_n3A_821, %lt3A_827 : i32
        %ne3A_829 = arith.xori %lt3A_826, %lt3A_828 : i1
        %and3A_830 = arith.andi %ne3A_829, %ne3A_824 : i1
        %add3A_831 = arith.addi %rem3A_822, %select_n3A_821 : i32
        %select_n3A_832 = arith.select %and3A_830, %add3A_831, %rem3A_822 : i32
        %dma_start3A_833 = arith.constant 4 : i32
        %dma_start3A_834 = arith.constant 4 : i32
        %dma_start3A_835 = arith.constant 0 : i32
        %dma_start3A_836 = arith.constant 0 : i32
        %dma_start3A_837 = tpu.memref_slice %arg6[%dma_start3A_833, %dma_start3A_835, %dma_start3A_836] : memref<8x100x64xf32, #tpu.memory_space<vmem>> -> memref<1x100x64xf32, #tpu.memory_space<vmem>>
        %dma_start3A_838 = tpu.memref_squeeze %dma_start3A_837 : memref<1x100x64xf32, #tpu.memory_space<vmem>> -> memref<100x64xf32, #tpu.memory_space<vmem>>
        %dma_start3A_839 = arith.constant 0 : i32
        %dma_start3A_840 = tpu.memref_slice %arg5[%select_n3A_832, %dma_start3A_839] : memref<64x100xi32, #tpu.memory_space<vmem>> -> memref<1x100xi32, #tpu.memory_space<vmem>>
        %dma_start3A_841 = tpu.memref_squeeze %dma_start3A_840 : memref<1x100xi32, #tpu.memory_space<vmem>> -> memref<100xi32, #tpu.memory_space<vmem>>
        %dma_start3A_842 = arith.constant 0 : i32
        %dma_start3A_843 = arith.constant 0 : i32
        %dma_start3A_844 = tpu.memref_slice %arg3[%dma_start3A_842, %dma_start3A_843] : memref<1000000x64xf32, #tpu.memory_space<hbm>> -> memref<1000000x64xf32, #tpu.memory_space<hbm>>
        %dma_start3A_845 = tpu.memref_slice %arg7[%dma_start3A_834] : memref<8x!tpu.dma_semaphore, #tpu.memory_space<semaphore_mem>> -> memref<1x!tpu.dma_semaphore, #tpu.memory_space<semaphore_mem>>
        %dma_start3A_846 = tpu.memref_squeeze %dma_start3A_845 : memref<1x!tpu.dma_semaphore, #tpu.memory_space<semaphore_mem>> -> memref<!tpu.dma_semaphore, #tpu.memory_space<semaphore_mem>>
        tpu.enqueue_indirect_dma source(%dma_start3A_844 : memref<1000000x64xf32, #tpu.memory_space<hbm>>) target(%dma_start3A_838 : memref<100x64xf32, #tpu.memory_space<vmem>>) offsets(%dma_start3A_841 : memref<100xi32, #tpu.memory_space<vmem>>) semaphore(%dma_start3A_846 : memref<!tpu.dma_semaphore, #tpu.memory_space<semaphore_mem>>)
      } else {
      }
      %dma_wait3A_485 = arith.constant 0 : i32
      %dma_wait3A_486 = arith.constant 6 : i32
      %dma_wait3A_487 = arith.constant 6 : i32
      %dma_wait3A_488 = arith.constant 0 : i32
      %dma_wait3A_489 = arith.constant 0 : i32
      %dma_wait3A_490 = tpu.memref_slice %arg6[%dma_wait3A_486, %dma_wait3A_488, %dma_wait3A_489] : memref<8x100x64xf32, #tpu.memory_space<vmem>> -> memref<1x100x64xf32, #tpu.memory_space<vmem>>
      %dma_wait3A_491 = tpu.memref_squeeze %dma_wait3A_490 : memref<1x100x64xf32, #tpu.memory_space<vmem>> -> memref<100x64xf32, #tpu.memory_space<vmem>>
      %dma_wait3A_492 = arith.constant 0 : i32
      %dma_wait3A_493 = tpu.memref_slice %arg5[%dma_wait3A_485, %dma_wait3A_492] : memref<64x100xi32, #tpu.memory_space<vmem>> -> memref<1x100xi32, #tpu.memory_space<vmem>>
      %dma_wait3A_494 = tpu.memref_squeeze %dma_wait3A_493 : memref<1x100xi32, #tpu.memory_space<vmem>> -> memref<100xi32, #tpu.memory_space<vmem>>
      %dma_wait3A_495 = arith.constant 0 : i32
      %dma_wait3A_496 = arith.constant 0 : i32
      %dma_wait3A_497 = tpu.memref_slice %arg3[%dma_wait3A_495, %dma_wait3A_496] : memref<1000000x64xf32, #tpu.memory_space<hbm>> -> memref<1000000x64xf32, #tpu.memory_space<hbm>>
      %dma_wait3A_498 = tpu.memref_slice %arg7[%dma_wait3A_487] : memref<8x!tpu.dma_semaphore, #tpu.memory_space<semaphore_mem>> -> memref<1x!tpu.dma_semaphore, #tpu.memory_space<semaphore_mem>>
      %dma_wait3A_499 = tpu.memref_squeeze %dma_wait3A_498 : memref<1x!tpu.dma_semaphore, #tpu.memory_space<semaphore_mem>> -> memref<!tpu.dma_semaphore, #tpu.memory_space<semaphore_mem>>
      tpu.wait_indirect_dma semaphore(%dma_wait3A_499 : memref<!tpu.dma_semaphore, #tpu.memory_space<semaphore_mem>>) src(%dma_wait3A_497 : memref<1000000x64xf32, #tpu.memory_space<hbm>>) dst(%dma_wait3A_491 : memref<100x64xf32, #tpu.memory_space<vmem>>)
      %add3A_500 = arith.addi %mul3A_2, %add3A_477 : i32
      %dma_start3A_501 = arith.constant 6 : i32
      %dma_start3A_502 = arith.constant 6 : i32
      %dma_start3A_503 = arith.constant 0 : i32
      %dma_start3A_504 = arith.constant 0 : i32
      %dma_start3A_505 = tpu.memref_slice %arg6[%dma_start3A_501, %dma_start3A_503, %dma_start3A_504] : memref<8x100x64xf32, #tpu.memory_space<vmem>> -> memref<1x100x64xf32, #tpu.memory_space<vmem>>
      %dma_start3A_506 = tpu.memref_squeeze %dma_start3A_505 : memref<1x100x64xf32, #tpu.memory_space<vmem>> -> memref<100x64xf32, #tpu.memory_space<vmem>>
      %dma_start3A_507 = arith.constant 0 : i32
      %dma_start3A_508 = arith.constant 0 : i32
      %dma_start3A_509 = tpu.memref_slice %arg4[%add3A_500, %dma_start3A_507, %dma_start3A_508] : memref<8192x100x64xf32, #tpu.memory_space<hbm>> -> memref<1x100x64xf32, #tpu.memory_space<hbm>>
      %dma_start3A_510 = tpu.memref_squeeze %dma_start3A_509 : memref<1x100x64xf32, #tpu.memory_space<hbm>> -> memref<100x64xf32, #tpu.memory_space<hbm>>
      %dma_start3A_511 = tpu.memref_slice %arg8[%dma_start3A_502] : memref<8x!tpu.dma_semaphore, #tpu.memory_space<semaphore_mem>> -> memref<1x!tpu.dma_semaphore, #tpu.memory_space<semaphore_mem>>
      %dma_start3A_512 = tpu.memref_squeeze %dma_start3A_511 : memref<1x!tpu.dma_semaphore, #tpu.memory_space<semaphore_mem>> -> memref<!tpu.dma_semaphore, #tpu.memory_space<semaphore_mem>>
      %dma_start3A_513 = arith.constant 0 : i32
      %dma_start3A_514 = arith.constant 0 : i32
      %dma_start3A_515 = tpu.memref_slice %arg4[%add3A_500, %dma_start3A_513, %dma_start3A_514] : memref<8192x100x64xf32, #tpu.memory_space<hbm>> -> memref<1x100x64xf32, #tpu.memory_space<hbm>>
      %dma_start3A_516 = tpu.memref_squeeze %dma_start3A_515 : memref<1x100x64xf32, #tpu.memory_space<hbm>> -> memref<100x64xf32, #tpu.memory_space<hbm>>
      %dma_start3A_517 = arith.constant 0 : i32
      %dma_start3A_518 = arith.constant 0 : i32
      %dma_start3A_519 = tpu.memref_slice %arg6[%dma_start3A_501, %dma_start3A_517, %dma_start3A_518] : memref<8x100x64xf32, #tpu.memory_space<vmem>> -> memref<1x100x64xf32, #tpu.memory_space<vmem>>
      %dma_start3A_520 = tpu.memref_squeeze %dma_start3A_519 : memref<1x100x64xf32, #tpu.memory_space<vmem>> -> memref<100x64xf32, #tpu.memory_space<vmem>>
      tpu.enqueue_dma source(%dma_start3A_520 : memref<100x64xf32, #tpu.memory_space<vmem>>) target(%dma_start3A_516 : memref<100x64xf32, #tpu.memory_space<hbm>>) target_semaphore(%dma_start3A_512 : memref<!tpu.dma_semaphore, #tpu.memory_space<semaphore_mem>>)
      %lt3A_521 = arith.constant 57 : i32
      %lt3A_522 = arith.cmpi slt, %rem3A_479, %lt3A_521 : i32
      %convert_element_type3A_523 = arith.extui %lt3A_522 : i1 to i32
      %cond3A_524 = arith.constant 0 : i32
      %cond3A_525 = arith.cmpi ne, %convert_element_type3A_523, %cond3A_524 : i32
      scf.if %cond3A_525 {
        %ge3A = arith.constant 1 : i32
        %ge3A_578 = arith.cmpi sge, %add3A_477, %ge3A : i32
        %convert_element_type3A_579 = arith.extui %ge3A_578 : i1 to i32
        %cond3A_580 = arith.constant 0 : i32
        %cond3A_581 = arith.cmpi ne, %convert_element_type3A_579, %cond3A_580 : i32
        scf.if %cond3A_581 {
          %dma_wait3A_611 = arith.constant 5 : i32
          %dma_wait3A_612 = arith.constant 5 : i32
          %dma_wait3A_613 = arith.constant 0 : i32
          %dma_wait3A_614 = arith.constant 0 : i32
          %dma_wait3A_615 = tpu.memref_slice %arg6[%dma_wait3A_611, %dma_wait3A_613, %dma_wait3A_614] : memref<8x100x64xf32, #tpu.memory_space<vmem>> -> memref<1x100x64xf32, #tpu.memory_space<vmem>>
          %dma_wait3A_616 = tpu.memref_squeeze %dma_wait3A_615 : memref<1x100x64xf32, #tpu.memory_space<vmem>> -> memref<100x64xf32, #tpu.memory_space<vmem>>
          %dma_wait3A_617 = arith.constant 0 : i32
          %dma_wait3A_618 = arith.constant 0 : i32
          %dma_wait3A_619 = tpu.memref_slice %arg4[%mul3A_2, %dma_wait3A_617, %dma_wait3A_618] : memref<8192x100x64xf32, #tpu.memory_space<hbm>> -> memref<1x100x64xf32, #tpu.memory_space<hbm>>
          %dma_wait3A_620 = tpu.memref_squeeze %dma_wait3A_619 : memref<1x100x64xf32, #tpu.memory_space<hbm>> -> memref<100x64xf32, #tpu.memory_space<hbm>>
          %dma_wait3A_621 = tpu.memref_slice %arg8[%dma_wait3A_612] : memref<8x!tpu.dma_semaphore, #tpu.memory_space<semaphore_mem>> -> memref<1x!tpu.dma_semaphore, #tpu.memory_space<semaphore_mem>>
          %dma_wait3A_622 = tpu.memref_squeeze %dma_wait3A_621 : memref<1x!tpu.dma_semaphore, #tpu.memory_space<semaphore_mem>> -> memref<!tpu.dma_semaphore, #tpu.memory_space<semaphore_mem>>
          %dma_wait3A_623 = arith.constant 0 : i32
          %dma_wait3A_624 = arith.constant 0 : i32
          %dma_wait3A_625 = tpu.memref_slice %arg4[%mul3A_2, %dma_wait3A_623, %dma_wait3A_624] : memref<8192x100x64xf32, #tpu.memory_space<hbm>> -> memref<1x100x64xf32, #tpu.memory_space<hbm>>
          %dma_wait3A_626 = tpu.memref_squeeze %dma_wait3A_625 : memref<1x100x64xf32, #tpu.memory_space<hbm>> -> memref<100x64xf32, #tpu.memory_space<hbm>>
          %dma_wait3A_627 = arith.constant 0 : i32
          %dma_wait3A_628 = arith.constant 0 : i32
          %dma_wait3A_629 = tpu.memref_slice %arg6[%dma_wait3A_611, %dma_wait3A_627, %dma_wait3A_628] : memref<8x100x64xf32, #tpu.memory_space<vmem>> -> memref<1x100x64xf32, #tpu.memory_space<vmem>>
          %dma_wait3A_630 = tpu.memref_squeeze %dma_wait3A_629 : memref<1x100x64xf32, #tpu.memory_space<vmem>> -> memref<100x64xf32, #tpu.memory_space<vmem>>
          tpu.wait_dma2 semaphore(%dma_wait3A_622 : memref<!tpu.dma_semaphore, #tpu.memory_space<semaphore_mem>>) src(%dma_wait3A_630 : memref<100x64xf32, #tpu.memory_space<vmem>>) dst(%dma_wait3A_626 : memref<100x64xf32, #tpu.memory_space<hbm>>)
        } else {
        }
        %add3A_582 = arith.constant 8 : i32
        %add3A_583 = arith.addi %add3A_477, %add3A_582 : i32
        %sub3A = arith.constant 1 : i32
        %sub3A_584 = arith.subi %add3A_583, %sub3A : i32
        %jit3A = arith.constant 64 : i32
        %eq3A_585 = arith.constant 0 : i32
        %eq3A_586 = arith.cmpi eq, %jit3A, %eq3A_585 : i32
        %jit3A_587 = arith.constant 1 : i32
        %select_n3A = arith.select %eq3A_586, %jit3A_587, %jit3A : i32
        %rem3A_588 = arith.remsi %sub3A_584, %select_n3A : i32
        %ne3A = arith.constant 0 : i32
        %ne3A_589 = arith.cmpi ne, %rem3A_588, %ne3A : i32
        %lt3A_590 = arith.constant 0 : i32
        %lt3A_591 = arith.cmpi slt, %rem3A_588, %lt3A_590 : i32
        %lt3A_592 = arith.constant 0 : i32
        %lt3A_593 = arith.cmpi slt, %select_n3A, %lt3A_592 : i32
        %ne3A_594 = arith.xori %lt3A_591, %lt3A_593 : i1
        %and3A = arith.andi %ne3A_594, %ne3A_589 : i1
        %add3A_595 = arith.addi %rem3A_588, %select_n3A : i32
        %select_n3A_596 = arith.select %and3A, %add3A_595, %rem3A_588 : i32
        %dma_start3A_597 = arith.constant 5 : i32
        %dma_start3A_598 = arith.constant 5 : i32
        %dma_start3A_599 = arith.constant 0 : i32
        %dma_start3A_600 = arith.constant 0 : i32
        %dma_start3A_601 = tpu.memref_slice %arg6[%dma_start3A_597, %dma_start3A_599, %dma_start3A_600] : memref<8x100x64xf32, #tpu.memory_space<vmem>> -> memref<1x100x64xf32, #tpu.memory_space<vmem>>
        %dma_start3A_602 = tpu.memref_squeeze %dma_start3A_601 : memref<1x100x64xf32, #tpu.memory_space<vmem>> -> memref<100x64xf32, #tpu.memory_space<vmem>>
        %dma_start3A_603 = arith.constant 0 : i32
        %dma_start3A_604 = tpu.memref_slice %arg5[%select_n3A_596, %dma_start3A_603] : memref<64x100xi32, #tpu.memory_space<vmem>> -> memref<1x100xi32, #tpu.memory_space<vmem>>
        %dma_start3A_605 = tpu.memref_squeeze %dma_start3A_604 : memref<1x100xi32, #tpu.memory_space<vmem>> -> memref<100xi32, #tpu.memory_space<vmem>>
        %dma_start3A_606 = arith.constant 0 : i32
        %dma_start3A_607 = arith.constant 0 : i32
        %dma_start3A_608 = tpu.memref_slice %arg3[%dma_start3A_606, %dma_start3A_607] : memref<1000000x64xf32, #tpu.memory_space<hbm>> -> memref<1000000x64xf32, #tpu.memory_space<hbm>>
        %dma_start3A_609 = tpu.memref_slice %arg7[%dma_start3A_598] : memref<8x!tpu.dma_semaphore, #tpu.memory_space<semaphore_mem>> -> memref<1x!tpu.dma_semaphore, #tpu.memory_space<semaphore_mem>>
        %dma_start3A_610 = tpu.memref_squeeze %dma_start3A_609 : memref<1x!tpu.dma_semaphore, #tpu.memory_space<semaphore_mem>> -> memref<!tpu.dma_semaphore, #tpu.memory_space<semaphore_mem>>
        tpu.enqueue_indirect_dma source(%dma_start3A_608 : memref<1000000x64xf32, #tpu.memory_space<hbm>>) target(%dma_start3A_602 : memref<100x64xf32, #tpu.memory_space<vmem>>) offsets(%dma_start3A_605 : memref<100xi32, #tpu.memory_space<vmem>>) semaphore(%dma_start3A_610 : memref<!tpu.dma_semaphore, #tpu.memory_space<semaphore_mem>>)
      } else {
      }
      %mul3A_526 = arith.constant 8 : i32
      %mul3A_527 = arith.muli %mul3A_526, %scan3A_167 : i32
      %add3A_528 = arith.constant 7 : i32
      %add3A_529 = arith.addi %mul3A_527, %add3A_528 : i32
      %rem3A_530 = arith.constant 64 : i32
      %rem3A_531 = arith.remsi %add3A_529, %rem3A_530 : i32
      %eq3A_532 = arith.constant 0 : i32
      %eq3A_533 = arith.cmpi eq, %rem3A_531, %eq3A_532 : i32
      %convert_element_type3A_534 = arith.extui %eq3A_533 : i1 to i32
      %cond3A_535 = arith.constant 0 : i32
      %cond3A_536 = arith.cmpi ne, %convert_element_type3A_534, %cond3A_535 : i32
      scf.if %cond3A_536 {
        %add3A_578 = arith.addi %mul3A_2, %add3A_529 : i32
        %multiple_of3A = tpu.assume_multiple %add3A_578, 64 : i32
        "tpu.region"() ({
          %run_scoped3A = tpu.sem_alloc : memref<!tpu.dma_semaphore, #tpu.memory_space<semaphore_mem>>
          %dma_start3A_847 = arith.constant 0 : i32
          %dma_start3A_848 = tpu.memref_slice %arg2[%multiple_of3A, %dma_start3A_847] : memref<8192x100xi32, #tpu.memory_space<hbm>> -> memref<64x100xi32, #tpu.memory_space<hbm>>
          %dma_start3A_849 = arith.constant 0 : i32
          %dma_start3A_850 = tpu.memref_slice %arg2[%multiple_of3A, %dma_start3A_849] : memref<8192x100xi32, #tpu.memory_space<hbm>> -> memref<64x100xi32, #tpu.memory_space<hbm>>
          tpu.enqueue_dma source(%dma_start3A_850 : memref<64x100xi32, #tpu.memory_space<hbm>>) target(%arg5 : memref<64x100xi32, #tpu.memory_space<vmem>>) target_semaphore(%run_scoped3A : memref<!tpu.dma_semaphore, #tpu.memory_space<semaphore_mem>>)
          %dma_wait3A_851 = arith.constant 0 : i32
          %dma_wait3A_852 = tpu.memref_slice %arg2[%multiple_of3A, %dma_wait3A_851] : memref<8192x100xi32, #tpu.memory_space<hbm>> -> memref<64x100xi32, #tpu.memory_space<hbm>>
          %dma_wait3A_853 = arith.constant 0 : i32
          %dma_wait3A_854 = tpu.memref_slice %arg2[%multiple_of3A, %dma_wait3A_853] : memref<8192x100xi32, #tpu.memory_space<hbm>> -> memref<64x100xi32, #tpu.memory_space<hbm>>
          tpu.wait_dma2 semaphore(%run_scoped3A : memref<!tpu.dma_semaphore, #tpu.memory_space<semaphore_mem>>) src(%dma_wait3A_854 : memref<64x100xi32, #tpu.memory_space<hbm>>) dst(%arg5 : memref<64x100xi32, #tpu.memory_space<vmem>>)
          tpu.yield
        }) : () -> ()
        %add3A_579 = arith.constant 0 : i32
        %add3A_580 = arith.addi %add3A_529, %add3A_579 : i32
        %ge3A = arith.constant 8 : i32
        %ge3A_581 = arith.cmpi sge, %add3A_580, %ge3A : i32
        %convert_element_type3A_582 = arith.extui %ge3A_581 : i1 to i32
        %cond3A_583 = arith.constant 0 : i32
        %cond3A_584 = arith.cmpi ne, %convert_element_type3A_582, %cond3A_583 : i32
        scf.if %cond3A_584 {
          %dma_wait3A_847 = arith.constant 7 : i32
          %dma_wait3A_848 = arith.constant 7 : i32
          %dma_wait3A_849 = arith.constant 0 : i32
          %dma_wait3A_850 = arith.constant 0 : i32
          %dma_wait3A_851 = tpu.memref_slice %arg6[%dma_wait3A_847, %dma_wait3A_849, %dma_wait3A_850] : memref<8x100x64xf32, #tpu.memory_space<vmem>> -> memref<1x100x64xf32, #tpu.memory_space<vmem>>
          %dma_wait3A_852 = tpu.memref_squeeze %dma_wait3A_851 : memref<1x100x64xf32, #tpu.memory_space<vmem>> -> memref<100x64xf32, #tpu.memory_space<vmem>>
          %dma_wait3A_853 = arith.constant 0 : i32
          %dma_wait3A_854 = arith.constant 0 : i32
          %dma_wait3A_855 = tpu.memref_slice %arg4[%mul3A_2, %dma_wait3A_853, %dma_wait3A_854] : memref<8192x100x64xf32, #tpu.memory_space<hbm>> -> memref<1x100x64xf32, #tpu.memory_space<hbm>>
          %dma_wait3A_856 = tpu.memref_squeeze %dma_wait3A_855 : memref<1x100x64xf32, #tpu.memory_space<hbm>> -> memref<100x64xf32, #tpu.memory_space<hbm>>
          %dma_wait3A_857 = tpu.memref_slice %arg8[%dma_wait3A_848] : memref<8x!tpu.dma_semaphore, #tpu.memory_space<semaphore_mem>> -> memref<1x!tpu.dma_semaphore, #tpu.memory_space<semaphore_mem>>
          %dma_wait3A_858 = tpu.memref_squeeze %dma_wait3A_857 : memref<1x!tpu.dma_semaphore, #tpu.memory_space<semaphore_mem>> -> memref<!tpu.dma_semaphore, #tpu.memory_space<semaphore_mem>>
          %dma_wait3A_859 = arith.constant 0 : i32
          %dma_wait3A_860 = arith.constant 0 : i32
          %dma_wait3A_861 = tpu.memref_slice %arg4[%mul3A_2, %dma_wait3A_859, %dma_wait3A_860] : memref<8192x100x64xf32, #tpu.memory_space<hbm>> -> memref<1x100x64xf32, #tpu.memory_space<hbm>>
          %dma_wait3A_862 = tpu.memref_squeeze %dma_wait3A_861 : memref<1x100x64xf32, #tpu.memory_space<hbm>> -> memref<100x64xf32, #tpu.memory_space<hbm>>
          %dma_wait3A_863 = arith.constant 0 : i32
          %dma_wait3A_864 = arith.constant 0 : i32
          %dma_wait3A_865 = tpu.memref_slice %arg6[%dma_wait3A_847, %dma_wait3A_863, %dma_wait3A_864] : memref<8x100x64xf32, #tpu.memory_space<vmem>> -> memref<1x100x64xf32, #tpu.memory_space<vmem>>
          %dma_wait3A_866 = tpu.memref_squeeze %dma_wait3A_865 : memref<1x100x64xf32, #tpu.memory_space<vmem>> -> memref<100x64xf32, #tpu.memory_space<vmem>>
          tpu.wait_dma2 semaphore(%dma_wait3A_858 : memref<!tpu.dma_semaphore, #tpu.memory_space<semaphore_mem>>) src(%dma_wait3A_866 : memref<100x64xf32, #tpu.memory_space<vmem>>) dst(%dma_wait3A_862 : memref<100x64xf32, #tpu.memory_space<hbm>>)
        } else {
        }
        %add3A_585 = arith.constant 0 : i32
        %add3A_586 = arith.addi %add3A_529, %add3A_585 : i32
        %jit3A = arith.constant 64 : i32
        %eq3A_587 = arith.constant 0 : i32
        %eq3A_588 = arith.cmpi eq, %jit3A, %eq3A_587 : i32
        %jit3A_589 = arith.constant 1 : i32
        %select_n3A = arith.select %eq3A_588, %jit3A_589, %jit3A : i32
        %rem3A_590 = arith.remsi %add3A_586, %select_n3A : i32
        %ne3A = arith.constant 0 : i32
        %ne3A_591 = arith.cmpi ne, %rem3A_590, %ne3A : i32
        %lt3A_592 = arith.constant 0 : i32
        %lt3A_593 = arith.cmpi slt, %rem3A_590, %lt3A_592 : i32
        %lt3A_594 = arith.constant 0 : i32
        %lt3A_595 = arith.cmpi slt, %select_n3A, %lt3A_594 : i32
        %ne3A_596 = arith.xori %lt3A_593, %lt3A_595 : i1
        %and3A = arith.andi %ne3A_596, %ne3A_591 : i1
        %add3A_597 = arith.addi %rem3A_590, %select_n3A : i32
        %select_n3A_598 = arith.select %and3A, %add3A_597, %rem3A_590 : i32
        %dma_start3A_599 = arith.constant 7 : i32
        %dma_start3A_600 = arith.constant 7 : i32
        %dma_start3A_601 = arith.constant 0 : i32
        %dma_start3A_602 = arith.constant 0 : i32
        %dma_start3A_603 = tpu.memref_slice %arg6[%dma_start3A_599, %dma_start3A_601, %dma_start3A_602] : memref<8x100x64xf32, #tpu.memory_space<vmem>> -> memref<1x100x64xf32, #tpu.memory_space<vmem>>
        %dma_start3A_604 = tpu.memref_squeeze %dma_start3A_603 : memref<1x100x64xf32, #tpu.memory_space<vmem>> -> memref<100x64xf32, #tpu.memory_space<vmem>>
        %dma_start3A_605 = arith.constant 0 : i32
        %dma_start3A_606 = tpu.memref_slice %arg5[%select_n3A_598, %dma_start3A_605] : memref<64x100xi32, #tpu.memory_space<vmem>> -> memref<1x100xi32, #tpu.memory_space<vmem>>
        %dma_start3A_607 = tpu.memref_squeeze %dma_start3A_606 : memref<1x100xi32, #tpu.memory_space<vmem>> -> memref<100xi32, #tpu.memory_space<vmem>>
        %dma_start3A_608 = arith.constant 0 : i32
        %dma_start3A_609 = arith.constant 0 : i32
        %dma_start3A_610 = tpu.memref_slice %arg3[%dma_start3A_608, %dma_start3A_609] : memref<1000000x64xf32, #tpu.memory_space<hbm>> -> memref<1000000x64xf32, #tpu.memory_space<hbm>>
        %dma_start3A_611 = tpu.memref_slice %arg7[%dma_start3A_600] : memref<8x!tpu.dma_semaphore, #tpu.memory_space<semaphore_mem>> -> memref<1x!tpu.dma_semaphore, #tpu.memory_space<semaphore_mem>>
        %dma_start3A_612 = tpu.memref_squeeze %dma_start3A_611 : memref<1x!tpu.dma_semaphore, #tpu.memory_space<semaphore_mem>> -> memref<!tpu.dma_semaphore, #tpu.memory_space<semaphore_mem>>
        tpu.enqueue_indirect_dma source(%dma_start3A_610 : memref<1000000x64xf32, #tpu.memory_space<hbm>>) target(%dma_start3A_604 : memref<100x64xf32, #tpu.memory_space<vmem>>) offsets(%dma_start3A_607 : memref<100xi32, #tpu.memory_space<vmem>>) semaphore(%dma_start3A_612 : memref<!tpu.dma_semaphore, #tpu.memory_space<semaphore_mem>>)
        %add3A_613 = arith.constant 1 : i32
        %add3A_614 = arith.addi %add3A_529, %add3A_613 : i32
        %ge3A_615 = arith.constant 8 : i32
        %ge3A_616 = arith.cmpi sge, %add3A_614, %ge3A_615 : i32
        %convert_element_type3A_617 = arith.extui %ge3A_616 : i1 to i32
        %cond3A_618 = arith.constant 0 : i32
        %cond3A_619 = arith.cmpi ne, %convert_element_type3A_617, %cond3A_618 : i32
        scf.if %cond3A_619 {
          %dma_wait3A_847 = arith.constant 0 : i32
          %dma_wait3A_848 = arith.constant 0 : i32
          %dma_wait3A_849 = arith.constant 0 : i32
          %dma_wait3A_850 = arith.constant 0 : i32
          %dma_wait3A_851 = tpu.memref_slice %arg6[%dma_wait3A_847, %dma_wait3A_849, %dma_wait3A_850] : memref<8x100x64xf32, #tpu.memory_space<vmem>> -> memref<1x100x64xf32, #tpu.memory_space<vmem>>
          %dma_wait3A_852 = tpu.memref_squeeze %dma_wait3A_851 : memref<1x100x64xf32, #tpu.memory_space<vmem>> -> memref<100x64xf32, #tpu.memory_space<vmem>>
          %dma_wait3A_853 = arith.constant 0 : i32
          %dma_wait3A_854 = arith.constant 0 : i32
          %dma_wait3A_855 = tpu.memref_slice %arg4[%mul3A_2, %dma_wait3A_853, %dma_wait3A_854] : memref<8192x100x64xf32, #tpu.memory_space<hbm>> -> memref<1x100x64xf32, #tpu.memory_space<hbm>>
          %dma_wait3A_856 = tpu.memref_squeeze %dma_wait3A_855 : memref<1x100x64xf32, #tpu.memory_space<hbm>> -> memref<100x64xf32, #tpu.memory_space<hbm>>
          %dma_wait3A_857 = tpu.memref_slice %arg8[%dma_wait3A_848] : memref<8x!tpu.dma_semaphore, #tpu.memory_space<semaphore_mem>> -> memref<1x!tpu.dma_semaphore, #tpu.memory_space<semaphore_mem>>
          %dma_wait3A_858 = tpu.memref_squeeze %dma_wait3A_857 : memref<1x!tpu.dma_semaphore, #tpu.memory_space<semaphore_mem>> -> memref<!tpu.dma_semaphore, #tpu.memory_space<semaphore_mem>>
          %dma_wait3A_859 = arith.constant 0 : i32
          %dma_wait3A_860 = arith.constant 0 : i32
          %dma_wait3A_861 = tpu.memref_slice %arg4[%mul3A_2, %dma_wait3A_859, %dma_wait3A_860] : memref<8192x100x64xf32, #tpu.memory_space<hbm>> -> memref<1x100x64xf32, #tpu.memory_space<hbm>>
          %dma_wait3A_862 = tpu.memref_squeeze %dma_wait3A_861 : memref<1x100x64xf32, #tpu.memory_space<hbm>> -> memref<100x64xf32, #tpu.memory_space<hbm>>
          %dma_wait3A_863 = arith.constant 0 : i32
          %dma_wait3A_864 = arith.constant 0 : i32
          %dma_wait3A_865 = tpu.memref_slice %arg6[%dma_wait3A_847, %dma_wait3A_863, %dma_wait3A_864] : memref<8x100x64xf32, #tpu.memory_space<vmem>> -> memref<1x100x64xf32, #tpu.memory_space<vmem>>
          %dma_wait3A_866 = tpu.memref_squeeze %dma_wait3A_865 : memref<1x100x64xf32, #tpu.memory_space<vmem>> -> memref<100x64xf32, #tpu.memory_space<vmem>>
          tpu.wait_dma2 semaphore(%dma_wait3A_858 : memref<!tpu.dma_semaphore, #tpu.memory_space<semaphore_mem>>) src(%dma_wait3A_866 : memref<100x64xf32, #tpu.memory_space<vmem>>) dst(%dma_wait3A_862 : memref<100x64xf32, #tpu.memory_space<hbm>>)
        } else {
        }
        %add3A_620 = arith.constant 1 : i32
        %add3A_621 = arith.addi %add3A_529, %add3A_620 : i32
        %jit3A_622 = arith.constant 64 : i32
        %eq3A_623 = arith.constant 0 : i32
        %eq3A_624 = arith.cmpi eq, %jit3A_622, %eq3A_623 : i32
        %jit3A_625 = arith.constant 1 : i32
        %select_n3A_626 = arith.select %eq3A_624, %jit3A_625, %jit3A_622 : i32
        %rem3A_627 = arith.remsi %add3A_621, %select_n3A_626 : i32
        %ne3A_628 = arith.constant 0 : i32
        %ne3A_629 = arith.cmpi ne, %rem3A_627, %ne3A_628 : i32
        %lt3A_630 = arith.constant 0 : i32
        %lt3A_631 = arith.cmpi slt, %rem3A_627, %lt3A_630 : i32
        %lt3A_632 = arith.constant 0 : i32
        %lt3A_633 = arith.cmpi slt, %select_n3A_626, %lt3A_632 : i32
        %ne3A_634 = arith.xori %lt3A_631, %lt3A_633 : i1
        %and3A_635 = arith.andi %ne3A_634, %ne3A_629 : i1
        %add3A_636 = arith.addi %rem3A_627, %select_n3A_626 : i32
        %select_n3A_637 = arith.select %and3A_635, %add3A_636, %rem3A_627 : i32
        %dma_start3A_638 = arith.constant 0 : i32
        %dma_start3A_639 = arith.constant 0 : i32
        %dma_start3A_640 = arith.constant 0 : i32
        %dma_start3A_641 = arith.constant 0 : i32
        %dma_start3A_642 = tpu.memref_slice %arg6[%dma_start3A_638, %dma_start3A_640, %dma_start3A_641] : memref<8x100x64xf32, #tpu.memory_space<vmem>> -> memref<1x100x64xf32, #tpu.memory_space<vmem>>
        %dma_start3A_643 = tpu.memref_squeeze %dma_start3A_642 : memref<1x100x64xf32, #tpu.memory_space<vmem>> -> memref<100x64xf32, #tpu.memory_space<vmem>>
        %dma_start3A_644 = arith.constant 0 : i32
        %dma_start3A_645 = tpu.memref_slice %arg5[%select_n3A_637, %dma_start3A_644] : memref<64x100xi32, #tpu.memory_space<vmem>> -> memref<1x100xi32, #tpu.memory_space<vmem>>
        %dma_start3A_646 = tpu.memref_squeeze %dma_start3A_645 : memref<1x100xi32, #tpu.memory_space<vmem>> -> memref<100xi32, #tpu.memory_space<vmem>>
        %dma_start3A_647 = arith.constant 0 : i32
        %dma_start3A_648 = arith.constant 0 : i32
        %dma_start3A_649 = tpu.memref_slice %arg3[%dma_start3A_647, %dma_start3A_648] : memref<1000000x64xf32, #tpu.memory_space<hbm>> -> memref<1000000x64xf32, #tpu.memory_space<hbm>>
        %dma_start3A_650 = tpu.memref_slice %arg7[%dma_start3A_639] : memref<8x!tpu.dma_semaphore, #tpu.memory_space<semaphore_mem>> -> memref<1x!tpu.dma_semaphore, #tpu.memory_space<semaphore_mem>>
        %dma_start3A_651 = tpu.memref_squeeze %dma_start3A_650 : memref<1x!tpu.dma_semaphore, #tpu.memory_space<semaphore_mem>> -> memref<!tpu.dma_semaphore, #tpu.memory_space<semaphore_mem>>
        tpu.enqueue_indirect_dma source(%dma_start3A_649 : memref<1000000x64xf32, #tpu.memory_space<hbm>>) target(%dma_start3A_643 : memref<100x64xf32, #tpu.memory_space<vmem>>) offsets(%dma_start3A_646 : memref<100xi32, #tpu.memory_space<vmem>>) semaphore(%dma_start3A_651 : memref<!tpu.dma_semaphore, #tpu.memory_space<semaphore_mem>>)
        %add3A_652 = arith.constant 2 : i32
        %add3A_653 = arith.addi %add3A_529, %add3A_652 : i32
        %ge3A_654 = arith.constant 8 : i32
        %ge3A_655 = arith.cmpi sge, %add3A_653, %ge3A_654 : i32
        %convert_element_type3A_656 = arith.extui %ge3A_655 : i1 to i32
        %cond3A_657 = arith.constant 0 : i32
        %cond3A_658 = arith.cmpi ne, %convert_element_type3A_656, %cond3A_657 : i32
        scf.if %cond3A_658 {
          %dma_wait3A_847 = arith.constant 1 : i32
          %dma_wait3A_848 = arith.constant 1 : i32
          %dma_wait3A_849 = arith.constant 0 : i32
          %dma_wait3A_850 = arith.constant 0 : i32
          %dma_wait3A_851 = tpu.memref_slice %arg6[%dma_wait3A_847, %dma_wait3A_849, %dma_wait3A_850] : memref<8x100x64xf32, #tpu.memory_space<vmem>> -> memref<1x100x64xf32, #tpu.memory_space<vmem>>
          %dma_wait3A_852 = tpu.memref_squeeze %dma_wait3A_851 : memref<1x100x64xf32, #tpu.memory_space<vmem>> -> memref<100x64xf32, #tpu.memory_space<vmem>>
          %dma_wait3A_853 = arith.constant 0 : i32
          %dma_wait3A_854 = arith.constant 0 : i32
          %dma_wait3A_855 = tpu.memref_slice %arg4[%mul3A_2, %dma_wait3A_853, %dma_wait3A_854] : memref<8192x100x64xf32, #tpu.memory_space<hbm>> -> memref<1x100x64xf32, #tpu.memory_space<hbm>>
          %dma_wait3A_856 = tpu.memref_squeeze %dma_wait3A_855 : memref<1x100x64xf32, #tpu.memory_space<hbm>> -> memref<100x64xf32, #tpu.memory_space<hbm>>
          %dma_wait3A_857 = tpu.memref_slice %arg8[%dma_wait3A_848] : memref<8x!tpu.dma_semaphore, #tpu.memory_space<semaphore_mem>> -> memref<1x!tpu.dma_semaphore, #tpu.memory_space<semaphore_mem>>
          %dma_wait3A_858 = tpu.memref_squeeze %dma_wait3A_857 : memref<1x!tpu.dma_semaphore, #tpu.memory_space<semaphore_mem>> -> memref<!tpu.dma_semaphore, #tpu.memory_space<semaphore_mem>>
          %dma_wait3A_859 = arith.constant 0 : i32
          %dma_wait3A_860 = arith.constant 0 : i32
          %dma_wait3A_861 = tpu.memref_slice %arg4[%mul3A_2, %dma_wait3A_859, %dma_wait3A_860] : memref<8192x100x64xf32, #tpu.memory_space<hbm>> -> memref<1x100x64xf32, #tpu.memory_space<hbm>>
          %dma_wait3A_862 = tpu.memref_squeeze %dma_wait3A_861 : memref<1x100x64xf32, #tpu.memory_space<hbm>> -> memref<100x64xf32, #tpu.memory_space<hbm>>
          %dma_wait3A_863 = arith.constant 0 : i32
          %dma_wait3A_864 = arith.constant 0 : i32
          %dma_wait3A_865 = tpu.memref_slice %arg6[%dma_wait3A_847, %dma_wait3A_863, %dma_wait3A_864] : memref<8x100x64xf32, #tpu.memory_space<vmem>> -> memref<1x100x64xf32, #tpu.memory_space<vmem>>
          %dma_wait3A_866 = tpu.memref_squeeze %dma_wait3A_865 : memref<1x100x64xf32, #tpu.memory_space<vmem>> -> memref<100x64xf32, #tpu.memory_space<vmem>>
          tpu.wait_dma2 semaphore(%dma_wait3A_858 : memref<!tpu.dma_semaphore, #tpu.memory_space<semaphore_mem>>) src(%dma_wait3A_866 : memref<100x64xf32, #tpu.memory_space<vmem>>) dst(%dma_wait3A_862 : memref<100x64xf32, #tpu.memory_space<hbm>>)
        } else {
        }
        %add3A_659 = arith.constant 2 : i32
        %add3A_660 = arith.addi %add3A_529, %add3A_659 : i32
        %jit3A_661 = arith.constant 64 : i32
        %eq3A_662 = arith.constant 0 : i32
        %eq3A_663 = arith.cmpi eq, %jit3A_661, %eq3A_662 : i32
        %jit3A_664 = arith.constant 1 : i32
        %select_n3A_665 = arith.select %eq3A_663, %jit3A_664, %jit3A_661 : i32
        %rem3A_666 = arith.remsi %add3A_660, %select_n3A_665 : i32
        %ne3A_667 = arith.constant 0 : i32
        %ne3A_668 = arith.cmpi ne, %rem3A_666, %ne3A_667 : i32
        %lt3A_669 = arith.constant 0 : i32
        %lt3A_670 = arith.cmpi slt, %rem3A_666, %lt3A_669 : i32
        %lt3A_671 = arith.constant 0 : i32
        %lt3A_672 = arith.cmpi slt, %select_n3A_665, %lt3A_671 : i32
        %ne3A_673 = arith.xori %lt3A_670, %lt3A_672 : i1
        %and3A_674 = arith.andi %ne3A_673, %ne3A_668 : i1
        %add3A_675 = arith.addi %rem3A_666, %select_n3A_665 : i32
        %select_n3A_676 = arith.select %and3A_674, %add3A_675, %rem3A_666 : i32
        %dma_start3A_677 = arith.constant 1 : i32
        %dma_start3A_678 = arith.constant 1 : i32
        %dma_start3A_679 = arith.constant 0 : i32
        %dma_start3A_680 = arith.constant 0 : i32
        %dma_start3A_681 = tpu.memref_slice %arg6[%dma_start3A_677, %dma_start3A_679, %dma_start3A_680] : memref<8x100x64xf32, #tpu.memory_space<vmem>> -> memref<1x100x64xf32, #tpu.memory_space<vmem>>
        %dma_start3A_682 = tpu.memref_squeeze %dma_start3A_681 : memref<1x100x64xf32, #tpu.memory_space<vmem>> -> memref<100x64xf32, #tpu.memory_space<vmem>>
        %dma_start3A_683 = arith.constant 0 : i32
        %dma_start3A_684 = tpu.memref_slice %arg5[%select_n3A_676, %dma_start3A_683] : memref<64x100xi32, #tpu.memory_space<vmem>> -> memref<1x100xi32, #tpu.memory_space<vmem>>
        %dma_start3A_685 = tpu.memref_squeeze %dma_start3A_684 : memref<1x100xi32, #tpu.memory_space<vmem>> -> memref<100xi32, #tpu.memory_space<vmem>>
        %dma_start3A_686 = arith.constant 0 : i32
        %dma_start3A_687 = arith.constant 0 : i32
        %dma_start3A_688 = tpu.memref_slice %arg3[%dma_start3A_686, %dma_start3A_687] : memref<1000000x64xf32, #tpu.memory_space<hbm>> -> memref<1000000x64xf32, #tpu.memory_space<hbm>>
        %dma_start3A_689 = tpu.memref_slice %arg7[%dma_start3A_678] : memref<8x!tpu.dma_semaphore, #tpu.memory_space<semaphore_mem>> -> memref<1x!tpu.dma_semaphore, #tpu.memory_space<semaphore_mem>>
        %dma_start3A_690 = tpu.memref_squeeze %dma_start3A_689 : memref<1x!tpu.dma_semaphore, #tpu.memory_space<semaphore_mem>> -> memref<!tpu.dma_semaphore, #tpu.memory_space<semaphore_mem>>
        tpu.enqueue_indirect_dma source(%dma_start3A_688 : memref<1000000x64xf32, #tpu.memory_space<hbm>>) target(%dma_start3A_682 : memref<100x64xf32, #tpu.memory_space<vmem>>) offsets(%dma_start3A_685 : memref<100xi32, #tpu.memory_space<vmem>>) semaphore(%dma_start3A_690 : memref<!tpu.dma_semaphore, #tpu.memory_space<semaphore_mem>>)
        %add3A_691 = arith.constant 3 : i32
        %add3A_692 = arith.addi %add3A_529, %add3A_691 : i32
        %ge3A_693 = arith.constant 8 : i32
        %ge3A_694 = arith.cmpi sge, %add3A_692, %ge3A_693 : i32
        %convert_element_type3A_695 = arith.extui %ge3A_694 : i1 to i32
        %cond3A_696 = arith.constant 0 : i32
        %cond3A_697 = arith.cmpi ne, %convert_element_type3A_695, %cond3A_696 : i32
        scf.if %cond3A_697 {
          %dma_wait3A_847 = arith.constant 2 : i32
          %dma_wait3A_848 = arith.constant 2 : i32
          %dma_wait3A_849 = arith.constant 0 : i32
          %dma_wait3A_850 = arith.constant 0 : i32
          %dma_wait3A_851 = tpu.memref_slice %arg6[%dma_wait3A_847, %dma_wait3A_849, %dma_wait3A_850] : memref<8x100x64xf32, #tpu.memory_space<vmem>> -> memref<1x100x64xf32, #tpu.memory_space<vmem>>
          %dma_wait3A_852 = tpu.memref_squeeze %dma_wait3A_851 : memref<1x100x64xf32, #tpu.memory_space<vmem>> -> memref<100x64xf32, #tpu.memory_space<vmem>>
          %dma_wait3A_853 = arith.constant 0 : i32
          %dma_wait3A_854 = arith.constant 0 : i32
          %dma_wait3A_855 = tpu.memref_slice %arg4[%mul3A_2, %dma_wait3A_853, %dma_wait3A_854] : memref<8192x100x64xf32, #tpu.memory_space<hbm>> -> memref<1x100x64xf32, #tpu.memory_space<hbm>>
          %dma_wait3A_856 = tpu.memref_squeeze %dma_wait3A_855 : memref<1x100x64xf32, #tpu.memory_space<hbm>> -> memref<100x64xf32, #tpu.memory_space<hbm>>
          %dma_wait3A_857 = tpu.memref_slice %arg8[%dma_wait3A_848] : memref<8x!tpu.dma_semaphore, #tpu.memory_space<semaphore_mem>> -> memref<1x!tpu.dma_semaphore, #tpu.memory_space<semaphore_mem>>
          %dma_wait3A_858 = tpu.memref_squeeze %dma_wait3A_857 : memref<1x!tpu.dma_semaphore, #tpu.memory_space<semaphore_mem>> -> memref<!tpu.dma_semaphore, #tpu.memory_space<semaphore_mem>>
          %dma_wait3A_859 = arith.constant 0 : i32
          %dma_wait3A_860 = arith.constant 0 : i32
          %dma_wait3A_861 = tpu.memref_slice %arg4[%mul3A_2, %dma_wait3A_859, %dma_wait3A_860] : memref<8192x100x64xf32, #tpu.memory_space<hbm>> -> memref<1x100x64xf32, #tpu.memory_space<hbm>>
          %dma_wait3A_862 = tpu.memref_squeeze %dma_wait3A_861 : memref<1x100x64xf32, #tpu.memory_space<hbm>> -> memref<100x64xf32, #tpu.memory_space<hbm>>
          %dma_wait3A_863 = arith.constant 0 : i32
          %dma_wait3A_864 = arith.constant 0 : i32
          %dma_wait3A_865 = tpu.memref_slice %arg6[%dma_wait3A_847, %dma_wait3A_863, %dma_wait3A_864] : memref<8x100x64xf32, #tpu.memory_space<vmem>> -> memref<1x100x64xf32, #tpu.memory_space<vmem>>
          %dma_wait3A_866 = tpu.memref_squeeze %dma_wait3A_865 : memref<1x100x64xf32, #tpu.memory_space<vmem>> -> memref<100x64xf32, #tpu.memory_space<vmem>>
          tpu.wait_dma2 semaphore(%dma_wait3A_858 : memref<!tpu.dma_semaphore, #tpu.memory_space<semaphore_mem>>) src(%dma_wait3A_866 : memref<100x64xf32, #tpu.memory_space<vmem>>) dst(%dma_wait3A_862 : memref<100x64xf32, #tpu.memory_space<hbm>>)
        } else {
        }
        %add3A_698 = arith.constant 3 : i32
        %add3A_699 = arith.addi %add3A_529, %add3A_698 : i32
        %jit3A_700 = arith.constant 64 : i32
        %eq3A_701 = arith.constant 0 : i32
        %eq3A_702 = arith.cmpi eq, %jit3A_700, %eq3A_701 : i32
        %jit3A_703 = arith.constant 1 : i32
        %select_n3A_704 = arith.select %eq3A_702, %jit3A_703, %jit3A_700 : i32
        %rem3A_705 = arith.remsi %add3A_699, %select_n3A_704 : i32
        %ne3A_706 = arith.constant 0 : i32
        %ne3A_707 = arith.cmpi ne, %rem3A_705, %ne3A_706 : i32
        %lt3A_708 = arith.constant 0 : i32
        %lt3A_709 = arith.cmpi slt, %rem3A_705, %lt3A_708 : i32
        %lt3A_710 = arith.constant 0 : i32
        %lt3A_711 = arith.cmpi slt, %select_n3A_704, %lt3A_710 : i32
        %ne3A_712 = arith.xori %lt3A_709, %lt3A_711 : i1
        %and3A_713 = arith.andi %ne3A_712, %ne3A_707 : i1
        %add3A_714 = arith.addi %rem3A_705, %select_n3A_704 : i32
        %select_n3A_715 = arith.select %and3A_713, %add3A_714, %rem3A_705 : i32
        %dma_start3A_716 = arith.constant 2 : i32
        %dma_start3A_717 = arith.constant 2 : i32
        %dma_start3A_718 = arith.constant 0 : i32
        %dma_start3A_719 = arith.constant 0 : i32
        %dma_start3A_720 = tpu.memref_slice %arg6[%dma_start3A_716, %dma_start3A_718, %dma_start3A_719] : memref<8x100x64xf32, #tpu.memory_space<vmem>> -> memref<1x100x64xf32, #tpu.memory_space<vmem>>
        %dma_start3A_721 = tpu.memref_squeeze %dma_start3A_720 : memref<1x100x64xf32, #tpu.memory_space<vmem>> -> memref<100x64xf32, #tpu.memory_space<vmem>>
        %dma_start3A_722 = arith.constant 0 : i32
        %dma_start3A_723 = tpu.memref_slice %arg5[%select_n3A_715, %dma_start3A_722] : memref<64x100xi32, #tpu.memory_space<vmem>> -> memref<1x100xi32, #tpu.memory_space<vmem>>
        %dma_start3A_724 = tpu.memref_squeeze %dma_start3A_723 : memref<1x100xi32, #tpu.memory_space<vmem>> -> memref<100xi32, #tpu.memory_space<vmem>>
        %dma_start3A_725 = arith.constant 0 : i32
        %dma_start3A_726 = arith.constant 0 : i32
        %dma_start3A_727 = tpu.memref_slice %arg3[%dma_start3A_725, %dma_start3A_726] : memref<1000000x64xf32, #tpu.memory_space<hbm>> -> memref<1000000x64xf32, #tpu.memory_space<hbm>>
        %dma_start3A_728 = tpu.memref_slice %arg7[%dma_start3A_717] : memref<8x!tpu.dma_semaphore, #tpu.memory_space<semaphore_mem>> -> memref<1x!tpu.dma_semaphore, #tpu.memory_space<semaphore_mem>>
        %dma_start3A_729 = tpu.memref_squeeze %dma_start3A_728 : memref<1x!tpu.dma_semaphore, #tpu.memory_space<semaphore_mem>> -> memref<!tpu.dma_semaphore, #tpu.memory_space<semaphore_mem>>
        tpu.enqueue_indirect_dma source(%dma_start3A_727 : memref<1000000x64xf32, #tpu.memory_space<hbm>>) target(%dma_start3A_721 : memref<100x64xf32, #tpu.memory_space<vmem>>) offsets(%dma_start3A_724 : memref<100xi32, #tpu.memory_space<vmem>>) semaphore(%dma_start3A_729 : memref<!tpu.dma_semaphore, #tpu.memory_space<semaphore_mem>>)
        %add3A_730 = arith.constant 4 : i32
        %add3A_731 = arith.addi %add3A_529, %add3A_730 : i32
        %ge3A_732 = arith.constant 8 : i32
        %ge3A_733 = arith.cmpi sge, %add3A_731, %ge3A_732 : i32
        %convert_element_type3A_734 = arith.extui %ge3A_733 : i1 to i32
        %cond3A_735 = arith.constant 0 : i32
        %cond3A_736 = arith.cmpi ne, %convert_element_type3A_734, %cond3A_735 : i32
        scf.if %cond3A_736 {
          %dma_wait3A_847 = arith.constant 3 : i32
          %dma_wait3A_848 = arith.constant 3 : i32
          %dma_wait3A_849 = arith.constant 0 : i32
          %dma_wait3A_850 = arith.constant 0 : i32
          %dma_wait3A_851 = tpu.memref_slice %arg6[%dma_wait3A_847, %dma_wait3A_849, %dma_wait3A_850] : memref<8x100x64xf32, #tpu.memory_space<vmem>> -> memref<1x100x64xf32, #tpu.memory_space<vmem>>
          %dma_wait3A_852 = tpu.memref_squeeze %dma_wait3A_851 : memref<1x100x64xf32, #tpu.memory_space<vmem>> -> memref<100x64xf32, #tpu.memory_space<vmem>>
          %dma_wait3A_853 = arith.constant 0 : i32
          %dma_wait3A_854 = arith.constant 0 : i32
          %dma_wait3A_855 = tpu.memref_slice %arg4[%mul3A_2, %dma_wait3A_853, %dma_wait3A_854] : memref<8192x100x64xf32, #tpu.memory_space<hbm>> -> memref<1x100x64xf32, #tpu.memory_space<hbm>>
          %dma_wait3A_856 = tpu.memref_squeeze %dma_wait3A_855 : memref<1x100x64xf32, #tpu.memory_space<hbm>> -> memref<100x64xf32, #tpu.memory_space<hbm>>
          %dma_wait3A_857 = tpu.memref_slice %arg8[%dma_wait3A_848] : memref<8x!tpu.dma_semaphore, #tpu.memory_space<semaphore_mem>> -> memref<1x!tpu.dma_semaphore, #tpu.memory_space<semaphore_mem>>
          %dma_wait3A_858 = tpu.memref_squeeze %dma_wait3A_857 : memref<1x!tpu.dma_semaphore, #tpu.memory_space<semaphore_mem>> -> memref<!tpu.dma_semaphore, #tpu.memory_space<semaphore_mem>>
          %dma_wait3A_859 = arith.constant 0 : i32
          %dma_wait3A_860 = arith.constant 0 : i32
          %dma_wait3A_861 = tpu.memref_slice %arg4[%mul3A_2, %dma_wait3A_859, %dma_wait3A_860] : memref<8192x100x64xf32, #tpu.memory_space<hbm>> -> memref<1x100x64xf32, #tpu.memory_space<hbm>>
          %dma_wait3A_862 = tpu.memref_squeeze %dma_wait3A_861 : memref<1x100x64xf32, #tpu.memory_space<hbm>> -> memref<100x64xf32, #tpu.memory_space<hbm>>
          %dma_wait3A_863 = arith.constant 0 : i32
          %dma_wait3A_864 = arith.constant 0 : i32
          %dma_wait3A_865 = tpu.memref_slice %arg6[%dma_wait3A_847, %dma_wait3A_863, %dma_wait3A_864] : memref<8x100x64xf32, #tpu.memory_space<vmem>> -> memref<1x100x64xf32, #tpu.memory_space<vmem>>
          %dma_wait3A_866 = tpu.memref_squeeze %dma_wait3A_865 : memref<1x100x64xf32, #tpu.memory_space<vmem>> -> memref<100x64xf32, #tpu.memory_space<vmem>>
          tpu.wait_dma2 semaphore(%dma_wait3A_858 : memref<!tpu.dma_semaphore, #tpu.memory_space<semaphore_mem>>) src(%dma_wait3A_866 : memref<100x64xf32, #tpu.memory_space<vmem>>) dst(%dma_wait3A_862 : memref<100x64xf32, #tpu.memory_space<hbm>>)
        } else {
        }
        %add3A_737 = arith.constant 4 : i32
        %add3A_738 = arith.addi %add3A_529, %add3A_737 : i32
        %jit3A_739 = arith.constant 64 : i32
        %eq3A_740 = arith.constant 0 : i32
        %eq3A_741 = arith.cmpi eq, %jit3A_739, %eq3A_740 : i32
        %jit3A_742 = arith.constant 1 : i32
        %select_n3A_743 = arith.select %eq3A_741, %jit3A_742, %jit3A_739 : i32
        %rem3A_744 = arith.remsi %add3A_738, %select_n3A_743 : i32
        %ne3A_745 = arith.constant 0 : i32
        %ne3A_746 = arith.cmpi ne, %rem3A_744, %ne3A_745 : i32
        %lt3A_747 = arith.constant 0 : i32
        %lt3A_748 = arith.cmpi slt, %rem3A_744, %lt3A_747 : i32
        %lt3A_749 = arith.constant 0 : i32
        %lt3A_750 = arith.cmpi slt, %select_n3A_743, %lt3A_749 : i32
        %ne3A_751 = arith.xori %lt3A_748, %lt3A_750 : i1
        %and3A_752 = arith.andi %ne3A_751, %ne3A_746 : i1
        %add3A_753 = arith.addi %rem3A_744, %select_n3A_743 : i32
        %select_n3A_754 = arith.select %and3A_752, %add3A_753, %rem3A_744 : i32
        %dma_start3A_755 = arith.constant 3 : i32
        %dma_start3A_756 = arith.constant 3 : i32
        %dma_start3A_757 = arith.constant 0 : i32
        %dma_start3A_758 = arith.constant 0 : i32
        %dma_start3A_759 = tpu.memref_slice %arg6[%dma_start3A_755, %dma_start3A_757, %dma_start3A_758] : memref<8x100x64xf32, #tpu.memory_space<vmem>> -> memref<1x100x64xf32, #tpu.memory_space<vmem>>
        %dma_start3A_760 = tpu.memref_squeeze %dma_start3A_759 : memref<1x100x64xf32, #tpu.memory_space<vmem>> -> memref<100x64xf32, #tpu.memory_space<vmem>>
        %dma_start3A_761 = arith.constant 0 : i32
        %dma_start3A_762 = tpu.memref_slice %arg5[%select_n3A_754, %dma_start3A_761] : memref<64x100xi32, #tpu.memory_space<vmem>> -> memref<1x100xi32, #tpu.memory_space<vmem>>
        %dma_start3A_763 = tpu.memref_squeeze %dma_start3A_762 : memref<1x100xi32, #tpu.memory_space<vmem>> -> memref<100xi32, #tpu.memory_space<vmem>>
        %dma_start3A_764 = arith.constant 0 : i32
        %dma_start3A_765 = arith.constant 0 : i32
        %dma_start3A_766 = tpu.memref_slice %arg3[%dma_start3A_764, %dma_start3A_765] : memref<1000000x64xf32, #tpu.memory_space<hbm>> -> memref<1000000x64xf32, #tpu.memory_space<hbm>>
        %dma_start3A_767 = tpu.memref_slice %arg7[%dma_start3A_756] : memref<8x!tpu.dma_semaphore, #tpu.memory_space<semaphore_mem>> -> memref<1x!tpu.dma_semaphore, #tpu.memory_space<semaphore_mem>>
        %dma_start3A_768 = tpu.memref_squeeze %dma_start3A_767 : memref<1x!tpu.dma_semaphore, #tpu.memory_space<semaphore_mem>> -> memref<!tpu.dma_semaphore, #tpu.memory_space<semaphore_mem>>
        tpu.enqueue_indirect_dma source(%dma_start3A_766 : memref<1000000x64xf32, #tpu.memory_space<hbm>>) target(%dma_start3A_760 : memref<100x64xf32, #tpu.memory_space<vmem>>) offsets(%dma_start3A_763 : memref<100xi32, #tpu.memory_space<vmem>>) semaphore(%dma_start3A_768 : memref<!tpu.dma_semaphore, #tpu.memory_space<semaphore_mem>>)
        %add3A_769 = arith.constant 5 : i32
        %add3A_770 = arith.addi %add3A_529, %add3A_769 : i32
        %ge3A_771 = arith.constant 8 : i32
        %ge3A_772 = arith.cmpi sge, %add3A_770, %ge3A_771 : i32
        %convert_element_type3A_773 = arith.extui %ge3A_772 : i1 to i32
        %cond3A_774 = arith.constant 0 : i32
        %cond3A_775 = arith.cmpi ne, %convert_element_type3A_773, %cond3A_774 : i32
        scf.if %cond3A_775 {
          %dma_wait3A_847 = arith.constant 4 : i32
          %dma_wait3A_848 = arith.constant 4 : i32
          %dma_wait3A_849 = arith.constant 0 : i32
          %dma_wait3A_850 = arith.constant 0 : i32
          %dma_wait3A_851 = tpu.memref_slice %arg6[%dma_wait3A_847, %dma_wait3A_849, %dma_wait3A_850] : memref<8x100x64xf32, #tpu.memory_space<vmem>> -> memref<1x100x64xf32, #tpu.memory_space<vmem>>
          %dma_wait3A_852 = tpu.memref_squeeze %dma_wait3A_851 : memref<1x100x64xf32, #tpu.memory_space<vmem>> -> memref<100x64xf32, #tpu.memory_space<vmem>>
          %dma_wait3A_853 = arith.constant 0 : i32
          %dma_wait3A_854 = arith.constant 0 : i32
          %dma_wait3A_855 = tpu.memref_slice %arg4[%mul3A_2, %dma_wait3A_853, %dma_wait3A_854] : memref<8192x100x64xf32, #tpu.memory_space<hbm>> -> memref<1x100x64xf32, #tpu.memory_space<hbm>>
          %dma_wait3A_856 = tpu.memref_squeeze %dma_wait3A_855 : memref<1x100x64xf32, #tpu.memory_space<hbm>> -> memref<100x64xf32, #tpu.memory_space<hbm>>
          %dma_wait3A_857 = tpu.memref_slice %arg8[%dma_wait3A_848] : memref<8x!tpu.dma_semaphore, #tpu.memory_space<semaphore_mem>> -> memref<1x!tpu.dma_semaphore, #tpu.memory_space<semaphore_mem>>
          %dma_wait3A_858 = tpu.memref_squeeze %dma_wait3A_857 : memref<1x!tpu.dma_semaphore, #tpu.memory_space<semaphore_mem>> -> memref<!tpu.dma_semaphore, #tpu.memory_space<semaphore_mem>>
          %dma_wait3A_859 = arith.constant 0 : i32
          %dma_wait3A_860 = arith.constant 0 : i32
          %dma_wait3A_861 = tpu.memref_slice %arg4[%mul3A_2, %dma_wait3A_859, %dma_wait3A_860] : memref<8192x100x64xf32, #tpu.memory_space<hbm>> -> memref<1x100x64xf32, #tpu.memory_space<hbm>>
          %dma_wait3A_862 = tpu.memref_squeeze %dma_wait3A_861 : memref<1x100x64xf32, #tpu.memory_space<hbm>> -> memref<100x64xf32, #tpu.memory_space<hbm>>
          %dma_wait3A_863 = arith.constant 0 : i32
          %dma_wait3A_864 = arith.constant 0 : i32
          %dma_wait3A_865 = tpu.memref_slice %arg6[%dma_wait3A_847, %dma_wait3A_863, %dma_wait3A_864] : memref<8x100x64xf32, #tpu.memory_space<vmem>> -> memref<1x100x64xf32, #tpu.memory_space<vmem>>
          %dma_wait3A_866 = tpu.memref_squeeze %dma_wait3A_865 : memref<1x100x64xf32, #tpu.memory_space<vmem>> -> memref<100x64xf32, #tpu.memory_space<vmem>>
          tpu.wait_dma2 semaphore(%dma_wait3A_858 : memref<!tpu.dma_semaphore, #tpu.memory_space<semaphore_mem>>) src(%dma_wait3A_866 : memref<100x64xf32, #tpu.memory_space<vmem>>) dst(%dma_wait3A_862 : memref<100x64xf32, #tpu.memory_space<hbm>>)
        } else {
        }
        %add3A_776 = arith.constant 5 : i32
        %add3A_777 = arith.addi %add3A_529, %add3A_776 : i32
        %jit3A_778 = arith.constant 64 : i32
        %eq3A_779 = arith.constant 0 : i32
        %eq3A_780 = arith.cmpi eq, %jit3A_778, %eq3A_779 : i32
        %jit3A_781 = arith.constant 1 : i32
        %select_n3A_782 = arith.select %eq3A_780, %jit3A_781, %jit3A_778 : i32
        %rem3A_783 = arith.remsi %add3A_777, %select_n3A_782 : i32
        %ne3A_784 = arith.constant 0 : i32
        %ne3A_785 = arith.cmpi ne, %rem3A_783, %ne3A_784 : i32
        %lt3A_786 = arith.constant 0 : i32
        %lt3A_787 = arith.cmpi slt, %rem3A_783, %lt3A_786 : i32
        %lt3A_788 = arith.constant 0 : i32
        %lt3A_789 = arith.cmpi slt, %select_n3A_782, %lt3A_788 : i32
        %ne3A_790 = arith.xori %lt3A_787, %lt3A_789 : i1
        %and3A_791 = arith.andi %ne3A_790, %ne3A_785 : i1
        %add3A_792 = arith.addi %rem3A_783, %select_n3A_782 : i32
        %select_n3A_793 = arith.select %and3A_791, %add3A_792, %rem3A_783 : i32
        %dma_start3A_794 = arith.constant 4 : i32
        %dma_start3A_795 = arith.constant 4 : i32
        %dma_start3A_796 = arith.constant 0 : i32
        %dma_start3A_797 = arith.constant 0 : i32
        %dma_start3A_798 = tpu.memref_slice %arg6[%dma_start3A_794, %dma_start3A_796, %dma_start3A_797] : memref<8x100x64xf32, #tpu.memory_space<vmem>> -> memref<1x100x64xf32, #tpu.memory_space<vmem>>
        %dma_start3A_799 = tpu.memref_squeeze %dma_start3A_798 : memref<1x100x64xf32, #tpu.memory_space<vmem>> -> memref<100x64xf32, #tpu.memory_space<vmem>>
        %dma_start3A_800 = arith.constant 0 : i32
        %dma_start3A_801 = tpu.memref_slice %arg5[%select_n3A_793, %dma_start3A_800] : memref<64x100xi32, #tpu.memory_space<vmem>> -> memref<1x100xi32, #tpu.memory_space<vmem>>
        %dma_start3A_802 = tpu.memref_squeeze %dma_start3A_801 : memref<1x100xi32, #tpu.memory_space<vmem>> -> memref<100xi32, #tpu.memory_space<vmem>>
        %dma_start3A_803 = arith.constant 0 : i32
        %dma_start3A_804 = arith.constant 0 : i32
        %dma_start3A_805 = tpu.memref_slice %arg3[%dma_start3A_803, %dma_start3A_804] : memref<1000000x64xf32, #tpu.memory_space<hbm>> -> memref<1000000x64xf32, #tpu.memory_space<hbm>>
        %dma_start3A_806 = tpu.memref_slice %arg7[%dma_start3A_795] : memref<8x!tpu.dma_semaphore, #tpu.memory_space<semaphore_mem>> -> memref<1x!tpu.dma_semaphore, #tpu.memory_space<semaphore_mem>>
        %dma_start3A_807 = tpu.memref_squeeze %dma_start3A_806 : memref<1x!tpu.dma_semaphore, #tpu.memory_space<semaphore_mem>> -> memref<!tpu.dma_semaphore, #tpu.memory_space<semaphore_mem>>
        tpu.enqueue_indirect_dma source(%dma_start3A_805 : memref<1000000x64xf32, #tpu.memory_space<hbm>>) target(%dma_start3A_799 : memref<100x64xf32, #tpu.memory_space<vmem>>) offsets(%dma_start3A_802 : memref<100xi32, #tpu.memory_space<vmem>>) semaphore(%dma_start3A_807 : memref<!tpu.dma_semaphore, #tpu.memory_space<semaphore_mem>>)
        %add3A_808 = arith.constant 6 : i32
        %add3A_809 = arith.addi %add3A_529, %add3A_808 : i32
        %ge3A_810 = arith.constant 8 : i32
        %ge3A_811 = arith.cmpi sge, %add3A_809, %ge3A_810 : i32
        %convert_element_type3A_812 = arith.extui %ge3A_811 : i1 to i32
        %cond3A_813 = arith.constant 0 : i32
        %cond3A_814 = arith.cmpi ne, %convert_element_type3A_812, %cond3A_813 : i32
        scf.if %cond3A_814 {
          %dma_wait3A_847 = arith.constant 5 : i32
          %dma_wait3A_848 = arith.constant 5 : i32
          %dma_wait3A_849 = arith.constant 0 : i32
          %dma_wait3A_850 = arith.constant 0 : i32
          %dma_wait3A_851 = tpu.memref_slice %arg6[%dma_wait3A_847, %dma_wait3A_849, %dma_wait3A_850] : memref<8x100x64xf32, #tpu.memory_space<vmem>> -> memref<1x100x64xf32, #tpu.memory_space<vmem>>
          %dma_wait3A_852 = tpu.memref_squeeze %dma_wait3A_851 : memref<1x100x64xf32, #tpu.memory_space<vmem>> -> memref<100x64xf32, #tpu.memory_space<vmem>>
          %dma_wait3A_853 = arith.constant 0 : i32
          %dma_wait3A_854 = arith.constant 0 : i32
          %dma_wait3A_855 = tpu.memref_slice %arg4[%mul3A_2, %dma_wait3A_853, %dma_wait3A_854] : memref<8192x100x64xf32, #tpu.memory_space<hbm>> -> memref<1x100x64xf32, #tpu.memory_space<hbm>>
          %dma_wait3A_856 = tpu.memref_squeeze %dma_wait3A_855 : memref<1x100x64xf32, #tpu.memory_space<hbm>> -> memref<100x64xf32, #tpu.memory_space<hbm>>
          %dma_wait3A_857 = tpu.memref_slice %arg8[%dma_wait3A_848] : memref<8x!tpu.dma_semaphore, #tpu.memory_space<semaphore_mem>> -> memref<1x!tpu.dma_semaphore, #tpu.memory_space<semaphore_mem>>
          %dma_wait3A_858 = tpu.memref_squeeze %dma_wait3A_857 : memref<1x!tpu.dma_semaphore, #tpu.memory_space<semaphore_mem>> -> memref<!tpu.dma_semaphore, #tpu.memory_space<semaphore_mem>>
          %dma_wait3A_859 = arith.constant 0 : i32
          %dma_wait3A_860 = arith.constant 0 : i32
          %dma_wait3A_861 = tpu.memref_slice %arg4[%mul3A_2, %dma_wait3A_859, %dma_wait3A_860] : memref<8192x100x64xf32, #tpu.memory_space<hbm>> -> memref<1x100x64xf32, #tpu.memory_space<hbm>>
          %dma_wait3A_862 = tpu.memref_squeeze %dma_wait3A_861 : memref<1x100x64xf32, #tpu.memory_space<hbm>> -> memref<100x64xf32, #tpu.memory_space<hbm>>
          %dma_wait3A_863 = arith.constant 0 : i32
          %dma_wait3A_864 = arith.constant 0 : i32
          %dma_wait3A_865 = tpu.memref_slice %arg6[%dma_wait3A_847, %dma_wait3A_863, %dma_wait3A_864] : memref<8x100x64xf32, #tpu.memory_space<vmem>> -> memref<1x100x64xf32, #tpu.memory_space<vmem>>
          %dma_wait3A_866 = tpu.memref_squeeze %dma_wait3A_865 : memref<1x100x64xf32, #tpu.memory_space<vmem>> -> memref<100x64xf32, #tpu.memory_space<vmem>>
          tpu.wait_dma2 semaphore(%dma_wait3A_858 : memref<!tpu.dma_semaphore, #tpu.memory_space<semaphore_mem>>) src(%dma_wait3A_866 : memref<100x64xf32, #tpu.memory_space<vmem>>) dst(%dma_wait3A_862 : memref<100x64xf32, #tpu.memory_space<hbm>>)
        } else {
        }
        %add3A_815 = arith.constant 6 : i32
        %add3A_816 = arith.addi %add3A_529, %add3A_815 : i32
        %jit3A_817 = arith.constant 64 : i32
        %eq3A_818 = arith.constant 0 : i32
        %eq3A_819 = arith.cmpi eq, %jit3A_817, %eq3A_818 : i32
        %jit3A_820 = arith.constant 1 : i32
        %select_n3A_821 = arith.select %eq3A_819, %jit3A_820, %jit3A_817 : i32
        %rem3A_822 = arith.remsi %add3A_816, %select_n3A_821 : i32
        %ne3A_823 = arith.constant 0 : i32
        %ne3A_824 = arith.cmpi ne, %rem3A_822, %ne3A_823 : i32
        %lt3A_825 = arith.constant 0 : i32
        %lt3A_826 = arith.cmpi slt, %rem3A_822, %lt3A_825 : i32
        %lt3A_827 = arith.constant 0 : i32
        %lt3A_828 = arith.cmpi slt, %select_n3A_821, %lt3A_827 : i32
        %ne3A_829 = arith.xori %lt3A_826, %lt3A_828 : i1
        %and3A_830 = arith.andi %ne3A_829, %ne3A_824 : i1
        %add3A_831 = arith.addi %rem3A_822, %select_n3A_821 : i32
        %select_n3A_832 = arith.select %and3A_830, %add3A_831, %rem3A_822 : i32
        %dma_start3A_833 = arith.constant 5 : i32
        %dma_start3A_834 = arith.constant 5 : i32
        %dma_start3A_835 = arith.constant 0 : i32
        %dma_start3A_836 = arith.constant 0 : i32
        %dma_start3A_837 = tpu.memref_slice %arg6[%dma_start3A_833, %dma_start3A_835, %dma_start3A_836] : memref<8x100x64xf32, #tpu.memory_space<vmem>> -> memref<1x100x64xf32, #tpu.memory_space<vmem>>
        %dma_start3A_838 = tpu.memref_squeeze %dma_start3A_837 : memref<1x100x64xf32, #tpu.memory_space<vmem>> -> memref<100x64xf32, #tpu.memory_space<vmem>>
        %dma_start3A_839 = arith.constant 0 : i32
        %dma_start3A_840 = tpu.memref_slice %arg5[%select_n3A_832, %dma_start3A_839] : memref<64x100xi32, #tpu.memory_space<vmem>> -> memref<1x100xi32, #tpu.memory_space<vmem>>
        %dma_start3A_841 = tpu.memref_squeeze %dma_start3A_840 : memref<1x100xi32, #tpu.memory_space<vmem>> -> memref<100xi32, #tpu.memory_space<vmem>>
        %dma_start3A_842 = arith.constant 0 : i32
        %dma_start3A_843 = arith.constant 0 : i32
        %dma_start3A_844 = tpu.memref_slice %arg3[%dma_start3A_842, %dma_start3A_843] : memref<1000000x64xf32, #tpu.memory_space<hbm>> -> memref<1000000x64xf32, #tpu.memory_space<hbm>>
        %dma_start3A_845 = tpu.memref_slice %arg7[%dma_start3A_834] : memref<8x!tpu.dma_semaphore, #tpu.memory_space<semaphore_mem>> -> memref<1x!tpu.dma_semaphore, #tpu.memory_space<semaphore_mem>>
        %dma_start3A_846 = tpu.memref_squeeze %dma_start3A_845 : memref<1x!tpu.dma_semaphore, #tpu.memory_space<semaphore_mem>> -> memref<!tpu.dma_semaphore, #tpu.memory_space<semaphore_mem>>
        tpu.enqueue_indirect_dma source(%dma_start3A_844 : memref<1000000x64xf32, #tpu.memory_space<hbm>>) target(%dma_start3A_838 : memref<100x64xf32, #tpu.memory_space<vmem>>) offsets(%dma_start3A_841 : memref<100xi32, #tpu.memory_space<vmem>>) semaphore(%dma_start3A_846 : memref<!tpu.dma_semaphore, #tpu.memory_space<semaphore_mem>>)
      } else {
      }
      %dma_wait3A_537 = arith.constant 0 : i32
      %dma_wait3A_538 = arith.constant 7 : i32
      %dma_wait3A_539 = arith.constant 7 : i32
      %dma_wait3A_540 = arith.constant 0 : i32
      %dma_wait3A_541 = arith.constant 0 : i32
      %dma_wait3A_542 = tpu.memref_slice %arg6[%dma_wait3A_538, %dma_wait3A_540, %dma_wait3A_541] : memref<8x100x64xf32, #tpu.memory_space<vmem>> -> memref<1x100x64xf32, #tpu.memory_space<vmem>>
      %dma_wait3A_543 = tpu.memref_squeeze %dma_wait3A_542 : memref<1x100x64xf32, #tpu.memory_space<vmem>> -> memref<100x64xf32, #tpu.memory_space<vmem>>
      %dma_wait3A_544 = arith.constant 0 : i32
      %dma_wait3A_545 = tpu.memref_slice %arg5[%dma_wait3A_537, %dma_wait3A_544] : memref<64x100xi32, #tpu.memory_space<vmem>> -> memref<1x100xi32, #tpu.memory_space<vmem>>
      %dma_wait3A_546 = tpu.memref_squeeze %dma_wait3A_545 : memref<1x100xi32, #tpu.memory_space<vmem>> -> memref<100xi32, #tpu.memory_space<vmem>>
      %dma_wait3A_547 = arith.constant 0 : i32
      %dma_wait3A_548 = arith.constant 0 : i32
      %dma_wait3A_549 = tpu.memref_slice %arg3[%dma_wait3A_547, %dma_wait3A_548] : memref<1000000x64xf32, #tpu.memory_space<hbm>> -> memref<1000000x64xf32, #tpu.memory_space<hbm>>
      %dma_wait3A_550 = tpu.memref_slice %arg7[%dma_wait3A_539] : memref<8x!tpu.dma_semaphore, #tpu.memory_space<semaphore_mem>> -> memref<1x!tpu.dma_semaphore, #tpu.memory_space<semaphore_mem>>
      %dma_wait3A_551 = tpu.memref_squeeze %dma_wait3A_550 : memref<1x!tpu.dma_semaphore, #tpu.memory_space<semaphore_mem>> -> memref<!tpu.dma_semaphore, #tpu.memory_space<semaphore_mem>>
      tpu.wait_indirect_dma semaphore(%dma_wait3A_551 : memref<!tpu.dma_semaphore, #tpu.memory_space<semaphore_mem>>) src(%dma_wait3A_549 : memref<1000000x64xf32, #tpu.memory_space<hbm>>) dst(%dma_wait3A_543 : memref<100x64xf32, #tpu.memory_space<vmem>>)
      %add3A_552 = arith.addi %mul3A_2, %add3A_529 : i32
      %dma_start3A_553 = arith.constant 7 : i32
      %dma_start3A_554 = arith.constant 7 : i32
      %dma_start3A_555 = arith.constant 0 : i32
      %dma_start3A_556 = arith.constant 0 : i32
      %dma_start3A_557 = tpu.memref_slice %arg6[%dma_start3A_553, %dma_start3A_555, %dma_start3A_556] : memref<8x100x64xf32, #tpu.memory_space<vmem>> -> memref<1x100x64xf32, #tpu.memory_space<vmem>>
      %dma_start3A_558 = tpu.memref_squeeze %dma_start3A_557 : memref<1x100x64xf32, #tpu.memory_space<vmem>> -> memref<100x64xf32, #tpu.memory_space<vmem>>
      %dma_start3A_559 = arith.constant 0 : i32
      %dma_start3A_560 = arith.constant 0 : i32
      %dma_start3A_561 = tpu.memref_slice %arg4[%add3A_552, %dma_start3A_559, %dma_start3A_560] : memref<8192x100x64xf32, #tpu.memory_space<hbm>> -> memref<1x100x64xf32, #tpu.memory_space<hbm>>
      %dma_start3A_562 = tpu.memref_squeeze %dma_start3A_561 : memref<1x100x64xf32, #tpu.memory_space<hbm>> -> memref<100x64xf32, #tpu.memory_space<hbm>>
      %dma_start3A_563 = tpu.memref_slice %arg8[%dma_start3A_554] : memref<8x!tpu.dma_semaphore, #tpu.memory_space<semaphore_mem>> -> memref<1x!tpu.dma_semaphore, #tpu.memory_space<semaphore_mem>>
      %dma_start3A_564 = tpu.memref_squeeze %dma_start3A_563 : memref<1x!tpu.dma_semaphore, #tpu.memory_space<semaphore_mem>> -> memref<!tpu.dma_semaphore, #tpu.memory_space<semaphore_mem>>
      %dma_start3A_565 = arith.constant 0 : i32
      %dma_start3A_566 = arith.constant 0 : i32
      %dma_start3A_567 = tpu.memref_slice %arg4[%add3A_552, %dma_start3A_565, %dma_start3A_566] : memref<8192x100x64xf32, #tpu.memory_space<hbm>> -> memref<1x100x64xf32, #tpu.memory_space<hbm>>
      %dma_start3A_568 = tpu.memref_squeeze %dma_start3A_567 : memref<1x100x64xf32, #tpu.memory_space<hbm>> -> memref<100x64xf32, #tpu.memory_space<hbm>>
      %dma_start3A_569 = arith.constant 0 : i32
      %dma_start3A_570 = arith.constant 0 : i32
      %dma_start3A_571 = tpu.memref_slice %arg6[%dma_start3A_553, %dma_start3A_569, %dma_start3A_570] : memref<8x100x64xf32, #tpu.memory_space<vmem>> -> memref<1x100x64xf32, #tpu.memory_space<vmem>>
      %dma_start3A_572 = tpu.memref_squeeze %dma_start3A_571 : memref<1x100x64xf32, #tpu.memory_space<vmem>> -> memref<100x64xf32, #tpu.memory_space<vmem>>
      tpu.enqueue_dma source(%dma_start3A_572 : memref<100x64xf32, #tpu.memory_space<vmem>>) target(%dma_start3A_568 : memref<100x64xf32, #tpu.memory_space<hbm>>) target_semaphore(%dma_start3A_564 : memref<!tpu.dma_semaphore, #tpu.memory_space<semaphore_mem>>)
      %lt3A_573 = arith.constant 57 : i32
      %lt3A_574 = arith.cmpi slt, %rem3A_531, %lt3A_573 : i32
      %convert_element_type3A_575 = arith.extui %lt3A_574 : i1 to i32
      %cond3A_576 = arith.constant 0 : i32
      %cond3A_577 = arith.cmpi ne, %convert_element_type3A_575, %cond3A_576 : i32
      scf.if %cond3A_577 {
        %ge3A = arith.constant 1 : i32
        %ge3A_578 = arith.cmpi sge, %add3A_529, %ge3A : i32
        %convert_element_type3A_579 = arith.extui %ge3A_578 : i1 to i32
        %cond3A_580 = arith.constant 0 : i32
        %cond3A_581 = arith.cmpi ne, %convert_element_type3A_579, %cond3A_580 : i32
        scf.if %cond3A_581 {
          %dma_wait3A_611 = arith.constant 6 : i32
          %dma_wait3A_612 = arith.constant 6 : i32
          %dma_wait3A_613 = arith.constant 0 : i32
          %dma_wait3A_614 = arith.constant 0 : i32
          %dma_wait3A_615 = tpu.memref_slice %arg6[%dma_wait3A_611, %dma_wait3A_613, %dma_wait3A_614] : memref<8x100x64xf32, #tpu.memory_space<vmem>> -> memref<1x100x64xf32, #tpu.memory_space<vmem>>
          %dma_wait3A_616 = tpu.memref_squeeze %dma_wait3A_615 : memref<1x100x64xf32, #tpu.memory_space<vmem>> -> memref<100x64xf32, #tpu.memory_space<vmem>>
          %dma_wait3A_617 = arith.constant 0 : i32
          %dma_wait3A_618 = arith.constant 0 : i32
          %dma_wait3A_619 = tpu.memref_slice %arg4[%mul3A_2, %dma_wait3A_617, %dma_wait3A_618] : memref<8192x100x64xf32, #tpu.memory_space<hbm>> -> memref<1x100x64xf32, #tpu.memory_space<hbm>>
          %dma_wait3A_620 = tpu.memref_squeeze %dma_wait3A_619 : memref<1x100x64xf32, #tpu.memory_space<hbm>> -> memref<100x64xf32, #tpu.memory_space<hbm>>
          %dma_wait3A_621 = tpu.memref_slice %arg8[%dma_wait3A_612] : memref<8x!tpu.dma_semaphore, #tpu.memory_space<semaphore_mem>> -> memref<1x!tpu.dma_semaphore, #tpu.memory_space<semaphore_mem>>
          %dma_wait3A_622 = tpu.memref_squeeze %dma_wait3A_621 : memref<1x!tpu.dma_semaphore, #tpu.memory_space<semaphore_mem>> -> memref<!tpu.dma_semaphore, #tpu.memory_space<semaphore_mem>>
          %dma_wait3A_623 = arith.constant 0 : i32
          %dma_wait3A_624 = arith.constant 0 : i32
          %dma_wait3A_625 = tpu.memref_slice %arg4[%mul3A_2, %dma_wait3A_623, %dma_wait3A_624] : memref<8192x100x64xf32, #tpu.memory_space<hbm>> -> memref<1x100x64xf32, #tpu.memory_space<hbm>>
          %dma_wait3A_626 = tpu.memref_squeeze %dma_wait3A_625 : memref<1x100x64xf32, #tpu.memory_space<hbm>> -> memref<100x64xf32, #tpu.memory_space<hbm>>
          %dma_wait3A_627 = arith.constant 0 : i32
          %dma_wait3A_628 = arith.constant 0 : i32
          %dma_wait3A_629 = tpu.memref_slice %arg6[%dma_wait3A_611, %dma_wait3A_627, %dma_wait3A_628] : memref<8x100x64xf32, #tpu.memory_space<vmem>> -> memref<1x100x64xf32, #tpu.memory_space<vmem>>
          %dma_wait3A_630 = tpu.memref_squeeze %dma_wait3A_629 : memref<1x100x64xf32, #tpu.memory_space<vmem>> -> memref<100x64xf32, #tpu.memory_space<vmem>>
          tpu.wait_dma2 semaphore(%dma_wait3A_622 : memref<!tpu.dma_semaphore, #tpu.memory_space<semaphore_mem>>) src(%dma_wait3A_630 : memref<100x64xf32, #tpu.memory_space<vmem>>) dst(%dma_wait3A_626 : memref<100x64xf32, #tpu.memory_space<hbm>>)
        } else {
        }
        %add3A_582 = arith.constant 8 : i32
        %add3A_583 = arith.addi %add3A_529, %add3A_582 : i32
        %sub3A = arith.constant 1 : i32
        %sub3A_584 = arith.subi %add3A_583, %sub3A : i32
        %jit3A = arith.constant 64 : i32
        %eq3A_585 = arith.constant 0 : i32
        %eq3A_586 = arith.cmpi eq, %jit3A, %eq3A_585 : i32
        %jit3A_587 = arith.constant 1 : i32
        %select_n3A = arith.select %eq3A_586, %jit3A_587, %jit3A : i32
        %rem3A_588 = arith.remsi %sub3A_584, %select_n3A : i32
        %ne3A = arith.constant 0 : i32
        %ne3A_589 = arith.cmpi ne, %rem3A_588, %ne3A : i32
        %lt3A_590 = arith.constant 0 : i32
        %lt3A_591 = arith.cmpi slt, %rem3A_588, %lt3A_590 : i32
        %lt3A_592 = arith.constant 0 : i32
        %lt3A_593 = arith.cmpi slt, %select_n3A, %lt3A_592 : i32
        %ne3A_594 = arith.xori %lt3A_591, %lt3A_593 : i1
        %and3A = arith.andi %ne3A_594, %ne3A_589 : i1
        %add3A_595 = arith.addi %rem3A_588, %select_n3A : i32
        %select_n3A_596 = arith.select %and3A, %add3A_595, %rem3A_588 : i32
        %dma_start3A_597 = arith.constant 6 : i32
        %dma_start3A_598 = arith.constant 6 : i32
        %dma_start3A_599 = arith.constant 0 : i32
        %dma_start3A_600 = arith.constant 0 : i32
        %dma_start3A_601 = tpu.memref_slice %arg6[%dma_start3A_597, %dma_start3A_599, %dma_start3A_600] : memref<8x100x64xf32, #tpu.memory_space<vmem>> -> memref<1x100x64xf32, #tpu.memory_space<vmem>>
        %dma_start3A_602 = tpu.memref_squeeze %dma_start3A_601 : memref<1x100x64xf32, #tpu.memory_space<vmem>> -> memref<100x64xf32, #tpu.memory_space<vmem>>
        %dma_start3A_603 = arith.constant 0 : i32
        %dma_start3A_604 = tpu.memref_slice %arg5[%select_n3A_596, %dma_start3A_603] : memref<64x100xi32, #tpu.memory_space<vmem>> -> memref<1x100xi32, #tpu.memory_space<vmem>>
        %dma_start3A_605 = tpu.memref_squeeze %dma_start3A_604 : memref<1x100xi32, #tpu.memory_space<vmem>> -> memref<100xi32, #tpu.memory_space<vmem>>
        %dma_start3A_606 = arith.constant 0 : i32
        %dma_start3A_607 = arith.constant 0 : i32
        %dma_start3A_608 = tpu.memref_slice %arg3[%dma_start3A_606, %dma_start3A_607] : memref<1000000x64xf32, #tpu.memory_space<hbm>> -> memref<1000000x64xf32, #tpu.memory_space<hbm>>
        %dma_start3A_609 = tpu.memref_slice %arg7[%dma_start3A_598] : memref<8x!tpu.dma_semaphore, #tpu.memory_space<semaphore_mem>> -> memref<1x!tpu.dma_semaphore, #tpu.memory_space<semaphore_mem>>
        %dma_start3A_610 = tpu.memref_squeeze %dma_start3A_609 : memref<1x!tpu.dma_semaphore, #tpu.memory_space<semaphore_mem>> -> memref<!tpu.dma_semaphore, #tpu.memory_space<semaphore_mem>>
        tpu.enqueue_indirect_dma source(%dma_start3A_608 : memref<1000000x64xf32, #tpu.memory_space<hbm>>) target(%dma_start3A_602 : memref<100x64xf32, #tpu.memory_space<vmem>>) offsets(%dma_start3A_605 : memref<100xi32, #tpu.memory_space<vmem>>) semaphore(%dma_start3A_610 : memref<!tpu.dma_semaphore, #tpu.memory_space<semaphore_mem>>)
      } else {
      }
    }
    %scan3A_7 = arith.constant 32 : i32
    %dma_wait3A = arith.constant 0 : i32
    %dma_wait3A_8 = arith.constant 0 : i32
    %dma_wait3A_9 = arith.constant 0 : i32
    %dma_wait3A_10 = arith.constant 0 : i32
    %dma_wait3A_11 = tpu.memref_slice %arg6[%dma_wait3A, %dma_wait3A_9, %dma_wait3A_10] : memref<8x100x64xf32, #tpu.memory_space<vmem>> -> memref<1x100x64xf32, #tpu.memory_space<vmem>>
    %dma_wait3A_12 = tpu.memref_squeeze %dma_wait3A_11 : memref<1x100x64xf32, #tpu.memory_space<vmem>> -> memref<100x64xf32, #tpu.memory_space<vmem>>
    %dma_wait3A_13 = arith.constant 0 : i32
    %dma_wait3A_14 = arith.constant 0 : i32
    %dma_wait3A_15 = tpu.memref_slice %arg4[%mul3A_2, %dma_wait3A_13, %dma_wait3A_14] : memref<8192x100x64xf32, #tpu.memory_space<hbm>> -> memref<1x100x64xf32, #tpu.memory_space<hbm>>
    %dma_wait3A_16 = tpu.memref_squeeze %dma_wait3A_15 : memref<1x100x64xf32, #tpu.memory_space<hbm>> -> memref<100x64xf32, #tpu.memory_space<hbm>>
    %dma_wait3A_17 = tpu.memref_slice %arg8[%dma_wait3A_8] : memref<8x!tpu.dma_semaphore, #tpu.memory_space<semaphore_mem>> -> memref<1x!tpu.dma_semaphore, #tpu.memory_space<semaphore_mem>>
    %dma_wait3A_18 = tpu.memref_squeeze %dma_wait3A_17 : memref<1x!tpu.dma_semaphore, #tpu.memory_space<semaphore_mem>> -> memref<!tpu.dma_semaphore, #tpu.memory_space<semaphore_mem>>
    %dma_wait3A_19 = arith.constant 0 : i32
    %dma_wait3A_20 = arith.constant 0 : i32
    %dma_wait3A_21 = tpu.memref_slice %arg4[%mul3A_2, %dma_wait3A_19, %dma_wait3A_20] : memref<8192x100x64xf32, #tpu.memory_space<hbm>> -> memref<1x100x64xf32, #tpu.memory_space<hbm>>
    %dma_wait3A_22 = tpu.memref_squeeze %dma_wait3A_21 : memref<1x100x64xf32, #tpu.memory_space<hbm>> -> memref<100x64xf32, #tpu.memory_space<hbm>>
    %dma_wait3A_23 = arith.constant 0 : i32
    %dma_wait3A_24 = arith.constant 0 : i32
    %dma_wait3A_25 = tpu.memref_slice %arg6[%dma_wait3A, %dma_wait3A_23, %dma_wait3A_24] : memref<8x100x64xf32, #tpu.memory_space<vmem>> -> memref<1x100x64xf32, #tpu.memory_space<vmem>>
    %dma_wait3A_26 = tpu.memref_squeeze %dma_wait3A_25 : memref<1x100x64xf32, #tpu.memory_space<vmem>> -> memref<100x64xf32, #tpu.memory_space<vmem>>
    tpu.wait_dma2 semaphore(%dma_wait3A_18 : memref<!tpu.dma_semaphore, #tpu.memory_space<semaphore_mem>>) src(%dma_wait3A_26 : memref<100x64xf32, #tpu.memory_space<vmem>>) dst(%dma_wait3A_22 : memref<100x64xf32, #tpu.memory_space<hbm>>)
    %dma_wait3A_27 = arith.constant 1 : i32
    %dma_wait3A_28 = arith.constant 1 : i32
    %dma_wait3A_29 = arith.constant 0 : i32
    %dma_wait3A_30 = arith.constant 0 : i32
    %dma_wait3A_31 = tpu.memref_slice %arg6[%dma_wait3A_27, %dma_wait3A_29, %dma_wait3A_30] : memref<8x100x64xf32, #tpu.memory_space<vmem>> -> memref<1x100x64xf32, #tpu.memory_space<vmem>>
    %dma_wait3A_32 = tpu.memref_squeeze %dma_wait3A_31 : memref<1x100x64xf32, #tpu.memory_space<vmem>> -> memref<100x64xf32, #tpu.memory_space<vmem>>
    %dma_wait3A_33 = arith.constant 0 : i32
    %dma_wait3A_34 = arith.constant 0 : i32
    %dma_wait3A_35 = tpu.memref_slice %arg4[%mul3A_2, %dma_wait3A_33, %dma_wait3A_34] : memref<8192x100x64xf32, #tpu.memory_space<hbm>> -> memref<1x100x64xf32, #tpu.memory_space<hbm>>
    %dma_wait3A_36 = tpu.memref_squeeze %dma_wait3A_35 : memref<1x100x64xf32, #tpu.memory_space<hbm>> -> memref<100x64xf32, #tpu.memory_space<hbm>>
    %dma_wait3A_37 = tpu.memref_slice %arg8[%dma_wait3A_28] : memref<8x!tpu.dma_semaphore, #tpu.memory_space<semaphore_mem>> -> memref<1x!tpu.dma_semaphore, #tpu.memory_space<semaphore_mem>>
    %dma_wait3A_38 = tpu.memref_squeeze %dma_wait3A_37 : memref<1x!tpu.dma_semaphore, #tpu.memory_space<semaphore_mem>> -> memref<!tpu.dma_semaphore, #tpu.memory_space<semaphore_mem>>
    %dma_wait3A_39 = arith.constant 0 : i32
    %dma_wait3A_40 = arith.constant 0 : i32
    %dma_wait3A_41 = tpu.memref_slice %arg4[%mul3A_2, %dma_wait3A_39, %dma_wait3A_40] : memref<8192x100x64xf32, #tpu.memory_space<hbm>> -> memref<1x100x64xf32, #tpu.memory_space<hbm>>
    %dma_wait3A_42 = tpu.memref_squeeze %dma_wait3A_41 : memref<1x100x64xf32, #tpu.memory_space<hbm>> -> memref<100x64xf32, #tpu.memory_space<hbm>>
    %dma_wait3A_43 = arith.constant 0 : i32
    %dma_wait3A_44 = arith.constant 0 : i32
    %dma_wait3A_45 = tpu.memref_slice %arg6[%dma_wait3A_27, %dma_wait3A_43, %dma_wait3A_44] : memref<8x100x64xf32, #tpu.memory_space<vmem>> -> memref<1x100x64xf32, #tpu.memory_space<vmem>>
    %dma_wait3A_46 = tpu.memref_squeeze %dma_wait3A_45 : memref<1x100x64xf32, #tpu.memory_space<vmem>> -> memref<100x64xf32, #tpu.memory_space<vmem>>
    tpu.wait_dma2 semaphore(%dma_wait3A_38 : memref<!tpu.dma_semaphore, #tpu.memory_space<semaphore_mem>>) src(%dma_wait3A_46 : memref<100x64xf32, #tpu.memory_space<vmem>>) dst(%dma_wait3A_42 : memref<100x64xf32, #tpu.memory_space<hbm>>)
    %dma_wait3A_47 = arith.constant 2 : i32
    %dma_wait3A_48 = arith.constant 2 : i32
    %dma_wait3A_49 = arith.constant 0 : i32
    %dma_wait3A_50 = arith.constant 0 : i32
    %dma_wait3A_51 = tpu.memref_slice %arg6[%dma_wait3A_47, %dma_wait3A_49, %dma_wait3A_50] : memref<8x100x64xf32, #tpu.memory_space<vmem>> -> memref<1x100x64xf32, #tpu.memory_space<vmem>>
    %dma_wait3A_52 = tpu.memref_squeeze %dma_wait3A_51 : memref<1x100x64xf32, #tpu.memory_space<vmem>> -> memref<100x64xf32, #tpu.memory_space<vmem>>
    %dma_wait3A_53 = arith.constant 0 : i32
    %dma_wait3A_54 = arith.constant 0 : i32
    %dma_wait3A_55 = tpu.memref_slice %arg4[%mul3A_2, %dma_wait3A_53, %dma_wait3A_54] : memref<8192x100x64xf32, #tpu.memory_space<hbm>> -> memref<1x100x64xf32, #tpu.memory_space<hbm>>
    %dma_wait3A_56 = tpu.memref_squeeze %dma_wait3A_55 : memref<1x100x64xf32, #tpu.memory_space<hbm>> -> memref<100x64xf32, #tpu.memory_space<hbm>>
    %dma_wait3A_57 = tpu.memref_slice %arg8[%dma_wait3A_48] : memref<8x!tpu.dma_semaphore, #tpu.memory_space<semaphore_mem>> -> memref<1x!tpu.dma_semaphore, #tpu.memory_space<semaphore_mem>>
    %dma_wait3A_58 = tpu.memref_squeeze %dma_wait3A_57 : memref<1x!tpu.dma_semaphore, #tpu.memory_space<semaphore_mem>> -> memref<!tpu.dma_semaphore, #tpu.memory_space<semaphore_mem>>
    %dma_wait3A_59 = arith.constant 0 : i32
    %dma_wait3A_60 = arith.constant 0 : i32
    %dma_wait3A_61 = tpu.memref_slice %arg4[%mul3A_2, %dma_wait3A_59, %dma_wait3A_60] : memref<8192x100x64xf32, #tpu.memory_space<hbm>> -> memref<1x100x64xf32, #tpu.memory_space<hbm>>
    %dma_wait3A_62 = tpu.memref_squeeze %dma_wait3A_61 : memref<1x100x64xf32, #tpu.memory_space<hbm>> -> memref<100x64xf32, #tpu.memory_space<hbm>>
    %dma_wait3A_63 = arith.constant 0 : i32
    %dma_wait3A_64 = arith.constant 0 : i32
    %dma_wait3A_65 = tpu.memref_slice %arg6[%dma_wait3A_47, %dma_wait3A_63, %dma_wait3A_64] : memref<8x100x64xf32, #tpu.memory_space<vmem>> -> memref<1x100x64xf32, #tpu.memory_space<vmem>>
    %dma_wait3A_66 = tpu.memref_squeeze %dma_wait3A_65 : memref<1x100x64xf32, #tpu.memory_space<vmem>> -> memref<100x64xf32, #tpu.memory_space<vmem>>
    tpu.wait_dma2 semaphore(%dma_wait3A_58 : memref<!tpu.dma_semaphore, #tpu.memory_space<semaphore_mem>>) src(%dma_wait3A_66 : memref<100x64xf32, #tpu.memory_space<vmem>>) dst(%dma_wait3A_62 : memref<100x64xf32, #tpu.memory_space<hbm>>)
    %dma_wait3A_67 = arith.constant 3 : i32
    %dma_wait3A_68 = arith.constant 3 : i32
    %dma_wait3A_69 = arith.constant 0 : i32
    %dma_wait3A_70 = arith.constant 0 : i32
    %dma_wait3A_71 = tpu.memref_slice %arg6[%dma_wait3A_67, %dma_wait3A_69, %dma_wait3A_70] : memref<8x100x64xf32, #tpu.memory_space<vmem>> -> memref<1x100x64xf32, #tpu.memory_space<vmem>>
    %dma_wait3A_72 = tpu.memref_squeeze %dma_wait3A_71 : memref<1x100x64xf32, #tpu.memory_space<vmem>> -> memref<100x64xf32, #tpu.memory_space<vmem>>
    %dma_wait3A_73 = arith.constant 0 : i32
    %dma_wait3A_74 = arith.constant 0 : i32
    %dma_wait3A_75 = tpu.memref_slice %arg4[%mul3A_2, %dma_wait3A_73, %dma_wait3A_74] : memref<8192x100x64xf32, #tpu.memory_space<hbm>> -> memref<1x100x64xf32, #tpu.memory_space<hbm>>
    %dma_wait3A_76 = tpu.memref_squeeze %dma_wait3A_75 : memref<1x100x64xf32, #tpu.memory_space<hbm>> -> memref<100x64xf32, #tpu.memory_space<hbm>>
    %dma_wait3A_77 = tpu.memref_slice %arg8[%dma_wait3A_68] : memref<8x!tpu.dma_semaphore, #tpu.memory_space<semaphore_mem>> -> memref<1x!tpu.dma_semaphore, #tpu.memory_space<semaphore_mem>>
    %dma_wait3A_78 = tpu.memref_squeeze %dma_wait3A_77 : memref<1x!tpu.dma_semaphore, #tpu.memory_space<semaphore_mem>> -> memref<!tpu.dma_semaphore, #tpu.memory_space<semaphore_mem>>
    %dma_wait3A_79 = arith.constant 0 : i32
    %dma_wait3A_80 = arith.constant 0 : i32
    %dma_wait3A_81 = tpu.memref_slice %arg4[%mul3A_2, %dma_wait3A_79, %dma_wait3A_80] : memref<8192x100x64xf32, #tpu.memory_space<hbm>> -> memref<1x100x64xf32, #tpu.memory_space<hbm>>
    %dma_wait3A_82 = tpu.memref_squeeze %dma_wait3A_81 : memref<1x100x64xf32, #tpu.memory_space<hbm>> -> memref<100x64xf32, #tpu.memory_space<hbm>>
    %dma_wait3A_83 = arith.constant 0 : i32
    %dma_wait3A_84 = arith.constant 0 : i32
    %dma_wait3A_85 = tpu.memref_slice %arg6[%dma_wait3A_67, %dma_wait3A_83, %dma_wait3A_84] : memref<8x100x64xf32, #tpu.memory_space<vmem>> -> memref<1x100x64xf32, #tpu.memory_space<vmem>>
    %dma_wait3A_86 = tpu.memref_squeeze %dma_wait3A_85 : memref<1x100x64xf32, #tpu.memory_space<vmem>> -> memref<100x64xf32, #tpu.memory_space<vmem>>
    tpu.wait_dma2 semaphore(%dma_wait3A_78 : memref<!tpu.dma_semaphore, #tpu.memory_space<semaphore_mem>>) src(%dma_wait3A_86 : memref<100x64xf32, #tpu.memory_space<vmem>>) dst(%dma_wait3A_82 : memref<100x64xf32, #tpu.memory_space<hbm>>)
    %dma_wait3A_87 = arith.constant 4 : i32
    %dma_wait3A_88 = arith.constant 4 : i32
    %dma_wait3A_89 = arith.constant 0 : i32
    %dma_wait3A_90 = arith.constant 0 : i32
    %dma_wait3A_91 = tpu.memref_slice %arg6[%dma_wait3A_87, %dma_wait3A_89, %dma_wait3A_90] : memref<8x100x64xf32, #tpu.memory_space<vmem>> -> memref<1x100x64xf32, #tpu.memory_space<vmem>>
    %dma_wait3A_92 = tpu.memref_squeeze %dma_wait3A_91 : memref<1x100x64xf32, #tpu.memory_space<vmem>> -> memref<100x64xf32, #tpu.memory_space<vmem>>
    %dma_wait3A_93 = arith.constant 0 : i32
    %dma_wait3A_94 = arith.constant 0 : i32
    %dma_wait3A_95 = tpu.memref_slice %arg4[%mul3A_2, %dma_wait3A_93, %dma_wait3A_94] : memref<8192x100x64xf32, #tpu.memory_space<hbm>> -> memref<1x100x64xf32, #tpu.memory_space<hbm>>
    %dma_wait3A_96 = tpu.memref_squeeze %dma_wait3A_95 : memref<1x100x64xf32, #tpu.memory_space<hbm>> -> memref<100x64xf32, #tpu.memory_space<hbm>>
    %dma_wait3A_97 = tpu.memref_slice %arg8[%dma_wait3A_88] : memref<8x!tpu.dma_semaphore, #tpu.memory_space<semaphore_mem>> -> memref<1x!tpu.dma_semaphore, #tpu.memory_space<semaphore_mem>>
    %dma_wait3A_98 = tpu.memref_squeeze %dma_wait3A_97 : memref<1x!tpu.dma_semaphore, #tpu.memory_space<semaphore_mem>> -> memref<!tpu.dma_semaphore, #tpu.memory_space<semaphore_mem>>
    %dma_wait3A_99 = arith.constant 0 : i32
    %dma_wait3A_100 = arith.constant 0 : i32
    %dma_wait3A_101 = tpu.memref_slice %arg4[%mul3A_2, %dma_wait3A_99, %dma_wait3A_100] : memref<8192x100x64xf32, #tpu.memory_space<hbm>> -> memref<1x100x64xf32, #tpu.memory_space<hbm>>
    %dma_wait3A_102 = tpu.memref_squeeze %dma_wait3A_101 : memref<1x100x64xf32, #tpu.memory_space<hbm>> -> memref<100x64xf32, #tpu.memory_space<hbm>>
    %dma_wait3A_103 = arith.constant 0 : i32
    %dma_wait3A_104 = arith.constant 0 : i32
    %dma_wait3A_105 = tpu.memref_slice %arg6[%dma_wait3A_87, %dma_wait3A_103, %dma_wait3A_104] : memref<8x100x64xf32, #tpu.memory_space<vmem>> -> memref<1x100x64xf32, #tpu.memory_space<vmem>>
    %dma_wait3A_106 = tpu.memref_squeeze %dma_wait3A_105 : memref<1x100x64xf32, #tpu.memory_space<vmem>> -> memref<100x64xf32, #tpu.memory_space<vmem>>
    tpu.wait_dma2 semaphore(%dma_wait3A_98 : memref<!tpu.dma_semaphore, #tpu.memory_space<semaphore_mem>>) src(%dma_wait3A_106 : memref<100x64xf32, #tpu.memory_space<vmem>>) dst(%dma_wait3A_102 : memref<100x64xf32, #tpu.memory_space<hbm>>)
    %dma_wait3A_107 = arith.constant 5 : i32
    %dma_wait3A_108 = arith.constant 5 : i32
    %dma_wait3A_109 = arith.constant 0 : i32
    %dma_wait3A_110 = arith.constant 0 : i32
    %dma_wait3A_111 = tpu.memref_slice %arg6[%dma_wait3A_107, %dma_wait3A_109, %dma_wait3A_110] : memref<8x100x64xf32, #tpu.memory_space<vmem>> -> memref<1x100x64xf32, #tpu.memory_space<vmem>>
    %dma_wait3A_112 = tpu.memref_squeeze %dma_wait3A_111 : memref<1x100x64xf32, #tpu.memory_space<vmem>> -> memref<100x64xf32, #tpu.memory_space<vmem>>
    %dma_wait3A_113 = arith.constant 0 : i32
    %dma_wait3A_114 = arith.constant 0 : i32
    %dma_wait3A_115 = tpu.memref_slice %arg4[%mul3A_2, %dma_wait3A_113, %dma_wait3A_114] : memref<8192x100x64xf32, #tpu.memory_space<hbm>> -> memref<1x100x64xf32, #tpu.memory_space<hbm>>
    %dma_wait3A_116 = tpu.memref_squeeze %dma_wait3A_115 : memref<1x100x64xf32, #tpu.memory_space<hbm>> -> memref<100x64xf32, #tpu.memory_space<hbm>>
    %dma_wait3A_117 = tpu.memref_slice %arg8[%dma_wait3A_108] : memref<8x!tpu.dma_semaphore, #tpu.memory_space<semaphore_mem>> -> memref<1x!tpu.dma_semaphore, #tpu.memory_space<semaphore_mem>>
    %dma_wait3A_118 = tpu.memref_squeeze %dma_wait3A_117 : memref<1x!tpu.dma_semaphore, #tpu.memory_space<semaphore_mem>> -> memref<!tpu.dma_semaphore, #tpu.memory_space<semaphore_mem>>
    %dma_wait3A_119 = arith.constant 0 : i32
    %dma_wait3A_120 = arith.constant 0 : i32
    %dma_wait3A_121 = tpu.memref_slice %arg4[%mul3A_2, %dma_wait3A_119, %dma_wait3A_120] : memref<8192x100x64xf32, #tpu.memory_space<hbm>> -> memref<1x100x64xf32, #tpu.memory_space<hbm>>
    %dma_wait3A_122 = tpu.memref_squeeze %dma_wait3A_121 : memref<1x100x64xf32, #tpu.memory_space<hbm>> -> memref<100x64xf32, #tpu.memory_space<hbm>>
    %dma_wait3A_123 = arith.constant 0 : i32
    %dma_wait3A_124 = arith.constant 0 : i32
    %dma_wait3A_125 = tpu.memref_slice %arg6[%dma_wait3A_107, %dma_wait3A_123, %dma_wait3A_124] : memref<8x100x64xf32, #tpu.memory_space<vmem>> -> memref<1x100x64xf32, #tpu.memory_space<vmem>>
    %dma_wait3A_126 = tpu.memref_squeeze %dma_wait3A_125 : memref<1x100x64xf32, #tpu.memory_space<vmem>> -> memref<100x64xf32, #tpu.memory_space<vmem>>
    tpu.wait_dma2 semaphore(%dma_wait3A_118 : memref<!tpu.dma_semaphore, #tpu.memory_space<semaphore_mem>>) src(%dma_wait3A_126 : memref<100x64xf32, #tpu.memory_space<vmem>>) dst(%dma_wait3A_122 : memref<100x64xf32, #tpu.memory_space<hbm>>)
    %dma_wait3A_127 = arith.constant 6 : i32
    %dma_wait3A_128 = arith.constant 6 : i32
    %dma_wait3A_129 = arith.constant 0 : i32
    %dma_wait3A_130 = arith.constant 0 : i32
    %dma_wait3A_131 = tpu.memref_slice %arg6[%dma_wait3A_127, %dma_wait3A_129, %dma_wait3A_130] : memref<8x100x64xf32, #tpu.memory_space<vmem>> -> memref<1x100x64xf32, #tpu.memory_space<vmem>>
    %dma_wait3A_132 = tpu.memref_squeeze %dma_wait3A_131 : memref<1x100x64xf32, #tpu.memory_space<vmem>> -> memref<100x64xf32, #tpu.memory_space<vmem>>
    %dma_wait3A_133 = arith.constant 0 : i32
    %dma_wait3A_134 = arith.constant 0 : i32
    %dma_wait3A_135 = tpu.memref_slice %arg4[%mul3A_2, %dma_wait3A_133, %dma_wait3A_134] : memref<8192x100x64xf32, #tpu.memory_space<hbm>> -> memref<1x100x64xf32, #tpu.memory_space<hbm>>
    %dma_wait3A_136 = tpu.memref_squeeze %dma_wait3A_135 : memref<1x100x64xf32, #tpu.memory_space<hbm>> -> memref<100x64xf32, #tpu.memory_space<hbm>>
    %dma_wait3A_137 = tpu.memref_slice %arg8[%dma_wait3A_128] : memref<8x!tpu.dma_semaphore, #tpu.memory_space<semaphore_mem>> -> memref<1x!tpu.dma_semaphore, #tpu.memory_space<semaphore_mem>>
    %dma_wait3A_138 = tpu.memref_squeeze %dma_wait3A_137 : memref<1x!tpu.dma_semaphore, #tpu.memory_space<semaphore_mem>> -> memref<!tpu.dma_semaphore, #tpu.memory_space<semaphore_mem>>
    %dma_wait3A_139 = arith.constant 0 : i32
    %dma_wait3A_140 = arith.constant 0 : i32
    %dma_wait3A_141 = tpu.memref_slice %arg4[%mul3A_2, %dma_wait3A_139, %dma_wait3A_140] : memref<8192x100x64xf32, #tpu.memory_space<hbm>> -> memref<1x100x64xf32, #tpu.memory_space<hbm>>
    %dma_wait3A_142 = tpu.memref_squeeze %dma_wait3A_141 : memref<1x100x64xf32, #tpu.memory_space<hbm>> -> memref<100x64xf32, #tpu.memory_space<hbm>>
    %dma_wait3A_143 = arith.constant 0 : i32
    %dma_wait3A_144 = arith.constant 0 : i32
    %dma_wait3A_145 = tpu.memref_slice %arg6[%dma_wait3A_127, %dma_wait3A_143, %dma_wait3A_144] : memref<8x100x64xf32, #tpu.memory_space<vmem>> -> memref<1x100x64xf32, #tpu.memory_space<vmem>>
    %dma_wait3A_146 = tpu.memref_squeeze %dma_wait3A_145 : memref<1x100x64xf32, #tpu.memory_space<vmem>> -> memref<100x64xf32, #tpu.memory_space<vmem>>
    tpu.wait_dma2 semaphore(%dma_wait3A_138 : memref<!tpu.dma_semaphore, #tpu.memory_space<semaphore_mem>>) src(%dma_wait3A_146 : memref<100x64xf32, #tpu.memory_space<vmem>>) dst(%dma_wait3A_142 : memref<100x64xf32, #tpu.memory_space<hbm>>)
    %dma_wait3A_147 = arith.constant 7 : i32
    %dma_wait3A_148 = arith.constant 7 : i32
    %dma_wait3A_149 = arith.constant 0 : i32
    %dma_wait3A_150 = arith.constant 0 : i32
    %dma_wait3A_151 = tpu.memref_slice %arg6[%dma_wait3A_147, %dma_wait3A_149, %dma_wait3A_150] : memref<8x100x64xf32, #tpu.memory_space<vmem>> -> memref<1x100x64xf32, #tpu.memory_space<vmem>>
    %dma_wait3A_152 = tpu.memref_squeeze %dma_wait3A_151 : memref<1x100x64xf32, #tpu.memory_space<vmem>> -> memref<100x64xf32, #tpu.memory_space<vmem>>
    %dma_wait3A_153 = arith.constant 0 : i32
    %dma_wait3A_154 = arith.constant 0 : i32
    %dma_wait3A_155 = tpu.memref_slice %arg4[%mul3A_2, %dma_wait3A_153, %dma_wait3A_154] : memref<8192x100x64xf32, #tpu.memory_space<hbm>> -> memref<1x100x64xf32, #tpu.memory_space<hbm>>
    %dma_wait3A_156 = tpu.memref_squeeze %dma_wait3A_155 : memref<1x100x64xf32, #tpu.memory_space<hbm>> -> memref<100x64xf32, #tpu.memory_space<hbm>>
    %dma_wait3A_157 = tpu.memref_slice %arg8[%dma_wait3A_148] : memref<8x!tpu.dma_semaphore, #tpu.memory_space<semaphore_mem>> -> memref<1x!tpu.dma_semaphore, #tpu.memory_space<semaphore_mem>>
    %dma_wait3A_158 = tpu.memref_squeeze %dma_wait3A_157 : memref<1x!tpu.dma_semaphore, #tpu.memory_space<semaphore_mem>> -> memref<!tpu.dma_semaphore, #tpu.memory_space<semaphore_mem>>
    %dma_wait3A_159 = arith.constant 0 : i32
    %dma_wait3A_160 = arith.constant 0 : i32
    %dma_wait3A_161 = tpu.memref_slice %arg4[%mul3A_2, %dma_wait3A_159, %dma_wait3A_160] : memref<8192x100x64xf32, #tpu.memory_space<hbm>> -> memref<1x100x64xf32, #tpu.memory_space<hbm>>
    %dma_wait3A_162 = tpu.memref_squeeze %dma_wait3A_161 : memref<1x100x64xf32, #tpu.memory_space<hbm>> -> memref<100x64xf32, #tpu.memory_space<hbm>>
    %dma_wait3A_163 = arith.constant 0 : i32
    %dma_wait3A_164 = arith.constant 0 : i32
    %dma_wait3A_165 = tpu.memref_slice %arg6[%dma_wait3A_147, %dma_wait3A_163, %dma_wait3A_164] : memref<8x100x64xf32, #tpu.memory_space<vmem>> -> memref<1x100x64xf32, #tpu.memory_space<vmem>>
    %dma_wait3A_166 = tpu.memref_squeeze %dma_wait3A_165 : memref<1x100x64xf32, #tpu.memory_space<vmem>> -> memref<100x64xf32, #tpu.memory_space<vmem>>
    tpu.wait_dma2 semaphore(%dma_wait3A_158 : memref<!tpu.dma_semaphore, #tpu.memory_space<semaphore_mem>>) src(%dma_wait3A_166 : memref<100x64xf32, #tpu.memory_space<vmem>>) dst(%dma_wait3A_162 : memref<100x64xf32, #tpu.memory_space<hbm>>)
    return
  }
}

</mosaic_0001>

<sc_bundles>
// kernel: kernel.3.cloned.1.call-start
scs
__scs_entry_jumppad:
0x0: {  	(pc) =	sbr.rel $0x88, $3  }
0x1: {  	(tag) =	ssettag $0x0;
	lr =	simm.s32 $0x1  }
0x2: {  	[smem:$0x3F9F] =	sst lr;
	_ =	strace $0xD0000000  }
0x3: {  	_ = 	snop  }
0x4: {  	_ = 	snop  }
0x5: {  	_ = 	snop  }
0x6: {  	_ = 	snop  }
0x7: {  	_ = 	snop  }
__scs_overlays_trampoline_lowered:
0x8: {  	[smem:$0x3FAE] =	sst s0  }
0x9: {  	[smem:$0x3FAF] =	sst s1  }
0xa: {  	[smem:$0x3FB0] =	sst s2  }
0xb: {  	[smem:$0x3FB1] =	sst s3  }
0xc: {  	[smem:$0x3FB2] =	sst s4  }
0xd: {  	[smem:$0x3FB3] =	sst s5  }
0xe: {  	[smem:$0x3FB4] =	sst s6  }
0xf: {  	[smem:$0x3FB5] =	sst s7  }
0x10: {  	[smem:$0x3FB6] =	sst s8  }
0x11: {  	[smem:$0x3FB7] =	sst s9;
	s0 =	simm.s32 @!p0 $0x0  }
0x12: {  	s1 =	sld [smem:$0x3F9D];
	s0 =	simm.s32 @p0 $0x1  }
0x13: {  	[smem:$0x3FB8] =	sst s0;
	s0 =	simm.s32 @!p1 $0x0  }
0x14: {  	s2 =	sld [smem:$0x3F9C];
	s0 =	simm.s32 @p1 $0x1  }
0x15: {  	[smem:$0x3FB9] =	sst s0;
	s0 =	simm.s32 @!p2 $0x0  }
0x16: {  	s3 =	sld [smem:$0x3FDB];
	s0 =	simm.s32 @p2 $0x1  }
0x17: {  	s4 =	simm.s32 $0x1BF5;
	[smem:$0x3FBB] =	sst s0  }
0x18: {  	s0 =	sld [smem:$0x3F9E];
	_ =	swait.ge [sflag:s4], $0x0  }
0x19: {  	s7 =	sld [smem:$0x3F9F]  }
0x1a: {  	s8 =	sadd.s32 $0xFFFFE003, lr  }
0x1b: {  	s9 =	sadd.s32 $0xFFFFFEF7, lr;
	s5 =	simm.s32 $0xFFFFFFFF;
	p2 =	slt.u32 s8, $0xFFFFF086  }
0x1c: {  	p1 =	slt.u32 s9, $0xF7A;
	s5 =	simm.s32 @!p2 $0x0  }
0x1d: {  	s5 =	simm.s32 @p1 $0x1;
	p0 =	seq.s32 s7, s2  }
0x1e: {  	s7 =	smul.u32 @!p0 $0xF7A, s2;
	p2 =	seq.s32 @!p0 s5, $0x0  }
0x1f: {  	s9 =	smul.u32 $0xF7A, s1;
	s8 =	simm.s32 @!p0 $0x1BF5;
	p2 =	por !p2, p0  }
0x20: {  	[sflag:s8] =	ssyncset.s32 @!p0 $0xFFFFF086;
	s6 =	sadd.s32 @!p0 s3, s7;
	s7 =	simm.s32 @!p0 $0x108  }
0x21: {  	s3 =	sadd.s32 s3, s9;
	s6 =	sadd.s32 @!p0 $0x88, s6;
	s7 =	simm.s32 @p2 $0x1082  }
0x22: {  	[simem:s7], [sflag:s8] =	dma.local @!p0 [hbm:s6], $0xF7A  }
0x23: {  	s9 =	sor.u32 $0xD0000000, s2;
	s6 =	simm.s32 $0x108;
	_ =	swait.ge @!p0 [sflag:s8], $0x0  }
0x24: {  	s3 =	sadd.s32 $0x88, s3;
	s6 =	simm.s32 @!p1 $0x1082;
	[sflag:s4] =	ssyncset.s32 $0xFFFFF086  }
0x25: {  	[simem:s6], [sflag:s4] =	dma.local [hbm:s3], $0xF7A  }
0x26: {  	[smem:$0x3F9F] =	sst s1;
	(tag) =	ssettag s2;
	_ =	strace s9  }
0x27: {  	s1 =	sld [smem:$0x3FAF]  }
0x28: {  	s2 =	sld [smem:$0x3FB0]  }
0x29: {  	s4 =	sld [smem:$0x3FB2]  }
0x2a: {  	p0 =	seq.s32 s5, $0x0;
	s5 =	sld [smem:$0x3FB3]  }
0x2b: {  	s6 =	sld [smem:$0x3FB4]  }
0x2c: {  	s7 =	sld [smem:$0x3FB5]  }
0x2d: {  	s3 =	simm.s32 $0x108;
	s8 =	sld [smem:$0x3FB6]  }
0x2e: {  	s3 =	simm.s32 @!p0 $0x1082;
	s9 =	sld [smem:$0x3FB7]  }
0x2f: {  	lr =	sadd.s32 s0, s3;
	s0 =	sld [smem:$0x3FAE]  }
0x30: {  	s3 =	sld [smem:$0x3FB1]  }
0x31: {  	[smem:$0x3FBA] =	sst s10  }
0x32: {  	s10 =	sld [smem:$0x3FB8];
	_ =	sdelay $0x3  }
0x33: {  	p0 =	seq.s32 s10, $0x1;
	s10 =	sld [smem:$0x3FBA];
	_ =	sdelay $0x3  }
0x34: {  	[smem:$0x3FBA] =	sst s10  }
0x35: {  	s10 =	sld [smem:$0x3FB9];
	_ =	sdelay $0x3  }
0x36: {  	p1 =	seq.s32 s10, $0x1;
	s10 =	sld [smem:$0x3FBA];
	_ =	sdelay $0x3  }
0x37: {  	[smem:$0x3FBA] =	sst s10  }
0x38: {  	s10 =	sld [smem:$0x3FBB]  }
0x39: {  	_ = 	snop;
	(pc) =	sbr.ind lr, $3  }
0x3a: {  	_ = 	snop  }
0x3b: {  	_ = 	snop  }
0x3c: {  	p2 =	seq.s32 s10, $0x1;
	s10 =	sld [smem:$0x3FBA]  }
0x3d: {  	_ =	shalt  }
0x3e: {  	_ =	shalt  }
0x3f: {  	_ =	shalt  }
0x40: {  	_ =	shalt  }
0x41: {  	_ =	shalt  }
0x42: {  	_ =	shalt  }
0x43: {  	_ =	shalt  }
0x44: {  	_ =	shalt  }
0x45: {  	_ =	shalt  }
0x46: {  	_ =	shalt  }
0x47: {  	_ =	shalt  }
0x48: {  	_ =	shalt  }
0x49: {  	_ =	shalt  }
0x4a: {  	_ =	shalt  }
0x4b: {  	_ =	shalt  }
0x4c: {  	_ =	shalt  }
0x4d: {  	_ =	shalt  }
0x4e: {  	_ =	shalt  }
0x4f: {  	_ =	shalt  }
0x50: {  	_ =	shalt  }
0x51: {  	_ =	shalt  }
0x52: {  	_ =	shalt  }
0x53: {  	_ =	shalt  }
0x54: {  	_ =	shalt  }
0x55: {  	_ =	shalt  }
0x56: {  	_ =	shalt  }
0x57: {  	_ =	shalt  }
0x58: {  	_ =	shalt  }
0x59: {  	_ =	shalt  }
0x5a: {  	_ =	shalt  }
0x5b: {  	_ =	shalt  }
0x5c: {  	_ =	shalt  }
0x5d: {  	_ =	shalt  }
0x5e: {  	_ =	shalt  }
0x5f: {  	_ =	shalt  }
0x60: {  	_ =	shalt  }
0x61: {  	_ =	shalt  }
0x62: {  	_ =	shalt  }
0x63: {  	_ =	shalt  }
0x64: {  	_ =	shalt  }
0x65: {  	_ =	shalt  }
0x66: {  	_ =	shalt  }
0x67: {  	_ =	shalt  }
0x68: {  	_ =	shalt  }
0x69: {  	_ =	shalt  }
0x6a: {  	_ =	shalt  }
0x6b: {  	_ =	shalt  }
0x6c: {  	_ =	shalt  }
0x6d: {  	_ =	shalt  }
0x6e: {  	_ =	shalt  }
0x6f: {  	_ =	shalt  }
0x70: {  	_ =	shalt  }
0x71: {  	_ =	shalt  }
0x72: {  	_ =	shalt  }
0x73: {  	_ =	shalt  }
0x74: {  	_ =	shalt  }
0x75: {  	_ =	shalt  }
0x76: {  	_ =	shalt  }
0x77: {  	_ =	shalt  }
0x78: {  	_ =	shalt  }
0x79: {  	_ =	shalt  }
0x7a: {  	_ =	shalt  }
0x7b: {  	_ =	shalt  }
0x7c: {  	_ =	shalt  }
0x7d: {  	_ =	shalt  }
0x7e: {  	_ =	shalt  }
0x7f: {  	_ =	shalt  }
0x80: {  	_ =	shalt  }
0x81: {  	_ =	shalt  }
0x82: {  	_ =	shalt  }
0x83: {  	_ =	shalt  }
0x84: {  	_ =	shalt  }
0x85: {  	_ =	shalt  }
0x86: {  	_ =	shalt  }
0x87: {  	_ =	shalt  }
.Lfunc_end0:
.L_simem_size_0:
called_computation.1_lowered:
.L_overlay_start_0:
0x88: {  	s2 =	sld [smem:$0x3FD9]  }
0x89: {  	s3 =	sld [smem:$0x3FFE];
	_ =	sdelay $0x1  }
0x8a: {  	s1 =	srdreg.scid  }
0x8b: {  	s0 =	sand.u32 $0x1, s1  }
0x8c: {  	s17 =	sshll.u32 s0, $0xA;
	s2 =	sadd.s32 s3, s2  }
0x8d: {  	s2 =	sadd.s32 s2, s17  }
0x8e: {  	[smem:$0x3FC6] =	sst s2  }
0x8f: {  	_ = 	snop  }
0x90: {  	s2 =	sld [smem:$0x3FD0];
	(tm) =	ssettm $0x1  }
0x91: {  	s18 =	sld [smem:$0x3FFB];
	_ =	sdelay $0x3  }
0x92: {  	_ =	strace s18  }
0x93: {  	s3 =	sld [smem:$0x3FFC];
	_ =	sdelay $0x3  }
0x94: {  	_ =	strace s3  }
0x95: {  	s3 =	sld [smem:$0x3FFD];
	_ =	sdelay $0x3  }
0x96: {  	_ =	strace s3  }
0x97: {  	_ =	strace $0x8FFFFFFF  }
0x98: {  	s19 =	sld [smem:$0x3FDB];
	_ =	sdelay $0x1  }
0x99: {  	s4 =	simm.s32 $_scs_section_size  }
0x9a: {  	s5 =	simm.s32 $_size__tile_overlayer_lowered;
	s6 =	simm.s32 $_tile_overlayer_lowered  }
0x9b: {  	s22 =	simm.s32 $0x1BFF;
	s21 =	sshll.u32 s6, $0x1;
	s3 =	sadd.s32 s4, s19  }
0x9c: {  	s7 =	simm.s32 $0x0;
	s20 =	sshll.u32 s5, $0x1;
	s5 =	sadd.s32 s21, s3  }
0x9d: {  	[timem:s7], [sflag:s22] =	dma.local [hbm:s5], s20  }
0x9e: {  	_ =	swait.ge [sflag:s22], s20  }
0x9f: {  	s4 =	ssub.s32 $0x0, s20;
	[sflag:s22] =	ssyncset.done $0x0  }
0xa0: {  	[sflag:s22] =	ssyncadd.s32 s4;
	_ =	sdelay $0x1  }
0xa1: {  	s23 =	simm.s32 $0x1B8B  }
0xa2: {  	_ =	swait.ge [sflag:s23], $0x1  }
0xa3: {  	[sflag:s23] =	ssyncset.done $0x0  }
0xa4: {  	s25 =	simm.s32 $0x1B8E;
	s24 =	sld [smem:$0x3FFE];
	[sflag:s23] =	ssyncadd.s32 $0xFFFFFFFF  }
0xa5: {  	s26 =	simm.s32 $execute0_lowered;
	[smem:$0x3FD2] =	sst s25  }
0xa6: {  	s5 =	sshll.u32 s26, $0x1;
	_ =	strace $0x80000046;
	[dreg:$0x1] =	wrdreg $0xFFFFFFFF  }
0xa7: {  	s28 =	simm.s32 $_size_execute0_lowered;
	s3 =	sadd.s32 s3, s5;
	[dreg:$0x0] =	wrdreg $0x0  }
0xa8: {  	s5 =	sshll.u32 s28, $0x1;
	[dreg:$0x2] =	wrdreg s3  }
0xa9: {  	[dreg:$0x3] =	wrdreg s5  }
0xaa: {  	[dreg:$0x4] =	wrdreg $0xC0  }
0xab: {  	_ =	task [dreg:s7], $0x5FFFF  }
0xac: {  	[dreg:$0x1] =	wrdreg $0xFFFFFFFF  }
0xad: {  	[dreg:$0x0] =	wrdreg $0x60  }
0xae: {  	[dreg:$0x2] =	wrdreg s24  }
0xaf: {  	[dreg:$0x3] =	wrdreg s2  }
0xb0: {  	[dreg:$0x4] =	wrdreg $0x9  }
0xb1: {  	_ =	task.clear_ibuf [dreg:s7], $0x5FFFF;
	_ =	strace $0x90000046  }
0xb2: {  	s29 =	simm.s32 $0x9;
	_ =	strace $0x80000048  }
0xb3: {  	_ =	swait.ge [sflag:s29], $0x1  }
0xb4: {  	[sflag:s29] =	ssyncadd.s32 $0xFFFFFFFF  }
0xb5: {  	_ =	strace $0x90000048  }
0xb6: {  	_ =	sfence  }
0xb7: {  	s30 =	sld [smem:$0x0];
	_ =	sdelay $0x2  }
0xb8: {  	s31 =	sshll.u32 s1, $0xD;
	s1 =	sshrl.u32 s1, $0x2  }
0xb9: {  	s3 =	sand.u32 $0x4000, s31;
	s1 =	sadd.s32 s1, s30  }
0xba: {  	s0 =	sor.u32 s3, s0;
	s1 =	sshll.u32 s1, $0x11  }
0xbb: {  	s0 =	sor.u32 s1, s0  }
0xbc: {  	s0 =	sadd.s32 $0x8F2B, s0  }
0xbd: {  	[sflag:s0] =	ssyncadd.remote.s32 $0x1  }
0xbe: {  	_ =	sfence.sel $0xFFFF  }
0xbf: {  	[dreg:$0x0] =	wrdreg $0xFFFFFFFF;
	(pc) =	sbr.abs _section_cstart, $3  }
0xc0: {  	[dreg:$0x1] =	wrdreg $0xFFFFFFFF  }
0xc1: {  	_ =	task.clear_ibuf [dreg:s7], $0x2FFFF;
	_ =	strace $0x9FFFFFFF  }
0xc2: {  	(tm) =	ssettm $0x7FFFFFFF  }
0xc3: {  	_ =	shalt  }
tec
execute0_lowered:
.L_overlay_start_1:
0x0: {  	(tag) =	ssettag $0x1  }
0x1: {  	s0 =	rddreg [dreg:$0x0]  }
0x2: {  	s1 =	rddreg [dreg:$0x1];
	s2 =	simm.s32 $0x0  }
0x3: {  	s7 =	stileid.u32;
	s3 =	srdreg.scid;
	s10 =	simm.s32 $0xB000  }
0x4: {  	s11 =	simm.s32 $0x1;
	s12 =	simm.s32 $0x1A00;
	s13 =	simm.s32 $0xC900  }
0x5: {  	s14 =	simm.s32 $0x2;
	s15 =	simm.s32 $0x3300;
	s16 =	simm.s32 $0x3  }
0x6: {  	s17 =	simm.s32 $0x4C00;
	s18 =	simm.s32 $0x4;
	s19 =	simm.s32 $0x6500  }
0x7: {  	s20 =	simm.s32 $0x5;
	s21 =	simm.s32 $0x7E00;
	s22 =	simm.s32 $0x6  }
0x8: {  	s23 =	simm.s32 $0x9700;
	s24 =	simm.s32 $0x7;
	s4 =	smul.u32 $0x1A00, s7  }
0x9: {  	s25 =	simm.s32 $0x8;
	s5 =	sand.u32 $0x1, s3;
	s7 =	smul.u32 $0x64000, s7  }
0xa: {  	[smem:$0x7FF] =	sst s2;
	s3 =	sadd.s32 $0xF42E00, s0;
	s9 =	smul.u32 $0xD00, s5  }
0xb: {  	_ =	strace $0x80000047;
	s6 =	ssub.s32 $0x2, s5;
	s5 =	smul.u32 $0x32000, s5  }
0xc: {  	s4 =	sadd.s32 s4, s0;
	s8 =	sshrl.u32 s6, $0x1;
	s29 =	sadd.s32 s7, s1  }
.Ltmp0:
0xd: {  	s7 =	simm.s32 $0x11;
	s28 =	ssub.s32 s6, s8;
	(pc) =	sbr.rel .LBB2_1-.Ltmp0, $4  }
0xe: {  	s1 =	simm.s32 $0xF;
	s30 =	sadd.s32 s9, s4;
	s0 =	smax.u32 s28, $0x1  }
0xf: {  	s8 =	simm.s32 $0x64;
	s31 =	sadd.s32 $0xA00, s30;
	[dreg:$0x3] =	wrdreg s0  }
0x10: {  	s9 =	simm.s32 $0x270;
	s0 =	sadd.s32 s5, s29;
	[dreg:$0x5] =	wrdreg s31  }
0x11: {  	s4 =	simm.s32 $0x10;
	s5 =	simm.s32 $0x0;
	[dreg:$0x4] =	wrdreg s0  }
.LBB2_5:
0x12: {  	s0 =	simm.s32 $0x9  }
0x13: {  	_ =	swait.ge [sflag:s0], $0x1900  }
0x14: {  	[sflag:s0] =	ssyncset.done $0x0  }
0x15: {  	s6 =	simm.s32 $0xA;
	[sflag:s0] =	ssyncadd.s32 $0xFFFFE700  }
0x16: {  	_ =	swait.ge [sflag:s6], $0x1900  }
0x17: {  	[sflag:s6] =	ssyncset.done $0x0  }
0x18: {  	s26 =	simm.s32 $0xB;
	[sflag:s6] =	ssyncadd.s32 $0xFFFFE700  }
0x19: {  	_ =	swait.ge [sflag:s26], $0x1900  }
0x1a: {  	[sflag:s26] =	ssyncset.done $0x0  }
0x1b: {  	s28 =	simm.s32 $0xC;
	[sflag:s26] =	ssyncadd.s32 $0xFFFFE700  }
0x1c: {  	_ =	swait.ge [sflag:s28], $0x1900  }
0x1d: {  	[sflag:s28] =	ssyncset.done $0x0  }
0x1e: {  	s29 =	simm.s32 $0xD;
	[sflag:s28] =	ssyncadd.s32 $0xFFFFE700  }
0x1f: {  	_ =	swait.ge [sflag:s29], $0x1900  }
0x20: {  	[sflag:s29] =	ssyncset.done $0x0  }
0x21: {  	s30 =	simm.s32 $0xE;
	[sflag:s29] =	ssyncadd.s32 $0xFFFFE700  }
0x22: {  	_ =	swait.ge [sflag:s30], $0x1900  }
0x23: {  	[sflag:s30] =	ssyncset.done $0x0  }
0x24: {  	[sflag:s30] =	ssyncadd.s32 $0xFFFFE700  }
0x25: {  	_ =	swait.ge [sflag:s1], $0x1900  }
0x26: {  	[sflag:s1] =	ssyncset.done $0x0  }
0x27: {  	[sflag:s1] =	ssyncadd.s32 $0xFFFFE700  }
0x28: {  	_ =	swait.ge [sflag:s4], $0x1900  }
0x29: {  	s5 =	sadd.s32 $0x1, s5;
	s31 =	rddreg [dreg:$0x3]  }
0x2a: {  	p0 =	sne.s32 s5, s31  }
.Ltmp1:
0x2b: {  	_ = 	snop;
	(pc) =	sbr.rel @!p0 .LBB2_6-.Ltmp1, $3  }
0x2c: {  	_ =	sdelay $0x1  }
0x2d: {  	[sflag:s4] =	ssyncset.done $0x0  }
0x2e: {  	[sflag:s4] =	ssyncadd.s32 $0xFFFFE700  }
.LBB2_1:
.Ltmp2:
0x2f: {  	(pc) =	sbr.rel .LBB2_2-.Ltmp2, $3  }
0x30: {  	_ =	sdelay $0x1  }
0x31: {  	s6 =	rddreg [dreg:$0x5]  }
0x32: {  	s26 =	rddreg [dreg:$0x4];
	s28 =	simm.s32 $0x0;
	s29 =	simm.s32 $0x0  }
.LBB2_4:
0x33: {  	_ =	swait.ge [sflag:s11], $0x1900  }
0x34: {  	p0 =	seq.s32 s28, $0x0;
	s0 =	sand.u32 $0x38, s28;
	[sflag:s11] =	ssyncset.done $0x0  }
0x35: {  	s30 =	simm.s32 @!p0 $0x10;
	s0 =	smul.u32 $0x1A0, s0;
	[sflag:s11] =	ssyncadd.s32 $0xFFFFE700  }
0x36: {  	[hbm4b:s26+s2] =	stream.linear.scatter [tilespmem:s12], [sflag:$0x9], $0x1900, $0x38;
	[tilespmem:$0xE200] =	vst v63  }
0x37: {  	_ =	swait.ge @!p0 [sflag:s30], $0x1900  }
0x38: {  	s0 =	sshrl.u32 s0, $0x2;
	[sflag:s30] =	ssyncset.done @!p0 $0x0  }
0x39: {  	s0 =	sadd.s32 $0x2D8, s0;
	[sflag:s30] =	ssyncadd.s32 @!p0 $0xFFFFE700;
	s30 =	sadd.s32 $0x1, s28  }
0x3a: {  	[tilespmem:s13], [sflag:$0x8] =	stream.indirect.gather [hbm4b:s3+s8], $0x40, s0, s8, $0xb8;
	[tilespmem:$0xE200] =	vst v63  }
0x3b: {  	s0 =	sand.u32 $0x39, s30  }
0x3c: {  	_ =	swait.ge [sflag:s14], $0x1900;
	p0 =	seq.s32 s0, $0x39  }
0x3d: {  	s31 =	sadd.s32 $0x320, s26;
	[sflag:s14] =	ssyncset.done $0x0;
	s30 =	sadd.s32 @!p0 $0x8, s28  }
0x3e: {  	s0 =	simm.s32 @!p0 $0x9;
	[sflag:s14] =	ssyncadd.s32 $0xFFFFE700;
	s30 =	sand.u32 @!p0 $0x38, s30  }
0x3f: {  	[hbm4b:s31+s2] =	stream.linear.scatter [tilespmem:s15], [sflag:$0xA], $0x1900, $0x38;
	[tilespmem:$0xE200] =	vst v63  }
0x40: {  	s30 =	smul.u32 @!p0 $0x1A0, s30;
	_ =	swait.ge @!p0 [sflag:s0], $0x1900  }
0x41: {  	s31 =	simm.s32 @!p0 $0x1A00;
	[sflag:s0] =	ssyncset.done @!p0 $0x0  }
0x42: {  	[sflag:s0] =	ssyncadd.s32 @!p0 $0xFFFFE700;
	s0 =	sshrl.u32 @!p0 s30, $0x2;
	s30 =	simm.s32 @!p0 $0x64  }
0x43: {  	[tilespmem:s31], [sflag:$0x1] =	stream.indirect.gather @!p0 [hbm4b:s3+s30], $0x40, s0, s30, $0xb8;
	[tilespmem:$0xE200] =	vst v63  }
0x44: {  	s30 =	sadd.s32 $0x2, s28  }
0x45: {  	_ =	swait.ge [sflag:s16], $0x1900;
	s0 =	sand.u32 $0x3A, s30  }
0x46: {  	[sflag:s16] =	ssyncset.done $0x0;
	p0 =	sgt.u32 s0, $0x38  }
0x47: {  	s31 =	sadd.s32 $0x640, s26;
	[sflag:s16] =	ssyncadd.s32 $0xFFFFE700;
	s30 =	sadd.s32 @!p0 $0x9, s28  }
0x48: {  	[hbm4b:s31+s2] =	stream.linear.scatter [tilespmem:s17], [sflag:$0xB], $0x1900, $0x38;
	[tilespmem:$0xE200] =	vst v63  }
0x49: {  	s0 =	simm.s32 @!p0 $0xA;
	s30 =	sand.u32 @!p0 $0x39, s30  }
0x4a: {  	_ =	swait.ge @!p0 [sflag:s0], $0x1900;
	s30 =	smul.u32 @!p0 $0x1A0, s30  }
0x4b: {  	s31 =	simm.s32 @!p0 $0x3300;
	[sflag:s0] =	ssyncset.done @!p0 $0x0  }
0x4c: {  	[sflag:s0] =	ssyncadd.s32 @!p0 $0xFFFFE700;
	s0 =	sshrl.u32 @!p0 s30, $0x2;
	s30 =	simm.s32 @!p0 $0x64  }
0x4d: {  	[tilespmem:s31], [sflag:$0x2] =	stream.indirect.gather @!p0 [hbm4b:s3+s30], $0x40, s0, s30, $0xb8;
	[tilespmem:$0xE200] =	vst v63  }
0x4e: {  	s30 =	sadd.s32 $0x3, s28  }
0x4f: {  	_ =	swait.ge [sflag:s18], $0x1900;
	s0 =	sand.u32 $0x3B, s30  }
0x50: {  	[sflag:s18] =	ssyncset.done $0x0;
	p0 =	sgt.u32 s0, $0x38  }
0x51: {  	s31 =	sadd.s32 $0x960, s26;
	[sflag:s18] =	ssyncadd.s32 $0xFFFFE700;
	s30 =	sadd.s32 @!p0 $0xA, s28  }
0x52: {  	[hbm4b:s31+s2] =	stream.linear.scatter [tilespmem:s19], [sflag:$0xC], $0x1900, $0x38;
	[tilespmem:$0xE200] =	vst v63  }
0x53: {  	s0 =	simm.s32 @!p0 $0xB;
	s30 =	sand.u32 @!p0 $0x3A, s30  }
0x54: {  	_ =	swait.ge @!p0 [sflag:s0], $0x1900;
	s30 =	smul.u32 @!p0 $0x1A0, s30  }
0x55: {  	s31 =	simm.s32 @!p0 $0x4C00;
	[sflag:s0] =	ssyncset.done @!p0 $0x0  }
0x56: {  	[sflag:s0] =	ssyncadd.s32 @!p0 $0xFFFFE700;
	s0 =	sshrl.u32 @!p0 s30, $0x2;
	s30 =	simm.s32 @!p0 $0x64  }
0x57: {  	[tilespmem:s31], [sflag:$0x3] =	stream.indirect.gather @!p0 [hbm4b:s3+s30], $0x40, s0, s30, $0xb8;
	[tilespmem:$0xE200] =	vst v63  }
0x58: {  	s30 =	sadd.s32 $0x4, s28  }
0x59: {  	_ =	swait.ge [sflag:s20], $0x1900;
	s0 =	sand.u32 $0x3C, s30  }
0x5a: {  	[sflag:s20] =	ssyncset.done $0x0;
	p0 =	sgt.u32 s0, $0x38  }
0x5b: {  	s31 =	sadd.s32 $0xC80, s26;
	[sflag:s20] =	ssyncadd.s32 $0xFFFFE700;
	s30 =	sadd.s32 @!p0 $0xB, s28  }
0x5c: {  	[hbm4b:s31+s2] =	stream.linear.scatter [tilespmem:s21], [sflag:$0xD], $0x1900, $0x38;
	[tilespmem:$0xE200] =	vst v63  }
0x5d: {  	s0 =	simm.s32 @!p0 $0xC;
	s30 =	sand.u32 @!p0 $0x3B, s30  }
0x5e: {  	_ =	swait.ge @!p0 [sflag:s0], $0x1900;
	s30 =	smul.u32 @!p0 $0x1A0, s30  }
0x5f: {  	s31 =	simm.s32 @!p0 $0x6500;
	[sflag:s0] =	ssyncset.done @!p0 $0x0  }
0x60: {  	[sflag:s0] =	ssyncadd.s32 @!p0 $0xFFFFE700;
	s0 =	sshrl.u32 @!p0 s30, $0x2;
	s30 =	simm.s32 @!p0 $0x64  }
0x61: {  	[tilespmem:s31], [sflag:$0x4] =	stream.indirect.gather @!p0 [hbm4b:s3+s30], $0x40, s0, s30, $0xb8;
	[tilespmem:$0xE200] =	vst v63  }
0x62: {  	s30 =	sadd.s32 $0x5, s28  }
0x63: {  	_ =	swait.ge [sflag:s22], $0x1900;
	s0 =	sand.u32 $0x3D, s30  }
0x64: {  	[sflag:s22] =	ssyncset.done $0x0;
	p0 =	sgt.u32 s0, $0x38  }
0x65: {  	s31 =	sadd.s32 $0xFA0, s26;
	[sflag:s22] =	ssyncadd.s32 $0xFFFFE700;
	s30 =	sadd.s32 @!p0 $0xC, s28  }
0x66: {  	[hbm4b:s31+s2] =	stream.linear.scatter [tilespmem:s23], [sflag:$0xE], $0x1900, $0x38;
	[tilespmem:$0xE200] =	vst v63  }
0x67: {  	s0 =	simm.s32 @!p0 $0xD;
	s30 =	sand.u32 @!p0 $0x3C, s30  }
0x68: {  	_ =	swait.ge @!p0 [sflag:s0], $0x1900;
	s30 =	smul.u32 @!p0 $0x1A0, s30  }
0x69: {  	s31 =	simm.s32 @!p0 $0x7E00;
	[sflag:s0] =	ssyncset.done @!p0 $0x0  }
0x6a: {  	[sflag:s0] =	ssyncadd.s32 @!p0 $0xFFFFE700;
	s0 =	sshrl.u32 @!p0 s30, $0x2;
	s30 =	simm.s32 @!p0 $0x64  }
0x6b: {  	[tilespmem:s31], [sflag:$0x5] =	stream.indirect.gather @!p0 [hbm4b:s3+s30], $0x40, s0, s30, $0xb8;
	[tilespmem:$0xE200] =	vst v63  }
0x6c: {  	s30 =	sadd.s32 $0x6, s28  }
0x6d: {  	_ =	swait.ge [sflag:s24], $0x1900;
	s0 =	sand.u32 $0x3E, s30  }
0x6e: {  	[sflag:s24] =	ssyncset.done $0x0;
	p0 =	sgt.u32 s0, $0x38  }
0x6f: {  	s31 =	sadd.s32 $0x12C0, s26;
	[sflag:s24] =	ssyncadd.s32 $0xFFFFE700;
	s30 =	sadd.s32 @!p0 $0xD, s28  }
0x70: {  	[hbm4b:s31+s2] =	stream.linear.scatter [tilespmem:s10], [sflag:$0xF], $0x1900, $0x38;
	[tilespmem:$0xE200] =	vst v63  }
0x71: {  	s0 =	simm.s32 @!p0 $0xE;
	s30 =	sand.u32 @!p0 $0x3D, s30  }
0x72: {  	_ =	swait.ge @!p0 [sflag:s0], $0x1900;
	s30 =	smul.u32 @!p0 $0x1A0, s30  }
0x73: {  	s31 =	simm.s32 @!p0 $0x9700;
	[sflag:s0] =	ssyncset.done @!p0 $0x0  }
0x74: {  	[sflag:s0] =	ssyncadd.s32 @!p0 $0xFFFFE700;
	s0 =	sshrl.u32 @!p0 s30, $0x2;
	s30 =	simm.s32 @!p0 $0x64  }
0x75: {  	[tilespmem:s31], [sflag:$0x6] =	stream.indirect.gather @!p0 [hbm4b:s3+s30], $0x40, s0, s30, $0xb8;
	[tilespmem:$0xE200] =	vst v63  }
0x76: {  	s30 =	sadd.s32 $0x7, s28  }
0x77: {  	_ =	swait.ge [sflag:s25], $0x1900;
	s0 =	sand.u32 $0x3F, s30  }
0x78: {  	[sflag:s25] =	ssyncset.done $0x0;
	p0 =	sgt.u32 s0, $0x38  }
0x79: {  	s31 =	sadd.s32 $0x15E0, s26;
	[sflag:s25] =	ssyncadd.s32 $0xFFFFE700;
	s30 =	sadd.s32 @!p0 $0xE, s28  }
0x7a: {  	[hbm4b:s31+s2] =	stream.linear.scatter [tilespmem:s13], [sflag:$0x10], $0x1900, $0x38;
	[tilespmem:$0xE200] =	vst v63  }
0x7b: {  	s0 =	simm.s32 @!p0 $0xF;
	s30 =	sand.u32 @!p0 $0x3E, s30  }
0x7c: {  	_ =	swait.ge @!p0 [sflag:s0], $0x1900;
	s30 =	smul.u32 @!p0 $0x1A0, s30  }
0x7d: {  	s28 =	sadd.s32 $0x8, s28;
	s31 =	simm.s32 @!p0 $0xB000;
	[sflag:s0] =	ssyncset.done @!p0 $0x0  }
0x7e: {  	[sflag:s0] =	ssyncadd.s32 @!p0 $0xFFFFE700;
	s0 =	sshrl.u32 @!p0 s30, $0x2;
	s30 =	simm.s32 @!p0 $0x64  }
0x7f: {  	[tilespmem:s31], [sflag:$0x7] =	stream.indirect.gather @!p0 [hbm4b:s3+s30], $0x40, s0, s30, $0xb8;
	[tilespmem:$0xE200] =	vst v63  }
0x80: {  	p0 =	sne.s32 s28, $0x100  }
.Ltmp3:
0x81: {  	_ = 	snop;
	(pc) =	sbr.rel @!p0 .LBB2_5-.Ltmp3, $2  }
0x82: {  	_ =	sdelay $0x2  }
0x83: {  	s29 =	sadd.s32 $0x1, s29;
	s6 =	sadd.s32 $0x68, s6;
	s26 =	sadd.s32 $0x1900, s26  }
.LBB2_2:
0x84: {  	s30 =	sand.u32 $0x7, s29  }
0x85: {  	p0 =	sne.s32 s30, $0x0  }
.Ltmp4:
0x86: {  	_ = 	snop;
	(pc) =	sbr.rel @p0 .LBB2_4-.Ltmp4, $1  }
0x87: {  	_ =	sdelay $0x3  }
0x88: {  	[tilespmem:s2], [sflag:$0x11] =	stream.linear.gather [hbm4b:s6+s2], $0x1A00, $0x38;
	[tilespmem:$0xE200] =	vst v63  }
0x89: {  	_ =	swait.ge [sflag:s7], $0x1A00  }
0x8a: {  	p0 =	sne.s32 s28, $0x0;
	[sflag:s7] =	ssyncset.done $0x0  }
0x8b: {  	s30 =	simm.s32 @p0 $0x9;
	[sflag:s7] =	ssyncadd.s32 $0xFFFFE600  }
0x8c: {  	_ =	swait.ge @p0 [sflag:s30], $0x1900  }
0x8d: {  	s31 =	simm.s32 @p0 $0x0;
	[sflag:s30] =	ssyncset.done @p0 $0x0  }
0x8e: {  	s0 =	simm.s32 @p0 $0x1A00;
	[sflag:s30] =	ssyncadd.s32 @p0 $0xFFFFE700;
	s30 =	simm.s32 @p0 $0x64  }
0x8f: {  	[tilespmem:s0], [sflag:$0x1] =	stream.indirect.gather @p0 [hbm4b:s3+s30], $0x40, s31, s30, $0xb8;
	[tilespmem:$0xE200] =	vst v63  }
0x90: {  	s0 =	simm.s32 @p0 $0xA  }
0x91: {  	_ =	swait.ge @p0 [sflag:s0], $0x1900  }
0x92: {  	[sflag:s0] =	ssyncset.done @p0 $0x0  }
0x93: {  	s31 =	simm.s32 @p0 $0x3300;
	[sflag:s0] =	ssyncadd.s32 @p0 $0xFFFFE700;
	s0 =	simm.s32 @p0 $0x68  }
0x94: {  	[tilespmem:s31], [sflag:$0x2] =	stream.indirect.gather @p0 [hbm4b:s3+s30], $0x40, s0, s30, $0xb8;
	[tilespmem:$0xE200] =	vst v63  }
0x95: {  	s0 =	simm.s32 @p0 $0xB  }
0x96: {  	_ =	swait.ge @p0 [sflag:s0], $0x1900  }
0x97: {  	[sflag:s0] =	ssyncset.done @p0 $0x0  }
0x98: {  	s31 =	simm.s32 @p0 $0x4C00;
	[sflag:s0] =	ssyncadd.s32 @p0 $0xFFFFE700;
	s0 =	simm.s32 @p0 $0xD0  }
0x99: {  	[tilespmem:s31], [sflag:$0x3] =	stream.indirect.gather @p0 [hbm4b:s3+s30], $0x40, s0, s30, $0xb8;
	[tilespmem:$0xE200] =	vst v63  }
0x9a: {  	s0 =	simm.s32 @p0 $0xC  }
0x9b: {  	_ =	swait.ge @p0 [sflag:s0], $0x1900  }
0x9c: {  	[sflag:s0] =	ssyncset.done @p0 $0x0  }
0x9d: {  	s31 =	simm.s32 @p0 $0x6500;
	[sflag:s0] =	ssyncadd.s32 @p0 $0xFFFFE700;
	s0 =	simm.s32 @p0 $0x138  }
0x9e: {  	[tilespmem:s31], [sflag:$0x4] =	stream.indirect.gather @p0 [hbm4b:s3+s30], $0x40, s0, s30, $0xb8;
	[tilespmem:$0xE200] =	vst v63  }
0x9f: {  	s0 =	simm.s32 @p0 $0xD  }
0xa0: {  	_ =	swait.ge @p0 [sflag:s0], $0x1900  }
0xa1: {  	[sflag:s0] =	ssyncset.done @p0 $0x0  }
0xa2: {  	s31 =	simm.s32 @p0 $0x7E00;
	[sflag:s0] =	ssyncadd.s32 @p0 $0xFFFFE700;
	s0 =	simm.s32 @p0 $0x1A0  }
0xa3: {  	[tilespmem:s31], [sflag:$0x5] =	stream.indirect.gather @p0 [hbm4b:s3+s30], $0x40, s0, s30, $0xb8;
	[tilespmem:$0xE200] =	vst v63  }
0xa4: {  	s0 =	simm.s32 @p0 $0xE  }
0xa5: {  	_ =	swait.ge @p0 [sflag:s0], $0x1900  }
0xa6: {  	[sflag:s0] =	ssyncset.done @p0 $0x0  }
0xa7: {  	s31 =	simm.s32 @p0 $0x9700;
	[sflag:s0] =	ssyncadd.s32 @p0 $0xFFFFE700;
	s0 =	simm.s32 @p0 $0x208  }
0xa8: {  	[tilespmem:s31], [sflag:$0x6] =	stream.indirect.gather @p0 [hbm4b:s3+s30], $0x40, s0, s30, $0xb8;
	[tilespmem:$0xE200] =	vst v63  }
0xa9: {  	s0 =	simm.s32 @p0 $0xF  }
0xaa: {  	_ =	swait.ge @p0 [sflag:s0], $0x1900  }
0xab: {  	s30 =	simm.s32 @!p0 $0x0;
	[sflag:s0] =	ssyncset.done @p0 $0x0  }
0xac: {  	s31 =	simm.s32 @!p0 $0x1A00;
	[sflag:s0] =	ssyncadd.s32 @p0 $0xFFFFE700;
	s0 =	simm.s32 @!p0 $0x64  }
0xad: {  	[tilespmem:s31], [sflag:$0x1] =	stream.indirect.gather @!p0 [hbm4b:s3+s0], $0x40, s30, s0, $0xb8;
	[tilespmem:$0xE200] =	vst v63  }
0xae: {  	s30 =	simm.s32 @!p0 $0x68;
	s31 =	simm.s32 @!p0 $0x3300  }
0xaf: {  	[tilespmem:s31], [sflag:$0x2] =	stream.indirect.gather @!p0 [hbm4b:s3+s0], $0x40, s30, s0, $0xb8;
	[tilespmem:$0xE200] =	vst v63  }
0xb0: {  	s30 =	simm.s32 @!p0 $0xD0;
	s31 =	simm.s32 @!p0 $0x4C00  }
0xb1: {  	[tilespmem:s31], [sflag:$0x3] =	stream.indirect.gather @!p0 [hbm4b:s3+s0], $0x40, s30, s0, $0xb8;
	[tilespmem:$0xE200] =	vst v63  }
0xb2: {  	s30 =	simm.s32 @!p0 $0x138;
	s31 =	simm.s32 @!p0 $0x6500  }
0xb3: {  	[tilespmem:s31], [sflag:$0x4] =	stream.indirect.gather @!p0 [hbm4b:s3+s0], $0x40, s30, s0, $0xb8;
	[tilespmem:$0xE200] =	vst v63  }
0xb4: {  	s30 =	simm.s32 @!p0 $0x1A0;
	s31 =	simm.s32 @!p0 $0x7E00  }
0xb5: {  	[tilespmem:s31], [sflag:$0x5] =	stream.indirect.gather @!p0 [hbm4b:s3+s0], $0x40, s30, s0, $0xb8;
	[tilespmem:$0xE200] =	vst v63  }
.Ltmp5:
0xb6: {  	_ = 	snop;
	(pc) =	sbr.rel .LBB2_4-.Ltmp5, $4  }
0xb7: {  	s30 =	simm.s32 @!p0 $0x208;
	s31 =	simm.s32 @!p0 $0x9700  }
0xb8: {  	[tilespmem:s31], [sflag:$0x6] =	stream.indirect.gather @!p0 [hbm4b:s3+s0], $0x40, s30, s0, $0xb8;
	[tilespmem:$0xE200] =	vst v63  }
0xb9: {  	_ = 	snop  }
0xba: {  	[tilespmem:s10], [sflag:$0x7] =	stream.indirect.gather [hbm4b:s3+s8], $0x40, s9, s8, $0xb8;
	[tilespmem:$0xE200] =	vst v63  }
.LBB2_6:
0xbb: {  	_ =	sfence.sel $0x180000  }
0xbc: {  	[bflag:$0x0] =	sbarrier.arrive $0xFFFF  }
0xbd: {  	_ =	strace $0x90000047  }
0xbe: {  	s0 =	stileid.u32;
	[bflag:$0x2] =	sbarrier.arrive $0xFFFF  }
0xbf: {  	p0 =	sne.s32 s0, $0x0;
	s0 =	rddreg [dreg:$0x2]  }
0xc0: {  	s0 =	sadd.s32 @!p0 $0x100000, s0  }
0xc1: {  	[sflag:s0] =	ssyncadd.tile.s32 @!p0 $0x1;
	_ =	shalt  }
.Lfunc_end2:
_tile_overlayer_lowered:
.L_overlay_start_2:
0xc2: {  	(tag) =	ssettag $0x2  }
0xc3: {  	s0 =	rddreg [dreg:$0x0];
	s2 =	stileid.u32  }
0xc4: {  	s1 =	rddreg [dreg:$0x1];
	p0 =	sne.s32 s2, $0x0  }
0xc5: {  	s3 =	rddreg [dreg:$0x2];
	[bflag:$0x3] =	sbarrier.arrive $0xFFFF;
	s2 =	simm.s32 @!p0 $0x1C11  }
0xc6: {  	[timem:s3], [sflag:s2] =	dma.local @!p0 [hbm:s0], s1  }
0xc7: {  	s0 =	simm.s32 @!p0 $0x11  }
0xc8: {  	_ =	swait.ge @!p0 [sflag:s0], s1  }
0xc9: {  	s1 =	ssub.s32 @!p0 $0x0, s1;
	[sflag:s0] =	ssyncset.done @!p0 $0x0  }
0xca: {  	[sflag:s0] =	ssyncadd.s32 @!p0 s1  }
0xcb: {  	[bflag:$0x3] =	sbarrier.arrive $0xFFFF  }
0xcc: {  	_ =	shalt  }

// kernel: sparse-core-data-format-call.cloned.1.call-start
scs
called_computation_lowered:
.L_overlay_start_0:
0x0: {  	s2 =	sld [smem:$0x3FD9]  }
0x1: {  	s3 =	sld [smem:$0x3FFE];
	_ =	sdelay $0x1  }
0x2: {  	s1 =	srdreg.scid  }
0x3: {  	s0 =	sand.u32 $0x1, s1  }
0x4: {  	s18 =	sshll.u32 s0, $0xA;
	s2 =	sadd.s32 s3, s2  }
0x5: {  	s2 =	sadd.s32 s2, s18  }
0x6: {  	[smem:$0x3FC6] =	sst s2  }
0x7: {  	_ = 	snop  }
0x8: {  	s2 =	sld [smem:$0x3FD0];
	(tm) =	ssettm $0x1  }
0x9: {  	s19 =	sld [smem:$0x3FFB];
	_ =	sdelay $0x3  }
0xa: {  	_ =	strace s19  }
0xb: {  	s3 =	sld [smem:$0x3FFC];
	_ =	sdelay $0x3  }
0xc: {  	_ =	strace s3  }
0xd: {  	s3 =	sld [smem:$0x3FFD];
	_ =	sdelay $0x3  }
0xe: {  	_ =	strace s3  }
0xf: {  	_ =	strace $0x8FFFFFFF  }
0x10: {  	s20 =	sld [smem:$0x3FDB];
	_ =	sdelay $0x1  }
0x11: {  	s4 =	simm.s32 $_scs_section_size  }
0x12: {  	s5 =	simm.s32 $_size__tile_overlayer_lowered;
	s6 =	simm.s32 $_tile_overlayer_lowered  }
0x13: {  	s23 =	simm.s32 $0x1BFF;
	s22 =	sshll.u32 s6, $0x1;
	s3 =	sadd.s32 s4, s20  }
0x14: {  	s7 =	simm.s32 $0x0;
	s21 =	sshll.u32 s5, $0x1;
	s5 =	sadd.s32 s22, s3  }
0x15: {  	[timem:s7], [sflag:s23] =	dma.local [hbm:s5], s21  }
0x16: {  	_ =	swait.ge [sflag:s23], s21  }
0x17: {  	s4 =	ssub.s32 $0x0, s21;
	[sflag:s23] =	ssyncset.done $0x0  }
0x18: {  	[sflag:s23] =	ssyncadd.s32 s4;
	_ =	sdelay $0x1  }
0x19: {  	s24 =	simm.s32 $0x1B8B  }
0x1a: {  	_ =	swait.ge [sflag:s24], $0x1  }
0x1b: {  	[sflag:s24] =	ssyncset.done $0x0  }
0x1c: {  	s26 =	simm.s32 $0x1B8E;
	s25 =	sld [smem:$0x3FFE];
	[sflag:s24] =	ssyncadd.s32 $0xFFFFFFFF  }
0x1d: {  	s27 =	simm.s32 $execute0_lowered;
	[smem:$0x3FD2] =	sst s26  }
0x1e: {  	s5 =	sshll.u32 s27, $0x1;
	_ =	strace $0x80000049;
	[dreg:$0x1] =	wrdreg $0xFFFFFFFF  }
0x1f: {  	s28 =	simm.s32 $_size_execute0_lowered;
	s3 =	sadd.s32 s3, s5;
	[dreg:$0x0] =	wrdreg $0x0  }
0x20: {  	s5 =	sshll.u32 s28, $0x1;
	[dreg:$0x2] =	wrdreg s3  }
0x21: {  	[dreg:$0x3] =	wrdreg s5  }
0x22: {  	[dreg:$0x4] =	wrdreg $0xC0  }
0x23: {  	_ =	task [dreg:s7], $0x5FFFF  }
0x24: {  	[dreg:$0x1] =	wrdreg $0xFFFFFFFF  }
0x25: {  	[dreg:$0x0] =	wrdreg $0x60  }
0x26: {  	[dreg:$0x2] =	wrdreg s25  }
0x27: {  	[dreg:$0x3] =	wrdreg s2  }
0x28: {  	[dreg:$0x4] =	wrdreg $0x9  }
0x29: {  	_ =	task.clear_ibuf [dreg:s7], $0x5FFFF;
	_ =	strace $0x90000049  }
0x2a: {  	s29 =	simm.s32 $0x9;
	_ =	strace $0x8000004B  }
0x2b: {  	_ =	swait.ge [sflag:s29], $0x1  }
0x2c: {  	[sflag:s29] =	ssyncadd.s32 $0xFFFFFFFF  }
0x2d: {  	_ =	strace $0x9000004B  }
0x2e: {  	_ =	sfence  }
0x2f: {  	s30 =	sld [smem:$0x0];
	_ =	sdelay $0x2  }
0x30: {  	s31 =	sshll.u32 s1, $0xD;
	s1 =	sshrl.u32 s1, $0x2  }
0x31: {  	s3 =	sand.u32 $0x4000, s31;
	s1 =	sadd.s32 s1, s30  }
0x32: {  	s0 =	sor.u32 s3, s0;
	s1 =	sshll.u32 s1, $0x11  }
0x33: {  	s0 =	sor.u32 s1, s0  }
0x34: {  	s0 =	sadd.s32 $0x8F2B, s0  }
0x35: {  	[sflag:s0] =	ssyncadd.remote.s32 $0x1  }
0x36: {  	_ =	sfence.sel $0xFFFF  }
0x37: {  	[dreg:$0x0] =	wrdreg $0xFFFFFFFF;
	(pc) =	sbr.abs _section_cstart, $3  }
0x38: {  	[dreg:$0x1] =	wrdreg $0xFFFFFFFF  }
0x39: {  	_ =	task.clear_ibuf [dreg:s7], $0x2FFFF;
	_ =	strace $0x9FFFFFFF  }
0x3a: {  	(tm) =	ssettm $0x7FFFFFFF  }
0x3b: {  	_ =	shalt  }
tec
execute0_lowered:
.L_overlay_start_1:
0x0: {  	(tag) =	ssettag $0x1  }
0x1: {  	s0 =	srdreg.scid  }
0x2: {  	s1 =	sshll.u32 s0, $0x4  }
0x3: {  	s0 =	stileid.u32;
	s1 =	sand.u32 $0x10, s1  }
0x4: {  	s1 =	sor.u32 s0, s1  }
0x5: {  	s6 =	rddreg [dreg:$0x0];
	s4 =	simm.s32 $0x1;
	s2 =	sshll.u32 s1, $0x7  }
0x6: {  	s7 =	simm.s32 $0x2;
	s12 =	simm.s32 $0x0;
	s1 =	ssub.s32 $0x4000, s2  }
0x7: {  	s8 =	simm.s32 $0x20000;
	s13 =	simm.s32 $0x0;
	s3 =	sand.u32 $0xF80, s1  }
0x8: {  	s9 =	simm.s32 $0x0;
	s5 =	sshrl.u32 s1, $0xC;
	p0 =	sne.s32 s3, $0x0  }
.Ltmp0:
0x9: {  	s1 =	rddreg [dreg:$0x2];
	s4 =	simm.s32 @!p0 $0x0;
	(pc) =	sbr.rel .LBB1_1-.Ltmp0, $4  }
0xa: {  	s11 =	simm.s32 $0x0;
	s3 =	rddreg [dreg:$0x1];
	s5 =	sadd.s32 s4, s5  }
0xb: {  	_ =	strace $0x8000004A;
	s4 =	simm.s32 $0x1;
	s5 =	smul.u32 $0x32, s5  }
0xc: {  	s6 =	sadd.s32 $0xA00, s6;
	s10 =	smov.u32 s2;
	[sflag:s4] =	ssyncpa.u1 $0x0  }
0xd: {  	p0 =	por $0x0, $0x0;
	[sflag:s7] =	ssyncpa.u1 $0x0;
	s7 =	sor.u32 $0x1, s5  }
.LBB1_4:
0xe: {  	s16 =	sshll.u32 s13, $0x3;
	s17 =	sand.u32 $0x78, s13  }
0xf: {  	s30 =	sand.u32 $0x1F800, s13;
	s12 =	sshll.u32 s12, $0x11;
	s16 =	sand.u32 $0x3C00, s16  }
0x10: {  	[tilespmem:s15+$0x810 ss:$0x81] =	vst.msk $0xffff, v2;
	s31 =	sand.u32 $0x7, s13;
	s16 =	sor.u32 s17, s16;
	s17 =	sadd.s32 s3, s30  }
0x11: {  	[tilespmem:s15+$0x1020 ss:$0x81] =	vst.msk $0xffff, v0;
	s13 =	sshll.u32 s31, $0x12;
	s12 =	sadd.s32 s12, s17;
	s16 =	sshrl.u32 s16, $0x3  }
0x12: {  	[tilespmem:s15+$0x0 ss:$0x81] =	vst.msk $0xffff, v1;
	s13 =	sor.u32 $0x400, s13;
	s12 =	sadd.s32 s16, s12  }
0x13: {  	[hbm4b:s12+s13] =	stream.strided.scatter [tilespmem:s14], [sflag:$0x2], $0x2000, s8, s13, $0x20;
	[tilespmem:$0x8080] =	vst v63  }
.LBB1_5:
0x14: {  	s14 =	sadd.s32 $0x1, s9  }
0x15: {  	s12 =	sadd.s32 $0x1000, s10;
	s16 =	smov.u32 s10;
	p2 =	sgt.s32 s14, $0x31  }
0x16: {  	s16 =	smov.u32 @p2 s12  }
0x17: {  	s14 =	simm.s32 @p2 $0x0;
	p2 =	sgt.s32 s16, $0x3FFF  }
0x18: {  	s16 =	smov.u32 @p2 s2;
	p2 =	sne.s32 s11, s7  }
.Ltmp1:
0x19: {  	p1 =	slt.u32 s11, $0x2;
	(pc) =	sbr.rel @!p2 .LBB1_6-.Ltmp1, $4  }
0x1a: {  	s15 =	simm.s32 @!p1 $0x2  }
0x1b: {  	s13 =	smov.u32 s10;
	p0 =	por !p0, !p0;
	_ =	swait.ge @!p1 [sflag:s15], $0x2000  }
0x1c: {  	s12 =	smov.u32 s9;
	[sflag:s15] =	ssyncset.done @!p1 $0x0;
	s9 =	smov.u32 s14  }
0x1d: {  	s11 =	sadd.s32 $0x1, s11;
	[sflag:s15] =	ssyncadd.s32 @!p1 $0xFFFFE000;
	s10 =	smov.u32 s16  }
.LBB1_1:
0x1e: {  	p1 =	sge.u32 s11, s5  }
0x1f: {  	s14 =	sand.u32 @!p1 $0x1FFFFFF, s9  }
0x20: {  	s15 =	smulhi.u32 @!p1 $0x4924925, s14;
	_ =	sdelay $0x1  }
0x21: {  	s15 =	smul.u32 @!p1 $0x38, s15  }
0x22: {  	s16 =	sxor.u32 @!p1 $0xFFFFFFFF, s11;
	s17 =	smul.u32 @!p1 $0x380, s10  }
0x23: {  	s31 =	sadd.s32 $0xFFFFFFFF, s11;
	s16 =	sshll.u32 @!p1 s16, $0xD;
	s14 =	ssub.s32 @!p1 s14, s15  }
0x24: {  	s15 =	sand.u32 @!p1 $0x2000, s16;
	s16 =	sadd.s32 @!p1 s6, s17;
	s14 =	sshll.u32 @!p1 s14, $0x4  }
0x25: {  	s17 =	simm.s32 @!p1 $0x1C00;
	s14 =	sadd.s32 @!p1 s14, s16;
	s16 =	simm.s32 @!p1 $0x40  }
0x26: {  	[tilespmem:s15], [sflag:$0x1] =	stream.strided.gather @!p1 [hbm4b:s14+s16], $0x2000, s17, s16, $0x38;
	[tilespmem:$0x8080] =	vst v63  }
0x27: {  	p1 =	sge.u32 s31, s5  }
.Ltmp2:
0x28: {  	_ = 	snop;
	(pc) =	sbr.rel @p1 .LBB1_5-.Ltmp2, $1  }
0x29: {  	_ =	sdelay $0x3  }
0x2a: {  	s14 =	simm.s32 $0x1  }
0x2b: {  	_ =	swait.ge [sflag:s4], $0x2000;
	s14 =	simm.s32 @!p0 $0x0  }
0x2c: {  	[sflag:s4] =	ssyncset.done $0x0;
	s15 =	sshll.u32 s14, $0xD  }
0x2d: {  	[sflag:s4] =	ssyncadd.s32 $0xFFFFE000;
	s18 =	sor.u32 $0x20, s15  }
0x2e: {  	s14 =	smul.u32 $0x8100, s14;
	v3 =	vld [tilespmem:s18+$0x10]  }
0x2f: {  	s30 =	sand.u32 $0x1, s11;
	v2 =	vld [tilespmem:s18+$0xFFFFFFF0]  }
0x30: {  	s15 =	smul.u32 $0x8100, s30;
	s14 =	sshrl.u32 s14, $0x2;
	v0 =	vld [tilespmem:s18+$0x0]  }
0x31: {  	v1 =	vld [tilespmem:s18+$0xFFFFFFE0];
	s16 =	sor.u32 $0x4000, s14  }
0x32: {  	s31 =	sshrl.u32 s15, $0x2;
	s15 =	sadd.s32 $0x0, s16  }
0x33: {  	s17 =	simm.s32 $0x4;
	s18 =	sadd.s32 $0x40, s18;
	s14 =	sor.u32 $0x4000, s31;
	[tilespmem:s15+$0x1830 ss:$0x81] =	vst.msk $0xffff, v3  }
.LBB1_3:
0x34: {  	v3 =	vld [tilespmem:s18+$0x10];
	p1 =	sne.s32 s17, $0x1FC;
	[tilespmem:s15+$0x810 ss:$0x81] =	vst.msk $0xffff, v2;
	s19 =	smov.u32 s17;
	s17 =	sadd.s32 $0x4, s17  }
.Ltmp3:
0x35: {  	v2 =	vld [tilespmem:s18+$0xFFFFFFF0];
	[tilespmem:s15+$0x1020 ss:$0x81] =	vst.msk $0xffff, v0;
	(pc) =	sbr.rel @p1 .LBB1_3-.Ltmp3, $4  }
0x36: {  	v0 =	vld [tilespmem:s18+$0x0];
	[tilespmem:s15+$0x0 ss:$0x81] =	vst.msk $0xffff, v1  }
0x37: {  	s15 =	sshra.s32 s19, $0x2;
	v1 =	vld [tilespmem:s18+$0xFFFFFFE0]  }
0x38: {  	s15 =	sadd.s32 s15, s16  }
0x39: {  	s18 =	sadd.s32 $0x40, s18;
	[tilespmem:s15+$0x1830 ss:$0x81] =	vst.msk $0xffff, v3  }
.Ltmp4:
0x3a: {  	_ = 	snop;
	(pc) =	sbr.rel .LBB1_4-.Ltmp4, $1  }
0x3b: {  	_ =	sdelay $0x3  }
.LBB1_6:
0x3c: {  	_ =	sfence.sel $0x180000  }
0x3d: {  	s2 =	simm.s32 $0x1;
	[bflag:$0x0] =	sbarrier.arrive $0xFFFF  }
0x3e: {  	s31 =	simm.s32 $0x2;
	[sflag:s2] =	ssyncpa.u1 $0x1  }
0x3f: {  	[sflag:s31] =	ssyncpa.u1 $0x1  }
0x40: {  	p0 =	sne.s32 s0, $0x0;
	_ =	strace $0x9000004A  }
0x41: {  	s0 =	sadd.s32 @!p0 $0x100000, s1;
	[bflag:$0x2] =	sbarrier.arrive $0xFFFF  }
0x42: {  	[sflag:s0] =	ssyncadd.tile.s32 @!p0 $0x1;
	_ =	shalt  }
.Lfunc_end1:
_tile_overlayer_lowered:
.L_overlay_start_2:
0x43: {  	(tag) =	ssettag $0x2  }
0x44: {  	s0 =	rddreg [dreg:$0x0];
	s2 =	stileid.u32  }
0x45: {  	s1 =	rddreg [dreg:$0x1];
	p0 =	sne.s32 s2, $0x0  }
0x46: {  	s3 =	rddreg [dreg:$0x2];
	[bflag:$0x3] =	sbarrier.arrive $0xFFFF;
	s2 =	simm.s32 @!p0 $0x1C01  }
0x47: {  	[timem:s3], [sflag:s2] =	dma.local @!p0 [hbm:s0], s1  }
0x48: {  	s0 =	simm.s32 @!p0 $0x1  }
0x49: {  	_ =	swait.ge @!p0 [sflag:s0], s1  }
0x4a: {  	s1 =	ssub.s32 @!p0 $0x0, s1;
	[sflag:s0] =	ssyncset.done @!p0 $0x0  }
0x4b: {  	[sflag:s0] =	ssyncadd.s32 @!p0 s1  }
0x4c: {  	[bflag:$0x3] =	sbarrier.arrive $0xFFFF  }
0x4d: {  	_ =	shalt  }

</sc_bundles>
